<compile_context>
chip_gen: v7x
topology: tpu7x:2x2x1
jax: 0.10.2.dev20260603
libtpu: 0.0.44.dev20260713+nightly
codegen_flags: <defaults>
</compile_context>

<pallas_src>
import functools

import jax
import jax.numpy as jnp
from jax import lax
from jax.experimental import pallas as pl
from jax.experimental.pallas import tpu as pltpu
from jax.experimental.pallas import tpu_sc as plsc

_info = plsc.get_sparse_core_info()
NC, NS, LANES = _info.num_cores, _info.num_subcores, _info.num_lanes
NW = NC * NS

C1, C2 = 104, 96

BLKC = 384


def _dyn_gather(v, idx):
    return lax.gather(
        v, idx.reshape(idx.shape[0], 1),
        dimension_numbers=lax.GatherDimensionNumbers(
            offset_dims=(), collapsed_slice_dims=(0,), start_index_map=(0,)),
        slice_sizes=(1,),
        mode=lax.GatherScatterMode.PROMISE_IN_BOUNDS)


def _detile(table_t, vocab, dim):
    nfull = vocab // BLKC
    rem = vocab - nfull * BLKC
    iters = -(-(nfull + (1 if rem else 0)) // NW)
    rounds = -(-iters // 2)
    rem_wid = nfull % NW
    mesh = plsc.VectorSubcoreMesh(core_axis_name="c", subcore_axis_name="s")

    @functools.partial(
        pl.kernel,
        mesh=mesh,
        out_type=jax.ShapeDtypeStruct((vocab * dim,), jnp.float32),
        scratch_types=[
            pltpu.VMEM((dim, BLKC), jnp.float32),
            pltpu.VMEM((dim, BLKC), jnp.float32),
            pltpu.VMEM((dim, rem), jnp.float32),
            pltpu.VMEM((BLKC * dim,), jnp.float32),
            pltpu.VMEM((BLKC * dim,), jnp.float32),
            pltpu.SemaphoreType.DMA,
            pltpu.SemaphoreType.DMA,
            pltpu.SemaphoreType.DMA,
            pltpu.SemaphoreType.DMA,
        ],
        compiler_params=pltpu.CompilerParams(
            use_tc_tiling_on_sc=True, needs_layout_passes=False),
    )
    def k(tab_hbm, out_hbm, st0, st1, st_r, ob0, ob1, sem0, sem1, semw0, semw1):
        wid = lax.axis_index("s") * NC + lax.axis_index("c")
        lane = lax.iota(jnp.int32, LANES)
        nmsub = dim // LANES
        rowv = [m * LANES + lane for m in range(nmsub)]

        def issue(b, st, sem):
            off = pl.multiple_of(b * BLKC, 128)
            return pltpu.async_copy(tab_hbm.at[:, pl.ds(off, BLKC)], st, sem)

        def wait(b, st, sem):
            off = pl.multiple_of(b * BLKC, 128)
            pltpu.make_async_copy(tab_hbm.at[:, pl.ds(off, BLKC)], st, sem).wait()

        def drain_write(ob, semw):
            pltpu.make_async_copy(out_hbm.at[pl.ds(0, BLKC * dim)], ob, semw).wait()

        rotv = [(lane + c) & (LANES - 1) for c in range(LANES)]
        srotv = [rv * dim + lane for rv in rotv]

        def transpose_cols(src_v, out_v, ncols):
            nsub = ncols // LANES

            @plsc.parallel_loop(0, nmsub * nsub, unroll=8)
            def _sub(s):
                r0 = (s % nmsub) * LANES
                kk0 = (s // nmsub) * LANES
                ridx = r0 + lane
                sbase = kk0 * dim + r0
                for c in range(LANES):
                    v = plsc.load_gather(src_v, [ridx, kk0 + rotv[c]])
                    plsc.store_scatter(out_v, [sbase + srotv[c]], v)

        issue(wid, st0, sem0)

        def round_body(rr, _):
            for p, (st, sem, ob, semw) in enumerate(
                    ((st0, sem0, ob0, semw0), (st1, sem1, ob1, semw1))):
                b = (2 * rr + p) * NW + wid
                bn = b + NW
                st_n, sem_n = (st1, sem1) if p == 0 else (st0, sem0)

                @pl.when(bn < nfull)
                def _prefetch():
                    issue(bn, st_n, sem_n)

                @pl.when(b < nfull)
                def _do():
                    @pl.when(b >= 2 * NW)
                    def _reclaim():
                        drain_write(ob, semw)
                    wait(b, st, sem)
                    transpose_cols(st, ob, BLKC)
                    pltpu.async_copy(
                        ob, out_hbm.at[pl.ds(b * BLKC * dim, BLKC * dim)], semw)
            return 0

        lax.fori_loop(0, rounds, round_body, 0)
        drain_write(ob0, semw0)
        drain_write(ob1, semw1)

        if rem:
            @pl.when(wid == rem_wid)
            def _partial():
                pltpu.sync_copy(tab_hbm.at[:, pl.ds(nfull * BLKC, rem)], st_r)
                transpose_cols(st_r, ob0, rem)
                pltpu.sync_copy(
                    ob0.at[pl.ds(0, rem * dim)],
                    out_hbm.at[pl.ds(nfull * BLKC * dim, rem * dim)])

    return k(table_t)


def _sc_pool(x_flat, table, w_flat, batch, seq, dim):
    rows_w = batch // NW
    nchunk = dim // LANES
    mesh = plsc.VectorSubcoreMesh(core_axis_name="c", subcore_axis_name="s")

    @functools.partial(
        pl.kernel,
        mesh=mesh,
        out_type=jax.ShapeDtypeStruct((batch * dim,), jnp.float32),
        scratch_types=[
            pltpu.VMEM((rows_w * seq,), jnp.int32),
            pltpu.VMEM((seq, dim), jnp.float32),
            pltpu.VMEM((seq, dim), jnp.float32),
            pltpu.VMEM((seq, dim), jnp.float32),
            pltpu.VMEM((seq, dim), jnp.float32),
            pltpu.VMEM((dim,), jnp.float32),
            pltpu.VMEM((rows_w * dim,), jnp.float32),
            pltpu.SemaphoreType.DMA,
            pltpu.SemaphoreType.DMA,
            pltpu.SemaphoreType.DMA,
            pltpu.SemaphoreType.DMA,
        ],
        compiler_params=pltpu.CompilerParams(
            use_tc_tiling_on_sc=False, needs_layout_passes=False),
    )
    def k(x_hbm, tab_hbm, w_hbm, out_hbm, idx_v, emb0, emb1, emb2, emb3,
          w_v, out_v, semA, semB, semC, semD):
        wid = lax.axis_index("s") * NC + lax.axis_index("c")
        ibase = wid * (rows_w * seq)
        pltpu.sync_copy(x_hbm.at[pl.ds(ibase, rows_w * seq)], idx_v)
        pltpu.sync_copy(w_hbm, w_v)
        wv = [w_v[pl.ds(c * LANES, LANES)] for c in range(nchunk)]
        last_lane = jnp.full((LANES,), LANES - 1, jnp.int32)

        def issue(r, emb, sem):
            pltpu.async_copy(tab_hbm.at[idx_v.at[pl.ds(r * seq, C1)]],
                             emb.at[pl.ds(0, C1)], sem)
            pltpu.async_copy(tab_hbm.at[idx_v.at[pl.ds(r * seq + C1, C2)]],
                             emb.at[pl.ds(C1, C2)], sem)

        def wait(emb, sem):
            pltpu.make_async_copy(tab_hbm.at[pl.ds(0, seq)], emb, sem).wait()

        def compute(r, emb):
            zero = jnp.zeros((LANES,), jnp.float32)

            @plsc.parallel_loop(0, seq, unroll=4, carry=(zero,) * (nchunk + 1))
            def region_body(l, carry):
                *p, z = carry
                e = [emb[l, pl.ds(c * LANES, LANES)] for c in range(nchunk)]
                acc = e[0] * wv[0]
                for c in range(1, nchunk):
                    acc = acc + e[c] * wv[c]
                t = jnp.exp(_dyn_gather(plsc.cumsum(acc), last_lane))
                return tuple(p[c] + t * e[c] for c in range(nchunk)) + (z + t,)

            *p, z = region_body
            for c in range(nchunk):
                out_v[pl.ds(r * dim + c * LANES, LANES)] = p[c] / z

        bufs = ((emb0, semA), (emb1, semB), (emb2, semC), (emb3, semD))
        for d in range(3):
            issue(d, *bufs[d])

        def quad_body(rr, _):
            r0 = 4 * rr
            for p, (emb, sem) in enumerate(bufs):
                r = r0 + p

                @pl.when(r + 3 < rows_w)
                def _prefetch():
                    issue(r + 3, *bufs[(p + 3) % 4])

                wait(emb, sem)
                compute(r, emb)
            return 0

        lax.fori_loop(0, rows_w // 4, quad_body, 0)
        pltpu.sync_copy(out_v, out_hbm.at[pl.ds(wid * rows_w * dim, rows_w * dim)])

    return k(x_flat, table, w_flat)


def kernel(x, table, attn_w, attn_b):
    del attn_b
    batch, seq = x.shape
    vocab, dim = table.shape
    x_flat = x.reshape(-1).astype(jnp.int32)
    w_flat = attn_w.reshape(-1).astype(jnp.float32)
    flat = _detile(table.T, vocab, dim)
    tab = flat.reshape(vocab, dim)
    out = _sc_pool(x_flat, tab, w_flat, batch, seq, dim)
    return out.reshape(batch, dim)

# --- scband reference (transcript-rebuilt; emitter-appended) ---
"""Pipeline reference for scband-region-set2-vec-12506944766670 (READ-ONLY COPY).

The authoritative reference and input builder live on the scoring server;
editing this copy changes nothing except your own understanding.
"""

import jax, jax.numpy as jnp
import numpy as np

VOCAB = 1000000
DIM = 64
BATCH = 4096
SEQ = 200


def setup_inputs(seed: int = 0) -> dict:
    key = jax.random.key(seed)
    k1, k2, k3 = jax.random.split(key, 3)
    x = jax.random.randint(k1, (BATCH, SEQ), 0, VOCAB)
    table = jax.random.normal(k2, (VOCAB, DIM), dtype=jnp.float32) * 0.02
    attn_w = jax.random.normal(k3, (DIM, 1), dtype=jnp.float32) * 0.1
    attn_b = jnp.zeros((1,), dtype=jnp.float32)
    return {"x": x, "table": table, "attn_w": attn_w, "attn_b": attn_b}


def reference(x, table, attn_w, attn_b):
    # Region2Vec lookup: embedding gather over the region vocabulary
    emb = jnp.take(table, x, axis=0)          # [B, L, D]
    # Attention pooling over the set of regions (axis=1)
    scores = emb @ attn_w + attn_b            # [B, L, 1]
    weights = jax.nn.softmax(scores, axis=1)  # [B, L, 1]
    pooled = jnp.sum(weights * emb, axis=1)   # [B, D]
    return pooled

if __name__ == "__main__":
    import jax
    _d = setup_inputs()
    print(jax.jit(kernel)(*tuple(_d.values())))

</pallas_src>

<mosaic_0001>
#map = affine_map<(d0, d1) -> (0, 0)>
#map1 = affine_map<(d0, d1) -> (0)>
module attributes {stable_mosaic.version = 14 : i64} {
  func.func @k(%arg0: i32, %arg1: i32, %arg2: memref<64x1000000xf32, #tpu.memory_space<hbm>>, %arg3: memref<64000000xf32, #tpu.memory_space<hbm>>, %arg4: memref<64x384xf32, #tpu.memory_space<vmem>>, %arg5: memref<64x384xf32, #tpu.memory_space<vmem>>, %arg6: memref<64x64xf32, #tpu.memory_space<vmem>>, %arg7: memref<24576xf32, #tpu.memory_space<vmem>>, %arg8: memref<24576xf32, #tpu.memory_space<vmem>>, %arg9: memref<!tpu.dma_semaphore, #tpu.memory_space<semaphore_mem>>, %arg10: memref<!tpu.dma_semaphore, #tpu.memory_space<semaphore_mem>>, %arg11: memref<!tpu.dma_semaphore, #tpu.memory_space<semaphore_mem>>, %arg12: memref<!tpu.dma_semaphore, #tpu.memory_space<semaphore_mem>>) attributes {dimension_semantics = [#tpu.dimension_semantics<core_parallel>, #tpu.dimension_semantics<subcore_parallel>], iteration_bounds = array<i64: 2, 16>, scalar_prefetch = 0 : i64, scratch_operands = 9 : i64, tpu.core_type = #tpu.core_type<sc_vector_subcore>, window_params = [{transform_indices = #map}, {transform_indices = #map1}]} {
    %mul3A = arith.constant 2 : i32
    %mul3A_0 = arith.muli %arg1, %mul3A : i32
    %add3A = arith.addi %mul3A_0, %arg0 : i32
    %iota3A = tpu.iota {dimensions = array<i32: 0>} : vector<16xi32>
    %add3A_1 = arith.constant 0 : i32
    %add3A_2 = vector.broadcast %add3A_1 : i32 to vector<16xi32>
    %add3A_3 = arith.addi %add3A_2, %iota3A : vector<16xi32>
    %add3A_4 = arith.constant 16 : i32
    %add3A_5 = vector.broadcast %add3A_4 : i32 to vector<16xi32>
    %add3A_6 = arith.addi %add3A_5, %iota3A : vector<16xi32>
    %add3A_7 = arith.constant 32 : i32
    %add3A_8 = vector.broadcast %add3A_7 : i32 to vector<16xi32>
    %add3A_9 = arith.addi %add3A_8, %iota3A : vector<16xi32>
    %add3A_10 = arith.constant 48 : i32
    %add3A_11 = vector.broadcast %add3A_10 : i32 to vector<16xi32>
    %add3A_12 = arith.addi %add3A_11, %iota3A : vector<16xi32>
    %add3A_13 = arith.constant 0 : i32
    %add3A_14 = vector.broadcast %add3A_13 : i32 to vector<16xi32>
    %add3A_15 = arith.addi %iota3A, %add3A_14 : vector<16xi32>
    %and3A = arith.constant 15 : i32
    %and3A_16 = vector.broadcast %and3A : i32 to vector<16xi32>
    %and3A_17 = arith.andi %add3A_15, %and3A_16 : vector<16xi32>
    %add3A_18 = arith.constant 1 : i32
    %add3A_19 = vector.broadcast %add3A_18 : i32 to vector<16xi32>
    %add3A_20 = arith.addi %iota3A, %add3A_19 : vector<16xi32>
    %and3A_21 = arith.constant 15 : i32
    %and3A_22 = vector.broadcast %and3A_21 : i32 to vector<16xi32>
    %and3A_23 = arith.andi %add3A_20, %and3A_22 : vector<16xi32>
    %add3A_24 = arith.constant 2 : i32
    %add3A_25 = vector.broadcast %add3A_24 : i32 to vector<16xi32>
    %add3A_26 = arith.addi %iota3A, %add3A_25 : vector<16xi32>
    %and3A_27 = arith.constant 15 : i32
    %and3A_28 = vector.broadcast %and3A_27 : i32 to vector<16xi32>
    %and3A_29 = arith.andi %add3A_26, %and3A_28 : vector<16xi32>
    %add3A_30 = arith.constant 3 : i32
    %add3A_31 = vector.broadcast %add3A_30 : i32 to vector<16xi32>
    %add3A_32 = arith.addi %iota3A, %add3A_31 : vector<16xi32>
    %and3A_33 = arith.constant 15 : i32
    %and3A_34 = vector.broadcast %and3A_33 : i32 to vector<16xi32>
    %and3A_35 = arith.andi %add3A_32, %and3A_34 : vector<16xi32>
    %add3A_36 = arith.constant 4 : i32
    %add3A_37 = vector.broadcast %add3A_36 : i32 to vector<16xi32>
    %add3A_38 = arith.addi %iota3A, %add3A_37 : vector<16xi32>
    %and3A_39 = arith.constant 15 : i32
    %and3A_40 = vector.broadcast %and3A_39 : i32 to vector<16xi32>
    %and3A_41 = arith.andi %add3A_38, %and3A_40 : vector<16xi32>
    %add3A_42 = arith.constant 5 : i32
    %add3A_43 = vector.broadcast %add3A_42 : i32 to vector<16xi32>
    %add3A_44 = arith.addi %iota3A, %add3A_43 : vector<16xi32>
    %and3A_45 = arith.constant 15 : i32
    %and3A_46 = vector.broadcast %and3A_45 : i32 to vector<16xi32>
    %and3A_47 = arith.andi %add3A_44, %and3A_46 : vector<16xi32>
    %add3A_48 = arith.constant 6 : i32
    %add3A_49 = vector.broadcast %add3A_48 : i32 to vector<16xi32>
    %add3A_50 = arith.addi %iota3A, %add3A_49 : vector<16xi32>
    %and3A_51 = arith.constant 15 : i32
    %and3A_52 = vector.broadcast %and3A_51 : i32 to vector<16xi32>
    %and3A_53 = arith.andi %add3A_50, %and3A_52 : vector<16xi32>
    %add3A_54 = arith.constant 7 : i32
    %add3A_55 = vector.broadcast %add3A_54 : i32 to vector<16xi32>
    %add3A_56 = arith.addi %iota3A, %add3A_55 : vector<16xi32>
    %and3A_57 = arith.constant 15 : i32
    %and3A_58 = vector.broadcast %and3A_57 : i32 to vector<16xi32>
    %and3A_59 = arith.andi %add3A_56, %and3A_58 : vector<16xi32>
    %add3A_60 = arith.constant 8 : i32
    %add3A_61 = vector.broadcast %add3A_60 : i32 to vector<16xi32>
    %add3A_62 = arith.addi %iota3A, %add3A_61 : vector<16xi32>
    %and3A_63 = arith.constant 15 : i32
    %and3A_64 = vector.broadcast %and3A_63 : i32 to vector<16xi32>
    %and3A_65 = arith.andi %add3A_62, %and3A_64 : vector<16xi32>
    %add3A_66 = arith.constant 9 : i32
    %add3A_67 = vector.broadcast %add3A_66 : i32 to vector<16xi32>
    %add3A_68 = arith.addi %iota3A, %add3A_67 : vector<16xi32>
    %and3A_69 = arith.constant 15 : i32
    %and3A_70 = vector.broadcast %and3A_69 : i32 to vector<16xi32>
    %and3A_71 = arith.andi %add3A_68, %and3A_70 : vector<16xi32>
    %add3A_72 = arith.constant 10 : i32
    %add3A_73 = vector.broadcast %add3A_72 : i32 to vector<16xi32>
    %add3A_74 = arith.addi %iota3A, %add3A_73 : vector<16xi32>
    %and3A_75 = arith.constant 15 : i32
    %and3A_76 = vector.broadcast %and3A_75 : i32 to vector<16xi32>
    %and3A_77 = arith.andi %add3A_74, %and3A_76 : vector<16xi32>
    %add3A_78 = arith.constant 11 : i32
    %add3A_79 = vector.broadcast %add3A_78 : i32 to vector<16xi32>
    %add3A_80 = arith.addi %iota3A, %add3A_79 : vector<16xi32>
    %and3A_81 = arith.constant 15 : i32
    %and3A_82 = vector.broadcast %and3A_81 : i32 to vector<16xi32>
    %and3A_83 = arith.andi %add3A_80, %and3A_82 : vector<16xi32>
    %add3A_84 = arith.constant 12 : i32
    %add3A_85 = vector.broadcast %add3A_84 : i32 to vector<16xi32>
    %add3A_86 = arith.addi %iota3A, %add3A_85 : vector<16xi32>
    %and3A_87 = arith.constant 15 : i32
    %and3A_88 = vector.broadcast %and3A_87 : i32 to vector<16xi32>
    %and3A_89 = arith.andi %add3A_86, %and3A_88 : vector<16xi32>
    %add3A_90 = arith.constant 13 : i32
    %add3A_91 = vector.broadcast %add3A_90 : i32 to vector<16xi32>
    %add3A_92 = arith.addi %iota3A, %add3A_91 : vector<16xi32>
    %and3A_93 = arith.constant 15 : i32
    %and3A_94 = vector.broadcast %and3A_93 : i32 to vector<16xi32>
    %and3A_95 = arith.andi %add3A_92, %and3A_94 : vector<16xi32>
    %add3A_96 = arith.constant 14 : i32
    %add3A_97 = vector.broadcast %add3A_96 : i32 to vector<16xi32>
    %add3A_98 = arith.addi %iota3A, %add3A_97 : vector<16xi32>
    %and3A_99 = arith.constant 15 : i32
    %and3A_100 = vector.broadcast %and3A_99 : i32 to vector<16xi32>
    %and3A_101 = arith.andi %add3A_98, %and3A_100 : vector<16xi32>
    %add3A_102 = arith.constant 15 : i32
    %add3A_103 = vector.broadcast %add3A_102 : i32 to vector<16xi32>
    %add3A_104 = arith.addi %iota3A, %add3A_103 : vector<16xi32>
    %and3A_105 = arith.constant 15 : i32
    %and3A_106 = vector.broadcast %and3A_105 : i32 to vector<16xi32>
    %and3A_107 = arith.andi %add3A_104, %and3A_106 : vector<16xi32>
    %mul3A_108 = arith.constant 64 : i32
    %mul3A_109 = vector.broadcast %mul3A_108 : i32 to vector<16xi32>
    %mul3A_110 = arith.muli %and3A_17, %mul3A_109 : vector<16xi32>
    %add3A_111 = arith.addi %mul3A_110, %iota3A : vector<16xi32>
    %mul3A_112 = arith.constant 64 : i32
    %mul3A_113 = vector.broadcast %mul3A_112 : i32 to vector<16xi32>
    %mul3A_114 = arith.muli %and3A_23, %mul3A_113 : vector<16xi32>
    %add3A_115 = arith.addi %mul3A_114, %iota3A : vector<16xi32>
    %mul3A_116 = arith.constant 64 : i32
    %mul3A_117 = vector.broadcast %mul3A_116 : i32 to vector<16xi32>
    %mul3A_118 = arith.muli %and3A_29, %mul3A_117 : vector<16xi32>
    %add3A_119 = arith.addi %mul3A_118, %iota3A : vector<16xi32>
    %mul3A_120 = arith.constant 64 : i32
    %mul3A_121 = vector.broadcast %mul3A_120 : i32 to vector<16xi32>
    %mul3A_122 = arith.muli %and3A_35, %mul3A_121 : vector<16xi32>
    %add3A_123 = arith.addi %mul3A_122, %iota3A : vector<16xi32>
    %mul3A_124 = arith.constant 64 : i32
    %mul3A_125 = vector.broadcast %mul3A_124 : i32 to vector<16xi32>
    %mul3A_126 = arith.muli %and3A_41, %mul3A_125 : vector<16xi32>
    %add3A_127 = arith.addi %mul3A_126, %iota3A : vector<16xi32>
    %mul3A_128 = arith.constant 64 : i32
    %mul3A_129 = vector.broadcast %mul3A_128 : i32 to vector<16xi32>
    %mul3A_130 = arith.muli %and3A_47, %mul3A_129 : vector<16xi32>
    %add3A_131 = arith.addi %mul3A_130, %iota3A : vector<16xi32>
    %mul3A_132 = arith.constant 64 : i32
    %mul3A_133 = vector.broadcast %mul3A_132 : i32 to vector<16xi32>
    %mul3A_134 = arith.muli %and3A_53, %mul3A_133 : vector<16xi32>
    %add3A_135 = arith.addi %mul3A_134, %iota3A : vector<16xi32>
    %mul3A_136 = arith.constant 64 : i32
    %mul3A_137 = vector.broadcast %mul3A_136 : i32 to vector<16xi32>
    %mul3A_138 = arith.muli %and3A_59, %mul3A_137 : vector<16xi32>
    %add3A_139 = arith.addi %mul3A_138, %iota3A : vector<16xi32>
    %mul3A_140 = arith.constant 64 : i32
    %mul3A_141 = vector.broadcast %mul3A_140 : i32 to vector<16xi32>
    %mul3A_142 = arith.muli %and3A_65, %mul3A_141 : vector<16xi32>
    %add3A_143 = arith.addi %mul3A_142, %iota3A : vector<16xi32>
    %mul3A_144 = arith.constant 64 : i32
    %mul3A_145 = vector.broadcast %mul3A_144 : i32 to vector<16xi32>
    %mul3A_146 = arith.muli %and3A_71, %mul3A_145 : vector<16xi32>
    %add3A_147 = arith.addi %mul3A_146, %iota3A : vector<16xi32>
    %mul3A_148 = arith.constant 64 : i32
    %mul3A_149 = vector.broadcast %mul3A_148 : i32 to vector<16xi32>
    %mul3A_150 = arith.muli %and3A_77, %mul3A_149 : vector<16xi32>
    %add3A_151 = arith.addi %mul3A_150, %iota3A : vector<16xi32>
    %mul3A_152 = arith.constant 64 : i32
    %mul3A_153 = vector.broadcast %mul3A_152 : i32 to vector<16xi32>
    %mul3A_154 = arith.muli %and3A_83, %mul3A_153 : vector<16xi32>
    %add3A_155 = arith.addi %mul3A_154, %iota3A : vector<16xi32>
    %mul3A_156 = arith.constant 64 : i32
    %mul3A_157 = vector.broadcast %mul3A_156 : i32 to vector<16xi32>
    %mul3A_158 = arith.muli %and3A_89, %mul3A_157 : vector<16xi32>
    %add3A_159 = arith.addi %mul3A_158, %iota3A : vector<16xi32>
    %mul3A_160 = arith.constant 64 : i32
    %mul3A_161 = vector.broadcast %mul3A_160 : i32 to vector<16xi32>
    %mul3A_162 = arith.muli %and3A_95, %mul3A_161 : vector<16xi32>
    %add3A_163 = arith.addi %mul3A_162, %iota3A : vector<16xi32>
    %mul3A_164 = arith.constant 64 : i32
    %mul3A_165 = vector.broadcast %mul3A_164 : i32 to vector<16xi32>
    %mul3A_166 = arith.muli %and3A_101, %mul3A_165 : vector<16xi32>
    %add3A_167 = arith.addi %mul3A_166, %iota3A : vector<16xi32>
    %mul3A_168 = arith.constant 64 : i32
    %mul3A_169 = vector.broadcast %mul3A_168 : i32 to vector<16xi32>
    %mul3A_170 = arith.muli %and3A_107, %mul3A_169 : vector<16xi32>
    %add3A_171 = arith.addi %mul3A_170, %iota3A : vector<16xi32>
    %mul3A_172 = arith.constant 384 : i32
    %mul3A_173 = arith.muli %add3A, %mul3A_172 : i32
    %multiple_of3A = tpu.assume_multiple %mul3A_173, 128 : i32
    %dma_start3A = arith.constant 0 : i32
    %dma_start3A_174 = tpu.memref_slice %arg2[%dma_start3A, %multiple_of3A] : memref<64x1000000xf32, #tpu.memory_space<hbm>> -> memref<64x384xf32, #tpu.memory_space<hbm>>
    %dma_start3A_175 = arith.constant 0 : i32
    %dma_start3A_176 = tpu.memref_slice %arg2[%dma_start3A_175, %multiple_of3A] : memref<64x1000000xf32, #tpu.memory_space<hbm>> -> memref<64x384xf32, #tpu.memory_space<hbm>>
    tpu.enqueue_dma source(%dma_start3A_176 : memref<64x384xf32, #tpu.memory_space<hbm>>) target(%arg4 : memref<64x384xf32, #tpu.memory_space<vmem>>) target_semaphore(%arg9 : memref<!tpu.dma_semaphore, #tpu.memory_space<semaphore_mem>>)
    %scan3A = arith.constant 0 : i32
    %scan3A_177 = arith.constant 0 : i32
    %scan3A_178 = arith.constant 41 : i32
    %scan3A_179 = arith.addi %scan3A_177, %scan3A_178 : i32
    %scan3A_180 = arith.constant 1 : i32
    %scan3A_181 = scf.for %scan3A_192 = %scan3A_177 to %scan3A_179 step %scan3A_180 iter_args(%scan3A_193 = %scan3A) -> (i32)  : i32 {
      %mul3A_194 = arith.constant 2 : i32
      %mul3A_195 = arith.muli %mul3A_194, %scan3A_192 : i32
      %add3A_196 = arith.constant 0 : i32
      %add3A_197 = arith.addi %mul3A_195, %add3A_196 : i32
      %mul3A_198 = arith.constant 32 : i32
      %mul3A_199 = arith.muli %add3A_197, %mul3A_198 : i32
      %add3A_200 = arith.addi %mul3A_199, %add3A : i32
      %add3A_201 = arith.constant 32 : i32
      %add3A_202 = arith.addi %add3A_200, %add3A_201 : i32
      %lt3A = arith.constant 2604 : i32
      %lt3A_203 = arith.cmpi slt, %add3A_202, %lt3A : i32
      %convert_element_type3A_204 = arith.extui %lt3A_203 : i1 to i32
      %cond3A_205 = arith.constant 0 : i32
      %cond3A_206 = arith.cmpi ne, %convert_element_type3A_204, %cond3A_205 : i32
      scf.if %cond3A_206 {
        %mul3A_232 = arith.constant 384 : i32
        %mul3A_233 = arith.muli %add3A_202, %mul3A_232 : i32
        %multiple_of3A_234 = tpu.assume_multiple %mul3A_233, 128 : i32
        %dma_start3A_235 = arith.constant 0 : i32
        %dma_start3A_236 = tpu.memref_slice %arg2[%dma_start3A_235, %multiple_of3A_234] : memref<64x1000000xf32, #tpu.memory_space<hbm>> -> memref<64x384xf32, #tpu.memory_space<hbm>>
        %dma_start3A_237 = arith.constant 0 : i32
        %dma_start3A_238 = tpu.memref_slice %arg2[%dma_start3A_237, %multiple_of3A_234] : memref<64x1000000xf32, #tpu.memory_space<hbm>> -> memref<64x384xf32, #tpu.memory_space<hbm>>
        tpu.enqueue_dma source(%dma_start3A_238 : memref<64x384xf32, #tpu.memory_space<hbm>>) target(%arg5 : memref<64x384xf32, #tpu.memory_space<vmem>>) target_semaphore(%arg10 : memref<!tpu.dma_semaphore, #tpu.memory_space<semaphore_mem>>)
      } else {
      }
      %lt3A_207 = arith.constant 2604 : i32
      %lt3A_208 = arith.cmpi slt, %add3A_200, %lt3A_207 : i32
      %convert_element_type3A_209 = arith.extui %lt3A_208 : i1 to i32
      %cond3A_210 = arith.constant 0 : i32
      %cond3A_211 = arith.cmpi ne, %convert_element_type3A_209, %cond3A_210 : i32
      scf.if %cond3A_211 {
        %ge3A = arith.constant 64 : i32
        %ge3A_232 = arith.cmpi sge, %add3A_200, %ge3A : i32
        %convert_element_type3A_233 = arith.extui %ge3A_232 : i1 to i32
        %cond3A_234 = arith.constant 0 : i32
        %cond3A_235 = arith.cmpi ne, %convert_element_type3A_233, %cond3A_234 : i32
        scf.if %cond3A_235 {
          %dma_wait3A_251 = arith.constant 0 : i32
          %dma_wait3A_252 = tpu.memref_slice %arg3[%dma_wait3A_251] : memref<64000000xf32, #tpu.memory_space<hbm>> -> memref<24576xf32, #tpu.memory_space<hbm>>
          %dma_wait3A_253 = arith.constant 0 : i32
          %dma_wait3A_254 = tpu.memref_slice %arg3[%dma_wait3A_253] : memref<64000000xf32, #tpu.memory_space<hbm>> -> memref<24576xf32, #tpu.memory_space<hbm>>
          tpu.wait_dma2 semaphore(%arg11 : memref<!tpu.dma_semaphore, #tpu.memory_space<semaphore_mem>>) src(%dma_wait3A_254 : memref<24576xf32, #tpu.memory_space<hbm>>) dst(%arg7 : memref<24576xf32, #tpu.memory_space<vmem>>)
        } else {
        }
        %mul3A_236 = arith.constant 384 : i32
        %mul3A_237 = arith.muli %add3A_200, %mul3A_236 : i32
        %multiple_of3A_238 = tpu.assume_multiple %mul3A_237, 128 : i32
        %dma_wait3A_239 = arith.constant 0 : i32
        %dma_wait3A_240 = tpu.memref_slice %arg2[%dma_wait3A_239, %multiple_of3A_238] : memref<64x1000000xf32, #tpu.memory_space<hbm>> -> memref<64x384xf32, #tpu.memory_space<hbm>>
        %dma_wait3A_241 = arith.constant 0 : i32
        %dma_wait3A_242 = tpu.memref_slice %arg2[%dma_wait3A_241, %multiple_of3A_238] : memref<64x1000000xf32, #tpu.memory_space<hbm>> -> memref<64x384xf32, #tpu.memory_space<hbm>>
        tpu.wait_dma2 semaphore(%arg9 : memref<!tpu.dma_semaphore, #tpu.memory_space<semaphore_mem>>) src(%dma_wait3A_242 : memref<64x384xf32, #tpu.memory_space<hbm>>) dst(%arg4 : memref<64x384xf32, #tpu.memory_space<vmem>>)
        %parallel_loop3A = arith.constant 0 : i32
        %parallel_loop3A_243 = arith.constant 96 : i32
        %parallel_loop3A_244 = arith.constant 1 : i32
        scf.for %parallel_loop3A_251 = %parallel_loop3A to %parallel_loop3A_243 step %parallel_loop3A_244  : i32 {
          %parallel_loop3A_252 = arith.constant 4 : i32
          %parallel_loop3A_253 = arith.constant 0 : i32
          %parallel_loop3A_254 = arith.cmpi eq, %parallel_loop3A_252, %parallel_loop3A_253 : i32
          %parallel_loop3A_255 = arith.constant 1 : i32
          %parallel_loop3A_256 = arith.select %parallel_loop3A_254, %parallel_loop3A_255, %parallel_loop3A_252 : i32
          %parallel_loop3A_257 = arith.remsi %parallel_loop3A_251, %parallel_loop3A_256 : i32
          %parallel_loop3A_258 = arith.constant 0 : i32
          %parallel_loop3A_259 = arith.cmpi ne, %parallel_loop3A_257, %parallel_loop3A_258 : i32
          %parallel_loop3A_260 = arith.constant 0 : i32
          %parallel_loop3A_261 = arith.cmpi slt, %parallel_loop3A_257, %parallel_loop3A_260 : i32
          %parallel_loop3A_262 = arith.constant 0 : i32
          %parallel_loop3A_263 = arith.cmpi slt, %parallel_loop3A_256, %parallel_loop3A_262 : i32
          %parallel_loop3A_264 = arith.xori %parallel_loop3A_261, %parallel_loop3A_263 : i1
          %parallel_loop3A_265 = arith.andi %parallel_loop3A_264, %parallel_loop3A_259 : i1
          %parallel_loop3A_266 = arith.addi %parallel_loop3A_257, %parallel_loop3A_256 : i32
          %parallel_loop3A_267 = arith.select %parallel_loop3A_265, %parallel_loop3A_266, %parallel_loop3A_257 : i32
          %parallel_loop3A_268 = arith.constant 16 : i32
          %parallel_loop3A_269 = arith.muli %parallel_loop3A_267, %parallel_loop3A_268 : i32
          %parallel_loop3A_270 = arith.constant 4 : i32
          %parallel_loop3A_271 = arith.divsi %parallel_loop3A_251, %parallel_loop3A_270 : i32
          %parallel_loop3A_272 = arith.constant 0 : i32
          %parallel_loop3A_273 = arith.cmpi sgt, %parallel_loop3A_251, %parallel_loop3A_272 : i32
          %parallel_loop3A_274 = arith.extui %parallel_loop3A_273 : i1 to i32
          %parallel_loop3A_275 = arith.constant 0 : i32
          %parallel_loop3A_276 = arith.cmpi slt, %parallel_loop3A_251, %parallel_loop3A_275 : i32
          %parallel_loop3A_277 = arith.extui %parallel_loop3A_276 : i1 to i32
          %parallel_loop3A_278 = arith.subi %parallel_loop3A_274, %parallel_loop3A_277 : i32
          %parallel_loop3A_279 = arith.constant 0 : i32
          %parallel_loop3A_280 = arith.cmpi sgt, %parallel_loop3A_270, %parallel_loop3A_279 : i32
          %parallel_loop3A_281 = arith.extui %parallel_loop3A_280 : i1 to i32
          %parallel_loop3A_282 = arith.constant 0 : i32
          %parallel_loop3A_283 = arith.cmpi slt, %parallel_loop3A_270, %parallel_loop3A_282 : i32
          %parallel_loop3A_284 = arith.extui %parallel_loop3A_283 : i1 to i32
          %parallel_loop3A_285 = arith.subi %parallel_loop3A_281, %parallel_loop3A_284 : i32
          %parallel_loop3A_286 = arith.cmpi ne, %parallel_loop3A_278, %parallel_loop3A_285 : i32
          %parallel_loop3A_287 = arith.remsi %parallel_loop3A_251, %parallel_loop3A_270 : i32
          %parallel_loop3A_288 = arith.constant 0 : i32
          %parallel_loop3A_289 = arith.cmpi ne, %parallel_loop3A_287, %parallel_loop3A_288 : i32
          %parallel_loop3A_290 = arith.andi %parallel_loop3A_286, %parallel_loop3A_289 : i1
          %parallel_loop3A_291 = arith.constant 1 : i32
          %parallel_loop3A_292 = arith.subi %parallel_loop3A_271, %parallel_loop3A_291 : i32
          %parallel_loop3A_293 = arith.select %parallel_loop3A_290, %parallel_loop3A_292, %parallel_loop3A_271 : i32
          %parallel_loop3A_294 = arith.constant 16 : i32
          %parallel_loop3A_295 = arith.muli %parallel_loop3A_293, %parallel_loop3A_294 : i32
          %parallel_loop3A_296 = vector.broadcast %parallel_loop3A_269 : i32 to vector<16xi32>
          %parallel_loop3A_297 = arith.addi %parallel_loop3A_296, %iota3A : vector<16xi32>
          %parallel_loop3A_298 = arith.constant 64 : i32
          %parallel_loop3A_299 = arith.muli %parallel_loop3A_295, %parallel_loop3A_298 : i32
          %parallel_loop3A_300 = arith.addi %parallel_loop3A_299, %parallel_loop3A_269 : i32
          %parallel_loop3A_301 = vector.broadcast %parallel_loop3A_295 : i32 to vector<16xi32>
          %parallel_loop3A_302 = arith.addi %parallel_loop3A_301, %and3A_17 : vector<16xi32>
          %parallel_loop3A_303 = tpu.vector_load_idx %arg4[%parallel_loop3A_297, %parallel_loop3A_302] : memref<64x384xf32, #tpu.memory_space<vmem>>[vector<16xi32>, vector<16xi32>], vector<16xf32>,
          %parallel_loop3A_304 = vector.broadcast %parallel_loop3A_300 : i32 to vector<16xi32>
          %parallel_loop3A_305 = arith.addi %parallel_loop3A_304, %add3A_111 : vector<16xi32>
          tpu.vector_store_idx %arg7[%parallel_loop3A_305], %parallel_loop3A_303 : memref<24576xf32, #tpu.memory_space<vmem>>[vector<16xi32>], vector<16xf32>,
          %parallel_loop3A_306 = vector.broadcast %parallel_loop3A_295 : i32 to vector<16xi32>
          %parallel_loop3A_307 = arith.addi %parallel_loop3A_306, %and3A_23 : vector<16xi32>
          %parallel_loop3A_308 = tpu.vector_load_idx %arg4[%parallel_loop3A_297, %parallel_loop3A_307] : memref<64x384xf32, #tpu.memory_space<vmem>>[vector<16xi32>, vector<16xi32>], vector<16xf32>,
          %parallel_loop3A_309 = vector.broadcast %parallel_loop3A_300 : i32 to vector<16xi32>
          %parallel_loop3A_310 = arith.addi %parallel_loop3A_309, %add3A_115 : vector<16xi32>
          tpu.vector_store_idx %arg7[%parallel_loop3A_310], %parallel_loop3A_308 : memref<24576xf32, #tpu.memory_space<vmem>>[vector<16xi32>], vector<16xf32>,
          %parallel_loop3A_311 = vector.broadcast %parallel_loop3A_295 : i32 to vector<16xi32>
          %parallel_loop3A_312 = arith.addi %parallel_loop3A_311, %and3A_29 : vector<16xi32>
          %parallel_loop3A_313 = tpu.vector_load_idx %arg4[%parallel_loop3A_297, %parallel_loop3A_312] : memref<64x384xf32, #tpu.memory_space<vmem>>[vector<16xi32>, vector<16xi32>], vector<16xf32>,
          %parallel_loop3A_314 = vector.broadcast %parallel_loop3A_300 : i32 to vector<16xi32>
          %parallel_loop3A_315 = arith.addi %parallel_loop3A_314, %add3A_119 : vector<16xi32>
          tpu.vector_store_idx %arg7[%parallel_loop3A_315], %parallel_loop3A_313 : memref<24576xf32, #tpu.memory_space<vmem>>[vector<16xi32>], vector<16xf32>,
          %parallel_loop3A_316 = vector.broadcast %parallel_loop3A_295 : i32 to vector<16xi32>
          %parallel_loop3A_317 = arith.addi %parallel_loop3A_316, %and3A_35 : vector<16xi32>
          %parallel_loop3A_318 = tpu.vector_load_idx %arg4[%parallel_loop3A_297, %parallel_loop3A_317] : memref<64x384xf32, #tpu.memory_space<vmem>>[vector<16xi32>, vector<16xi32>], vector<16xf32>,
          %parallel_loop3A_319 = vector.broadcast %parallel_loop3A_300 : i32 to vector<16xi32>
          %parallel_loop3A_320 = arith.addi %parallel_loop3A_319, %add3A_123 : vector<16xi32>
          tpu.vector_store_idx %arg7[%parallel_loop3A_320], %parallel_loop3A_318 : memref<24576xf32, #tpu.memory_space<vmem>>[vector<16xi32>], vector<16xf32>,
          %parallel_loop3A_321 = vector.broadcast %parallel_loop3A_295 : i32 to vector<16xi32>
          %parallel_loop3A_322 = arith.addi %parallel_loop3A_321, %and3A_41 : vector<16xi32>
          %parallel_loop3A_323 = tpu.vector_load_idx %arg4[%parallel_loop3A_297, %parallel_loop3A_322] : memref<64x384xf32, #tpu.memory_space<vmem>>[vector<16xi32>, vector<16xi32>], vector<16xf32>,
          %parallel_loop3A_324 = vector.broadcast %parallel_loop3A_300 : i32 to vector<16xi32>
          %parallel_loop3A_325 = arith.addi %parallel_loop3A_324, %add3A_127 : vector<16xi32>
          tpu.vector_store_idx %arg7[%parallel_loop3A_325], %parallel_loop3A_323 : memref<24576xf32, #tpu.memory_space<vmem>>[vector<16xi32>], vector<16xf32>,
          %parallel_loop3A_326 = vector.broadcast %parallel_loop3A_295 : i32 to vector<16xi32>
          %parallel_loop3A_327 = arith.addi %parallel_loop3A_326, %and3A_47 : vector<16xi32>
          %parallel_loop3A_328 = tpu.vector_load_idx %arg4[%parallel_loop3A_297, %parallel_loop3A_327] : memref<64x384xf32, #tpu.memory_space<vmem>>[vector<16xi32>, vector<16xi32>], vector<16xf32>,
          %parallel_loop3A_329 = vector.broadcast %parallel_loop3A_300 : i32 to vector<16xi32>
          %parallel_loop3A_330 = arith.addi %parallel_loop3A_329, %add3A_131 : vector<16xi32>
          tpu.vector_store_idx %arg7[%parallel_loop3A_330], %parallel_loop3A_328 : memref<24576xf32, #tpu.memory_space<vmem>>[vector<16xi32>], vector<16xf32>,
          %parallel_loop3A_331 = vector.broadcast %parallel_loop3A_295 : i32 to vector<16xi32>
          %parallel_loop3A_332 = arith.addi %parallel_loop3A_331, %and3A_53 : vector<16xi32>
          %parallel_loop3A_333 = tpu.vector_load_idx %arg4[%parallel_loop3A_297, %parallel_loop3A_332] : memref<64x384xf32, #tpu.memory_space<vmem>>[vector<16xi32>, vector<16xi32>], vector<16xf32>,
          %parallel_loop3A_334 = vector.broadcast %parallel_loop3A_300 : i32 to vector<16xi32>
          %parallel_loop3A_335 = arith.addi %parallel_loop3A_334, %add3A_135 : vector<16xi32>
          tpu.vector_store_idx %arg7[%parallel_loop3A_335], %parallel_loop3A_333 : memref<24576xf32, #tpu.memory_space<vmem>>[vector<16xi32>], vector<16xf32>,
          %parallel_loop3A_336 = vector.broadcast %parallel_loop3A_295 : i32 to vector<16xi32>
          %parallel_loop3A_337 = arith.addi %parallel_loop3A_336, %and3A_59 : vector<16xi32>
          %parallel_loop3A_338 = tpu.vector_load_idx %arg4[%parallel_loop3A_297, %parallel_loop3A_337] : memref<64x384xf32, #tpu.memory_space<vmem>>[vector<16xi32>, vector<16xi32>], vector<16xf32>,
          %parallel_loop3A_339 = vector.broadcast %parallel_loop3A_300 : i32 to vector<16xi32>
          %parallel_loop3A_340 = arith.addi %parallel_loop3A_339, %add3A_139 : vector<16xi32>
          tpu.vector_store_idx %arg7[%parallel_loop3A_340], %parallel_loop3A_338 : memref<24576xf32, #tpu.memory_space<vmem>>[vector<16xi32>], vector<16xf32>,
          %parallel_loop3A_341 = vector.broadcast %parallel_loop3A_295 : i32 to vector<16xi32>
          %parallel_loop3A_342 = arith.addi %parallel_loop3A_341, %and3A_65 : vector<16xi32>
          %parallel_loop3A_343 = tpu.vector_load_idx %arg4[%parallel_loop3A_297, %parallel_loop3A_342] : memref<64x384xf32, #tpu.memory_space<vmem>>[vector<16xi32>, vector<16xi32>], vector<16xf32>,
          %parallel_loop3A_344 = vector.broadcast %parallel_loop3A_300 : i32 to vector<16xi32>
          %parallel_loop3A_345 = arith.addi %parallel_loop3A_344, %add3A_143 : vector<16xi32>
          tpu.vector_store_idx %arg7[%parallel_loop3A_345], %parallel_loop3A_343 : memref<24576xf32, #tpu.memory_space<vmem>>[vector<16xi32>], vector<16xf32>,
          %parallel_loop3A_346 = vector.broadcast %parallel_loop3A_295 : i32 to vector<16xi32>
          %parallel_loop3A_347 = arith.addi %parallel_loop3A_346, %and3A_71 : vector<16xi32>
          %parallel_loop3A_348 = tpu.vector_load_idx %arg4[%parallel_loop3A_297, %parallel_loop3A_347] : memref<64x384xf32, #tpu.memory_space<vmem>>[vector<16xi32>, vector<16xi32>], vector<16xf32>,
          %parallel_loop3A_349 = vector.broadcast %parallel_loop3A_300 : i32 to vector<16xi32>
          %parallel_loop3A_350 = arith.addi %parallel_loop3A_349, %add3A_147 : vector<16xi32>
          tpu.vector_store_idx %arg7[%parallel_loop3A_350], %parallel_loop3A_348 : memref<24576xf32, #tpu.memory_space<vmem>>[vector<16xi32>], vector<16xf32>,
          %parallel_loop3A_351 = vector.broadcast %parallel_loop3A_295 : i32 to vector<16xi32>
          %parallel_loop3A_352 = arith.addi %parallel_loop3A_351, %and3A_77 : vector<16xi32>
          %parallel_loop3A_353 = tpu.vector_load_idx %arg4[%parallel_loop3A_297, %parallel_loop3A_352] : memref<64x384xf32, #tpu.memory_space<vmem>>[vector<16xi32>, vector<16xi32>], vector<16xf32>,
          %parallel_loop3A_354 = vector.broadcast %parallel_loop3A_300 : i32 to vector<16xi32>
          %parallel_loop3A_355 = arith.addi %parallel_loop3A_354, %add3A_151 : vector<16xi32>
          tpu.vector_store_idx %arg7[%parallel_loop3A_355], %parallel_loop3A_353 : memref<24576xf32, #tpu.memory_space<vmem>>[vector<16xi32>], vector<16xf32>,
          %parallel_loop3A_356 = vector.broadcast %parallel_loop3A_295 : i32 to vector<16xi32>
          %parallel_loop3A_357 = arith.addi %parallel_loop3A_356, %and3A_83 : vector<16xi32>
          %parallel_loop3A_358 = tpu.vector_load_idx %arg4[%parallel_loop3A_297, %parallel_loop3A_357] : memref<64x384xf32, #tpu.memory_space<vmem>>[vector<16xi32>, vector<16xi32>], vector<16xf32>,
          %parallel_loop3A_359 = vector.broadcast %parallel_loop3A_300 : i32 to vector<16xi32>
          %parallel_loop3A_360 = arith.addi %parallel_loop3A_359, %add3A_155 : vector<16xi32>
          tpu.vector_store_idx %arg7[%parallel_loop3A_360], %parallel_loop3A_358 : memref<24576xf32, #tpu.memory_space<vmem>>[vector<16xi32>], vector<16xf32>,
          %parallel_loop3A_361 = vector.broadcast %parallel_loop3A_295 : i32 to vector<16xi32>
          %parallel_loop3A_362 = arith.addi %parallel_loop3A_361, %and3A_89 : vector<16xi32>
          %parallel_loop3A_363 = tpu.vector_load_idx %arg4[%parallel_loop3A_297, %parallel_loop3A_362] : memref<64x384xf32, #tpu.memory_space<vmem>>[vector<16xi32>, vector<16xi32>], vector<16xf32>,
          %parallel_loop3A_364 = vector.broadcast %parallel_loop3A_300 : i32 to vector<16xi32>
          %parallel_loop3A_365 = arith.addi %parallel_loop3A_364, %add3A_159 : vector<16xi32>
          tpu.vector_store_idx %arg7[%parallel_loop3A_365], %parallel_loop3A_363 : memref<24576xf32, #tpu.memory_space<vmem>>[vector<16xi32>], vector<16xf32>,
          %parallel_loop3A_366 = vector.broadcast %parallel_loop3A_295 : i32 to vector<16xi32>
          %parallel_loop3A_367 = arith.addi %parallel_loop3A_366, %and3A_95 : vector<16xi32>
          %parallel_loop3A_368 = tpu.vector_load_idx %arg4[%parallel_loop3A_297, %parallel_loop3A_367] : memref<64x384xf32, #tpu.memory_space<vmem>>[vector<16xi32>, vector<16xi32>], vector<16xf32>,
          %parallel_loop3A_369 = vector.broadcast %parallel_loop3A_300 : i32 to vector<16xi32>
          %parallel_loop3A_370 = arith.addi %parallel_loop3A_369, %add3A_163 : vector<16xi32>
          tpu.vector_store_idx %arg7[%parallel_loop3A_370], %parallel_loop3A_368 : memref<24576xf32, #tpu.memory_space<vmem>>[vector<16xi32>], vector<16xf32>,
          %parallel_loop3A_371 = vector.broadcast %parallel_loop3A_295 : i32 to vector<16xi32>
          %parallel_loop3A_372 = arith.addi %parallel_loop3A_371, %and3A_101 : vector<16xi32>
          %parallel_loop3A_373 = tpu.vector_load_idx %arg4[%parallel_loop3A_297, %parallel_loop3A_372] : memref<64x384xf32, #tpu.memory_space<vmem>>[vector<16xi32>, vector<16xi32>], vector<16xf32>,
          %parallel_loop3A_374 = vector.broadcast %parallel_loop3A_300 : i32 to vector<16xi32>
          %parallel_loop3A_375 = arith.addi %parallel_loop3A_374, %add3A_167 : vector<16xi32>
          tpu.vector_store_idx %arg7[%parallel_loop3A_375], %parallel_loop3A_373 : memref<24576xf32, #tpu.memory_space<vmem>>[vector<16xi32>], vector<16xf32>,
          %parallel_loop3A_376 = vector.broadcast %parallel_loop3A_295 : i32 to vector<16xi32>
          %parallel_loop3A_377 = arith.addi %parallel_loop3A_376, %and3A_107 : vector<16xi32>
          %parallel_loop3A_378 = tpu.vector_load_idx %arg4[%parallel_loop3A_297, %parallel_loop3A_377] : memref<64x384xf32, #tpu.memory_space<vmem>>[vector<16xi32>, vector<16xi32>], vector<16xf32>,
          %parallel_loop3A_379 = vector.broadcast %parallel_loop3A_300 : i32 to vector<16xi32>
          %parallel_loop3A_380 = arith.addi %parallel_loop3A_379, %add3A_171 : vector<16xi32>
          tpu.vector_store_idx %arg7[%parallel_loop3A_380], %parallel_loop3A_378 : memref<24576xf32, #tpu.memory_space<vmem>>[vector<16xi32>], vector<16xf32>,
        } {sc.loop_unroll_factor = 8 : i64, sc.parallel_access}
        %mul3A_245 = arith.constant 384 : i32
        %mul3A_246 = arith.muli %add3A_200, %mul3A_245 : i32
        %mul3A_247 = arith.constant 64 : i32
        %mul3A_248 = arith.muli %mul3A_246, %mul3A_247 : i32
        %dma_start3A_249 = tpu.memref_slice %arg3[%mul3A_248] : memref<64000000xf32, #tpu.memory_space<hbm>> -> memref<24576xf32, #tpu.memory_space<hbm>>
        %dma_start3A_250 = tpu.memref_slice %arg3[%mul3A_248] : memref<64000000xf32, #tpu.memory_space<hbm>> -> memref<24576xf32, #tpu.memory_space<hbm>>
        tpu.enqueue_dma source(%arg7 : memref<24576xf32, #tpu.memory_space<vmem>>) target(%dma_start3A_250 : memref<24576xf32, #tpu.memory_space<hbm>>) target_semaphore(%arg11 : memref<!tpu.dma_semaphore, #tpu.memory_space<semaphore_mem>>)
      } else {
      }
      %mul3A_212 = arith.constant 2 : i32
      %mul3A_213 = arith.muli %mul3A_212, %scan3A_192 : i32
      %add3A_214 = arith.constant 1 : i32
      %add3A_215 = arith.addi %mul3A_213, %add3A_214 : i32
      %mul3A_216 = arith.constant 32 : i32
      %mul3A_217 = arith.muli %add3A_215, %mul3A_216 : i32
      %add3A_218 = arith.addi %mul3A_217, %add3A : i32
      %add3A_219 = arith.constant 32 : i32
      %add3A_220 = arith.addi %add3A_218, %add3A_219 : i32
      %lt3A_221 = arith.constant 2604 : i32
      %lt3A_222 = arith.cmpi slt, %add3A_220, %lt3A_221 : i32
      %convert_element_type3A_223 = arith.extui %lt3A_222 : i1 to i32
      %cond3A_224 = arith.constant 0 : i32
      %cond3A_225 = arith.cmpi ne, %convert_element_type3A_223, %cond3A_224 : i32
      scf.if %cond3A_225 {
        %mul3A_232 = arith.constant 384 : i32
        %mul3A_233 = arith.muli %add3A_220, %mul3A_232 : i32
        %multiple_of3A_234 = tpu.assume_multiple %mul3A_233, 128 : i32
        %dma_start3A_235 = arith.constant 0 : i32
        %dma_start3A_236 = tpu.memref_slice %arg2[%dma_start3A_235, %multiple_of3A_234] : memref<64x1000000xf32, #tpu.memory_space<hbm>> -> memref<64x384xf32, #tpu.memory_space<hbm>>
        %dma_start3A_237 = arith.constant 0 : i32
        %dma_start3A_238 = tpu.memref_slice %arg2[%dma_start3A_237, %multiple_of3A_234] : memref<64x1000000xf32, #tpu.memory_space<hbm>> -> memref<64x384xf32, #tpu.memory_space<hbm>>
        tpu.enqueue_dma source(%dma_start3A_238 : memref<64x384xf32, #tpu.memory_space<hbm>>) target(%arg4 : memref<64x384xf32, #tpu.memory_space<vmem>>) target_semaphore(%arg9 : memref<!tpu.dma_semaphore, #tpu.memory_space<semaphore_mem>>)
      } else {
      }
      %lt3A_226 = arith.constant 2604 : i32
      %lt3A_227 = arith.cmpi slt, %add3A_218, %lt3A_226 : i32
      %convert_element_type3A_228 = arith.extui %lt3A_227 : i1 to i32
      %cond3A_229 = arith.constant 0 : i32
      %cond3A_230 = arith.cmpi ne, %convert_element_type3A_228, %cond3A_229 : i32
      scf.if %cond3A_230 {
        %ge3A = arith.constant 64 : i32
        %ge3A_232 = arith.cmpi sge, %add3A_218, %ge3A : i32
        %convert_element_type3A_233 = arith.extui %ge3A_232 : i1 to i32
        %cond3A_234 = arith.constant 0 : i32
        %cond3A_235 = arith.cmpi ne, %convert_element_type3A_233, %cond3A_234 : i32
        scf.if %cond3A_235 {
          %dma_wait3A_251 = arith.constant 0 : i32
          %dma_wait3A_252 = tpu.memref_slice %arg3[%dma_wait3A_251] : memref<64000000xf32, #tpu.memory_space<hbm>> -> memref<24576xf32, #tpu.memory_space<hbm>>
          %dma_wait3A_253 = arith.constant 0 : i32
          %dma_wait3A_254 = tpu.memref_slice %arg3[%dma_wait3A_253] : memref<64000000xf32, #tpu.memory_space<hbm>> -> memref<24576xf32, #tpu.memory_space<hbm>>
          tpu.wait_dma2 semaphore(%arg12 : memref<!tpu.dma_semaphore, #tpu.memory_space<semaphore_mem>>) src(%dma_wait3A_254 : memref<24576xf32, #tpu.memory_space<hbm>>) dst(%arg8 : memref<24576xf32, #tpu.memory_space<vmem>>)
        } else {
        }
        %mul3A_236 = arith.constant 384 : i32
        %mul3A_237 = arith.muli %add3A_218, %mul3A_236 : i32
        %multiple_of3A_238 = tpu.assume_multiple %mul3A_237, 128 : i32
        %dma_wait3A_239 = arith.constant 0 : i32
        %dma_wait3A_240 = tpu.memref_slice %arg2[%dma_wait3A_239, %multiple_of3A_238] : memref<64x1000000xf32, #tpu.memory_space<hbm>> -> memref<64x384xf32, #tpu.memory_space<hbm>>
        %dma_wait3A_241 = arith.constant 0 : i32
        %dma_wait3A_242 = tpu.memref_slice %arg2[%dma_wait3A_241, %multiple_of3A_238] : memref<64x1000000xf32, #tpu.memory_space<hbm>> -> memref<64x384xf32, #tpu.memory_space<hbm>>
        tpu.wait_dma2 semaphore(%arg10 : memref<!tpu.dma_semaphore, #tpu.memory_space<semaphore_mem>>) src(%dma_wait3A_242 : memref<64x384xf32, #tpu.memory_space<hbm>>) dst(%arg5 : memref<64x384xf32, #tpu.memory_space<vmem>>)
        %parallel_loop3A = arith.constant 0 : i32
        %parallel_loop3A_243 = arith.constant 96 : i32
        %parallel_loop3A_244 = arith.constant 1 : i32
        scf.for %parallel_loop3A_251 = %parallel_loop3A to %parallel_loop3A_243 step %parallel_loop3A_244  : i32 {
          %parallel_loop3A_252 = arith.constant 4 : i32
          %parallel_loop3A_253 = arith.constant 0 : i32
          %parallel_loop3A_254 = arith.cmpi eq, %parallel_loop3A_252, %parallel_loop3A_253 : i32
          %parallel_loop3A_255 = arith.constant 1 : i32
          %parallel_loop3A_256 = arith.select %parallel_loop3A_254, %parallel_loop3A_255, %parallel_loop3A_252 : i32
          %parallel_loop3A_257 = arith.remsi %parallel_loop3A_251, %parallel_loop3A_256 : i32
          %parallel_loop3A_258 = arith.constant 0 : i32
          %parallel_loop3A_259 = arith.cmpi ne, %parallel_loop3A_257, %parallel_loop3A_258 : i32
          %parallel_loop3A_260 = arith.constant 0 : i32
          %parallel_loop3A_261 = arith.cmpi slt, %parallel_loop3A_257, %parallel_loop3A_260 : i32
          %parallel_loop3A_262 = arith.constant 0 : i32
          %parallel_loop3A_263 = arith.cmpi slt, %parallel_loop3A_256, %parallel_loop3A_262 : i32
          %parallel_loop3A_264 = arith.xori %parallel_loop3A_261, %parallel_loop3A_263 : i1
          %parallel_loop3A_265 = arith.andi %parallel_loop3A_264, %parallel_loop3A_259 : i1
          %parallel_loop3A_266 = arith.addi %parallel_loop3A_257, %parallel_loop3A_256 : i32
          %parallel_loop3A_267 = arith.select %parallel_loop3A_265, %parallel_loop3A_266, %parallel_loop3A_257 : i32
          %parallel_loop3A_268 = arith.constant 16 : i32
          %parallel_loop3A_269 = arith.muli %parallel_loop3A_267, %parallel_loop3A_268 : i32
          %parallel_loop3A_270 = arith.constant 4 : i32
          %parallel_loop3A_271 = arith.divsi %parallel_loop3A_251, %parallel_loop3A_270 : i32
          %parallel_loop3A_272 = arith.constant 0 : i32
          %parallel_loop3A_273 = arith.cmpi sgt, %parallel_loop3A_251, %parallel_loop3A_272 : i32
          %parallel_loop3A_274 = arith.extui %parallel_loop3A_273 : i1 to i32
          %parallel_loop3A_275 = arith.constant 0 : i32
          %parallel_loop3A_276 = arith.cmpi slt, %parallel_loop3A_251, %parallel_loop3A_275 : i32
          %parallel_loop3A_277 = arith.extui %parallel_loop3A_276 : i1 to i32
          %parallel_loop3A_278 = arith.subi %parallel_loop3A_274, %parallel_loop3A_277 : i32
          %parallel_loop3A_279 = arith.constant 0 : i32
          %parallel_loop3A_280 = arith.cmpi sgt, %parallel_loop3A_270, %parallel_loop3A_279 : i32
          %parallel_loop3A_281 = arith.extui %parallel_loop3A_280 : i1 to i32
          %parallel_loop3A_282 = arith.constant 0 : i32
          %parallel_loop3A_283 = arith.cmpi slt, %parallel_loop3A_270, %parallel_loop3A_282 : i32
          %parallel_loop3A_284 = arith.extui %parallel_loop3A_283 : i1 to i32
          %parallel_loop3A_285 = arith.subi %parallel_loop3A_281, %parallel_loop3A_284 : i32
          %parallel_loop3A_286 = arith.cmpi ne, %parallel_loop3A_278, %parallel_loop3A_285 : i32
          %parallel_loop3A_287 = arith.remsi %parallel_loop3A_251, %parallel_loop3A_270 : i32
          %parallel_loop3A_288 = arith.constant 0 : i32
          %parallel_loop3A_289 = arith.cmpi ne, %parallel_loop3A_287, %parallel_loop3A_288 : i32
          %parallel_loop3A_290 = arith.andi %parallel_loop3A_286, %parallel_loop3A_289 : i1
          %parallel_loop3A_291 = arith.constant 1 : i32
          %parallel_loop3A_292 = arith.subi %parallel_loop3A_271, %parallel_loop3A_291 : i32
          %parallel_loop3A_293 = arith.select %parallel_loop3A_290, %parallel_loop3A_292, %parallel_loop3A_271 : i32
          %parallel_loop3A_294 = arith.constant 16 : i32
          %parallel_loop3A_295 = arith.muli %parallel_loop3A_293, %parallel_loop3A_294 : i32
          %parallel_loop3A_296 = vector.broadcast %parallel_loop3A_269 : i32 to vector<16xi32>
          %parallel_loop3A_297 = arith.addi %parallel_loop3A_296, %iota3A : vector<16xi32>
          %parallel_loop3A_298 = arith.constant 64 : i32
          %parallel_loop3A_299 = arith.muli %parallel_loop3A_295, %parallel_loop3A_298 : i32
          %parallel_loop3A_300 = arith.addi %parallel_loop3A_299, %parallel_loop3A_269 : i32
          %parallel_loop3A_301 = vector.broadcast %parallel_loop3A_295 : i32 to vector<16xi32>
          %parallel_loop3A_302 = arith.addi %parallel_loop3A_301, %and3A_17 : vector<16xi32>
          %parallel_loop3A_303 = tpu.vector_load_idx %arg5[%parallel_loop3A_297, %parallel_loop3A_302] : memref<64x384xf32, #tpu.memory_space<vmem>>[vector<16xi32>, vector<16xi32>], vector<16xf32>,
          %parallel_loop3A_304 = vector.broadcast %parallel_loop3A_300 : i32 to vector<16xi32>
          %parallel_loop3A_305 = arith.addi %parallel_loop3A_304, %add3A_111 : vector<16xi32>
          tpu.vector_store_idx %arg8[%parallel_loop3A_305], %parallel_loop3A_303 : memref<24576xf32, #tpu.memory_space<vmem>>[vector<16xi32>], vector<16xf32>,
          %parallel_loop3A_306 = vector.broadcast %parallel_loop3A_295 : i32 to vector<16xi32>
          %parallel_loop3A_307 = arith.addi %parallel_loop3A_306, %and3A_23 : vector<16xi32>
          %parallel_loop3A_308 = tpu.vector_load_idx %arg5[%parallel_loop3A_297, %parallel_loop3A_307] : memref<64x384xf32, #tpu.memory_space<vmem>>[vector<16xi32>, vector<16xi32>], vector<16xf32>,
          %parallel_loop3A_309 = vector.broadcast %parallel_loop3A_300 : i32 to vector<16xi32>
          %parallel_loop3A_310 = arith.addi %parallel_loop3A_309, %add3A_115 : vector<16xi32>
          tpu.vector_store_idx %arg8[%parallel_loop3A_310], %parallel_loop3A_308 : memref<24576xf32, #tpu.memory_space<vmem>>[vector<16xi32>], vector<16xf32>,
          %parallel_loop3A_311 = vector.broadcast %parallel_loop3A_295 : i32 to vector<16xi32>
          %parallel_loop3A_312 = arith.addi %parallel_loop3A_311, %and3A_29 : vector<16xi32>
          %parallel_loop3A_313 = tpu.vector_load_idx %arg5[%parallel_loop3A_297, %parallel_loop3A_312] : memref<64x384xf32, #tpu.memory_space<vmem>>[vector<16xi32>, vector<16xi32>], vector<16xf32>,
          %parallel_loop3A_314 = vector.broadcast %parallel_loop3A_300 : i32 to vector<16xi32>
          %parallel_loop3A_315 = arith.addi %parallel_loop3A_314, %add3A_119 : vector<16xi32>
          tpu.vector_store_idx %arg8[%parallel_loop3A_315], %parallel_loop3A_313 : memref<24576xf32, #tpu.memory_space<vmem>>[vector<16xi32>], vector<16xf32>,
          %parallel_loop3A_316 = vector.broadcast %parallel_loop3A_295 : i32 to vector<16xi32>
          %parallel_loop3A_317 = arith.addi %parallel_loop3A_316, %and3A_35 : vector<16xi32>
          %parallel_loop3A_318 = tpu.vector_load_idx %arg5[%parallel_loop3A_297, %parallel_loop3A_317] : memref<64x384xf32, #tpu.memory_space<vmem>>[vector<16xi32>, vector<16xi32>], vector<16xf32>,
          %parallel_loop3A_319 = vector.broadcast %parallel_loop3A_300 : i32 to vector<16xi32>
          %parallel_loop3A_320 = arith.addi %parallel_loop3A_319, %add3A_123 : vector<16xi32>
          tpu.vector_store_idx %arg8[%parallel_loop3A_320], %parallel_loop3A_318 : memref<24576xf32, #tpu.memory_space<vmem>>[vector<16xi32>], vector<16xf32>,
          %parallel_loop3A_321 = vector.broadcast %parallel_loop3A_295 : i32 to vector<16xi32>
          %parallel_loop3A_322 = arith.addi %parallel_loop3A_321, %and3A_41 : vector<16xi32>
          %parallel_loop3A_323 = tpu.vector_load_idx %arg5[%parallel_loop3A_297, %parallel_loop3A_322] : memref<64x384xf32, #tpu.memory_space<vmem>>[vector<16xi32>, vector<16xi32>], vector<16xf32>,
          %parallel_loop3A_324 = vector.broadcast %parallel_loop3A_300 : i32 to vector<16xi32>
          %parallel_loop3A_325 = arith.addi %parallel_loop3A_324, %add3A_127 : vector<16xi32>
          tpu.vector_store_idx %arg8[%parallel_loop3A_325], %parallel_loop3A_323 : memref<24576xf32, #tpu.memory_space<vmem>>[vector<16xi32>], vector<16xf32>,
          %parallel_loop3A_326 = vector.broadcast %parallel_loop3A_295 : i32 to vector<16xi32>
          %parallel_loop3A_327 = arith.addi %parallel_loop3A_326, %and3A_47 : vector<16xi32>
          %parallel_loop3A_328 = tpu.vector_load_idx %arg5[%parallel_loop3A_297, %parallel_loop3A_327] : memref<64x384xf32, #tpu.memory_space<vmem>>[vector<16xi32>, vector<16xi32>], vector<16xf32>,
          %parallel_loop3A_329 = vector.broadcast %parallel_loop3A_300 : i32 to vector<16xi32>
          %parallel_loop3A_330 = arith.addi %parallel_loop3A_329, %add3A_131 : vector<16xi32>
          tpu.vector_store_idx %arg8[%parallel_loop3A_330], %parallel_loop3A_328 : memref<24576xf32, #tpu.memory_space<vmem>>[vector<16xi32>], vector<16xf32>,
          %parallel_loop3A_331 = vector.broadcast %parallel_loop3A_295 : i32 to vector<16xi32>
          %parallel_loop3A_332 = arith.addi %parallel_loop3A_331, %and3A_53 : vector<16xi32>
          %parallel_loop3A_333 = tpu.vector_load_idx %arg5[%parallel_loop3A_297, %parallel_loop3A_332] : memref<64x384xf32, #tpu.memory_space<vmem>>[vector<16xi32>, vector<16xi32>], vector<16xf32>,
          %parallel_loop3A_334 = vector.broadcast %parallel_loop3A_300 : i32 to vector<16xi32>
          %parallel_loop3A_335 = arith.addi %parallel_loop3A_334, %add3A_135 : vector<16xi32>
          tpu.vector_store_idx %arg8[%parallel_loop3A_335], %parallel_loop3A_333 : memref<24576xf32, #tpu.memory_space<vmem>>[vector<16xi32>], vector<16xf32>,
          %parallel_loop3A_336 = vector.broadcast %parallel_loop3A_295 : i32 to vector<16xi32>
          %parallel_loop3A_337 = arith.addi %parallel_loop3A_336, %and3A_59 : vector<16xi32>
          %parallel_loop3A_338 = tpu.vector_load_idx %arg5[%parallel_loop3A_297, %parallel_loop3A_337] : memref<64x384xf32, #tpu.memory_space<vmem>>[vector<16xi32>, vector<16xi32>], vector<16xf32>,
          %parallel_loop3A_339 = vector.broadcast %parallel_loop3A_300 : i32 to vector<16xi32>
          %parallel_loop3A_340 = arith.addi %parallel_loop3A_339, %add3A_139 : vector<16xi32>
          tpu.vector_store_idx %arg8[%parallel_loop3A_340], %parallel_loop3A_338 : memref<24576xf32, #tpu.memory_space<vmem>>[vector<16xi32>], vector<16xf32>,
          %parallel_loop3A_341 = vector.broadcast %parallel_loop3A_295 : i32 to vector<16xi32>
          %parallel_loop3A_342 = arith.addi %parallel_loop3A_341, %and3A_65 : vector<16xi32>
          %parallel_loop3A_343 = tpu.vector_load_idx %arg5[%parallel_loop3A_297, %parallel_loop3A_342] : memref<64x384xf32, #tpu.memory_space<vmem>>[vector<16xi32>, vector<16xi32>], vector<16xf32>,
          %parallel_loop3A_344 = vector.broadcast %parallel_loop3A_300 : i32 to vector<16xi32>
          %parallel_loop3A_345 = arith.addi %parallel_loop3A_344, %add3A_143 : vector<16xi32>
          tpu.vector_store_idx %arg8[%parallel_loop3A_345], %parallel_loop3A_343 : memref<24576xf32, #tpu.memory_space<vmem>>[vector<16xi32>], vector<16xf32>,
          %parallel_loop3A_346 = vector.broadcast %parallel_loop3A_295 : i32 to vector<16xi32>
          %parallel_loop3A_347 = arith.addi %parallel_loop3A_346, %and3A_71 : vector<16xi32>
          %parallel_loop3A_348 = tpu.vector_load_idx %arg5[%parallel_loop3A_297, %parallel_loop3A_347] : memref<64x384xf32, #tpu.memory_space<vmem>>[vector<16xi32>, vector<16xi32>], vector<16xf32>,
          %parallel_loop3A_349 = vector.broadcast %parallel_loop3A_300 : i32 to vector<16xi32>
          %parallel_loop3A_350 = arith.addi %parallel_loop3A_349, %add3A_147 : vector<16xi32>
          tpu.vector_store_idx %arg8[%parallel_loop3A_350], %parallel_loop3A_348 : memref<24576xf32, #tpu.memory_space<vmem>>[vector<16xi32>], vector<16xf32>,
          %parallel_loop3A_351 = vector.broadcast %parallel_loop3A_295 : i32 to vector<16xi32>
          %parallel_loop3A_352 = arith.addi %parallel_loop3A_351, %and3A_77 : vector<16xi32>
          %parallel_loop3A_353 = tpu.vector_load_idx %arg5[%parallel_loop3A_297, %parallel_loop3A_352] : memref<64x384xf32, #tpu.memory_space<vmem>>[vector<16xi32>, vector<16xi32>], vector<16xf32>,
          %parallel_loop3A_354 = vector.broadcast %parallel_loop3A_300 : i32 to vector<16xi32>
          %parallel_loop3A_355 = arith.addi %parallel_loop3A_354, %add3A_151 : vector<16xi32>
          tpu.vector_store_idx %arg8[%parallel_loop3A_355], %parallel_loop3A_353 : memref<24576xf32, #tpu.memory_space<vmem>>[vector<16xi32>], vector<16xf32>,
          %parallel_loop3A_356 = vector.broadcast %parallel_loop3A_295 : i32 to vector<16xi32>
          %parallel_loop3A_357 = arith.addi %parallel_loop3A_356, %and3A_83 : vector<16xi32>
          %parallel_loop3A_358 = tpu.vector_load_idx %arg5[%parallel_loop3A_297, %parallel_loop3A_357] : memref<64x384xf32, #tpu.memory_space<vmem>>[vector<16xi32>, vector<16xi32>], vector<16xf32>,
          %parallel_loop3A_359 = vector.broadcast %parallel_loop3A_300 : i32 to vector<16xi32>
          %parallel_loop3A_360 = arith.addi %parallel_loop3A_359, %add3A_155 : vector<16xi32>
          tpu.vector_store_idx %arg8[%parallel_loop3A_360], %parallel_loop3A_358 : memref<24576xf32, #tpu.memory_space<vmem>>[vector<16xi32>], vector<16xf32>,
          %parallel_loop3A_361 = vector.broadcast %parallel_loop3A_295 : i32 to vector<16xi32>
          %parallel_loop3A_362 = arith.addi %parallel_loop3A_361, %and3A_89 : vector<16xi32>
          %parallel_loop3A_363 = tpu.vector_load_idx %arg5[%parallel_loop3A_297, %parallel_loop3A_362] : memref<64x384xf32, #tpu.memory_space<vmem>>[vector<16xi32>, vector<16xi32>], vector<16xf32>,
          %parallel_loop3A_364 = vector.broadcast %parallel_loop3A_300 : i32 to vector<16xi32>
          %parallel_loop3A_365 = arith.addi %parallel_loop3A_364, %add3A_159 : vector<16xi32>
          tpu.vector_store_idx %arg8[%parallel_loop3A_365], %parallel_loop3A_363 : memref<24576xf32, #tpu.memory_space<vmem>>[vector<16xi32>], vector<16xf32>,
          %parallel_loop3A_366 = vector.broadcast %parallel_loop3A_295 : i32 to vector<16xi32>
          %parallel_loop3A_367 = arith.addi %parallel_loop3A_366, %and3A_95 : vector<16xi32>
          %parallel_loop3A_368 = tpu.vector_load_idx %arg5[%parallel_loop3A_297, %parallel_loop3A_367] : memref<64x384xf32, #tpu.memory_space<vmem>>[vector<16xi32>, vector<16xi32>], vector<16xf32>,
          %parallel_loop3A_369 = vector.broadcast %parallel_loop3A_300 : i32 to vector<16xi32>
          %parallel_loop3A_370 = arith.addi %parallel_loop3A_369, %add3A_163 : vector<16xi32>
          tpu.vector_store_idx %arg8[%parallel_loop3A_370], %parallel_loop3A_368 : memref<24576xf32, #tpu.memory_space<vmem>>[vector<16xi32>], vector<16xf32>,
          %parallel_loop3A_371 = vector.broadcast %parallel_loop3A_295 : i32 to vector<16xi32>
          %parallel_loop3A_372 = arith.addi %parallel_loop3A_371, %and3A_101 : vector<16xi32>
          %parallel_loop3A_373 = tpu.vector_load_idx %arg5[%parallel_loop3A_297, %parallel_loop3A_372] : memref<64x384xf32, #tpu.memory_space<vmem>>[vector<16xi32>, vector<16xi32>], vector<16xf32>,
          %parallel_loop3A_374 = vector.broadcast %parallel_loop3A_300 : i32 to vector<16xi32>
          %parallel_loop3A_375 = arith.addi %parallel_loop3A_374, %add3A_167 : vector<16xi32>
          tpu.vector_store_idx %arg8[%parallel_loop3A_375], %parallel_loop3A_373 : memref<24576xf32, #tpu.memory_space<vmem>>[vector<16xi32>], vector<16xf32>,
          %parallel_loop3A_376 = vector.broadcast %parallel_loop3A_295 : i32 to vector<16xi32>
          %parallel_loop3A_377 = arith.addi %parallel_loop3A_376, %and3A_107 : vector<16xi32>
          %parallel_loop3A_378 = tpu.vector_load_idx %arg5[%parallel_loop3A_297, %parallel_loop3A_377] : memref<64x384xf32, #tpu.memory_space<vmem>>[vector<16xi32>, vector<16xi32>], vector<16xf32>,
          %parallel_loop3A_379 = vector.broadcast %parallel_loop3A_300 : i32 to vector<16xi32>
          %parallel_loop3A_380 = arith.addi %parallel_loop3A_379, %add3A_171 : vector<16xi32>
          tpu.vector_store_idx %arg8[%parallel_loop3A_380], %parallel_loop3A_378 : memref<24576xf32, #tpu.memory_space<vmem>>[vector<16xi32>], vector<16xf32>,
        } {sc.loop_unroll_factor = 8 : i64, sc.parallel_access}
        %mul3A_245 = arith.constant 384 : i32
        %mul3A_246 = arith.muli %add3A_218, %mul3A_245 : i32
        %mul3A_247 = arith.constant 64 : i32
        %mul3A_248 = arith.muli %mul3A_246, %mul3A_247 : i32
        %dma_start3A_249 = tpu.memref_slice %arg3[%mul3A_248] : memref<64000000xf32, #tpu.memory_space<hbm>> -> memref<24576xf32, #tpu.memory_space<hbm>>
        %dma_start3A_250 = tpu.memref_slice %arg3[%mul3A_248] : memref<64000000xf32, #tpu.memory_space<hbm>> -> memref<24576xf32, #tpu.memory_space<hbm>>
        tpu.enqueue_dma source(%arg8 : memref<24576xf32, #tpu.memory_space<vmem>>) target(%dma_start3A_250 : memref<24576xf32, #tpu.memory_space<hbm>>) target_semaphore(%arg12 : memref<!tpu.dma_semaphore, #tpu.memory_space<semaphore_mem>>)
      } else {
      }
      %scan3A_231 = arith.constant 0 : i32
      scf.yield %scan3A_231 : i32
    }
    %scan3A_182 = arith.constant 41 : i32
    %dma_wait3A = arith.constant 0 : i32
    %dma_wait3A_183 = tpu.memref_slice %arg3[%dma_wait3A] : memref<64000000xf32, #tpu.memory_space<hbm>> -> memref<24576xf32, #tpu.memory_space<hbm>>
    %dma_wait3A_184 = arith.constant 0 : i32
    %dma_wait3A_185 = tpu.memref_slice %arg3[%dma_wait3A_184] : memref<64000000xf32, #tpu.memory_space<hbm>> -> memref<24576xf32, #tpu.memory_space<hbm>>
    tpu.wait_dma2 semaphore(%arg11 : memref<!tpu.dma_semaphore, #tpu.memory_space<semaphore_mem>>) src(%dma_wait3A_185 : memref<24576xf32, #tpu.memory_space<hbm>>) dst(%arg7 : memref<24576xf32, #tpu.memory_space<vmem>>)
    %dma_wait3A_186 = arith.constant 0 : i32
    %dma_wait3A_187 = tpu.memref_slice %arg3[%dma_wait3A_186] : memref<64000000xf32, #tpu.memory_space<hbm>> -> memref<24576xf32, #tpu.memory_space<hbm>>
    %dma_wait3A_188 = arith.constant 0 : i32
    %dma_wait3A_189 = tpu.memref_slice %arg3[%dma_wait3A_188] : memref<64000000xf32, #tpu.memory_space<hbm>> -> memref<24576xf32, #tpu.memory_space<hbm>>
    tpu.wait_dma2 semaphore(%arg12 : memref<!tpu.dma_semaphore, #tpu.memory_space<semaphore_mem>>) src(%dma_wait3A_189 : memref<24576xf32, #tpu.memory_space<hbm>>) dst(%arg8 : memref<24576xf32, #tpu.memory_space<vmem>>)
    %eq3A = arith.constant 12 : i32
    %eq3A_190 = arith.cmpi eq, %add3A, %eq3A : i32
    %convert_element_type3A = arith.extui %eq3A_190 : i1 to i32
    %cond3A = arith.constant 0 : i32
    %cond3A_191 = arith.cmpi ne, %convert_element_type3A, %cond3A : i32
    scf.if %cond3A_191 {
      "tpu.region"() ({
        %run_scoped3A = tpu.sem_alloc : memref<!tpu.dma_semaphore, #tpu.memory_space<semaphore_mem>>
        %dma_start3A_194 = arith.constant 0 : i32
        %dma_start3A_195 = arith.constant 999936 : i32
        %dma_start3A_196 = tpu.memref_slice %arg2[%dma_start3A_194, %dma_start3A_195] : memref<64x1000000xf32, #tpu.memory_space<hbm>> -> memref<64x64xf32, #tpu.memory_space<hbm>>
        %dma_start3A_197 = arith.constant 0 : i32
        %dma_start3A_198 = arith.constant 999936 : i32
        %dma_start3A_199 = tpu.memref_slice %arg2[%dma_start3A_197, %dma_start3A_198] : memref<64x1000000xf32, #tpu.memory_space<hbm>> -> memref<64x64xf32, #tpu.memory_space<hbm>>
        tpu.enqueue_dma source(%dma_start3A_199 : memref<64x64xf32, #tpu.memory_space<hbm>>) target(%arg6 : memref<64x64xf32, #tpu.memory_space<vmem>>) target_semaphore(%run_scoped3A : memref<!tpu.dma_semaphore, #tpu.memory_space<semaphore_mem>>)
        %dma_wait3A_200 = arith.constant 0 : i32
        %dma_wait3A_201 = arith.constant 999936 : i32
        %dma_wait3A_202 = tpu.memref_slice %arg2[%dma_wait3A_200, %dma_wait3A_201] : memref<64x1000000xf32, #tpu.memory_space<hbm>> -> memref<64x64xf32, #tpu.memory_space<hbm>>
        %dma_wait3A_203 = arith.constant 0 : i32
        %dma_wait3A_204 = arith.constant 999936 : i32
        %dma_wait3A_205 = tpu.memref_slice %arg2[%dma_wait3A_203, %dma_wait3A_204] : memref<64x1000000xf32, #tpu.memory_space<hbm>> -> memref<64x64xf32, #tpu.memory_space<hbm>>
        tpu.wait_dma2 semaphore(%run_scoped3A : memref<!tpu.dma_semaphore, #tpu.memory_space<semaphore_mem>>) src(%dma_wait3A_205 : memref<64x64xf32, #tpu.memory_space<hbm>>) dst(%arg6 : memref<64x64xf32, #tpu.memory_space<vmem>>)
        tpu.yield
      }) : () -> ()
      %parallel_loop3A = arith.constant 0 : i32
      %parallel_loop3A_192 = arith.constant 16 : i32
      %parallel_loop3A_193 = arith.constant 1 : i32
      scf.for %parallel_loop3A_194 = %parallel_loop3A to %parallel_loop3A_192 step %parallel_loop3A_193  : i32 {
        %parallel_loop3A_195 = arith.constant 4 : i32
        %parallel_loop3A_196 = arith.constant 0 : i32
        %parallel_loop3A_197 = arith.cmpi eq, %parallel_loop3A_195, %parallel_loop3A_196 : i32
        %parallel_loop3A_198 = arith.constant 1 : i32
        %parallel_loop3A_199 = arith.select %parallel_loop3A_197, %parallel_loop3A_198, %parallel_loop3A_195 : i32
        %parallel_loop3A_200 = arith.remsi %parallel_loop3A_194, %parallel_loop3A_199 : i32
        %parallel_loop3A_201 = arith.constant 0 : i32
        %parallel_loop3A_202 = arith.cmpi ne, %parallel_loop3A_200, %parallel_loop3A_201 : i32
        %parallel_loop3A_203 = arith.constant 0 : i32
        %parallel_loop3A_204 = arith.cmpi slt, %parallel_loop3A_200, %parallel_loop3A_203 : i32
        %parallel_loop3A_205 = arith.constant 0 : i32
        %parallel_loop3A_206 = arith.cmpi slt, %parallel_loop3A_199, %parallel_loop3A_205 : i32
        %parallel_loop3A_207 = arith.xori %parallel_loop3A_204, %parallel_loop3A_206 : i1
        %parallel_loop3A_208 = arith.andi %parallel_loop3A_207, %parallel_loop3A_202 : i1
        %parallel_loop3A_209 = arith.addi %parallel_loop3A_200, %parallel_loop3A_199 : i32
        %parallel_loop3A_210 = arith.select %parallel_loop3A_208, %parallel_loop3A_209, %parallel_loop3A_200 : i32
        %parallel_loop3A_211 = arith.constant 16 : i32
        %parallel_loop3A_212 = arith.muli %parallel_loop3A_210, %parallel_loop3A_211 : i32
        %parallel_loop3A_213 = arith.constant 4 : i32
        %parallel_loop3A_214 = arith.divsi %parallel_loop3A_194, %parallel_loop3A_213 : i32
        %parallel_loop3A_215 = arith.constant 0 : i32
        %parallel_loop3A_216 = arith.cmpi sgt, %parallel_loop3A_194, %parallel_loop3A_215 : i32
        %parallel_loop3A_217 = arith.extui %parallel_loop3A_216 : i1 to i32
        %parallel_loop3A_218 = arith.constant 0 : i32
        %parallel_loop3A_219 = arith.cmpi slt, %parallel_loop3A_194, %parallel_loop3A_218 : i32
        %parallel_loop3A_220 = arith.extui %parallel_loop3A_219 : i1 to i32
        %parallel_loop3A_221 = arith.subi %parallel_loop3A_217, %parallel_loop3A_220 : i32
        %parallel_loop3A_222 = arith.constant 0 : i32
        %parallel_loop3A_223 = arith.cmpi sgt, %parallel_loop3A_213, %parallel_loop3A_222 : i32
        %parallel_loop3A_224 = arith.extui %parallel_loop3A_223 : i1 to i32
        %parallel_loop3A_225 = arith.constant 0 : i32
        %parallel_loop3A_226 = arith.cmpi slt, %parallel_loop3A_213, %parallel_loop3A_225 : i32
        %parallel_loop3A_227 = arith.extui %parallel_loop3A_226 : i1 to i32
        %parallel_loop3A_228 = arith.subi %parallel_loop3A_224, %parallel_loop3A_227 : i32
        %parallel_loop3A_229 = arith.cmpi ne, %parallel_loop3A_221, %parallel_loop3A_228 : i32
        %parallel_loop3A_230 = arith.remsi %parallel_loop3A_194, %parallel_loop3A_213 : i32
        %parallel_loop3A_231 = arith.constant 0 : i32
        %parallel_loop3A_232 = arith.cmpi ne, %parallel_loop3A_230, %parallel_loop3A_231 : i32
        %parallel_loop3A_233 = arith.andi %parallel_loop3A_229, %parallel_loop3A_232 : i1
        %parallel_loop3A_234 = arith.constant 1 : i32
        %parallel_loop3A_235 = arith.subi %parallel_loop3A_214, %parallel_loop3A_234 : i32
        %parallel_loop3A_236 = arith.select %parallel_loop3A_233, %parallel_loop3A_235, %parallel_loop3A_214 : i32
        %parallel_loop3A_237 = arith.constant 16 : i32
        %parallel_loop3A_238 = arith.muli %parallel_loop3A_236, %parallel_loop3A_237 : i32
        %parallel_loop3A_239 = vector.broadcast %parallel_loop3A_212 : i32 to vector<16xi32>
        %parallel_loop3A_240 = arith.addi %parallel_loop3A_239, %iota3A : vector<16xi32>
        %parallel_loop3A_241 = arith.constant 64 : i32
        %parallel_loop3A_242 = arith.muli %parallel_loop3A_238, %parallel_loop3A_241 : i32
        %parallel_loop3A_243 = arith.addi %parallel_loop3A_242, %parallel_loop3A_212 : i32
        %parallel_loop3A_244 = vector.broadcast %parallel_loop3A_238 : i32 to vector<16xi32>
        %parallel_loop3A_245 = arith.addi %parallel_loop3A_244, %and3A_17 : vector<16xi32>
        %parallel_loop3A_246 = tpu.vector_load_idx %arg6[%parallel_loop3A_240, %parallel_loop3A_245] : memref<64x64xf32, #tpu.memory_space<vmem>>[vector<16xi32>, vector<16xi32>], vector<16xf32>,
        %parallel_loop3A_247 = vector.broadcast %parallel_loop3A_243 : i32 to vector<16xi32>
        %parallel_loop3A_248 = arith.addi %parallel_loop3A_247, %add3A_111 : vector<16xi32>
        tpu.vector_store_idx %arg7[%parallel_loop3A_248], %parallel_loop3A_246 : memref<24576xf32, #tpu.memory_space<vmem>>[vector<16xi32>], vector<16xf32>,
        %parallel_loop3A_249 = vector.broadcast %parallel_loop3A_238 : i32 to vector<16xi32>
        %parallel_loop3A_250 = arith.addi %parallel_loop3A_249, %and3A_23 : vector<16xi32>
        %parallel_loop3A_251 = tpu.vector_load_idx %arg6[%parallel_loop3A_240, %parallel_loop3A_250] : memref<64x64xf32, #tpu.memory_space<vmem>>[vector<16xi32>, vector<16xi32>], vector<16xf32>,
        %parallel_loop3A_252 = vector.broadcast %parallel_loop3A_243 : i32 to vector<16xi32>
        %parallel_loop3A_253 = arith.addi %parallel_loop3A_252, %add3A_115 : vector<16xi32>
        tpu.vector_store_idx %arg7[%parallel_loop3A_253], %parallel_loop3A_251 : memref<24576xf32, #tpu.memory_space<vmem>>[vector<16xi32>], vector<16xf32>,
        %parallel_loop3A_254 = vector.broadcast %parallel_loop3A_238 : i32 to vector<16xi32>
        %parallel_loop3A_255 = arith.addi %parallel_loop3A_254, %and3A_29 : vector<16xi32>
        %parallel_loop3A_256 = tpu.vector_load_idx %arg6[%parallel_loop3A_240, %parallel_loop3A_255] : memref<64x64xf32, #tpu.memory_space<vmem>>[vector<16xi32>, vector<16xi32>], vector<16xf32>,
        %parallel_loop3A_257 = vector.broadcast %parallel_loop3A_243 : i32 to vector<16xi32>
        %parallel_loop3A_258 = arith.addi %parallel_loop3A_257, %add3A_119 : vector<16xi32>
        tpu.vector_store_idx %arg7[%parallel_loop3A_258], %parallel_loop3A_256 : memref<24576xf32, #tpu.memory_space<vmem>>[vector<16xi32>], vector<16xf32>,
        %parallel_loop3A_259 = vector.broadcast %parallel_loop3A_238 : i32 to vector<16xi32>
        %parallel_loop3A_260 = arith.addi %parallel_loop3A_259, %and3A_35 : vector<16xi32>
        %parallel_loop3A_261 = tpu.vector_load_idx %arg6[%parallel_loop3A_240, %parallel_loop3A_260] : memref<64x64xf32, #tpu.memory_space<vmem>>[vector<16xi32>, vector<16xi32>], vector<16xf32>,
        %parallel_loop3A_262 = vector.broadcast %parallel_loop3A_243 : i32 to vector<16xi32>
        %parallel_loop3A_263 = arith.addi %parallel_loop3A_262, %add3A_123 : vector<16xi32>
        tpu.vector_store_idx %arg7[%parallel_loop3A_263], %parallel_loop3A_261 : memref<24576xf32, #tpu.memory_space<vmem>>[vector<16xi32>], vector<16xf32>,
        %parallel_loop3A_264 = vector.broadcast %parallel_loop3A_238 : i32 to vector<16xi32>
        %parallel_loop3A_265 = arith.addi %parallel_loop3A_264, %and3A_41 : vector<16xi32>
        %parallel_loop3A_266 = tpu.vector_load_idx %arg6[%parallel_loop3A_240, %parallel_loop3A_265] : memref<64x64xf32, #tpu.memory_space<vmem>>[vector<16xi32>, vector<16xi32>], vector<16xf32>,
        %parallel_loop3A_267 = vector.broadcast %parallel_loop3A_243 : i32 to vector<16xi32>
        %parallel_loop3A_268 = arith.addi %parallel_loop3A_267, %add3A_127 : vector<16xi32>
        tpu.vector_store_idx %arg7[%parallel_loop3A_268], %parallel_loop3A_266 : memref<24576xf32, #tpu.memory_space<vmem>>[vector<16xi32>], vector<16xf32>,
        %parallel_loop3A_269 = vector.broadcast %parallel_loop3A_238 : i32 to vector<16xi32>
        %parallel_loop3A_270 = arith.addi %parallel_loop3A_269, %and3A_47 : vector<16xi32>
        %parallel_loop3A_271 = tpu.vector_load_idx %arg6[%parallel_loop3A_240, %parallel_loop3A_270] : memref<64x64xf32, #tpu.memory_space<vmem>>[vector<16xi32>, vector<16xi32>], vector<16xf32>,
        %parallel_loop3A_272 = vector.broadcast %parallel_loop3A_243 : i32 to vector<16xi32>
        %parallel_loop3A_273 = arith.addi %parallel_loop3A_272, %add3A_131 : vector<16xi32>
        tpu.vector_store_idx %arg7[%parallel_loop3A_273], %parallel_loop3A_271 : memref<24576xf32, #tpu.memory_space<vmem>>[vector<16xi32>], vector<16xf32>,
        %parallel_loop3A_274 = vector.broadcast %parallel_loop3A_238 : i32 to vector<16xi32>
        %parallel_loop3A_275 = arith.addi %parallel_loop3A_274, %and3A_53 : vector<16xi32>
        %parallel_loop3A_276 = tpu.vector_load_idx %arg6[%parallel_loop3A_240, %parallel_loop3A_275] : memref<64x64xf32, #tpu.memory_space<vmem>>[vector<16xi32>, vector<16xi32>], vector<16xf32>,
        %parallel_loop3A_277 = vector.broadcast %parallel_loop3A_243 : i32 to vector<16xi32>
        %parallel_loop3A_278 = arith.addi %parallel_loop3A_277, %add3A_135 : vector<16xi32>
        tpu.vector_store_idx %arg7[%parallel_loop3A_278], %parallel_loop3A_276 : memref<24576xf32, #tpu.memory_space<vmem>>[vector<16xi32>], vector<16xf32>,
        %parallel_loop3A_279 = vector.broadcast %parallel_loop3A_238 : i32 to vector<16xi32>
        %parallel_loop3A_280 = arith.addi %parallel_loop3A_279, %and3A_59 : vector<16xi32>
        %parallel_loop3A_281 = tpu.vector_load_idx %arg6[%parallel_loop3A_240, %parallel_loop3A_280] : memref<64x64xf32, #tpu.memory_space<vmem>>[vector<16xi32>, vector<16xi32>], vector<16xf32>,
        %parallel_loop3A_282 = vector.broadcast %parallel_loop3A_243 : i32 to vector<16xi32>
        %parallel_loop3A_283 = arith.addi %parallel_loop3A_282, %add3A_139 : vector<16xi32>
        tpu.vector_store_idx %arg7[%parallel_loop3A_283], %parallel_loop3A_281 : memref<24576xf32, #tpu.memory_space<vmem>>[vector<16xi32>], vector<16xf32>,
        %parallel_loop3A_284 = vector.broadcast %parallel_loop3A_238 : i32 to vector<16xi32>
        %parallel_loop3A_285 = arith.addi %parallel_loop3A_284, %and3A_65 : vector<16xi32>
        %parallel_loop3A_286 = tpu.vector_load_idx %arg6[%parallel_loop3A_240, %parallel_loop3A_285] : memref<64x64xf32, #tpu.memory_space<vmem>>[vector<16xi32>, vector<16xi32>], vector<16xf32>,
        %parallel_loop3A_287 = vector.broadcast %parallel_loop3A_243 : i32 to vector<16xi32>
        %parallel_loop3A_288 = arith.addi %parallel_loop3A_287, %add3A_143 : vector<16xi32>
        tpu.vector_store_idx %arg7[%parallel_loop3A_288], %parallel_loop3A_286 : memref<24576xf32, #tpu.memory_space<vmem>>[vector<16xi32>], vector<16xf32>,
        %parallel_loop3A_289 = vector.broadcast %parallel_loop3A_238 : i32 to vector<16xi32>
        %parallel_loop3A_290 = arith.addi %parallel_loop3A_289, %and3A_71 : vector<16xi32>
        %parallel_loop3A_291 = tpu.vector_load_idx %arg6[%parallel_loop3A_240, %parallel_loop3A_290] : memref<64x64xf32, #tpu.memory_space<vmem>>[vector<16xi32>, vector<16xi32>], vector<16xf32>,
        %parallel_loop3A_292 = vector.broadcast %parallel_loop3A_243 : i32 to vector<16xi32>
        %parallel_loop3A_293 = arith.addi %parallel_loop3A_292, %add3A_147 : vector<16xi32>
        tpu.vector_store_idx %arg7[%parallel_loop3A_293], %parallel_loop3A_291 : memref<24576xf32, #tpu.memory_space<vmem>>[vector<16xi32>], vector<16xf32>,
        %parallel_loop3A_294 = vector.broadcast %parallel_loop3A_238 : i32 to vector<16xi32>
        %parallel_loop3A_295 = arith.addi %parallel_loop3A_294, %and3A_77 : vector<16xi32>
        %parallel_loop3A_296 = tpu.vector_load_idx %arg6[%parallel_loop3A_240, %parallel_loop3A_295] : memref<64x64xf32, #tpu.memory_space<vmem>>[vector<16xi32>, vector<16xi32>], vector<16xf32>,
        %parallel_loop3A_297 = vector.broadcast %parallel_loop3A_243 : i32 to vector<16xi32>
        %parallel_loop3A_298 = arith.addi %parallel_loop3A_297, %add3A_151 : vector<16xi32>
        tpu.vector_store_idx %arg7[%parallel_loop3A_298], %parallel_loop3A_296 : memref<24576xf32, #tpu.memory_space<vmem>>[vector<16xi32>], vector<16xf32>,
        %parallel_loop3A_299 = vector.broadcast %parallel_loop3A_238 : i32 to vector<16xi32>
        %parallel_loop3A_300 = arith.addi %parallel_loop3A_299, %and3A_83 : vector<16xi32>
        %parallel_loop3A_301 = tpu.vector_load_idx %arg6[%parallel_loop3A_240, %parallel_loop3A_300] : memref<64x64xf32, #tpu.memory_space<vmem>>[vector<16xi32>, vector<16xi32>], vector<16xf32>,
        %parallel_loop3A_302 = vector.broadcast %parallel_loop3A_243 : i32 to vector<16xi32>
        %parallel_loop3A_303 = arith.addi %parallel_loop3A_302, %add3A_155 : vector<16xi32>
        tpu.vector_store_idx %arg7[%parallel_loop3A_303], %parallel_loop3A_301 : memref<24576xf32, #tpu.memory_space<vmem>>[vector<16xi32>], vector<16xf32>,
        %parallel_loop3A_304 = vector.broadcast %parallel_loop3A_238 : i32 to vector<16xi32>
        %parallel_loop3A_305 = arith.addi %parallel_loop3A_304, %and3A_89 : vector<16xi32>
        %parallel_loop3A_306 = tpu.vector_load_idx %arg6[%parallel_loop3A_240, %parallel_loop3A_305] : memref<64x64xf32, #tpu.memory_space<vmem>>[vector<16xi32>, vector<16xi32>], vector<16xf32>,
        %parallel_loop3A_307 = vector.broadcast %parallel_loop3A_243 : i32 to vector<16xi32>
        %parallel_loop3A_308 = arith.addi %parallel_loop3A_307, %add3A_159 : vector<16xi32>
        tpu.vector_store_idx %arg7[%parallel_loop3A_308], %parallel_loop3A_306 : memref<24576xf32, #tpu.memory_space<vmem>>[vector<16xi32>], vector<16xf32>,
        %parallel_loop3A_309 = vector.broadcast %parallel_loop3A_238 : i32 to vector<16xi32>
        %parallel_loop3A_310 = arith.addi %parallel_loop3A_309, %and3A_95 : vector<16xi32>
        %parallel_loop3A_311 = tpu.vector_load_idx %arg6[%parallel_loop3A_240, %parallel_loop3A_310] : memref<64x64xf32, #tpu.memory_space<vmem>>[vector<16xi32>, vector<16xi32>], vector<16xf32>,
        %parallel_loop3A_312 = vector.broadcast %parallel_loop3A_243 : i32 to vector<16xi32>
        %parallel_loop3A_313 = arith.addi %parallel_loop3A_312, %add3A_163 : vector<16xi32>
        tpu.vector_store_idx %arg7[%parallel_loop3A_313], %parallel_loop3A_311 : memref<24576xf32, #tpu.memory_space<vmem>>[vector<16xi32>], vector<16xf32>,
        %parallel_loop3A_314 = vector.broadcast %parallel_loop3A_238 : i32 to vector<16xi32>
        %parallel_loop3A_315 = arith.addi %parallel_loop3A_314, %and3A_101 : vector<16xi32>
        %parallel_loop3A_316 = tpu.vector_load_idx %arg6[%parallel_loop3A_240, %parallel_loop3A_315] : memref<64x64xf32, #tpu.memory_space<vmem>>[vector<16xi32>, vector<16xi32>], vector<16xf32>,
        %parallel_loop3A_317 = vector.broadcast %parallel_loop3A_243 : i32 to vector<16xi32>
        %parallel_loop3A_318 = arith.addi %parallel_loop3A_317, %add3A_167 : vector<16xi32>
        tpu.vector_store_idx %arg7[%parallel_loop3A_318], %parallel_loop3A_316 : memref<24576xf32, #tpu.memory_space<vmem>>[vector<16xi32>], vector<16xf32>,
        %parallel_loop3A_319 = vector.broadcast %parallel_loop3A_238 : i32 to vector<16xi32>
        %parallel_loop3A_320 = arith.addi %parallel_loop3A_319, %and3A_107 : vector<16xi32>
        %parallel_loop3A_321 = tpu.vector_load_idx %arg6[%parallel_loop3A_240, %parallel_loop3A_320] : memref<64x64xf32, #tpu.memory_space<vmem>>[vector<16xi32>, vector<16xi32>], vector<16xf32>,
        %parallel_loop3A_322 = vector.broadcast %parallel_loop3A_243 : i32 to vector<16xi32>
        %parallel_loop3A_323 = arith.addi %parallel_loop3A_322, %add3A_171 : vector<16xi32>
        tpu.vector_store_idx %arg7[%parallel_loop3A_323], %parallel_loop3A_321 : memref<24576xf32, #tpu.memory_space<vmem>>[vector<16xi32>], vector<16xf32>,
      } {sc.loop_unroll_factor = 8 : i64, sc.parallel_access}
      "tpu.region"() ({
        %run_scoped3A = tpu.sem_alloc : memref<!tpu.dma_semaphore, #tpu.memory_space<semaphore_mem>>
        %dma_start3A_194 = arith.constant 0 : i32
        %dma_start3A_195 = tpu.memref_slice %arg7[%dma_start3A_194] : memref<24576xf32, #tpu.memory_space<vmem>> -> memref<4096xf32, #tpu.memory_space<vmem>>
        %dma_start3A_196 = arith.constant 63995904 : i32
        %dma_start3A_197 = tpu.memref_slice %arg3[%dma_start3A_196] : memref<64000000xf32, #tpu.memory_space<hbm>> -> memref<4096xf32, #tpu.memory_space<hbm>>
        %dma_start3A_198 = arith.constant 63995904 : i32
        %dma_start3A_199 = tpu.memref_slice %arg3[%dma_start3A_198] : memref<64000000xf32, #tpu.memory_space<hbm>> -> memref<4096xf32, #tpu.memory_space<hbm>>
        %dma_start3A_200 = arith.constant 0 : i32
        %dma_start3A_201 = tpu.memref_slice %arg7[%dma_start3A_200] : memref<24576xf32, #tpu.memory_space<vmem>> -> memref<4096xf32, #tpu.memory_space<vmem>>
        tpu.enqueue_dma source(%dma_start3A_201 : memref<4096xf32, #tpu.memory_space<vmem>>) target(%dma_start3A_199 : memref<4096xf32, #tpu.memory_space<hbm>>) target_semaphore(%run_scoped3A : memref<!tpu.dma_semaphore, #tpu.memory_space<semaphore_mem>>)
        %dma_wait3A_202 = arith.constant 0 : i32
        %dma_wait3A_203 = tpu.memref_slice %arg7[%dma_wait3A_202] : memref<24576xf32, #tpu.memory_space<vmem>> -> memref<4096xf32, #tpu.memory_space<vmem>>
        %dma_wait3A_204 = arith.constant 63995904 : i32
        %dma_wait3A_205 = tpu.memref_slice %arg3[%dma_wait3A_204] : memref<64000000xf32, #tpu.memory_space<hbm>> -> memref<4096xf32, #tpu.memory_space<hbm>>
        %dma_wait3A_206 = arith.constant 63995904 : i32
        %dma_wait3A_207 = tpu.memref_slice %arg3[%dma_wait3A_206] : memref<64000000xf32, #tpu.memory_space<hbm>> -> memref<4096xf32, #tpu.memory_space<hbm>>
        %dma_wait3A_208 = arith.constant 0 : i32
        %dma_wait3A_209 = tpu.memref_slice %arg7[%dma_wait3A_208] : memref<24576xf32, #tpu.memory_space<vmem>> -> memref<4096xf32, #tpu.memory_space<vmem>>
        tpu.wait_dma2 semaphore(%run_scoped3A : memref<!tpu.dma_semaphore, #tpu.memory_space<semaphore_mem>>) src(%dma_wait3A_209 : memref<4096xf32, #tpu.memory_space<vmem>>) dst(%dma_wait3A_207 : memref<4096xf32, #tpu.memory_space<hbm>>)
        tpu.yield
      }) : () -> ()
    } else {
    }
    return
  }
}

#map = affine_map<(d0, d1) -> (0)>
#map1 = affine_map<(d0, d1) -> (0, 0)>
module attributes {stable_mosaic.version = 14 : i64} {
  func.func @k(%arg0: i32, %arg1: i32, %arg2: memref<819200xi32, #tpu.memory_space<hbm>>, %arg3: memref<1000000x64xf32, #tpu.memory_space<hbm>>, %arg4: memref<64xf32, #tpu.memory_space<hbm>>, %arg5: memref<262144xf32, #tpu.memory_space<hbm>>, %arg6: memref<25600xi32, #tpu.memory_space<vmem>>, %arg7: memref<200x64xf32, #tpu.memory_space<vmem>>, %arg8: memref<200x64xf32, #tpu.memory_space<vmem>>, %arg9: memref<200x64xf32, #tpu.memory_space<vmem>>, %arg10: memref<200x64xf32, #tpu.memory_space<vmem>>, %arg11: memref<64xf32, #tpu.memory_space<vmem>>, %arg12: memref<8192xf32, #tpu.memory_space<vmem>>, %arg13: memref<!tpu.dma_semaphore, #tpu.memory_space<semaphore_mem>>, %arg14: memref<!tpu.dma_semaphore, #tpu.memory_space<semaphore_mem>>, %arg15: memref<!tpu.dma_semaphore, #tpu.memory_space<semaphore_mem>>, %arg16: memref<!tpu.dma_semaphore, #tpu.memory_space<semaphore_mem>>) attributes {dimension_semantics = [#tpu.dimension_semantics<core_parallel>, #tpu.dimension_semantics<subcore_parallel>], iteration_bounds = array<i64: 2, 16>, scalar_prefetch = 0 : i64, scratch_operands = 11 : i64, tpu.core_type = #tpu.core_type<sc_vector_subcore>, window_params = [{transform_indices = #map}, {transform_indices = #map1}, {transform_indices = #map}, {transform_indices = #map}]} {
    %mul3A = arith.constant 2 : i32
    %mul3A_0 = arith.muli %arg1, %mul3A : i32
    %add3A = arith.addi %mul3A_0, %arg0 : i32
    %mul3A_1 = arith.constant 25600 : i32
    %mul3A_2 = arith.muli %add3A, %mul3A_1 : i32
    "tpu.region"() ({
      %run_scoped3A = tpu.sem_alloc : memref<!tpu.dma_semaphore, #tpu.memory_space<semaphore_mem>>
      %dma_start3A_68 = tpu.memref_slice %arg2[%mul3A_2] : memref<819200xi32, #tpu.memory_space<hbm>> -> memref<25600xi32, #tpu.memory_space<hbm>>
      %dma_start3A_69 = tpu.memref_slice %arg2[%mul3A_2] : memref<819200xi32, #tpu.memory_space<hbm>> -> memref<25600xi32, #tpu.memory_space<hbm>>
      tpu.enqueue_dma source(%dma_start3A_69 : memref<25600xi32, #tpu.memory_space<hbm>>) target(%arg6 : memref<25600xi32, #tpu.memory_space<vmem>>) target_semaphore(%run_scoped3A : memref<!tpu.dma_semaphore, #tpu.memory_space<semaphore_mem>>)
      %dma_wait3A = tpu.memref_slice %arg2[%mul3A_2] : memref<819200xi32, #tpu.memory_space<hbm>> -> memref<25600xi32, #tpu.memory_space<hbm>>
      %dma_wait3A_70 = tpu.memref_slice %arg2[%mul3A_2] : memref<819200xi32, #tpu.memory_space<hbm>> -> memref<25600xi32, #tpu.memory_space<hbm>>
      tpu.wait_dma2 semaphore(%run_scoped3A : memref<!tpu.dma_semaphore, #tpu.memory_space<semaphore_mem>>) src(%dma_wait3A_70 : memref<25600xi32, #tpu.memory_space<hbm>>) dst(%arg6 : memref<25600xi32, #tpu.memory_space<vmem>>)
      tpu.yield
    }) : () -> ()
    "tpu.region"() ({
      %run_scoped3A = tpu.sem_alloc : memref<!tpu.dma_semaphore, #tpu.memory_space<semaphore_mem>>
      tpu.enqueue_dma source(%arg4 : memref<64xf32, #tpu.memory_space<hbm>>) target(%arg11 : memref<64xf32, #tpu.memory_space<vmem>>) target_semaphore(%run_scoped3A : memref<!tpu.dma_semaphore, #tpu.memory_space<semaphore_mem>>)
      tpu.wait_dma2 semaphore(%run_scoped3A : memref<!tpu.dma_semaphore, #tpu.memory_space<semaphore_mem>>) src(%arg4 : memref<64xf32, #tpu.memory_space<hbm>>) dst(%arg11 : memref<64xf32, #tpu.memory_space<vmem>>)
      tpu.yield
    }) : () -> ()
    %get3A = arith.constant 0 : index
    %get3A_3 = tpu.vector_load %arg11[%get3A] {strides = array<i32>} : memref<64xf32, #tpu.memory_space<vmem>>, vector<16xf32>,
    %get3A_4 = arith.constant 16 : index
    %get3A_5 = tpu.vector_load %arg11[%get3A_4] {strides = array<i32>} : memref<64xf32, #tpu.memory_space<vmem>>, vector<16xf32>,
    %get3A_6 = arith.constant 32 : index
    %get3A_7 = tpu.vector_load %arg11[%get3A_6] {strides = array<i32>} : memref<64xf32, #tpu.memory_space<vmem>>, vector<16xf32>,
    %get3A_8 = arith.constant 48 : index
    %get3A_9 = tpu.vector_load %arg11[%get3A_8] {strides = array<i32>} : memref<64xf32, #tpu.memory_space<vmem>>, vector<16xf32>,
    %broadcast_in_dim3A = arith.constant 15 : i32
    %broadcast_in_dim3A_10 = vector.broadcast %broadcast_in_dim3A : i32 to vector<16xi32>
    %dma_start3A = arith.constant 0 : i32
    %dma_start3A_11 = arith.constant 0 : i32
    %dma_start3A_12 = tpu.memref_slice %arg7[%dma_start3A, %dma_start3A_11] : memref<200x64xf32, #tpu.memory_space<vmem>> -> memref<104x64xf32, #tpu.memory_space<vmem>>
    %dma_start3A_13 = arith.constant 0 : i32
    %dma_start3A_14 = tpu.memref_slice %arg6[%dma_start3A_13] : memref<25600xi32, #tpu.memory_space<vmem>> -> memref<104xi32, #tpu.memory_space<vmem>>
    %dma_start3A_15 = arith.constant 0 : i32
    %dma_start3A_16 = arith.constant 0 : i32
    %dma_start3A_17 = tpu.memref_slice %arg3[%dma_start3A_15, %dma_start3A_16] : memref<1000000x64xf32, #tpu.memory_space<hbm>> -> memref<1000000x64xf32, #tpu.memory_space<hbm>>
    tpu.enqueue_indirect_dma source(%dma_start3A_17 : memref<1000000x64xf32, #tpu.memory_space<hbm>>) target(%dma_start3A_12 : memref<104x64xf32, #tpu.memory_space<vmem>>) offsets(%dma_start3A_14 : memref<104xi32, #tpu.memory_space<vmem>>) semaphore(%arg13 : memref<!tpu.dma_semaphore, #tpu.memory_space<semaphore_mem>>)
    %dma_start3A_18 = arith.constant 104 : i32
    %dma_start3A_19 = arith.constant 0 : i32
    %dma_start3A_20 = tpu.memref_slice %arg7[%dma_start3A_18, %dma_start3A_19] : memref<200x64xf32, #tpu.memory_space<vmem>> -> memref<96x64xf32, #tpu.memory_space<vmem>>
    %dma_start3A_21 = arith.constant 104 : i32
    %dma_start3A_22 = tpu.memref_slice %arg6[%dma_start3A_21] : memref<25600xi32, #tpu.memory_space<vmem>> -> memref<96xi32, #tpu.memory_space<vmem>>
    %dma_start3A_23 = arith.constant 0 : i32
    %dma_start3A_24 = arith.constant 0 : i32
    %dma_start3A_25 = tpu.memref_slice %arg3[%dma_start3A_23, %dma_start3A_24] : memref<1000000x64xf32, #tpu.memory_space<hbm>> -> memref<1000000x64xf32, #tpu.memory_space<hbm>>
    tpu.enqueue_indirect_dma source(%dma_start3A_25 : memref<1000000x64xf32, #tpu.memory_space<hbm>>) target(%dma_start3A_20 : memref<96x64xf32, #tpu.memory_space<vmem>>) offsets(%dma_start3A_22 : memref<96xi32, #tpu.memory_space<vmem>>) semaphore(%arg13 : memref<!tpu.dma_semaphore, #tpu.memory_space<semaphore_mem>>)
    %dma_start3A_26 = arith.constant 0 : i32
    %dma_start3A_27 = arith.constant 0 : i32
    %dma_start3A_28 = tpu.memref_slice %arg8[%dma_start3A_26, %dma_start3A_27] : memref<200x64xf32, #tpu.memory_space<vmem>> -> memref<104x64xf32, #tpu.memory_space<vmem>>
    %dma_start3A_29 = arith.constant 200 : i32
    %dma_start3A_30 = tpu.memref_slice %arg6[%dma_start3A_29] : memref<25600xi32, #tpu.memory_space<vmem>> -> memref<104xi32, #tpu.memory_space<vmem>>
    %dma_start3A_31 = arith.constant 0 : i32
    %dma_start3A_32 = arith.constant 0 : i32
    %dma_start3A_33 = tpu.memref_slice %arg3[%dma_start3A_31, %dma_start3A_32] : memref<1000000x64xf32, #tpu.memory_space<hbm>> -> memref<1000000x64xf32, #tpu.memory_space<hbm>>
    tpu.enqueue_indirect_dma source(%dma_start3A_33 : memref<1000000x64xf32, #tpu.memory_space<hbm>>) target(%dma_start3A_28 : memref<104x64xf32, #tpu.memory_space<vmem>>) offsets(%dma_start3A_30 : memref<104xi32, #tpu.memory_space<vmem>>) semaphore(%arg14 : memref<!tpu.dma_semaphore, #tpu.memory_space<semaphore_mem>>)
    %dma_start3A_34 = arith.constant 104 : i32
    %dma_start3A_35 = arith.constant 0 : i32
    %dma_start3A_36 = tpu.memref_slice %arg8[%dma_start3A_34, %dma_start3A_35] : memref<200x64xf32, #tpu.memory_space<vmem>> -> memref<96x64xf32, #tpu.memory_space<vmem>>
    %dma_start3A_37 = arith.constant 304 : i32
    %dma_start3A_38 = tpu.memref_slice %arg6[%dma_start3A_37] : memref<25600xi32, #tpu.memory_space<vmem>> -> memref<96xi32, #tpu.memory_space<vmem>>
    %dma_start3A_39 = arith.constant 0 : i32
    %dma_start3A_40 = arith.constant 0 : i32
    %dma_start3A_41 = tpu.memref_slice %arg3[%dma_start3A_39, %dma_start3A_40] : memref<1000000x64xf32, #tpu.memory_space<hbm>> -> memref<1000000x64xf32, #tpu.memory_space<hbm>>
    tpu.enqueue_indirect_dma source(%dma_start3A_41 : memref<1000000x64xf32, #tpu.memory_space<hbm>>) target(%dma_start3A_36 : memref<96x64xf32, #tpu.memory_space<vmem>>) offsets(%dma_start3A_38 : memref<96xi32, #tpu.memory_space<vmem>>) semaphore(%arg14 : memref<!tpu.dma_semaphore, #tpu.memory_space<semaphore_mem>>)
    %dma_start3A_42 = arith.constant 0 : i32
    %dma_start3A_43 = arith.constant 0 : i32
    %dma_start3A_44 = tpu.memref_slice %arg9[%dma_start3A_42, %dma_start3A_43] : memref<200x64xf32, #tpu.memory_space<vmem>> -> memref<104x64xf32, #tpu.memory_space<vmem>>
    %dma_start3A_45 = arith.constant 400 : i32
    %dma_start3A_46 = tpu.memref_slice %arg6[%dma_start3A_45] : memref<25600xi32, #tpu.memory_space<vmem>> -> memref<104xi32, #tpu.memory_space<vmem>>
    %dma_start3A_47 = arith.constant 0 : i32
    %dma_start3A_48 = arith.constant 0 : i32
    %dma_start3A_49 = tpu.memref_slice %arg3[%dma_start3A_47, %dma_start3A_48] : memref<1000000x64xf32, #tpu.memory_space<hbm>> -> memref<1000000x64xf32, #tpu.memory_space<hbm>>
    tpu.enqueue_indirect_dma source(%dma_start3A_49 : memref<1000000x64xf32, #tpu.memory_space<hbm>>) target(%dma_start3A_44 : memref<104x64xf32, #tpu.memory_space<vmem>>) offsets(%dma_start3A_46 : memref<104xi32, #tpu.memory_space<vmem>>) semaphore(%arg15 : memref<!tpu.dma_semaphore, #tpu.memory_space<semaphore_mem>>)
    %dma_start3A_50 = arith.constant 104 : i32
    %dma_start3A_51 = arith.constant 0 : i32
    %dma_start3A_52 = tpu.memref_slice %arg9[%dma_start3A_50, %dma_start3A_51] : memref<200x64xf32, #tpu.memory_space<vmem>> -> memref<96x64xf32, #tpu.memory_space<vmem>>
    %dma_start3A_53 = arith.constant 504 : i32
    %dma_start3A_54 = tpu.memref_slice %arg6[%dma_start3A_53] : memref<25600xi32, #tpu.memory_space<vmem>> -> memref<96xi32, #tpu.memory_space<vmem>>
    %dma_start3A_55 = arith.constant 0 : i32
    %dma_start3A_56 = arith.constant 0 : i32
    %dma_start3A_57 = tpu.memref_slice %arg3[%dma_start3A_55, %dma_start3A_56] : memref<1000000x64xf32, #tpu.memory_space<hbm>> -> memref<1000000x64xf32, #tpu.memory_space<hbm>>
    tpu.enqueue_indirect_dma source(%dma_start3A_57 : memref<1000000x64xf32, #tpu.memory_space<hbm>>) target(%dma_start3A_52 : memref<96x64xf32, #tpu.memory_space<vmem>>) offsets(%dma_start3A_54 : memref<96xi32, #tpu.memory_space<vmem>>) semaphore(%arg15 : memref<!tpu.dma_semaphore, #tpu.memory_space<semaphore_mem>>)
    %scan3A = arith.constant 0 : i32
    %scan3A_58 = arith.constant 0 : i32
    %scan3A_59 = arith.constant 32 : i32
    %scan3A_60 = arith.addi %scan3A_58, %scan3A_59 : i32
    %scan3A_61 = arith.constant 1 : i32
    %scan3A_62 = scf.for %scan3A_68 = %scan3A_58 to %scan3A_60 step %scan3A_61 iter_args(%scan3A_69 = %scan3A) -> (i32)  : i32 {
      %mul3A_70 = arith.constant 4 : i32
      %mul3A_71 = arith.muli %mul3A_70, %scan3A_68 : i32
      %add3A_72 = arith.constant 0 : i32
      %add3A_73 = arith.addi %mul3A_71, %add3A_72 : i32
      %add3A_74 = arith.constant 3 : i32
      %add3A_75 = arith.addi %add3A_73, %add3A_74 : i32
      %lt3A = arith.constant 128 : i32
      %lt3A_76 = arith.cmpi slt, %add3A_75, %lt3A : i32
      %convert_element_type3A = arith.extui %lt3A_76 : i1 to i32
      %cond3A = arith.constant 0 : i32
      %cond3A_77 = arith.cmpi ne, %convert_element_type3A, %cond3A : i32
      scf.if %cond3A_77 {
        %add3A_262 = arith.constant 3 : i32
        %add3A_263 = arith.addi %add3A_73, %add3A_262 : i32
        %mul3A_264 = arith.constant 200 : i32
        %mul3A_265 = arith.muli %add3A_263, %mul3A_264 : i32
        %dma_start3A_266 = arith.constant 0 : i32
        %dma_start3A_267 = arith.constant 0 : i32
        %dma_start3A_268 = tpu.memref_slice %arg10[%dma_start3A_266, %dma_start3A_267] : memref<200x64xf32, #tpu.memory_space<vmem>> -> memref<104x64xf32, #tpu.memory_space<vmem>>
        %dma_start3A_269 = tpu.memref_slice %arg6[%mul3A_265] : memref<25600xi32, #tpu.memory_space<vmem>> -> memref<104xi32, #tpu.memory_space<vmem>>
        %dma_start3A_270 = arith.constant 0 : i32
        %dma_start3A_271 = arith.constant 0 : i32
        %dma_start3A_272 = tpu.memref_slice %arg3[%dma_start3A_270, %dma_start3A_271] : memref<1000000x64xf32, #tpu.memory_space<hbm>> -> memref<1000000x64xf32, #tpu.memory_space<hbm>>
        tpu.enqueue_indirect_dma source(%dma_start3A_272 : memref<1000000x64xf32, #tpu.memory_space<hbm>>) target(%dma_start3A_268 : memref<104x64xf32, #tpu.memory_space<vmem>>) offsets(%dma_start3A_269 : memref<104xi32, #tpu.memory_space<vmem>>) semaphore(%arg16 : memref<!tpu.dma_semaphore, #tpu.memory_space<semaphore_mem>>)
        %mul3A_273 = arith.constant 200 : i32
        %mul3A_274 = arith.muli %add3A_263, %mul3A_273 : i32
        %add3A_275 = arith.constant 104 : i32
        %add3A_276 = arith.addi %mul3A_274, %add3A_275 : i32
        %dma_start3A_277 = arith.constant 104 : i32
        %dma_start3A_278 = arith.constant 0 : i32
        %dma_start3A_279 = tpu.memref_slice %arg10[%dma_start3A_277, %dma_start3A_278] : memref<200x64xf32, #tpu.memory_space<vmem>> -> memref<96x64xf32, #tpu.memory_space<vmem>>
        %dma_start3A_280 = tpu.memref_slice %arg6[%add3A_276] : memref<25600xi32, #tpu.memory_space<vmem>> -> memref<96xi32, #tpu.memory_space<vmem>>
        %dma_start3A_281 = arith.constant 0 : i32
        %dma_start3A_282 = arith.constant 0 : i32
        %dma_start3A_283 = tpu.memref_slice %arg3[%dma_start3A_281, %dma_start3A_282] : memref<1000000x64xf32, #tpu.memory_space<hbm>> -> memref<1000000x64xf32, #tpu.memory_space<hbm>>
        tpu.enqueue_indirect_dma source(%dma_start3A_283 : memref<1000000x64xf32, #tpu.memory_space<hbm>>) target(%dma_start3A_279 : memref<96x64xf32, #tpu.memory_space<vmem>>) offsets(%dma_start3A_280 : memref<96xi32, #tpu.memory_space<vmem>>) semaphore(%arg16 : memref<!tpu.dma_semaphore, #tpu.memory_space<semaphore_mem>>)
      } else {
      }
      %dma_wait3A = arith.constant 0 : i32
      %dma_wait3A_78 = arith.constant 0 : i32
      %dma_wait3A_79 = tpu.memref_slice %arg3[%dma_wait3A, %dma_wait3A_78] : memref<1000000x64xf32, #tpu.memory_space<hbm>> -> memref<200x64xf32, #tpu.memory_space<hbm>>
      %dma_wait3A_80 = arith.constant 0 : i32
      %dma_wait3A_81 = arith.constant 0 : i32
      %dma_wait3A_82 = tpu.memref_slice %arg3[%dma_wait3A_80, %dma_wait3A_81] : memref<1000000x64xf32, #tpu.memory_space<hbm>> -> memref<200x64xf32, #tpu.memory_space<hbm>>
      tpu.wait_dma2 semaphore(%arg13 : memref<!tpu.dma_semaphore, #tpu.memory_space<semaphore_mem>>) src(%dma_wait3A_82 : memref<200x64xf32, #tpu.memory_space<hbm>>) dst(%arg7 : memref<200x64xf32, #tpu.memory_space<vmem>>)
      %broadcast_in_dim3A_83 = arith.constant 0.000000e+00 : f32
      %broadcast_in_dim3A_84 = vector.broadcast %broadcast_in_dim3A_83 : f32 to vector<16xf32>
      %parallel_loop3A = arith.constant 0 : i32
      %parallel_loop3A_85 = arith.constant 200 : i32
      %parallel_loop3A_86 = arith.constant 1 : i32
      %parallel_loop3A_87:5 = scf.for %parallel_loop3A_262 = %parallel_loop3A to %parallel_loop3A_85 step %parallel_loop3A_86 iter_args(%parallel_loop3A_263 = %broadcast_in_dim3A_84, %parallel_loop3A_264 = %broadcast_in_dim3A_84, %parallel_loop3A_265 = %broadcast_in_dim3A_84, %parallel_loop3A_266 = %broadcast_in_dim3A_84, %parallel_loop3A_267 = %broadcast_in_dim3A_84) -> (vector<16xf32>, vector<16xf32>, vector<16xf32>, vector<16xf32>, vector<16xf32>)  : i32 {
        %parallel_loop3A_268 = arith.index_cast %parallel_loop3A_262 : i32 to index
        %parallel_loop3A_269 = arith.constant 0 : index
        %parallel_loop3A_270 = tpu.vector_load %arg7[%parallel_loop3A_268, %parallel_loop3A_269] {strides = array<i32>} : memref<200x64xf32, #tpu.memory_space<vmem>>, vector<16xf32>,
        %parallel_loop3A_271 = arith.index_cast %parallel_loop3A_262 : i32 to index
        %parallel_loop3A_272 = arith.constant 16 : index
        %parallel_loop3A_273 = tpu.vector_load %arg7[%parallel_loop3A_271, %parallel_loop3A_272] {strides = array<i32>} : memref<200x64xf32, #tpu.memory_space<vmem>>, vector<16xf32>,
        %parallel_loop3A_274 = arith.index_cast %parallel_loop3A_262 : i32 to index
        %parallel_loop3A_275 = arith.constant 32 : index
        %parallel_loop3A_276 = tpu.vector_load %arg7[%parallel_loop3A_274, %parallel_loop3A_275] {strides = array<i32>} : memref<200x64xf32, #tpu.memory_space<vmem>>, vector<16xf32>,
        %parallel_loop3A_277 = arith.index_cast %parallel_loop3A_262 : i32 to index
        %parallel_loop3A_278 = arith.constant 48 : index
        %parallel_loop3A_279 = tpu.vector_load %arg7[%parallel_loop3A_277, %parallel_loop3A_278] {strides = array<i32>} : memref<200x64xf32, #tpu.memory_space<vmem>>, vector<16xf32>,
        %parallel_loop3A_280 = arith.mulf %parallel_loop3A_270, %get3A_3 : vector<16xf32>
        %parallel_loop3A_281 = arith.mulf %parallel_loop3A_273, %get3A_5 : vector<16xf32>
        %parallel_loop3A_282 = arith.addf %parallel_loop3A_280, %parallel_loop3A_281 : vector<16xf32>
        %parallel_loop3A_283 = arith.mulf %parallel_loop3A_276, %get3A_7 : vector<16xf32>
        %parallel_loop3A_284 = arith.addf %parallel_loop3A_282, %parallel_loop3A_283 : vector<16xf32>
        %parallel_loop3A_285 = arith.mulf %parallel_loop3A_279, %get3A_9 : vector<16xf32>
        %parallel_loop3A_286 = arith.addf %parallel_loop3A_284, %parallel_loop3A_285 : vector<16xf32>
        %parallel_loop3A_287 = arith.constant true
        %parallel_loop3A_288 = vector.broadcast %parallel_loop3A_287 : i1 to vector<16xi1>
        %parallel_loop3A_289 = tpu.scan <sum>, %parallel_loop3A_286 masked %parallel_loop3A_288 : vector<16xf32>, vector<16xi1> -> vector<16xf32>
        %parallel_loop3A_290 = vector.shape_cast %broadcast_in_dim3A_10 : vector<16xi32> to vector<16x1xi32>
        %parallel_loop3A_291 = vector.shape_cast %parallel_loop3A_290 : vector<16x1xi32> to vector<16xi32>
        %parallel_loop3A_292 = tpu.dynamic_gather %parallel_loop3A_289[%parallel_loop3A_291] in [0] : vector<16xf32>, vector<16xi32> -> vector<16xf32>
        %parallel_loop3A_293 = math.exp %parallel_loop3A_292 : vector<16xf32>
        %parallel_loop3A_294 = arith.mulf %parallel_loop3A_293, %parallel_loop3A_270 : vector<16xf32>
        %parallel_loop3A_295 = arith.addf %parallel_loop3A_263, %parallel_loop3A_294 : vector<16xf32>
        %parallel_loop3A_296 = arith.mulf %parallel_loop3A_293, %parallel_loop3A_273 : vector<16xf32>
        %parallel_loop3A_297 = arith.addf %parallel_loop3A_264, %parallel_loop3A_296 : vector<16xf32>
        %parallel_loop3A_298 = arith.mulf %parallel_loop3A_293, %parallel_loop3A_276 : vector<16xf32>
        %parallel_loop3A_299 = arith.addf %parallel_loop3A_265, %parallel_loop3A_298 : vector<16xf32>
        %parallel_loop3A_300 = arith.mulf %parallel_loop3A_293, %parallel_loop3A_279 : vector<16xf32>
        %parallel_loop3A_301 = arith.addf %parallel_loop3A_266, %parallel_loop3A_300 : vector<16xf32>
        %parallel_loop3A_302 = arith.addf %parallel_loop3A_267, %parallel_loop3A_293 : vector<16xf32>
        scf.yield %parallel_loop3A_295, %parallel_loop3A_297, %parallel_loop3A_299, %parallel_loop3A_301, %parallel_loop3A_302 : vector<16xf32>, vector<16xf32>, vector<16xf32>, vector<16xf32>, vector<16xf32>
      } {sc.loop_unroll_factor = 4 : i64, sc.parallel_access}
      %div3A = arith.divf %parallel_loop3A_87#0, %parallel_loop3A_87#4 : vector<16xf32>
      %mul3A_88 = arith.constant 64 : i32
      %mul3A_89 = arith.muli %add3A_73, %mul3A_88 : i32
      %add3A_90 = arith.constant 0 : i32
      %add3A_91 = arith.addi %mul3A_89, %add3A_90 : i32
      %swap3A = arith.index_cast %add3A_91 : i32 to index
      %swap3A_92 = tpu.vector_load %arg12[%swap3A] {strides = array<i32>} : memref<8192xf32, #tpu.memory_space<vmem>>, vector<16xf32>,
      tpu.vector_store %arg12[%swap3A], %div3A {strides = array<i32>} : memref<8192xf32, #tpu.memory_space<vmem>>, vector<16xf32>,
      %div3A_93 = arith.divf %parallel_loop3A_87#1, %parallel_loop3A_87#4 : vector<16xf32>
      %mul3A_94 = arith.constant 64 : i32
      %mul3A_95 = arith.muli %add3A_73, %mul3A_94 : i32
      %add3A_96 = arith.constant 16 : i32
      %add3A_97 = arith.addi %mul3A_95, %add3A_96 : i32
      %swap3A_98 = arith.index_cast %add3A_97 : i32 to index
      %swap3A_99 = tpu.vector_load %arg12[%swap3A_98] {strides = array<i32>} : memref<8192xf32, #tpu.memory_space<vmem>>, vector<16xf32>,
      tpu.vector_store %arg12[%swap3A_98], %div3A_93 {strides = array<i32>} : memref<8192xf32, #tpu.memory_space<vmem>>, vector<16xf32>,
      %div3A_100 = arith.divf %parallel_loop3A_87#2, %parallel_loop3A_87#4 : vector<16xf32>
      %mul3A_101 = arith.constant 64 : i32
      %mul3A_102 = arith.muli %add3A_73, %mul3A_101 : i32
      %add3A_103 = arith.constant 32 : i32
      %add3A_104 = arith.addi %mul3A_102, %add3A_103 : i32
      %swap3A_105 = arith.index_cast %add3A_104 : i32 to index
      %swap3A_106 = tpu.vector_load %arg12[%swap3A_105] {strides = array<i32>} : memref<8192xf32, #tpu.memory_space<vmem>>, vector<16xf32>,
      tpu.vector_store %arg12[%swap3A_105], %div3A_100 {strides = array<i32>} : memref<8192xf32, #tpu.memory_space<vmem>>, vector<16xf32>,
      %div3A_107 = arith.divf %parallel_loop3A_87#3, %parallel_loop3A_87#4 : vector<16xf32>
      %mul3A_108 = arith.constant 64 : i32
      %mul3A_109 = arith.muli %add3A_73, %mul3A_108 : i32
      %add3A_110 = arith.constant 48 : i32
      %add3A_111 = arith.addi %mul3A_109, %add3A_110 : i32
      %swap3A_112 = arith.index_cast %add3A_111 : i32 to index
      %swap3A_113 = tpu.vector_load %arg12[%swap3A_112] {strides = array<i32>} : memref<8192xf32, #tpu.memory_space<vmem>>, vector<16xf32>,
      tpu.vector_store %arg12[%swap3A_112], %div3A_107 {strides = array<i32>} : memref<8192xf32, #tpu.memory_space<vmem>>, vector<16xf32>,
      %add3A_114 = arith.constant 1 : i32
      %add3A_115 = arith.addi %mul3A_71, %add3A_114 : i32
      %add3A_116 = arith.constant 3 : i32
      %add3A_117 = arith.addi %add3A_115, %add3A_116 : i32
      %lt3A_118 = arith.constant 128 : i32
      %lt3A_119 = arith.cmpi slt, %add3A_117, %lt3A_118 : i32
      %convert_element_type3A_120 = arith.extui %lt3A_119 : i1 to i32
      %cond3A_121 = arith.constant 0 : i32
      %cond3A_122 = arith.cmpi ne, %convert_element_type3A_120, %cond3A_121 : i32
      scf.if %cond3A_122 {
        %add3A_262 = arith.constant 3 : i32
        %add3A_263 = arith.addi %add3A_115, %add3A_262 : i32
        %mul3A_264 = arith.constant 200 : i32
        %mul3A_265 = arith.muli %add3A_263, %mul3A_264 : i32
        %dma_start3A_266 = arith.constant 0 : i32
        %dma_start3A_267 = arith.constant 0 : i32
        %dma_start3A_268 = tpu.memref_slice %arg7[%dma_start3A_266, %dma_start3A_267] : memref<200x64xf32, #tpu.memory_space<vmem>> -> memref<104x64xf32, #tpu.memory_space<vmem>>
        %dma_start3A_269 = tpu.memref_slice %arg6[%mul3A_265] : memref<25600xi32, #tpu.memory_space<vmem>> -> memref<104xi32, #tpu.memory_space<vmem>>
        %dma_start3A_270 = arith.constant 0 : i32
        %dma_start3A_271 = arith.constant 0 : i32
        %dma_start3A_272 = tpu.memref_slice %arg3[%dma_start3A_270, %dma_start3A_271] : memref<1000000x64xf32, #tpu.memory_space<hbm>> -> memref<1000000x64xf32, #tpu.memory_space<hbm>>
        tpu.enqueue_indirect_dma source(%dma_start3A_272 : memref<1000000x64xf32, #tpu.memory_space<hbm>>) target(%dma_start3A_268 : memref<104x64xf32, #tpu.memory_space<vmem>>) offsets(%dma_start3A_269 : memref<104xi32, #tpu.memory_space<vmem>>) semaphore(%arg13 : memref<!tpu.dma_semaphore, #tpu.memory_space<semaphore_mem>>)
        %mul3A_273 = arith.constant 200 : i32
        %mul3A_274 = arith.muli %add3A_263, %mul3A_273 : i32
        %add3A_275 = arith.constant 104 : i32
        %add3A_276 = arith.addi %mul3A_274, %add3A_275 : i32
        %dma_start3A_277 = arith.constant 104 : i32
        %dma_start3A_278 = arith.constant 0 : i32
        %dma_start3A_279 = tpu.memref_slice %arg7[%dma_start3A_277, %dma_start3A_278] : memref<200x64xf32, #tpu.memory_space<vmem>> -> memref<96x64xf32, #tpu.memory_space<vmem>>
        %dma_start3A_280 = tpu.memref_slice %arg6[%add3A_276] : memref<25600xi32, #tpu.memory_space<vmem>> -> memref<96xi32, #tpu.memory_space<vmem>>
        %dma_start3A_281 = arith.constant 0 : i32
        %dma_start3A_282 = arith.constant 0 : i32
        %dma_start3A_283 = tpu.memref_slice %arg3[%dma_start3A_281, %dma_start3A_282] : memref<1000000x64xf32, #tpu.memory_space<hbm>> -> memref<1000000x64xf32, #tpu.memory_space<hbm>>
        tpu.enqueue_indirect_dma source(%dma_start3A_283 : memref<1000000x64xf32, #tpu.memory_space<hbm>>) target(%dma_start3A_279 : memref<96x64xf32, #tpu.memory_space<vmem>>) offsets(%dma_start3A_280 : memref<96xi32, #tpu.memory_space<vmem>>) semaphore(%arg13 : memref<!tpu.dma_semaphore, #tpu.memory_space<semaphore_mem>>)
      } else {
      }
      %dma_wait3A_123 = arith.constant 0 : i32
      %dma_wait3A_124 = arith.constant 0 : i32
      %dma_wait3A_125 = tpu.memref_slice %arg3[%dma_wait3A_123, %dma_wait3A_124] : memref<1000000x64xf32, #tpu.memory_space<hbm>> -> memref<200x64xf32, #tpu.memory_space<hbm>>
      %dma_wait3A_126 = arith.constant 0 : i32
      %dma_wait3A_127 = arith.constant 0 : i32
      %dma_wait3A_128 = tpu.memref_slice %arg3[%dma_wait3A_126, %dma_wait3A_127] : memref<1000000x64xf32, #tpu.memory_space<hbm>> -> memref<200x64xf32, #tpu.memory_space<hbm>>
      tpu.wait_dma2 semaphore(%arg14 : memref<!tpu.dma_semaphore, #tpu.memory_space<semaphore_mem>>) src(%dma_wait3A_128 : memref<200x64xf32, #tpu.memory_space<hbm>>) dst(%arg8 : memref<200x64xf32, #tpu.memory_space<vmem>>)
      %broadcast_in_dim3A_129 = arith.constant 0.000000e+00 : f32
      %broadcast_in_dim3A_130 = vector.broadcast %broadcast_in_dim3A_129 : f32 to vector<16xf32>
      %parallel_loop3A_131 = arith.constant 0 : i32
      %parallel_loop3A_132 = arith.constant 200 : i32
      %parallel_loop3A_133 = arith.constant 1 : i32
      %parallel_loop3A_134:5 = scf.for %parallel_loop3A_262 = %parallel_loop3A_131 to %parallel_loop3A_132 step %parallel_loop3A_133 iter_args(%parallel_loop3A_263 = %broadcast_in_dim3A_130, %parallel_loop3A_264 = %broadcast_in_dim3A_130, %parallel_loop3A_265 = %broadcast_in_dim3A_130, %parallel_loop3A_266 = %broadcast_in_dim3A_130, %parallel_loop3A_267 = %broadcast_in_dim3A_130) -> (vector<16xf32>, vector<16xf32>, vector<16xf32>, vector<16xf32>, vector<16xf32>)  : i32 {
        %parallel_loop3A_268 = arith.index_cast %parallel_loop3A_262 : i32 to index
        %parallel_loop3A_269 = arith.constant 0 : index
        %parallel_loop3A_270 = tpu.vector_load %arg8[%parallel_loop3A_268, %parallel_loop3A_269] {strides = array<i32>} : memref<200x64xf32, #tpu.memory_space<vmem>>, vector<16xf32>,
        %parallel_loop3A_271 = arith.index_cast %parallel_loop3A_262 : i32 to index
        %parallel_loop3A_272 = arith.constant 16 : index
        %parallel_loop3A_273 = tpu.vector_load %arg8[%parallel_loop3A_271, %parallel_loop3A_272] {strides = array<i32>} : memref<200x64xf32, #tpu.memory_space<vmem>>, vector<16xf32>,
        %parallel_loop3A_274 = arith.index_cast %parallel_loop3A_262 : i32 to index
        %parallel_loop3A_275 = arith.constant 32 : index
        %parallel_loop3A_276 = tpu.vector_load %arg8[%parallel_loop3A_274, %parallel_loop3A_275] {strides = array<i32>} : memref<200x64xf32, #tpu.memory_space<vmem>>, vector<16xf32>,
        %parallel_loop3A_277 = arith.index_cast %parallel_loop3A_262 : i32 to index
        %parallel_loop3A_278 = arith.constant 48 : index
        %parallel_loop3A_279 = tpu.vector_load %arg8[%parallel_loop3A_277, %parallel_loop3A_278] {strides = array<i32>} : memref<200x64xf32, #tpu.memory_space<vmem>>, vector<16xf32>,
        %parallel_loop3A_280 = arith.mulf %parallel_loop3A_270, %get3A_3 : vector<16xf32>
        %parallel_loop3A_281 = arith.mulf %parallel_loop3A_273, %get3A_5 : vector<16xf32>
        %parallel_loop3A_282 = arith.addf %parallel_loop3A_280, %parallel_loop3A_281 : vector<16xf32>
        %parallel_loop3A_283 = arith.mulf %parallel_loop3A_276, %get3A_7 : vector<16xf32>
        %parallel_loop3A_284 = arith.addf %parallel_loop3A_282, %parallel_loop3A_283 : vector<16xf32>
        %parallel_loop3A_285 = arith.mulf %parallel_loop3A_279, %get3A_9 : vector<16xf32>
        %parallel_loop3A_286 = arith.addf %parallel_loop3A_284, %parallel_loop3A_285 : vector<16xf32>
        %parallel_loop3A_287 = arith.constant true
        %parallel_loop3A_288 = vector.broadcast %parallel_loop3A_287 : i1 to vector<16xi1>
        %parallel_loop3A_289 = tpu.scan <sum>, %parallel_loop3A_286 masked %parallel_loop3A_288 : vector<16xf32>, vector<16xi1> -> vector<16xf32>
        %parallel_loop3A_290 = vector.shape_cast %broadcast_in_dim3A_10 : vector<16xi32> to vector<16x1xi32>
        %parallel_loop3A_291 = vector.shape_cast %parallel_loop3A_290 : vector<16x1xi32> to vector<16xi32>
        %parallel_loop3A_292 = tpu.dynamic_gather %parallel_loop3A_289[%parallel_loop3A_291] in [0] : vector<16xf32>, vector<16xi32> -> vector<16xf32>
        %parallel_loop3A_293 = math.exp %parallel_loop3A_292 : vector<16xf32>
        %parallel_loop3A_294 = arith.mulf %parallel_loop3A_293, %parallel_loop3A_270 : vector<16xf32>
        %parallel_loop3A_295 = arith.addf %parallel_loop3A_263, %parallel_loop3A_294 : vector<16xf32>
        %parallel_loop3A_296 = arith.mulf %parallel_loop3A_293, %parallel_loop3A_273 : vector<16xf32>
        %parallel_loop3A_297 = arith.addf %parallel_loop3A_264, %parallel_loop3A_296 : vector<16xf32>
        %parallel_loop3A_298 = arith.mulf %parallel_loop3A_293, %parallel_loop3A_276 : vector<16xf32>
        %parallel_loop3A_299 = arith.addf %parallel_loop3A_265, %parallel_loop3A_298 : vector<16xf32>
        %parallel_loop3A_300 = arith.mulf %parallel_loop3A_293, %parallel_loop3A_279 : vector<16xf32>
        %parallel_loop3A_301 = arith.addf %parallel_loop3A_266, %parallel_loop3A_300 : vector<16xf32>
        %parallel_loop3A_302 = arith.addf %parallel_loop3A_267, %parallel_loop3A_293 : vector<16xf32>
        scf.yield %parallel_loop3A_295, %parallel_loop3A_297, %parallel_loop3A_299, %parallel_loop3A_301, %parallel_loop3A_302 : vector<16xf32>, vector<16xf32>, vector<16xf32>, vector<16xf32>, vector<16xf32>
      } {sc.loop_unroll_factor = 4 : i64, sc.parallel_access}
      %div3A_135 = arith.divf %parallel_loop3A_134#0, %parallel_loop3A_134#4 : vector<16xf32>
      %mul3A_136 = arith.constant 64 : i32
      %mul3A_137 = arith.muli %add3A_115, %mul3A_136 : i32
      %add3A_138 = arith.constant 0 : i32
      %add3A_139 = arith.addi %mul3A_137, %add3A_138 : i32
      %swap3A_140 = arith.index_cast %add3A_139 : i32 to index
      %swap3A_141 = tpu.vector_load %arg12[%swap3A_140] {strides = array<i32>} : memref<8192xf32, #tpu.memory_space<vmem>>, vector<16xf32>,
      tpu.vector_store %arg12[%swap3A_140], %div3A_135 {strides = array<i32>} : memref<8192xf32, #tpu.memory_space<vmem>>, vector<16xf32>,
      %div3A_142 = arith.divf %parallel_loop3A_134#1, %parallel_loop3A_134#4 : vector<16xf32>
      %mul3A_143 = arith.constant 64 : i32
      %mul3A_144 = arith.muli %add3A_115, %mul3A_143 : i32
      %add3A_145 = arith.constant 16 : i32
      %add3A_146 = arith.addi %mul3A_144, %add3A_145 : i32
      %swap3A_147 = arith.index_cast %add3A_146 : i32 to index
      %swap3A_148 = tpu.vector_load %arg12[%swap3A_147] {strides = array<i32>} : memref<8192xf32, #tpu.memory_space<vmem>>, vector<16xf32>,
      tpu.vector_store %arg12[%swap3A_147], %div3A_142 {strides = array<i32>} : memref<8192xf32, #tpu.memory_space<vmem>>, vector<16xf32>,
      %div3A_149 = arith.divf %parallel_loop3A_134#2, %parallel_loop3A_134#4 : vector<16xf32>
      %mul3A_150 = arith.constant 64 : i32
      %mul3A_151 = arith.muli %add3A_115, %mul3A_150 : i32
      %add3A_152 = arith.constant 32 : i32
      %add3A_153 = arith.addi %mul3A_151, %add3A_152 : i32
      %swap3A_154 = arith.index_cast %add3A_153 : i32 to index
      %swap3A_155 = tpu.vector_load %arg12[%swap3A_154] {strides = array<i32>} : memref<8192xf32, #tpu.memory_space<vmem>>, vector<16xf32>,
      tpu.vector_store %arg12[%swap3A_154], %div3A_149 {strides = array<i32>} : memref<8192xf32, #tpu.memory_space<vmem>>, vector<16xf32>,
      %div3A_156 = arith.divf %parallel_loop3A_134#3, %parallel_loop3A_134#4 : vector<16xf32>
      %mul3A_157 = arith.constant 64 : i32
      %mul3A_158 = arith.muli %add3A_115, %mul3A_157 : i32
      %add3A_159 = arith.constant 48 : i32
      %add3A_160 = arith.addi %mul3A_158, %add3A_159 : i32
      %swap3A_161 = arith.index_cast %add3A_160 : i32 to index
      %swap3A_162 = tpu.vector_load %arg12[%swap3A_161] {strides = array<i32>} : memref<8192xf32, #tpu.memory_space<vmem>>, vector<16xf32>,
      tpu.vector_store %arg12[%swap3A_161], %div3A_156 {strides = array<i32>} : memref<8192xf32, #tpu.memory_space<vmem>>, vector<16xf32>,
      %add3A_163 = arith.constant 2 : i32
      %add3A_164 = arith.addi %mul3A_71, %add3A_163 : i32
      %add3A_165 = arith.constant 3 : i32
      %add3A_166 = arith.addi %add3A_164, %add3A_165 : i32
      %lt3A_167 = arith.constant 128 : i32
      %lt3A_168 = arith.cmpi slt, %add3A_166, %lt3A_167 : i32
      %convert_element_type3A_169 = arith.extui %lt3A_168 : i1 to i32
      %cond3A_170 = arith.constant 0 : i32
      %cond3A_171 = arith.cmpi ne, %convert_element_type3A_169, %cond3A_170 : i32
      scf.if %cond3A_171 {
        %add3A_262 = arith.constant 3 : i32
        %add3A_263 = arith.addi %add3A_164, %add3A_262 : i32
        %mul3A_264 = arith.constant 200 : i32
        %mul3A_265 = arith.muli %add3A_263, %mul3A_264 : i32
        %dma_start3A_266 = arith.constant 0 : i32
        %dma_start3A_267 = arith.constant 0 : i32
        %dma_start3A_268 = tpu.memref_slice %arg8[%dma_start3A_266, %dma_start3A_267] : memref<200x64xf32, #tpu.memory_space<vmem>> -> memref<104x64xf32, #tpu.memory_space<vmem>>
        %dma_start3A_269 = tpu.memref_slice %arg6[%mul3A_265] : memref<25600xi32, #tpu.memory_space<vmem>> -> memref<104xi32, #tpu.memory_space<vmem>>
        %dma_start3A_270 = arith.constant 0 : i32
        %dma_start3A_271 = arith.constant 0 : i32
        %dma_start3A_272 = tpu.memref_slice %arg3[%dma_start3A_270, %dma_start3A_271] : memref<1000000x64xf32, #tpu.memory_space<hbm>> -> memref<1000000x64xf32, #tpu.memory_space<hbm>>
        tpu.enqueue_indirect_dma source(%dma_start3A_272 : memref<1000000x64xf32, #tpu.memory_space<hbm>>) target(%dma_start3A_268 : memref<104x64xf32, #tpu.memory_space<vmem>>) offsets(%dma_start3A_269 : memref<104xi32, #tpu.memory_space<vmem>>) semaphore(%arg14 : memref<!tpu.dma_semaphore, #tpu.memory_space<semaphore_mem>>)
        %mul3A_273 = arith.constant 200 : i32
        %mul3A_274 = arith.muli %add3A_263, %mul3A_273 : i32
        %add3A_275 = arith.constant 104 : i32
        %add3A_276 = arith.addi %mul3A_274, %add3A_275 : i32
        %dma_start3A_277 = arith.constant 104 : i32
        %dma_start3A_278 = arith.constant 0 : i32
        %dma_start3A_279 = tpu.memref_slice %arg8[%dma_start3A_277, %dma_start3A_278] : memref<200x64xf32, #tpu.memory_space<vmem>> -> memref<96x64xf32, #tpu.memory_space<vmem>>
        %dma_start3A_280 = tpu.memref_slice %arg6[%add3A_276] : memref<25600xi32, #tpu.memory_space<vmem>> -> memref<96xi32, #tpu.memory_space<vmem>>
        %dma_start3A_281 = arith.constant 0 : i32
        %dma_start3A_282 = arith.constant 0 : i32
        %dma_start3A_283 = tpu.memref_slice %arg3[%dma_start3A_281, %dma_start3A_282] : memref<1000000x64xf32, #tpu.memory_space<hbm>> -> memref<1000000x64xf32, #tpu.memory_space<hbm>>
        tpu.enqueue_indirect_dma source(%dma_start3A_283 : memref<1000000x64xf32, #tpu.memory_space<hbm>>) target(%dma_start3A_279 : memref<96x64xf32, #tpu.memory_space<vmem>>) offsets(%dma_start3A_280 : memref<96xi32, #tpu.memory_space<vmem>>) semaphore(%arg14 : memref<!tpu.dma_semaphore, #tpu.memory_space<semaphore_mem>>)
      } else {
      }
      %dma_wait3A_172 = arith.constant 0 : i32
      %dma_wait3A_173 = arith.constant 0 : i32
      %dma_wait3A_174 = tpu.memref_slice %arg3[%dma_wait3A_172, %dma_wait3A_173] : memref<1000000x64xf32, #tpu.memory_space<hbm>> -> memref<200x64xf32, #tpu.memory_space<hbm>>
      %dma_wait3A_175 = arith.constant 0 : i32
      %dma_wait3A_176 = arith.constant 0 : i32
      %dma_wait3A_177 = tpu.memref_slice %arg3[%dma_wait3A_175, %dma_wait3A_176] : memref<1000000x64xf32, #tpu.memory_space<hbm>> -> memref<200x64xf32, #tpu.memory_space<hbm>>
      tpu.wait_dma2 semaphore(%arg15 : memref<!tpu.dma_semaphore, #tpu.memory_space<semaphore_mem>>) src(%dma_wait3A_177 : memref<200x64xf32, #tpu.memory_space<hbm>>) dst(%arg9 : memref<200x64xf32, #tpu.memory_space<vmem>>)
      %broadcast_in_dim3A_178 = arith.constant 0.000000e+00 : f32
      %broadcast_in_dim3A_179 = vector.broadcast %broadcast_in_dim3A_178 : f32 to vector<16xf32>
      %parallel_loop3A_180 = arith.constant 0 : i32
      %parallel_loop3A_181 = arith.constant 200 : i32
      %parallel_loop3A_182 = arith.constant 1 : i32
      %parallel_loop3A_183:5 = scf.for %parallel_loop3A_262 = %parallel_loop3A_180 to %parallel_loop3A_181 step %parallel_loop3A_182 iter_args(%parallel_loop3A_263 = %broadcast_in_dim3A_179, %parallel_loop3A_264 = %broadcast_in_dim3A_179, %parallel_loop3A_265 = %broadcast_in_dim3A_179, %parallel_loop3A_266 = %broadcast_in_dim3A_179, %parallel_loop3A_267 = %broadcast_in_dim3A_179) -> (vector<16xf32>, vector<16xf32>, vector<16xf32>, vector<16xf32>, vector<16xf32>)  : i32 {
        %parallel_loop3A_268 = arith.index_cast %parallel_loop3A_262 : i32 to index
        %parallel_loop3A_269 = arith.constant 0 : index
        %parallel_loop3A_270 = tpu.vector_load %arg9[%parallel_loop3A_268, %parallel_loop3A_269] {strides = array<i32>} : memref<200x64xf32, #tpu.memory_space<vmem>>, vector<16xf32>,
        %parallel_loop3A_271 = arith.index_cast %parallel_loop3A_262 : i32 to index
        %parallel_loop3A_272 = arith.constant 16 : index
        %parallel_loop3A_273 = tpu.vector_load %arg9[%parallel_loop3A_271, %parallel_loop3A_272] {strides = array<i32>} : memref<200x64xf32, #tpu.memory_space<vmem>>, vector<16xf32>,
        %parallel_loop3A_274 = arith.index_cast %parallel_loop3A_262 : i32 to index
        %parallel_loop3A_275 = arith.constant 32 : index
        %parallel_loop3A_276 = tpu.vector_load %arg9[%parallel_loop3A_274, %parallel_loop3A_275] {strides = array<i32>} : memref<200x64xf32, #tpu.memory_space<vmem>>, vector<16xf32>,
        %parallel_loop3A_277 = arith.index_cast %parallel_loop3A_262 : i32 to index
        %parallel_loop3A_278 = arith.constant 48 : index
        %parallel_loop3A_279 = tpu.vector_load %arg9[%parallel_loop3A_277, %parallel_loop3A_278] {strides = array<i32>} : memref<200x64xf32, #tpu.memory_space<vmem>>, vector<16xf32>,
        %parallel_loop3A_280 = arith.mulf %parallel_loop3A_270, %get3A_3 : vector<16xf32>
        %parallel_loop3A_281 = arith.mulf %parallel_loop3A_273, %get3A_5 : vector<16xf32>
        %parallel_loop3A_282 = arith.addf %parallel_loop3A_280, %parallel_loop3A_281 : vector<16xf32>
        %parallel_loop3A_283 = arith.mulf %parallel_loop3A_276, %get3A_7 : vector<16xf32>
        %parallel_loop3A_284 = arith.addf %parallel_loop3A_282, %parallel_loop3A_283 : vector<16xf32>
        %parallel_loop3A_285 = arith.mulf %parallel_loop3A_279, %get3A_9 : vector<16xf32>
        %parallel_loop3A_286 = arith.addf %parallel_loop3A_284, %parallel_loop3A_285 : vector<16xf32>
        %parallel_loop3A_287 = arith.constant true
        %parallel_loop3A_288 = vector.broadcast %parallel_loop3A_287 : i1 to vector<16xi1>
        %parallel_loop3A_289 = tpu.scan <sum>, %parallel_loop3A_286 masked %parallel_loop3A_288 : vector<16xf32>, vector<16xi1> -> vector<16xf32>
        %parallel_loop3A_290 = vector.shape_cast %broadcast_in_dim3A_10 : vector<16xi32> to vector<16x1xi32>
        %parallel_loop3A_291 = vector.shape_cast %parallel_loop3A_290 : vector<16x1xi32> to vector<16xi32>
        %parallel_loop3A_292 = tpu.dynamic_gather %parallel_loop3A_289[%parallel_loop3A_291] in [0] : vector<16xf32>, vector<16xi32> -> vector<16xf32>
        %parallel_loop3A_293 = math.exp %parallel_loop3A_292 : vector<16xf32>
        %parallel_loop3A_294 = arith.mulf %parallel_loop3A_293, %parallel_loop3A_270 : vector<16xf32>
        %parallel_loop3A_295 = arith.addf %parallel_loop3A_263, %parallel_loop3A_294 : vector<16xf32>
        %parallel_loop3A_296 = arith.mulf %parallel_loop3A_293, %parallel_loop3A_273 : vector<16xf32>
        %parallel_loop3A_297 = arith.addf %parallel_loop3A_264, %parallel_loop3A_296 : vector<16xf32>
        %parallel_loop3A_298 = arith.mulf %parallel_loop3A_293, %parallel_loop3A_276 : vector<16xf32>
        %parallel_loop3A_299 = arith.addf %parallel_loop3A_265, %parallel_loop3A_298 : vector<16xf32>
        %parallel_loop3A_300 = arith.mulf %parallel_loop3A_293, %parallel_loop3A_279 : vector<16xf32>
        %parallel_loop3A_301 = arith.addf %parallel_loop3A_266, %parallel_loop3A_300 : vector<16xf32>
        %parallel_loop3A_302 = arith.addf %parallel_loop3A_267, %parallel_loop3A_293 : vector<16xf32>
        scf.yield %parallel_loop3A_295, %parallel_loop3A_297, %parallel_loop3A_299, %parallel_loop3A_301, %parallel_loop3A_302 : vector<16xf32>, vector<16xf32>, vector<16xf32>, vector<16xf32>, vector<16xf32>
      } {sc.loop_unroll_factor = 4 : i64, sc.parallel_access}
      %div3A_184 = arith.divf %parallel_loop3A_183#0, %parallel_loop3A_183#4 : vector<16xf32>
      %mul3A_185 = arith.constant 64 : i32
      %mul3A_186 = arith.muli %add3A_164, %mul3A_185 : i32
      %add3A_187 = arith.constant 0 : i32
      %add3A_188 = arith.addi %mul3A_186, %add3A_187 : i32
      %swap3A_189 = arith.index_cast %add3A_188 : i32 to index
      %swap3A_190 = tpu.vector_load %arg12[%swap3A_189] {strides = array<i32>} : memref<8192xf32, #tpu.memory_space<vmem>>, vector<16xf32>,
      tpu.vector_store %arg12[%swap3A_189], %div3A_184 {strides = array<i32>} : memref<8192xf32, #tpu.memory_space<vmem>>, vector<16xf32>,
      %div3A_191 = arith.divf %parallel_loop3A_183#1, %parallel_loop3A_183#4 : vector<16xf32>
      %mul3A_192 = arith.constant 64 : i32
      %mul3A_193 = arith.muli %add3A_164, %mul3A_192 : i32
      %add3A_194 = arith.constant 16 : i32
      %add3A_195 = arith.addi %mul3A_193, %add3A_194 : i32
      %swap3A_196 = arith.index_cast %add3A_195 : i32 to index
      %swap3A_197 = tpu.vector_load %arg12[%swap3A_196] {strides = array<i32>} : memref<8192xf32, #tpu.memory_space<vmem>>, vector<16xf32>,
      tpu.vector_store %arg12[%swap3A_196], %div3A_191 {strides = array<i32>} : memref<8192xf32, #tpu.memory_space<vmem>>, vector<16xf32>,
      %div3A_198 = arith.divf %parallel_loop3A_183#2, %parallel_loop3A_183#4 : vector<16xf32>
      %mul3A_199 = arith.constant 64 : i32
      %mul3A_200 = arith.muli %add3A_164, %mul3A_199 : i32
      %add3A_201 = arith.constant 32 : i32
      %add3A_202 = arith.addi %mul3A_200, %add3A_201 : i32
      %swap3A_203 = arith.index_cast %add3A_202 : i32 to index
      %swap3A_204 = tpu.vector_load %arg12[%swap3A_203] {strides = array<i32>} : memref<8192xf32, #tpu.memory_space<vmem>>, vector<16xf32>,
      tpu.vector_store %arg12[%swap3A_203], %div3A_198 {strides = array<i32>} : memref<8192xf32, #tpu.memory_space<vmem>>, vector<16xf32>,
      %div3A_205 = arith.divf %parallel_loop3A_183#3, %parallel_loop3A_183#4 : vector<16xf32>
      %mul3A_206 = arith.constant 64 : i32
      %mul3A_207 = arith.muli %add3A_164, %mul3A_206 : i32
      %add3A_208 = arith.constant 48 : i32
      %add3A_209 = arith.addi %mul3A_207, %add3A_208 : i32
      %swap3A_210 = arith.index_cast %add3A_209 : i32 to index
      %swap3A_211 = tpu.vector_load %arg12[%swap3A_210] {strides = array<i32>} : memref<8192xf32, #tpu.memory_space<vmem>>, vector<16xf32>,
      tpu.vector_store %arg12[%swap3A_210], %div3A_205 {strides = array<i32>} : memref<8192xf32, #tpu.memory_space<vmem>>, vector<16xf32>,
      %add3A_212 = arith.constant 3 : i32
      %add3A_213 = arith.addi %mul3A_71, %add3A_212 : i32
      %add3A_214 = arith.constant 3 : i32
      %add3A_215 = arith.addi %add3A_213, %add3A_214 : i32
      %lt3A_216 = arith.constant 128 : i32
      %lt3A_217 = arith.cmpi slt, %add3A_215, %lt3A_216 : i32
      %convert_element_type3A_218 = arith.extui %lt3A_217 : i1 to i32
      %cond3A_219 = arith.constant 0 : i32
      %cond3A_220 = arith.cmpi ne, %convert_element_type3A_218, %cond3A_219 : i32
      scf.if %cond3A_220 {
        %add3A_262 = arith.constant 3 : i32
        %add3A_263 = arith.addi %add3A_213, %add3A_262 : i32
        %mul3A_264 = arith.constant 200 : i32
        %mul3A_265 = arith.muli %add3A_263, %mul3A_264 : i32
        %dma_start3A_266 = arith.constant 0 : i32
        %dma_start3A_267 = arith.constant 0 : i32
        %dma_start3A_268 = tpu.memref_slice %arg9[%dma_start3A_266, %dma_start3A_267] : memref<200x64xf32, #tpu.memory_space<vmem>> -> memref<104x64xf32, #tpu.memory_space<vmem>>
        %dma_start3A_269 = tpu.memref_slice %arg6[%mul3A_265] : memref<25600xi32, #tpu.memory_space<vmem>> -> memref<104xi32, #tpu.memory_space<vmem>>
        %dma_start3A_270 = arith.constant 0 : i32
        %dma_start3A_271 = arith.constant 0 : i32
        %dma_start3A_272 = tpu.memref_slice %arg3[%dma_start3A_270, %dma_start3A_271] : memref<1000000x64xf32, #tpu.memory_space<hbm>> -> memref<1000000x64xf32, #tpu.memory_space<hbm>>
        tpu.enqueue_indirect_dma source(%dma_start3A_272 : memref<1000000x64xf32, #tpu.memory_space<hbm>>) target(%dma_start3A_268 : memref<104x64xf32, #tpu.memory_space<vmem>>) offsets(%dma_start3A_269 : memref<104xi32, #tpu.memory_space<vmem>>) semaphore(%arg15 : memref<!tpu.dma_semaphore, #tpu.memory_space<semaphore_mem>>)
        %mul3A_273 = arith.constant 200 : i32
        %mul3A_274 = arith.muli %add3A_263, %mul3A_273 : i32
        %add3A_275 = arith.constant 104 : i32
        %add3A_276 = arith.addi %mul3A_274, %add3A_275 : i32
        %dma_start3A_277 = arith.constant 104 : i32
        %dma_start3A_278 = arith.constant 0 : i32
        %dma_start3A_279 = tpu.memref_slice %arg9[%dma_start3A_277, %dma_start3A_278] : memref<200x64xf32, #tpu.memory_space<vmem>> -> memref<96x64xf32, #tpu.memory_space<vmem>>
        %dma_start3A_280 = tpu.memref_slice %arg6[%add3A_276] : memref<25600xi32, #tpu.memory_space<vmem>> -> memref<96xi32, #tpu.memory_space<vmem>>
        %dma_start3A_281 = arith.constant 0 : i32
        %dma_start3A_282 = arith.constant 0 : i32
        %dma_start3A_283 = tpu.memref_slice %arg3[%dma_start3A_281, %dma_start3A_282] : memref<1000000x64xf32, #tpu.memory_space<hbm>> -> memref<1000000x64xf32, #tpu.memory_space<hbm>>
        tpu.enqueue_indirect_dma source(%dma_start3A_283 : memref<1000000x64xf32, #tpu.memory_space<hbm>>) target(%dma_start3A_279 : memref<96x64xf32, #tpu.memory_space<vmem>>) offsets(%dma_start3A_280 : memref<96xi32, #tpu.memory_space<vmem>>) semaphore(%arg15 : memref<!tpu.dma_semaphore, #tpu.memory_space<semaphore_mem>>)
      } else {
      }
      %dma_wait3A_221 = arith.constant 0 : i32
      %dma_wait3A_222 = arith.constant 0 : i32
      %dma_wait3A_223 = tpu.memref_slice %arg3[%dma_wait3A_221, %dma_wait3A_222] : memref<1000000x64xf32, #tpu.memory_space<hbm>> -> memref<200x64xf32, #tpu.memory_space<hbm>>
      %dma_wait3A_224 = arith.constant 0 : i32
      %dma_wait3A_225 = arith.constant 0 : i32
      %dma_wait3A_226 = tpu.memref_slice %arg3[%dma_wait3A_224, %dma_wait3A_225] : memref<1000000x64xf32, #tpu.memory_space<hbm>> -> memref<200x64xf32, #tpu.memory_space<hbm>>
      tpu.wait_dma2 semaphore(%arg16 : memref<!tpu.dma_semaphore, #tpu.memory_space<semaphore_mem>>) src(%dma_wait3A_226 : memref<200x64xf32, #tpu.memory_space<hbm>>) dst(%arg10 : memref<200x64xf32, #tpu.memory_space<vmem>>)
      %broadcast_in_dim3A_227 = arith.constant 0.000000e+00 : f32
      %broadcast_in_dim3A_228 = vector.broadcast %broadcast_in_dim3A_227 : f32 to vector<16xf32>
      %parallel_loop3A_229 = arith.constant 0 : i32
      %parallel_loop3A_230 = arith.constant 200 : i32
      %parallel_loop3A_231 = arith.constant 1 : i32
      %parallel_loop3A_232:5 = scf.for %parallel_loop3A_262 = %parallel_loop3A_229 to %parallel_loop3A_230 step %parallel_loop3A_231 iter_args(%parallel_loop3A_263 = %broadcast_in_dim3A_228, %parallel_loop3A_264 = %broadcast_in_dim3A_228, %parallel_loop3A_265 = %broadcast_in_dim3A_228, %parallel_loop3A_266 = %broadcast_in_dim3A_228, %parallel_loop3A_267 = %broadcast_in_dim3A_228) -> (vector<16xf32>, vector<16xf32>, vector<16xf32>, vector<16xf32>, vector<16xf32>)  : i32 {
        %parallel_loop3A_268 = arith.index_cast %parallel_loop3A_262 : i32 to index
        %parallel_loop3A_269 = arith.constant 0 : index
        %parallel_loop3A_270 = tpu.vector_load %arg10[%parallel_loop3A_268, %parallel_loop3A_269] {strides = array<i32>} : memref<200x64xf32, #tpu.memory_space<vmem>>, vector<16xf32>,
        %parallel_loop3A_271 = arith.index_cast %parallel_loop3A_262 : i32 to index
        %parallel_loop3A_272 = arith.constant 16 : index
        %parallel_loop3A_273 = tpu.vector_load %arg10[%parallel_loop3A_271, %parallel_loop3A_272] {strides = array<i32>} : memref<200x64xf32, #tpu.memory_space<vmem>>, vector<16xf32>,
        %parallel_loop3A_274 = arith.index_cast %parallel_loop3A_262 : i32 to index
        %parallel_loop3A_275 = arith.constant 32 : index
        %parallel_loop3A_276 = tpu.vector_load %arg10[%parallel_loop3A_274, %parallel_loop3A_275] {strides = array<i32>} : memref<200x64xf32, #tpu.memory_space<vmem>>, vector<16xf32>,
        %parallel_loop3A_277 = arith.index_cast %parallel_loop3A_262 : i32 to index
        %parallel_loop3A_278 = arith.constant 48 : index
        %parallel_loop3A_279 = tpu.vector_load %arg10[%parallel_loop3A_277, %parallel_loop3A_278] {strides = array<i32>} : memref<200x64xf32, #tpu.memory_space<vmem>>, vector<16xf32>,
        %parallel_loop3A_280 = arith.mulf %parallel_loop3A_270, %get3A_3 : vector<16xf32>
        %parallel_loop3A_281 = arith.mulf %parallel_loop3A_273, %get3A_5 : vector<16xf32>
        %parallel_loop3A_282 = arith.addf %parallel_loop3A_280, %parallel_loop3A_281 : vector<16xf32>
        %parallel_loop3A_283 = arith.mulf %parallel_loop3A_276, %get3A_7 : vector<16xf32>
        %parallel_loop3A_284 = arith.addf %parallel_loop3A_282, %parallel_loop3A_283 : vector<16xf32>
        %parallel_loop3A_285 = arith.mulf %parallel_loop3A_279, %get3A_9 : vector<16xf32>
        %parallel_loop3A_286 = arith.addf %parallel_loop3A_284, %parallel_loop3A_285 : vector<16xf32>
        %parallel_loop3A_287 = arith.constant true
        %parallel_loop3A_288 = vector.broadcast %parallel_loop3A_287 : i1 to vector<16xi1>
        %parallel_loop3A_289 = tpu.scan <sum>, %parallel_loop3A_286 masked %parallel_loop3A_288 : vector<16xf32>, vector<16xi1> -> vector<16xf32>
        %parallel_loop3A_290 = vector.shape_cast %broadcast_in_dim3A_10 : vector<16xi32> to vector<16x1xi32>
        %parallel_loop3A_291 = vector.shape_cast %parallel_loop3A_290 : vector<16x1xi32> to vector<16xi32>
        %parallel_loop3A_292 = tpu.dynamic_gather %parallel_loop3A_289[%parallel_loop3A_291] in [0] : vector<16xf32>, vector<16xi32> -> vector<16xf32>
        %parallel_loop3A_293 = math.exp %parallel_loop3A_292 : vector<16xf32>
        %parallel_loop3A_294 = arith.mulf %parallel_loop3A_293, %parallel_loop3A_270 : vector<16xf32>
        %parallel_loop3A_295 = arith.addf %parallel_loop3A_263, %parallel_loop3A_294 : vector<16xf32>
        %parallel_loop3A_296 = arith.mulf %parallel_loop3A_293, %parallel_loop3A_273 : vector<16xf32>
        %parallel_loop3A_297 = arith.addf %parallel_loop3A_264, %parallel_loop3A_296 : vector<16xf32>
        %parallel_loop3A_298 = arith.mulf %parallel_loop3A_293, %parallel_loop3A_276 : vector<16xf32>
        %parallel_loop3A_299 = arith.addf %parallel_loop3A_265, %parallel_loop3A_298 : vector<16xf32>
        %parallel_loop3A_300 = arith.mulf %parallel_loop3A_293, %parallel_loop3A_279 : vector<16xf32>
        %parallel_loop3A_301 = arith.addf %parallel_loop3A_266, %parallel_loop3A_300 : vector<16xf32>
        %parallel_loop3A_302 = arith.addf %parallel_loop3A_267, %parallel_loop3A_293 : vector<16xf32>
        scf.yield %parallel_loop3A_295, %parallel_loop3A_297, %parallel_loop3A_299, %parallel_loop3A_301, %parallel_loop3A_302 : vector<16xf32>, vector<16xf32>, vector<16xf32>, vector<16xf32>, vector<16xf32>
      } {sc.loop_unroll_factor = 4 : i64, sc.parallel_access}
      %div3A_233 = arith.divf %parallel_loop3A_232#0, %parallel_loop3A_232#4 : vector<16xf32>
      %mul3A_234 = arith.constant 64 : i32
      %mul3A_235 = arith.muli %add3A_213, %mul3A_234 : i32
      %add3A_236 = arith.constant 0 : i32
      %add3A_237 = arith.addi %mul3A_235, %add3A_236 : i32
      %swap3A_238 = arith.index_cast %add3A_237 : i32 to index
      %swap3A_239 = tpu.vector_load %arg12[%swap3A_238] {strides = array<i32>} : memref<8192xf32, #tpu.memory_space<vmem>>, vector<16xf32>,
      tpu.vector_store %arg12[%swap3A_238], %div3A_233 {strides = array<i32>} : memref<8192xf32, #tpu.memory_space<vmem>>, vector<16xf32>,
      %div3A_240 = arith.divf %parallel_loop3A_232#1, %parallel_loop3A_232#4 : vector<16xf32>
      %mul3A_241 = arith.constant 64 : i32
      %mul3A_242 = arith.muli %add3A_213, %mul3A_241 : i32
      %add3A_243 = arith.constant 16 : i32
      %add3A_244 = arith.addi %mul3A_242, %add3A_243 : i32
      %swap3A_245 = arith.index_cast %add3A_244 : i32 to index
      %swap3A_246 = tpu.vector_load %arg12[%swap3A_245] {strides = array<i32>} : memref<8192xf32, #tpu.memory_space<vmem>>, vector<16xf32>,
      tpu.vector_store %arg12[%swap3A_245], %div3A_240 {strides = array<i32>} : memref<8192xf32, #tpu.memory_space<vmem>>, vector<16xf32>,
      %div3A_247 = arith.divf %parallel_loop3A_232#2, %parallel_loop3A_232#4 : vector<16xf32>
      %mul3A_248 = arith.constant 64 : i32
      %mul3A_249 = arith.muli %add3A_213, %mul3A_248 : i32
      %add3A_250 = arith.constant 32 : i32
      %add3A_251 = arith.addi %mul3A_249, %add3A_250 : i32
      %swap3A_252 = arith.index_cast %add3A_251 : i32 to index
      %swap3A_253 = tpu.vector_load %arg12[%swap3A_252] {strides = array<i32>} : memref<8192xf32, #tpu.memory_space<vmem>>, vector<16xf32>,
      tpu.vector_store %arg12[%swap3A_252], %div3A_247 {strides = array<i32>} : memref<8192xf32, #tpu.memory_space<vmem>>, vector<16xf32>,
      %div3A_254 = arith.divf %parallel_loop3A_232#3, %parallel_loop3A_232#4 : vector<16xf32>
      %mul3A_255 = arith.constant 64 : i32
      %mul3A_256 = arith.muli %add3A_213, %mul3A_255 : i32
      %add3A_257 = arith.constant 48 : i32
      %add3A_258 = arith.addi %mul3A_256, %add3A_257 : i32
      %swap3A_259 = arith.index_cast %add3A_258 : i32 to index
      %swap3A_260 = tpu.vector_load %arg12[%swap3A_259] {strides = array<i32>} : memref<8192xf32, #tpu.memory_space<vmem>>, vector<16xf32>,
      tpu.vector_store %arg12[%swap3A_259], %div3A_254 {strides = array<i32>} : memref<8192xf32, #tpu.memory_space<vmem>>, vector<16xf32>,
      %scan3A_261 = arith.constant 0 : i32
      scf.yield %scan3A_261 : i32
    }
    %scan3A_63 = arith.constant 32 : i32
    %mul3A_64 = arith.constant 128 : i32
    %mul3A_65 = arith.muli %add3A, %mul3A_64 : i32
    %mul3A_66 = arith.constant 64 : i32
    %mul3A_67 = arith.muli %mul3A_65, %mul3A_66 : i32
    "tpu.region"() ({
      %run_scoped3A = tpu.sem_alloc : memref<!tpu.dma_semaphore, #tpu.memory_space<semaphore_mem>>
      %dma_start3A_68 = tpu.memref_slice %arg5[%mul3A_67] : memref<262144xf32, #tpu.memory_space<hbm>> -> memref<8192xf32, #tpu.memory_space<hbm>>
      %dma_start3A_69 = tpu.memref_slice %arg5[%mul3A_67] : memref<262144xf32, #tpu.memory_space<hbm>> -> memref<8192xf32, #tpu.memory_space<hbm>>
      tpu.enqueue_dma source(%arg12 : memref<8192xf32, #tpu.memory_space<vmem>>) target(%dma_start3A_69 : memref<8192xf32, #tpu.memory_space<hbm>>) target_semaphore(%run_scoped3A : memref<!tpu.dma_semaphore, #tpu.memory_space<semaphore_mem>>)
      %dma_wait3A = tpu.memref_slice %arg5[%mul3A_67] : memref<262144xf32, #tpu.memory_space<hbm>> -> memref<8192xf32, #tpu.memory_space<hbm>>
      %dma_wait3A_70 = tpu.memref_slice %arg5[%mul3A_67] : memref<262144xf32, #tpu.memory_space<hbm>> -> memref<8192xf32, #tpu.memory_space<hbm>>
      tpu.wait_dma2 semaphore(%run_scoped3A : memref<!tpu.dma_semaphore, #tpu.memory_space<semaphore_mem>>) src(%arg12 : memref<8192xf32, #tpu.memory_space<vmem>>) dst(%dma_wait3A_70 : memref<8192xf32, #tpu.memory_space<hbm>>)
      tpu.yield
    }) : () -> ()
    return
  }
}

</mosaic_0001>

<sc_bundles>
// kernel: kernel.4.cloned.1.call-start
scs
__scs_entry_jumppad:
0x0: {  	(pc) =	sbr.rel $0x88, $3  }
0x1: {  	(tag) =	ssettag $0x0;
	lr =	simm.s32 $0x1  }
0x2: {  	[smem:$0x3F9E] =	sst lr;
	_ =	strace $0xD0000000  }
0x3: {  	_ = 	snop  }
0x4: {  	_ = 	snop  }
0x5: {  	_ = 	snop  }
0x6: {  	_ = 	snop  }
0x7: {  	_ = 	snop  }
__scs_overlays_trampoline_lowered:
0x8: {  	[smem:$0x3FAD] =	sst s0  }
0x9: {  	[smem:$0x3FAE] =	sst s1  }
0xa: {  	[smem:$0x3FAF] =	sst s2  }
0xb: {  	[smem:$0x3FB0] =	sst s3  }
0xc: {  	[smem:$0x3FB1] =	sst s4  }
0xd: {  	[smem:$0x3FB2] =	sst s5  }
0xe: {  	[smem:$0x3FB3] =	sst s6  }
0xf: {  	[smem:$0x3FB4] =	sst s7  }
0x10: {  	[smem:$0x3FB5] =	sst s8  }
0x11: {  	[smem:$0x3FB6] =	sst s9;
	s0 =	simm.s32 @!p0 $0x0  }
0x12: {  	s1 =	sld [smem:$0x3F9C];
	s0 =	simm.s32 @p0 $0x1  }
0x13: {  	[smem:$0x3FB7] =	sst s0;
	s0 =	simm.s32 @!p1 $0x0  }
0x14: {  	s2 =	sld [smem:$0x3F9B];
	s0 =	simm.s32 @p1 $0x1  }
0x15: {  	[smem:$0x3FB8] =	sst s0;
	s0 =	simm.s32 @!p2 $0x0  }
0x16: {  	s3 =	sld [smem:$0x3FDB];
	s0 =	simm.s32 @p2 $0x1  }
0x17: {  	s4 =	simm.s32 $0x1BF5;
	[smem:$0x3FBA] =	sst s0  }
0x18: {  	s0 =	sld [smem:$0x3F9D];
	_ =	swait.ge [sflag:s4], $0x0  }
0x19: {  	s7 =	sld [smem:$0x3F9E]  }
0x1a: {  	s8 =	sadd.s32 $0xFFFFE003, lr  }
0x1b: {  	s9 =	sadd.s32 $0xFFFFFEF7, lr;
	s5 =	simm.s32 $0xFFFFFFFF;
	p2 =	slt.u32 s8, $0xFFFFF086  }
0x1c: {  	p1 =	slt.u32 s9, $0xF7A;
	s5 =	simm.s32 @!p2 $0x0  }
0x1d: {  	s5 =	simm.s32 @p1 $0x1;
	p0 =	seq.s32 s7, s2  }
0x1e: {  	s7 =	smul.u32 @!p0 $0xF7A, s2;
	p2 =	seq.s32 @!p0 s5, $0x0  }
0x1f: {  	s9 =	smul.u32 $0xF7A, s1;
	s8 =	simm.s32 @!p0 $0x1BF5;
	p2 =	por !p2, p0  }
0x20: {  	[sflag:s8] =	ssyncset.s32 @!p0 $0xFFFFF086;
	s6 =	sadd.s32 @!p0 s3, s7;
	s7 =	simm.s32 @!p0 $0x108  }
0x21: {  	s3 =	sadd.s32 s3, s9;
	s6 =	sadd.s32 @!p0 $0x88, s6;
	s7 =	simm.s32 @p2 $0x1082  }
0x22: {  	[simem:s7], [sflag:s8] =	dma.local @!p0 [hbm:s6], $0xF7A  }
0x23: {  	s9 =	sor.u32 $0xD0000000, s2;
	s6 =	simm.s32 $0x108;
	_ =	swait.ge @!p0 [sflag:s8], $0x0  }
0x24: {  	s3 =	sadd.s32 $0x88, s3;
	s6 =	simm.s32 @!p1 $0x1082;
	[sflag:s4] =	ssyncset.s32 $0xFFFFF086  }
0x25: {  	[simem:s6], [sflag:s4] =	dma.local [hbm:s3], $0xF7A  }
0x26: {  	[smem:$0x3F9E] =	sst s1;
	(tag) =	ssettag s2;
	_ =	strace s9  }
0x27: {  	s1 =	sld [smem:$0x3FAE]  }
0x28: {  	s2 =	sld [smem:$0x3FAF]  }
0x29: {  	s4 =	sld [smem:$0x3FB1]  }
0x2a: {  	p0 =	seq.s32 s5, $0x0;
	s5 =	sld [smem:$0x3FB2]  }
0x2b: {  	s6 =	sld [smem:$0x3FB3]  }
0x2c: {  	s7 =	sld [smem:$0x3FB4]  }
0x2d: {  	s3 =	simm.s32 $0x108;
	s8 =	sld [smem:$0x3FB5]  }
0x2e: {  	s3 =	simm.s32 @!p0 $0x1082;
	s9 =	sld [smem:$0x3FB6]  }
0x2f: {  	lr =	sadd.s32 s0, s3;
	s0 =	sld [smem:$0x3FAD]  }
0x30: {  	s3 =	sld [smem:$0x3FB0]  }
0x31: {  	[smem:$0x3FB9] =	sst s10  }
0x32: {  	s10 =	sld [smem:$0x3FB7];
	_ =	sdelay $0x3  }
0x33: {  	p0 =	seq.s32 s10, $0x1;
	s10 =	sld [smem:$0x3FB9];
	_ =	sdelay $0x3  }
0x34: {  	[smem:$0x3FB9] =	sst s10  }
0x35: {  	s10 =	sld [smem:$0x3FB8];
	_ =	sdelay $0x3  }
0x36: {  	p1 =	seq.s32 s10, $0x1;
	s10 =	sld [smem:$0x3FB9];
	_ =	sdelay $0x3  }
0x37: {  	[smem:$0x3FB9] =	sst s10  }
0x38: {  	s10 =	sld [smem:$0x3FBA]  }
0x39: {  	_ = 	snop;
	(pc) =	sbr.ind lr, $3  }
0x3a: {  	_ = 	snop  }
0x3b: {  	_ = 	snop  }
0x3c: {  	p2 =	seq.s32 s10, $0x1;
	s10 =	sld [smem:$0x3FB9]  }
0x3d: {  	_ =	shalt  }
0x3e: {  	_ =	shalt  }
0x3f: {  	_ =	shalt  }
0x40: {  	_ =	shalt  }
0x41: {  	_ =	shalt  }
0x42: {  	_ =	shalt  }
0x43: {  	_ =	shalt  }
0x44: {  	_ =	shalt  }
0x45: {  	_ =	shalt  }
0x46: {  	_ =	shalt  }
0x47: {  	_ =	shalt  }
0x48: {  	_ =	shalt  }
0x49: {  	_ =	shalt  }
0x4a: {  	_ =	shalt  }
0x4b: {  	_ =	shalt  }
0x4c: {  	_ =	shalt  }
0x4d: {  	_ =	shalt  }
0x4e: {  	_ =	shalt  }
0x4f: {  	_ =	shalt  }
0x50: {  	_ =	shalt  }
0x51: {  	_ =	shalt  }
0x52: {  	_ =	shalt  }
0x53: {  	_ =	shalt  }
0x54: {  	_ =	shalt  }
0x55: {  	_ =	shalt  }
0x56: {  	_ =	shalt  }
0x57: {  	_ =	shalt  }
0x58: {  	_ =	shalt  }
0x59: {  	_ =	shalt  }
0x5a: {  	_ =	shalt  }
0x5b: {  	_ =	shalt  }
0x5c: {  	_ =	shalt  }
0x5d: {  	_ =	shalt  }
0x5e: {  	_ =	shalt  }
0x5f: {  	_ =	shalt  }
0x60: {  	_ =	shalt  }
0x61: {  	_ =	shalt  }
0x62: {  	_ =	shalt  }
0x63: {  	_ =	shalt  }
0x64: {  	_ =	shalt  }
0x65: {  	_ =	shalt  }
0x66: {  	_ =	shalt  }
0x67: {  	_ =	shalt  }
0x68: {  	_ =	shalt  }
0x69: {  	_ =	shalt  }
0x6a: {  	_ =	shalt  }
0x6b: {  	_ =	shalt  }
0x6c: {  	_ =	shalt  }
0x6d: {  	_ =	shalt  }
0x6e: {  	_ =	shalt  }
0x6f: {  	_ =	shalt  }
0x70: {  	_ =	shalt  }
0x71: {  	_ =	shalt  }
0x72: {  	_ =	shalt  }
0x73: {  	_ =	shalt  }
0x74: {  	_ =	shalt  }
0x75: {  	_ =	shalt  }
0x76: {  	_ =	shalt  }
0x77: {  	_ =	shalt  }
0x78: {  	_ =	shalt  }
0x79: {  	_ =	shalt  }
0x7a: {  	_ =	shalt  }
0x7b: {  	_ =	shalt  }
0x7c: {  	_ =	shalt  }
0x7d: {  	_ =	shalt  }
0x7e: {  	_ =	shalt  }
0x7f: {  	_ =	shalt  }
0x80: {  	_ =	shalt  }
0x81: {  	_ =	shalt  }
0x82: {  	_ =	shalt  }
0x83: {  	_ =	shalt  }
0x84: {  	_ =	shalt  }
0x85: {  	_ =	shalt  }
0x86: {  	_ =	shalt  }
0x87: {  	_ =	shalt  }
.Lfunc_end0:
.L_simem_size_0:
called_computation_lowered:
.L_overlay_start_0:
0x88: {  	s2 =	sld [smem:$0x3FD9]  }
0x89: {  	s3 =	sld [smem:$0x3FFE];
	_ =	sdelay $0x1  }
0x8a: {  	s1 =	srdreg.scid  }
0x8b: {  	s0 =	sand.u32 $0x1, s1  }
0x8c: {  	s17 =	sshll.u32 s0, $0xA;
	s2 =	sadd.s32 s3, s2  }
0x8d: {  	s2 =	sadd.s32 s2, s17  }
0x8e: {  	[smem:$0x3FC5] =	sst s2  }
0x8f: {  	_ = 	snop  }
0x90: {  	s2 =	sld [smem:$0x3FC8];
	(tm) =	ssettm $0x1  }
0x91: {  	s18 =	sld [smem:$0x3FFB];
	_ =	sdelay $0x3  }
0x92: {  	_ =	strace s18  }
0x93: {  	s3 =	sld [smem:$0x3FFC];
	_ =	sdelay $0x3  }
0x94: {  	_ =	strace s3  }
0x95: {  	s3 =	sld [smem:$0x3FFD];
	_ =	sdelay $0x3  }
0x96: {  	_ =	strace s3  }
0x97: {  	_ =	strace $0x8FFFFFFF  }
0x98: {  	s19 =	sld [smem:$0x3FDB];
	_ =	sdelay $0x1  }
0x99: {  	s4 =	simm.s32 $_scs_section_size  }
0x9a: {  	s5 =	simm.s32 $_size__tile_overlayer_lowered;
	s6 =	simm.s32 $_tile_overlayer_lowered  }
0x9b: {  	s22 =	simm.s32 $0x1BFF;
	s21 =	sshll.u32 s6, $0x1;
	s3 =	sadd.s32 s4, s19  }
0x9c: {  	s7 =	simm.s32 $0x0;
	s20 =	sshll.u32 s5, $0x1;
	s5 =	sadd.s32 s21, s3  }
0x9d: {  	[timem:s7], [sflag:s22] =	dma.local [hbm:s5], s20  }
0x9e: {  	_ =	swait.ge [sflag:s22], s20  }
0x9f: {  	s4 =	ssub.s32 $0x0, s20;
	[sflag:s22] =	ssyncset.done $0x0  }
0xa0: {  	[sflag:s22] =	ssyncadd.s32 s4;
	_ =	sdelay $0x1  }
0xa1: {  	s23 =	simm.s32 $0x1B8B  }
0xa2: {  	_ =	swait.ge [sflag:s23], $0x1  }
0xa3: {  	[sflag:s23] =	ssyncset.done $0x0  }
0xa4: {  	s25 =	simm.s32 $0x1B8E;
	s24 =	sld [smem:$0x3FFE];
	[sflag:s23] =	ssyncadd.s32 $0xFFFFFFFF  }
0xa5: {  	s26 =	simm.s32 $execute0_lowered;
	[smem:$0x3FD2] =	sst s25  }
0xa6: {  	s5 =	sshll.u32 s26, $0x1;
	_ =	strace $0x80000046;
	[dreg:$0x1] =	wrdreg $0xFFFFFFFF  }
0xa7: {  	s28 =	simm.s32 $_size_execute0_lowered;
	s3 =	sadd.s32 s3, s5;
	[dreg:$0x0] =	wrdreg $0x0  }
0xa8: {  	s5 =	sshll.u32 s28, $0x1;
	[dreg:$0x2] =	wrdreg s3  }
0xa9: {  	[dreg:$0x3] =	wrdreg s5  }
0xaa: {  	[dreg:$0x4] =	wrdreg $0xC0  }
0xab: {  	_ =	task [dreg:s7], $0x5FFFF  }
0xac: {  	[dreg:$0x1] =	wrdreg $0xFFFFFFFF  }
0xad: {  	[dreg:$0x0] =	wrdreg $0x60  }
0xae: {  	[dreg:$0x2] =	wrdreg s2  }
0xaf: {  	[dreg:$0x3] =	wrdreg s24  }
0xb0: {  	[dreg:$0x4] =	wrdreg $0x9  }
0xb1: {  	_ =	task.clear_ibuf [dreg:s7], $0x5FFFF;
	_ =	strace $0x90000046  }
0xb2: {  	s29 =	simm.s32 $0x9;
	_ =	strace $0x80000048  }
0xb3: {  	_ =	swait.ge [sflag:s29], $0x1  }
0xb4: {  	[sflag:s29] =	ssyncadd.s32 $0xFFFFFFFF  }
0xb5: {  	_ =	strace $0x90000048  }
0xb6: {  	_ =	sfence  }
0xb7: {  	s30 =	sld [smem:$0x0];
	_ =	sdelay $0x2  }
0xb8: {  	s31 =	sshll.u32 s1, $0xD;
	s1 =	sshrl.u32 s1, $0x2  }
0xb9: {  	s3 =	sand.u32 $0x4000, s31;
	s1 =	sadd.s32 s1, s30  }
0xba: {  	s0 =	sor.u32 s3, s0;
	s1 =	sshll.u32 s1, $0x11  }
0xbb: {  	s0 =	sor.u32 s1, s0  }
0xbc: {  	s0 =	sadd.s32 $0x8F2B, s0  }
0xbd: {  	[sflag:s0] =	ssyncadd.remote.s32 $0x1  }
0xbe: {  	_ =	sfence.sel $0xFFFF  }
0xbf: {  	[dreg:$0x0] =	wrdreg $0xFFFFFFFF;
	(pc) =	sbr.abs _section_cstart, $3  }
0xc0: {  	[dreg:$0x1] =	wrdreg $0xFFFFFFFF  }
0xc1: {  	_ =	task.clear_ibuf [dreg:s7], $0x2FFFF;
	_ =	strace $0x9FFFFFFF  }
0xc2: {  	(tm) =	ssettm $0x7FFFFFFF  }
0xc3: {  	_ =	shalt  }
tec
execute0_lowered:
.L_overlay_start_1:
0x0: {  	(tag) =	ssettag $0x1  }
0x1: {  	v0 =	vimm.s32 $0xF80;
	vm0 =	vcmask $0x300;
	vm1 =	vcmask $0x704  }
0x2: {  	vm2 =	vcmask $0xB08;
	vm3 =	vcmask $0xF0C;
	vm4 =	vcmask $0x1310  }
0x3: {  	vm5 =	vcmask $0x1714;
	vm6 =	vcmask $0x1B18;
	vm7 =	vcmask $0x1F1C  }
0x4: {  	vm8 =	vcmask $0x2320;
	vm9 =	vcmask $0x2724;
	vm10 =	vcmask $0x2B28  }
0x5: {  	vm11 =	vcmask $0x2F2C;
	v1 =	vimm.s32 $0xC28140;
	vm12 =	vcmask $0x3330  }
0x6: {  	vm13 =	vcmask $0x3734;
	v3 =	vimm.s32 $0xFEDCBA9;
	vm14 =	vcmask $0xB00  }
0x7: {  	v4 =	vimm.s32 $0x10F;
	v6 =	vimm.s32 $0x14F;
	v8 =	vimm.s32 $0xCF8E4D0C  }
0x8: {  	v9 =	vimm.s32 $0x18F;
	v10 =	vimm.s32 $0x4B0ACD8C;
	v11 =	vimm.s32 $0x8B4A09CC  }
0x9: {  	v34 =	vimm.s32 $0xEDCBA987;
	v0 =	vsel vm0, $0x0, v0;
	v1 =	vunpack.c.0.s8.s32 v1  }
0xa: {  	v4 =	vsel vm0, $0x140, v4;
	v9 =	vsel vm0, $0x1C0, v9;
	v0 =	vsel vm1, $0x80, v0  }
0xb: {  	v10 =	vunpack.c.0.s8.s32 v10;
	v4 =	vsel vm1, $0x181, v4;
	v0 =	vsel vm2, $0x100, v0  }
0xc: {  	v11 =	vunpack.c.0.s8.s32 v11;
	v4 =	vsel vm2, $0x1C2, v4;
	v0 =	vsel vm3, $0x180, v0  }
0xd: {  	v5 =	vsel vm3, $0x203, v4;
	v4 =	vimm.s32 $0x4F;
	v0 =	vsel vm4, $0x200, v0  }
0xe: {  	v8 =	vunpack.c.0.s8.s32 v8;
	v4 =	vsel vm0, $0x80, v4;
	v0 =	vsel vm5, $0x280, v0  }
0xf: {  	v9 =	vsel vm1, $0x201, v9;
	v4 =	vsel vm1, $0xC1, v4;
	v0 =	vsel vm6, $0x300, v0  }
0x10: {  	v1 =	vand.u32 $0xFF, v1;
	v4 =	vsel vm2, $0x102, v4;
	v0 =	vsel vm7, $0x380, v0  }
0x11: {  	v8 =	vand.u32 $0xFF, v8;
	v4 =	vsel vm3, $0x143, v4;
	v0 =	vsel vm8, $0xC00, v0  }
0x12: {  	v1 =	vnsel vm14, $0xF, v1;
	v4 =	vsel vm4, $0x184, v4;
	v0 =	vsel vm9, $0xC80, v0  }
0x13: {  	vm14 =	vcmask $0x3B2C;
	v4 =	vsel vm5, $0x1C5, v4;
	v0 =	vsel vm10, $0xD00, v0  }
0x14: {  	v1 =	vsel vm3, $0x103, v1;
	v4 =	vsel vm6, $0x206, v4;
	v0 =	vsel vm11, $0xD80, v0  }
0x15: {  	v1 =	vsel vm4, $0x144, v1;
	v4 =	vsel vm7, $0x247, v4;
	v0 =	vsel vm12, $0xE00, v0  }
0x16: {  	v2 =	vsel vm13, $0xE80, v0;
	v0 =	vunpack.c.l.s4.s8 v3;
	v3 =	vimm.s32 $0x87654321  }
0x17: {  	v1 =	vsel vm5, $0x185, v1;
	v4 =	vsel vm8, $0x288, v4;
	v3 =	vunpack.c.l.s4.s8 v3  }
0x18: {  	v5 =	vsel vm4, $0x244, v5;
	v1 =	vsel vm6, $0x1C6, v1;
	v4 =	vsel vm9, $0x2C9, v4  }
0x19: {  	v17 =	vunpack.c.0.s8.s32 v3;
	v3 =	vsel vm7, $0x207, v1;
	v1 =	vimm.s32 $0x308  }
0x1a: {  	v5 =	vsel vm5, $0x285, v5;
	v4 =	vsel vm10, $0x30A, v4;
	v1 =	vsel vm1, $0x349, v1  }
0x1b: {  	v0 =	vunpack.c.0.s8.s32 v0;
	v3 =	vsel vm8, $0x248, v3;
	v1 =	vsel vm2, $0x38A, v1  }
0x1c: {  	v7 =	vsel vm3, $0x3CB, v1;
	v1 =	vsel vm6, $0x2C6, v5;
	v5 =	vsel vm0, $0x180, v6  }
0x1d: {  	v6 =	vimm.s32 $0xBCE8D4C;
	v1 =	vsel vm7, $0x307, v1;
	v5 =	vsel vm1, $0x1C1, v5  }
0x1e: {  	v6 =	vunpack.c.0.s8.s32 v6;
	v1 =	vsel vm8, $0x348, v1;
	v5 =	vsel vm2, $0x202, v5  }
0x1f: {  	v3 =	vsel vm9, $0x289, v3;
	v1 =	vsel vm9, $0x389, v1;
	v5 =	vsel vm3, $0x243, v5  }
0x20: {  	v6 =	vand.u32 $0xFF, v6;
	v1 =	vsel vm10, $0x3CA, v1;
	v5 =	vsel vm4, $0x284, v5  }
0x21: {  	v3 =	vsel vm10, $0x2CA, v3;
	v5 =	vsel vm5, $0x2C5, v5;
	v1 =	vsel vm14, v6, v1  }
0x22: {  	v6 =	vsel vm2, $0x242, v9;
	v9 =	vand.u32 $0xFF, v10;
	v5 =	vsel vm6, $0x306, v5  }
0x23: {  	vm14 =	vcmask $0x3728;
	v6 =	vsel vm3, $0x283, v6;
	v5 =	vsel vm7, $0x347, v5  }
0x24: {  	v10 =	vimm.s32 $0x1CF;
	v6 =	vsel vm4, $0x2C4, v6;
	v5 =	vsel vm8, $0x388, v5  }
0x25: {  	v10 =	vsel vm0, $0x200, v10;
	v6 =	vsel vm5, $0x305, v6;
	v5 =	vsel vm9, $0x3C9, v5  }
0x26: {  	v10 =	vsel vm1, $0x241, v10;
	v6 =	vsel vm6, $0x346, v6;
	v13 =	vsel vm14, v9, v5  }
0x27: {  	v5 =	vsel vm7, $0x387, v6;
	v6 =	vsel vm2, $0x282, v10;
	v9 =	vand.u32 $0xFF, v11  }
0x28: {  	vm14 =	vcmask $0x3324;
	v10 =	vimm.s32 $0x20F;
	v11 =	vimm.s32 $0xCB8A4908  }
0x29: {  	v5 =	vsel vm8, $0x3C8, v5;
	v6 =	vsel vm3, $0x2C3, v6;
	v10 =	vsel vm0, $0x240, v10  }
0x2a: {  	v11 =	vunpack.c.0.s8.s32 v11;
	v6 =	vsel vm4, $0x304, v6;
	v10 =	vsel vm1, $0x281, v10  }
0x2b: {  	v15 =	vsel vm14, v9, v5;
	vm14 =	vcmask $0x2F20;
	v6 =	vsel vm5, $0x345, v6  }
0x2c: {  	v9 =	vand.u32 $0xFF, v11;
	v11 =	vimm.s32 $0x24F;
	v6 =	vsel vm6, $0x386, v6  }
0x2d: {  	v5 =	vsel vm7, $0x3C7, v6;
	v6 =	vsel vm2, $0x2C2, v10;
	v10 =	vimm.s32 $0x7CA8948  }
0x2e: {  	v11 =	vsel vm0, $0x280, v11;
	v6 =	vsel vm3, $0x303, v6;
	v10 =	vunpack.c.0.s8.s32 v10  }
0x2f: {  	v18 =	vsel vm14, v9, v5;
	vm14 =	vcmask $0x2B1C;
	v6 =	vsel vm4, $0x344, v6  }
0x30: {  	v6 =	vsel vm5, $0x385, v6;
	v9 =	vand.u32 $0xFF, v10;
	v10 =	vimm.s32 $0x4706C988  }
0x31: {  	v5 =	vsel vm6, $0x3C6, v6;
	v6 =	vsel vm1, $0x2C1, v11;
	v11 =	vimm.s32 $0x28F  }
0x32: {  	v10 =	vunpack.c.0.s8.s32 v10;
	v6 =	vsel vm2, $0x302, v6;
	v11 =	vsel vm0, $0x2C0, v11  }
0x33: {  	v19 =	vsel vm14, v9, v5;
	vm14 =	vcmask $0x2718;
	v6 =	vsel vm3, $0x343, v6  }
0x34: {  	v9 =	vand.u32 $0xFF, v10;
	v10 =	vimm.s32 $0x874605C8;
	v6 =	vsel vm4, $0x384, v6  }
0x35: {  	v19 =	vsel vm11, $0x10B, v19;
	v5 =	vsel vm5, $0x3C5, v6;
	v6 =	vsel vm1, $0x301, v11  }
0x36: {  	v10 =	vunpack.c.0.s8.s32 v10;
	v19 =	vsel vm12, $0x14C, v19;
	v6 =	vsel vm2, $0x342, v6  }
0x37: {  	v20 =	vsel vm14, v9, v5;
	vm14 =	vcmask $0x2314;
	v6 =	vsel vm3, $0x383, v6  }
0x38: {  	v9 =	vimm.s32 $0x2CF;
	v5 =	vsel vm4, $0x3C4, v6;
	v6 =	vand.u32 $0xFF, v10  }
0x39: {  	v20 =	vsel vm10, $0x10A, v20;
	v10 =	vimm.s32 $0x3C68544;
	v21 =	vsel vm14, v6, v5  }
0x3a: {  	v5 =	vsel vm0, $0x300, v9;
	vm14 =	vcmask $0x1F10;
	v6 =	vimm.s32 $0xC7864504  }
0x3b: {  	v9 =	vimm.s32 $0x30F;
	v10 =	vunpack.c.0.s8.s32 v10;
	v5 =	vsel vm1, $0x341, v5  }
0x3c: {  	v6 =	vunpack.c.0.s8.s32 v6;
	v9 =	vsel vm0, $0x340, v9;
	v11 =	vsel vm14, v8, v7  }
0x3d: {  	v7 =	vimm.s32 $0x34F;
	v8 =	vimm.s32 $0x4302C584;
	v5 =	vsel vm2, $0x382, v5  }
0x3e: {  	v21 =	vsel vm9, $0x109, v21;
	v5 =	vsel vm3, $0x3C3, v5;
	v6 =	vand.u32 $0xFF, v6  }
0x3f: {  	v9 =	vsel vm1, $0x381, v9;
	v8 =	vunpack.c.0.s8.s32 v8;
	v22 =	vsel vm14, v6, v5  }
0x40: {  	v5 =	vsel vm2, $0x3C2, v9;
	v6 =	vand.u32 $0xFF, v10;
	vm14 =	vcmask $0x1B0C  }
0x41: {  	v7 =	vsel vm0, $0x380, v7;
	v9 =	vimm.s32 $0xA9876543;
	v25 =	vsel vm14, v6, v5  }
0x42: {  	v5 =	vsel vm1, $0x3C1, v7;
	v6 =	vimm.s32 $0x834201C4;
	v7 =	vand.u32 $0xFF, v8  }
0x43: {  	vm14 =	vcmask $0x1708;
	v8 =	vimm.s32 $0x98765432;
	v6 =	vunpack.c.0.s8.s32 v6  }
0x44: {  	v9 =	vunpack.c.l.s4.s8 v9;
	v26 =	vsel vm14, v7, v5;
	v5 =	vimm.s32 $0x38F  }
0x45: {  	vm14 =	vcmask $0x1304;
	v5 =	vsel vm0, $0x3C0, v5;
	v6 =	vand.u32 $0xFF, v6  }
0x46: {  	v31 =	vsel vm14, v6, v5;
	vm14 =	vcmask $0x3B38;
	v5 =	vcombine.low v17, v0  }
0x47: {  	v7 =	vimm.s32 $0x8F;
	v6 =	vsel vm11, $0x30B, v3;
	v2 =	vsel vm14, $0xF00, v2  }
0x48: {  	[tilespmem:$0x1FA30] =	vst v2;
	v2 =	vand.u32 $0xF, v5;
	v5 =	vsel vm12, $0x34C, v6;
	v6 =	vimm.s32 $0x10FEDCBA  }
0x49: {  	v8 =	vunpack.c.l.s4.s8 v8;
	v7 =	vsel vm0, $0xC0, v7;
	v6 =	vunpack.c.l.s4.s8 v6  }
0x4a: {  	v22 =	vsel vm8, $0x108, v22;
	v25 =	vsel vm7, $0x107, v25;
	v7 =	vsel vm1, $0x101, v7  }
0x4b: {  	v24 =	vunpack.c.0.s8.s32 v8;
	v23 =	vunpack.c.0.s8.s32 v6;
	v6 =	vsel vm2, $0x142, v7  }
0x4c: {  	v5 =	vsel vm13, $0x38D, v5;
	v7 =	vsel vm11, $0x34B, v4;
	v6 =	vsel vm3, $0x183, v6  }
0x4d: {  	v4 =	vsel vm14, $0x3CE, v5;
	v5 =	vsel vm12, $0x38C, v7;
	v6 =	vsel vm4, $0x1C4, v6  }
0x4e: {  	v8 =	vsel vm13, $0x3CD, v5;
	v5 =	vsel vm5, $0x205, v6;
	v6 =	vimm.s32 $0x210FEDCB  }
0x4f: {  	v28 =	vunpack.c.0.s8.s32 v9;
	v9 =	vimm.s32 $0xBA987654;
	v10 =	vunpack.c.l.s4.s8 v6  }
0x50: {  	v25 =	vsel vm8, $0x148, v25;
	v26 =	vsel vm6, $0x106, v26;
	v9 =	vunpack.c.l.s4.s8 v9  }
0x51: {  	v7 =	vcombine.low v24, v23;
	v5 =	vsel vm6, $0x246, v5;
	v27 =	vunpack.c.0.s8.s32 v10  }
0x52: {  	v26 =	vsel vm7, $0x147, v26;
	v0 =	vcombine.low v0, v17;
	v12 =	vsel vm7, $0x287, v5  }
0x53: {  	v5 =	vand.u32 $0xF, v7;
	v7 =	vsel vm8, $0x2C8, v12;
	v12 =	vcombine.low v28, v27  }
0x54: {  	v26 =	vsel vm8, $0x188, v26;
	v6 =	vsel vm14, $0xE, v8;
	v8 =	vimm.s32 $0x3210FEDC  }
0x55: {  	[tilespmem:$0x1FA40] =	vst v2;
	v8 =	vunpack.c.l.s4.s8 v8;
	v2 =	vand.u32 $0xF, v12;
	v12 =	vimm.s32 $0x43210FED  }
0x56: {  	v30 =	vunpack.c.0.s8.s32 v9;
	v3 =	vsel vm14, $0x10E, v13;
	v12 =	vunpack.c.l.s4.s8 v12  }
0x57: {  	v10 =	vimm.s32 $0x100;
	v7 =	vsel vm9, $0x309, v7;
	v29 =	vunpack.c.0.s8.s32 v8  }
0x58: {  	v7 =	vsel vm10, $0x34A, v7;
	v32 =	vunpack.c.0.s8.s32 v12;
	v12 =	vimm.s32 $0x543210FE  }
0x59: {  	v14 =	vsel vm11, $0x38B, v7;
	v7 =	vsel vm1, $0x141, v10;
	v12 =	vunpack.c.l.s4.s8 v12  }
0x5a: {  	v10 =	vcombine.low v30, v29;
	v8 =	vsel vm2, $0x182, v7;
	v9 =	vsel vm12, $0x3CC, v14  }
0x5b: {  	v14 =	vimm.s32 $0xCBA98765;
	v36 =	vunpack.c.0.s8.s32 v12;
	v12 =	vunpack.c.l.s4.s8 v34  }
0x5c: {  	v8 =	vsel vm3, $0x1C3, v8;
	v9 =	vsel vm13, $0xD, v9;
	v14 =	vunpack.c.l.s4.s8 v14  }
0x5d: {  	v8 =	vsel vm4, $0x204, v8;
	v38 =	vunpack.c.0.s8.s32 v12;
	v12 =	vimm.s32 $0x76543210  }
0x5e: {  	[tilespmem:$0x1FA20] =	vst v1;
	v1 =	vsel vm14, $0x4E, v9;
	v8 =	vsel vm5, $0x245, v8;
	v39 =	vunpack.c.l.s4.s8 v12  }
0x5f: {  	v12 =	vand.u32 $0xF, v0;
	v0 =	vsel vm13, $0x18D, v19;
	v19 =	vsel vm11, $0x14B, v20  }
0x60: {  	[tilespmem:$0x1FA50] =	vst v1;
	v1 =	vand.u32 $0xF, v10;
	v33 =	vunpack.c.0.s8.s32 v14;
	v14 =	vimm.s32 $0xDCBA9876  }
0x61: {  	v16 =	vsel vm6, $0x286, v8;
	v20 =	vcombine.low v23, v24;
	v23 =	vsel vm12, $0x18C, v19  }
0x62: {  	v19 =	vmovc v12;
	v12 =	vsel vm14, $0x1CE, v0;
	v0 =	vsel vm13, $0x1CD, v23;
	v23 =	vsel vm10, $0x14A, v21  }
0x63: {  	v14 =	vunpack.c.l.s4.s8 v14;
	v13 =	vsel vm14, $0x20E, v0;
	v0 =	vsel vm11, $0x18B, v23  }
0x64: {  	v10 =	vsel vm7, $0x2C7, v16;
	v16 =	vimm.s32 $0x6543210F;
	v0 =	vsel vm12, $0x1CC, v0  }
0x65: {  	v23 =	vcombine.low v27, v28;
	v27 =	vsel vm9, $0x149, v22;
	v0 =	vsel vm13, $0x20D, v0  }
0x66: {  	v16 =	vunpack.c.l.s4.s8 v16;
	v22 =	vsel vm14, $0x24E, v0;
	v0 =	vsel vm10, $0x18A, v27  }
0x67: {  	v26 =	vsel vm9, $0x1C9, v26;
	v59 =	vunpack.c.0.s8.s32 v14;
	v0 =	vsel vm11, $0x1CB, v0  }
0x68: {  	[tilespmem:$0x1FA60] =	vst v1;
	v1 =	vcombine.low v10, v11;
	v37 =	vunpack.c.0.s8.s32 v16;
	v0 =	vsel vm12, $0x20C, v0  }
0x69: {  	v16 =	vcombine.low v59, v36;
	v27 =	vsel vm9, $0x189, v25;
	v0 =	vsel vm13, $0x24D, v0  }
0x6a: {  	v21 =	vmovc v2;
	v2 =	vand.u32 $0xF, v20;
	v20 =	vsel vm14, $0x28E, v0;
	v0 =	vsel vm10, $0x1CA, v27  }
0x6b: {  	[tilespmem:$0x1FA70] =	vst v1;
	v1 =	vsel vm10, $0x20A, v26;
	v24 =	vcombine.low v29, v30;
	v0 =	vsel vm11, $0x20B, v0  }
0x6c: {  	v1 =	vsel vm11, $0x24B, v1;
	v62 =	vcombine.low v38, v37;
	v0 =	vsel vm12, $0x24C, v0  }
0x6d: {  	v17 =	vand.u32 $0xF, v24;
	v28 =	vcombine.low v36, v59;
	v0 =	vsel vm13, $0x28D, v0  }
0x6e: {  	v24 =	vsel vm14, $0x2CE, v0;
	v0 =	vsel vm12, $0x28C, v1;
	v1 =	vimm.s32 $0x2780  }
0x6f: {  	v36 =	vcombine.low v37, v38;
	v0 =	vsel vm13, $0x2CD, v0;
	v37 =	vsel vm0, $0x1800, v1  }
0x70: {  	v31 =	vsel vm5, $0x105, v31;
	v1 =	vsel vm14, $0x30E, v0;
	v0 =	vsel vm1, $0x1880, v37  }
0x71: {  	v31 =	vsel vm6, $0x146, v31;
	v0 =	vsel vm2, $0x1900, v0  }
0x72: {  	v31 =	vsel vm7, $0x187, v31;
	v0 =	vsel vm3, $0x1980, v0  }
0x73: {  	v31 =	vsel vm8, $0x1C8, v31;
	v0 =	vsel vm4, $0x1A00, v0  }
0x74: {  	v41 =	vimm.s32 $0x5780;
	v31 =	vsel vm9, $0x209, v31;
	v0 =	vsel vm5, $0x1A80, v0  }
0x75: {  	v42 =	vimm.s32 $0x780;
	v31 =	vsel vm10, $0x24A, v31;
	v0 =	vsel vm6, $0x1B00, v0  }
0x76: {  	v43 =	vimm.s32 $0x781;
	v31 =	vsel vm11, $0x28B, v31;
	v0 =	vsel vm7, $0x1B80, v0  }
0x77: {  	v15 =	vsel vm13, $0x10D, v15;
	v31 =	vsel vm12, $0x2CC, v31;
	v0 =	vsel vm8, $0x2400, v0  }
0x78: {  	v31 =	vsel vm13, $0x30D, v31;
	v7 =	vsel vm14, $0x14E, v15;
	v0 =	vsel vm9, $0x2480, v0  }
0x79: {  	v15 =	vsel vm14, $0x34E, v31;
	v35 =	vcombine.low v33, v32;
	v0 =	vsel vm10, $0x2500, v0  }
0x7a: {  	v14 =	vimm.s32 $0xFEDCBA98;
	v34 =	vsel vm0, $0x1, v42;
	v0 =	vsel vm11, $0x2580, v0  }
0x7b: {  	v14 =	vunpack.c.l.s4.s8 v14;
	v8 =	vand.u32 $0xF, v35;
	v0 =	vsel vm12, $0x2600, v0  }
0x7c: {  	v35 =	vsel vm0, $0x2, v43;
	v34 =	vsel vm1, $0x82, v34;
	v0 =	vsel vm13, $0x2680, v0  }
0x7d: {  	v29 =	vand.u32 $0xF, v23;
	v23 =	vmovc v8;
	v8 =	vsel vm14, $0x2700, v0;
	v0 =	vsel vm0, $0x4800, v41  }
0x7e: {  	v35 =	vsel vm1, $0x83, v35;
	v34 =	vsel vm2, $0x103, v34;
	v0 =	vsel vm1, $0x4880, v0  }
0x7f: {  	v40 =	vunpack.c.0.s8.s32 v14;
	v35 =	vsel vm2, $0x104, v35;
	v0 =	vsel vm2, $0x4900, v0  }
0x80: {  	v34 =	vsel vm3, $0x184, v34;
	v9 =	vand.u32 $0xF, v16;
	v0 =	vsel vm3, $0x4980, v0  }
0x81: {  	v35 =	vsel vm3, $0x185, v35;
	v34 =	vsel vm4, $0x205, v34;
	v0 =	vsel vm4, $0x4A00, v0  }
0x82: {  	v16 =	vunpack.c.0.s8.s32 v39;
	v63 =	vand.u32 $0xF, v40;
	v0 =	vsel vm5, $0x4A80, v0  }
0x83: {  	v35 =	vsel vm4, $0x206, v35;
	v34 =	vsel vm5, $0x286, v34;
	v0 =	vsel vm6, $0x4B00, v0  }
0x84: {  	v35 =	vsel vm5, $0x287, v35;
	v34 =	vsel vm6, $0x307, v34;
	v0 =	vsel vm7, $0x4B80, v0  }
0x85: {  	v11 =	vcombine.low v63, v16;
	v35 =	vsel vm6, $0x308, v35;
	v0 =	vsel vm8, $0x5400, v0  }
0x86: {  	v34 =	vsel vm7, $0x388, v34;
	v35 =	vsel vm7, $0x389, v35;
	v0 =	vsel vm9, $0x5480, v0  }
0x87: {  	v34 =	vsel vm8, $0x409, v34;
	v35 =	vsel vm8, $0x40A, v35;
	v0 =	vsel vm10, $0x5500, v0  }
0x88: {  	v34 =	vsel vm9, $0x48A, v34;
	v35 =	vsel vm9, $0x48B, v35;
	v0 =	vsel vm11, $0x5580, v0  }
0x89: {  	v34 =	vsel vm10, $0x50B, v34;
	v35 =	vsel vm10, $0x50C, v35;
	v0 =	vsel vm12, $0x5600, v0  }
0x8a: {  	v44 =	vsel vm11, $0x58C, v34;
	v35 =	vsel vm11, $0x58D, v35;
	v0 =	vsel vm13, $0x5680, v0  }
0x8b: {  	v31 =	vmovc v12;
	v35 =	vsel vm12, $0x60E, v35;
	v12 =	vsel vm14, $0x5700, v0;
	v0 =	vsel vm12, $0x60D, v44  }
0x8c: {  	v35 =	vsel vm13, $0x68F, v35;
	v0 =	vsel vm13, $0x68E, v0  }
0x8d: {  	v45 =	vimm.s32 $0x782;
	[tilespmem:$0x1FA80] =	vst v11;
	v11 =	vsel vm14, $0x70F, v0;
	v0 =	vsel vm14, $0x700, v35  }
0x8e: {  	[tilespmem:$0x1FA90] =	vst v0;
	v0 =	vsel vm0, $0x3, v45  }
0x8f: {  	v0 =	vsel vm1, $0x84, v0  }
0x90: {  	v46 =	vimm.s32 $0x783;
	v47 =	vimm.s32 $0x784;
	v0 =	vsel vm2, $0x105, v0  }
0x91: {  	v25 =	vmovc v9;
	v9 =	vmovc v3;
	v3 =	vand.u32 $0xF, v36;
	v35 =	vsel vm0, $0x4, v46;
	v0 =	vsel vm3, $0x186, v0  }
0x92: {  	v36 =	vsel vm0, $0x5, v47;
	v35 =	vsel vm1, $0x85, v35;
	v0 =	vsel vm4, $0x207, v0  }
0x93: {  	v36 =	vsel vm1, $0x86, v36;
	v35 =	vsel vm2, $0x106, v35;
	v0 =	vsel vm5, $0x288, v0  }
0x94: {  	v36 =	vsel vm2, $0x107, v36;
	v35 =	vsel vm3, $0x187, v35;
	v0 =	vsel vm6, $0x309, v0  }
0x95: {  	v36 =	vsel vm3, $0x188, v36;
	v35 =	vsel vm4, $0x208, v35;
	v0 =	vsel vm7, $0x38A, v0  }
0x96: {  	v36 =	vsel vm4, $0x209, v36;
	v35 =	vsel vm5, $0x289, v35;
	v0 =	vsel vm8, $0x40B, v0  }
0x97: {  	v36 =	vsel vm5, $0x28A, v36;
	v35 =	vsel vm6, $0x30A, v35;
	v0 =	vsel vm9, $0x48C, v0  }
0x98: {  	v36 =	vsel vm6, $0x30B, v36;
	v35 =	vsel vm7, $0x38B, v35;
	v0 =	vsel vm10, $0x50D, v0  }
0x99: {  	v36 =	vsel vm7, $0x38C, v36;
	v35 =	vsel vm8, $0x40C, v35;
	v0 =	vsel vm11, $0x58E, v0  }
0x9a: {  	v36 =	vsel vm8, $0x40D, v36;
	v35 =	vsel vm9, $0x48D, v35;
	v0 =	vsel vm12, $0x60F, v0  }
0x9b: {  	v36 =	vsel vm9, $0x48E, v36;
	v35 =	vsel vm10, $0x50E, v35;
	v0 =	vsel vm13, $0x680, v0  }
0x9c: {  	v36 =	vsel vm10, $0x50F, v36;
	v35 =	vsel vm11, $0x58F, v35;
	v0 =	vsel vm14, $0x701, v0  }
0x9d: {  	v36 =	vsel vm11, $0x580, v36;
	[tilespmem:$0x1FAA0] =	vst v0;
	v0 =	vsel vm12, $0x600, v35  }
0x9e: {  	v48 =	vsel vm12, $0x601, v36;
	v0 =	vsel vm13, $0x681, v0  }
0x9f: {  	v35 =	vsel vm13, $0x682, v48;
	v0 =	vsel vm14, $0x702, v0  }
0xa0: {  	v49 =	vimm.s32 $0x785;
	[tilespmem:$0x1FAB0] =	vst v0;
	v0 =	vsel vm14, $0x703, v35  }
0xa1: {  	[tilespmem:$0x1FAC0] =	vst v0;
	v0 =	vsel vm0, $0x6, v49  }
0xa2: {  	v0 =	vsel vm1, $0x87, v0  }
0xa3: {  	v50 =	vimm.s32 $0x786;
	v0 =	vsel vm2, $0x108, v0  }
0xa4: {  	v51 =	vimm.s32 $0x787;
	v35 =	vsel vm0, $0x7, v50;
	v0 =	vsel vm3, $0x189, v0  }
0xa5: {  	v36 =	vsel vm0, $0x8, v51;
	v35 =	vsel vm1, $0x88, v35;
	v0 =	vsel vm4, $0x20A, v0  }
0xa6: {  	v36 =	vsel vm1, $0x89, v36;
	v35 =	vsel vm2, $0x109, v35;
	v0 =	vsel vm5, $0x28B, v0  }
0xa7: {  	v36 =	vsel vm2, $0x10A, v36;
	v35 =	vsel vm3, $0x18A, v35;
	v0 =	vsel vm6, $0x30C, v0  }
0xa8: {  	v36 =	vsel vm3, $0x18B, v36;
	v35 =	vsel vm4, $0x20B, v35;
	v0 =	vsel vm7, $0x38D, v0  }
0xa9: {  	v36 =	vsel vm4, $0x20C, v36;
	v35 =	vsel vm5, $0x28C, v35;
	v0 =	vsel vm8, $0x40E, v0  }
0xaa: {  	v36 =	vsel vm5, $0x28D, v36;
	v35 =	vsel vm6, $0x30D, v35;
	v0 =	vsel vm9, $0x48F, v0  }
0xab: {  	v36 =	vsel vm6, $0x30E, v36;
	v35 =	vsel vm7, $0x38E, v35;
	v0 =	vsel vm10, $0x500, v0  }
0xac: {  	v36 =	vsel vm7, $0x38F, v36;
	v35 =	vsel vm8, $0x40F, v35;
	v0 =	vsel vm11, $0x581, v0  }
0xad: {  	v36 =	vsel vm8, $0x400, v36;
	v35 =	vsel vm9, $0x480, v35;
	v0 =	vsel vm12, $0x602, v0  }
0xae: {  	v36 =	vsel vm9, $0x481, v36;
	v35 =	vsel vm10, $0x501, v35;
	v0 =	vsel vm13, $0x683, v0  }
0xaf: {  	v36 =	vsel vm10, $0x502, v36;
	v35 =	vsel vm11, $0x582, v35;
	v0 =	vsel vm14, $0x704, v0  }
0xb0: {  	v36 =	vsel vm11, $0x583, v36;
	[tilespmem:$0x1FAD0] =	vst v0;
	v0 =	vsel vm12, $0x603, v35  }
0xb1: {  	v52 =	vsel vm12, $0x604, v36;
	v0 =	vsel vm13, $0x684, v0  }
0xb2: {  	v35 =	vsel vm13, $0x685, v52;
	v0 =	vsel vm14, $0x705, v0  }
0xb3: {  	v53 =	vimm.s32 $0x788;
	[tilespmem:$0x1FAE0] =	vst v0;
	v0 =	vsel vm14, $0x706, v35  }
0xb4: {  	[tilespmem:$0x1FAF0] =	vst v0;
	v0 =	vsel vm0, $0x9, v53  }
0xb5: {  	v54 =	vimm.s32 $0x789;
	v0 =	vsel vm1, $0x8A, v0  }
0xb6: {  	v55 =	vimm.s32 $0x78A;
	v57 =	vimm.s32 $0x78B;
	v0 =	vsel vm2, $0x10B, v0  }
0xb7: {  	v30 =	vimm.s32 $0x3F80;
	v35 =	vsel vm0, $0xA, v54;
	v0 =	vsel vm3, $0x18C, v0  }
0xb8: {  	v36 =	vsel vm0, $0xB, v55;
	v35 =	vsel vm1, $0x8B, v35;
	v0 =	vsel vm4, $0x20D, v0  }
0xb9: {  	v36 =	vsel vm1, $0x8C, v36;
	v35 =	vsel vm2, $0x10C, v35;
	v0 =	vsel vm5, $0x28E, v0  }
0xba: {  	v36 =	vsel vm2, $0x10D, v36;
	v35 =	vsel vm3, $0x18D, v35;
	v0 =	vsel vm6, $0x30F, v0  }
0xbb: {  	v36 =	vsel vm3, $0x18E, v36;
	v35 =	vsel vm4, $0x20E, v35;
	v0 =	vsel vm7, $0x380, v0  }
0xbc: {  	v36 =	vsel vm4, $0x20F, v36;
	v35 =	vsel vm5, $0x28F, v35;
	v0 =	vsel vm8, $0x401, v0  }
0xbd: {  	v36 =	vsel vm5, $0x280, v36;
	v35 =	vsel vm6, $0x300, v35;
	v0 =	vsel vm9, $0x482, v0  }
0xbe: {  	v36 =	vsel vm6, $0x301, v36;
	v35 =	vsel vm7, $0x381, v35;
	v0 =	vsel vm10, $0x503, v0  }
0xbf: {  	v36 =	vsel vm7, $0x382, v36;
	v35 =	vsel vm8, $0x402, v35;
	v0 =	vsel vm11, $0x584, v0  }
0xc0: {  	v36 =	vsel vm8, $0x403, v36;
	v35 =	vsel vm9, $0x483, v35;
	v0 =	vsel vm12, $0x605, v0  }
0xc1: {  	v36 =	vsel vm9, $0x484, v36;
	v35 =	vsel vm10, $0x504, v35;
	v0 =	vsel vm13, $0x686, v0  }
0xc2: {  	v36 =	vsel vm10, $0x505, v36;
	v35 =	vsel vm11, $0x585, v35;
	v0 =	vsel vm14, $0x707, v0  }
0xc3: {  	v30 =	vsel vm0, $0x3000, v30;
	v36 =	vsel vm11, $0x586, v36;
	[tilespmem:$0x1FB00] =	vst v0;
	v0 =	vsel vm12, $0x606, v35  }
0xc4: {  	v38 =	vsel vm1, $0x3080, v30;
	v56 =	vsel vm12, $0x607, v36;
	v0 =	vsel vm13, $0x687, v0  }
0xc5: {  	v39 =	vsel vm2, $0x3100, v38;
	v35 =	vsel vm13, $0x688, v56;
	v0 =	vsel vm14, $0x708, v0  }
0xc6: {  	v27 =	vcombine.low v32, v33;
	v32 =	vsel vm3, $0x3180, v39;
	[tilespmem:$0x1FB10] =	vst v0;
	v0 =	vsel vm14, $0x709, v35  }
0xc7: {  	v32 =	vsel vm4, $0x3200, v32;
	[tilespmem:$0x1FB20] =	vst v0;
	v0 =	vsel vm0, $0xC, v57  }
0xc8: {  	v58 =	vimm.s32 $0x78C;
	v32 =	vsel vm5, $0x3280, v32;
	v0 =	vsel vm1, $0x8D, v0  }
0xc9: {  	v59 =	vimm.s32 $0x78D;
	v32 =	vsel vm6, $0x3300, v32;
	v0 =	vsel vm2, $0x10E, v0  }
0xca: {  	v32 =	vsel vm7, $0x3380, v32;
	v35 =	vsel vm0, $0xD, v58;
	v0 =	vsel vm3, $0x18F, v0  }
0xcb: {  	v36 =	vsel vm0, $0xE, v59;
	v35 =	vsel vm1, $0x8E, v35;
	v0 =	vsel vm4, $0x200, v0  }
0xcc: {  	v36 =	vsel vm1, $0x8F, v36;
	v35 =	vsel vm2, $0x10F, v35;
	v0 =	vsel vm5, $0x281, v0  }
0xcd: {  	v36 =	vsel vm2, $0x100, v36;
	v35 =	vsel vm3, $0x180, v35;
	v0 =	vsel vm6, $0x302, v0  }
0xce: {  	v36 =	vsel vm3, $0x181, v36;
	v35 =	vsel vm4, $0x201, v35;
	v0 =	vsel vm7, $0x383, v0  }
0xcf: {  	v36 =	vsel vm4, $0x202, v36;
	v35 =	vsel vm5, $0x282, v35;
	v0 =	vsel vm8, $0x404, v0  }
0xd0: {  	v36 =	vsel vm5, $0x283, v36;
	v35 =	vsel vm6, $0x303, v35;
	v0 =	vsel vm9, $0x485, v0  }
0xd1: {  	v36 =	vsel vm6, $0x304, v36;
	v35 =	vsel vm7, $0x384, v35;
	v0 =	vsel vm10, $0x506, v0  }
0xd2: {  	v36 =	vsel vm7, $0x385, v36;
	v35 =	vsel vm8, $0x405, v35;
	v0 =	vsel vm11, $0x587, v0  }
0xd3: {  	v36 =	vsel vm8, $0x406, v36;
	v35 =	vsel vm9, $0x486, v35;
	v0 =	vsel vm12, $0x608, v0  }
0xd4: {  	v36 =	vsel vm9, $0x487, v36;
	v35 =	vsel vm10, $0x507, v35;
	v0 =	vsel vm13, $0x689, v0  }
0xd5: {  	v36 =	vsel vm10, $0x508, v36;
	v35 =	vsel vm11, $0x588, v35;
	v0 =	vsel vm14, $0x70A, v0  }
0xd6: {  	v32 =	vsel vm8, $0x3C00, v32;
	v36 =	vsel vm11, $0x589, v36;
	[tilespmem:$0x1FB30] =	vst v0;
	v0 =	vsel vm12, $0x609, v35  }
0xd7: {  	v32 =	vsel vm9, $0x3C80, v32;
	v60 =	vsel vm12, $0x60A, v36;
	v0 =	vsel vm13, $0x68A, v0  }
0xd8: {  	v32 =	vsel vm10, $0x3D00, v32;
	v35 =	vsel vm13, $0x68B, v60;
	v0 =	vsel vm14, $0x70B, v0  }
0xd9: {  	v61 =	vimm.s32 $0x78E;
	v32 =	vsel vm11, $0x3D80, v32;
	[tilespmem:$0x1FB40] =	vst v0;
	v0 =	vsel vm14, $0x70C, v35  }
0xda: {  	v32 =	vsel vm12, $0x3E00, v32;
	[tilespmem:$0x1FB50] =	vst v0;
	v0 =	vsel vm0, $0xF, v61  }
0xdb: {  	v40 =	vsel vm13, $0x3E80, v32;
	v0 =	vsel vm1, $0x80, v0  }
0xdc: {  	v63 =	vimm.s32 $0xF81;
	v10 =	vsel vm14, $0x3F00, v40;
	v0 =	vsel vm2, $0x101, v0  }
0xdd: {  	v40 =	vimm.s32 $0xF82;
	v35 =	vsel vm0, $0x802, v63;
	v0 =	vsel vm3, $0x182, v0  }
0xde: {  	v36 =	vsel vm0, $0x803, v40;
	v35 =	vsel vm1, $0x883, v35;
	v0 =	vsel vm4, $0x203, v0  }
0xdf: {  	v36 =	vsel vm1, $0x884, v36;
	v35 =	vsel vm2, $0x904, v35;
	v0 =	vsel vm5, $0x284, v0  }
0xe0: {  	v36 =	vsel vm2, $0x905, v36;
	v35 =	vsel vm3, $0x985, v35;
	v0 =	vsel vm6, $0x305, v0  }
0xe1: {  	v36 =	vsel vm3, $0x986, v36;
	v35 =	vsel vm4, $0xA06, v35;
	v0 =	vsel vm7, $0x386, v0  }
0xe2: {  	v36 =	vsel vm4, $0xA07, v36;
	v35 =	vsel vm5, $0xA87, v35;
	v0 =	vsel vm8, $0x407, v0  }
0xe3: {  	v36 =	vsel vm5, $0xA88, v36;
	v35 =	vsel vm6, $0xB08, v35;
	v0 =	vsel vm9, $0x488, v0  }
0xe4: {  	v36 =	vsel vm6, $0xB09, v36;
	v35 =	vsel vm7, $0xB89, v35;
	v0 =	vsel vm10, $0x509, v0  }
0xe5: {  	v36 =	vsel vm7, $0xB8A, v36;
	v35 =	vsel vm8, $0xC0A, v35;
	v0 =	vsel vm11, $0x58A, v0  }
0xe6: {  	v36 =	vsel vm8, $0xC0B, v36;
	v35 =	vsel vm9, $0xC8B, v35;
	v0 =	vsel vm12, $0x60B, v0  }
0xe7: {  	v36 =	vsel vm9, $0xC8C, v36;
	v35 =	vsel vm10, $0xD0C, v35;
	v0 =	vsel vm13, $0x68C, v0  }
0xe8: {  	v36 =	vsel vm10, $0xD0D, v36;
	v35 =	vsel vm11, $0xD8D, v35;
	v0 =	vsel vm14, $0x70D, v0  }
0xe9: {  	v36 =	vsel vm11, $0xD8E, v36;
	[tilespmem:$0x1FB60] =	vst v0;
	v0 =	vsel vm12, $0xE0E, v35  }
0xea: {  	v41 =	vsel vm12, $0xE0F, v36;
	v0 =	vsel vm13, $0xE8F, v0  }
0xeb: {  	v35 =	vsel vm13, $0xE80, v41;
	v0 =	vsel vm14, $0xF00, v0  }
0xec: {  	v42 =	vimm.s32 $0xF83;
	[tilespmem:$0x1FB70] =	vst v0;
	v0 =	vsel vm14, $0xF01, v35  }
0xed: {  	[tilespmem:$0x1FB80] =	vst v0;
	v0 =	vsel vm0, $0x804, v42  }
0xee: {  	v0 =	vsel vm1, $0x885, v0  }
0xef: {  	v43 =	vimm.s32 $0xF84;
	v0 =	vsel vm2, $0x906, v0  }
0xf0: {  	v44 =	vimm.s32 $0xF85;
	v35 =	vsel vm0, $0x805, v43;
	v0 =	vsel vm3, $0x987, v0  }
0xf1: {  	v36 =	vsel vm0, $0x806, v44;
	v35 =	vsel vm1, $0x886, v35;
	v0 =	vsel vm4, $0xA08, v0  }
0xf2: {  	v36 =	vsel vm1, $0x887, v36;
	v35 =	vsel vm2, $0x907, v35;
	v0 =	vsel vm5, $0xA89, v0  }
0xf3: {  	v36 =	vsel vm2, $0x908, v36;
	v35 =	vsel vm3, $0x988, v35;
	v0 =	vsel vm6, $0xB0A, v0  }
0xf4: {  	v36 =	vsel vm3, $0x989, v36;
	v35 =	vsel vm4, $0xA09, v35;
	v0 =	vsel vm7, $0xB8B, v0  }
0xf5: {  	v36 =	vsel vm4, $0xA0A, v36;
	v35 =	vsel vm5, $0xA8A, v35;
	v0 =	vsel vm8, $0xC0C, v0  }
0xf6: {  	v36 =	vsel vm5, $0xA8B, v36;
	v35 =	vsel vm6, $0xB0B, v35;
	v0 =	vsel vm9, $0xC8D, v0  }
0xf7: {  	v36 =	vsel vm6, $0xB0C, v36;
	v35 =	vsel vm7, $0xB8C, v35;
	v0 =	vsel vm10, $0xD0E, v0  }
0xf8: {  	v36 =	vsel vm7, $0xB8D, v36;
	v35 =	vsel vm8, $0xC0D, v35;
	v0 =	vsel vm11, $0xD8F, v0  }
0xf9: {  	v36 =	vsel vm8, $0xC0E, v36;
	v35 =	vsel vm9, $0xC8E, v35;
	v0 =	vsel vm12, $0xE00, v0  }
0xfa: {  	v36 =	vsel vm9, $0xC8F, v36;
	v35 =	vsel vm10, $0xD0F, v35;
	v0 =	vsel vm13, $0xE81, v0  }
0xfb: {  	v36 =	vsel vm10, $0xD00, v36;
	v35 =	vsel vm11, $0xD80, v35;
	v0 =	vsel vm14, $0xF02, v0  }
0xfc: {  	v36 =	vsel vm11, $0xD81, v36;
	[tilespmem:$0x1FB90] =	vst v0;
	v0 =	vsel vm12, $0xE01, v35  }
0xfd: {  	v45 =	vsel vm12, $0xE02, v36;
	v0 =	vsel vm13, $0xE82, v0  }
0xfe: {  	v35 =	vsel vm13, $0xE83, v45;
	v0 =	vsel vm14, $0xF03, v0  }
0xff: {  	v46 =	vimm.s32 $0xF86;
	[tilespmem:$0x1FBA0] =	vst v0;
	v0 =	vsel vm14, $0xF04, v35  }
0x100: {  	[tilespmem:$0x1FBB0] =	vst v0;
	v0 =	vsel vm0, $0x807, v46  }
0x101: {  	v0 =	vsel vm1, $0x888, v0  }
0x102: {  	v47 =	vimm.s32 $0xF87;
	v0 =	vsel vm2, $0x909, v0  }
0x103: {  	v48 =	vimm.s32 $0xF88;
	v35 =	vsel vm0, $0x808, v47;
	v0 =	vsel vm3, $0x98A, v0  }
0x104: {  	v36 =	vsel vm0, $0x809, v48;
	v35 =	vsel vm1, $0x889, v35;
	v0 =	vsel vm4, $0xA0B, v0  }
0x105: {  	v36 =	vsel vm1, $0x88A, v36;
	v35 =	vsel vm2, $0x90A, v35;
	v0 =	vsel vm5, $0xA8C, v0  }
0x106: {  	v36 =	vsel vm2, $0x90B, v36;
	v35 =	vsel vm3, $0x98B, v35;
	v0 =	vsel vm6, $0xB0D, v0  }
0x107: {  	v36 =	vsel vm3, $0x98C, v36;
	v35 =	vsel vm4, $0xA0C, v35;
	v0 =	vsel vm7, $0xB8E, v0  }
0x108: {  	v36 =	vsel vm4, $0xA0D, v36;
	v35 =	vsel vm5, $0xA8D, v35;
	v0 =	vsel vm8, $0xC0F, v0  }
0x109: {  	v36 =	vsel vm5, $0xA8E, v36;
	v35 =	vsel vm6, $0xB0E, v35;
	v0 =	vsel vm9, $0xC80, v0  }
0x10a: {  	v36 =	vsel vm6, $0xB0F, v36;
	v35 =	vsel vm7, $0xB8F, v35;
	v0 =	vsel vm10, $0xD01, v0  }
0x10b: {  	v36 =	vsel vm7, $0xB80, v36;
	v35 =	vsel vm8, $0xC00, v35;
	v0 =	vsel vm11, $0xD82, v0  }
0x10c: {  	v36 =	vsel vm8, $0xC01, v36;
	v35 =	vsel vm9, $0xC81, v35;
	v0 =	vsel vm12, $0xE03, v0  }
0x10d: {  	v36 =	vsel vm9, $0xC82, v36;
	v35 =	vsel vm10, $0xD02, v35;
	v0 =	vsel vm13, $0xE84, v0  }
0x10e: {  	v36 =	vsel vm10, $0xD03, v36;
	v35 =	vsel vm11, $0xD83, v35;
	v0 =	vsel vm14, $0xF05, v0  }
0x10f: {  	v18 =	vsel vm12, $0x10C, v18;
	v36 =	vsel vm11, $0xD84, v36;
	[tilespmem:$0x1FBC0] =	vst v0;
	v0 =	vsel vm12, $0xE04, v35  }
0x110: {  	v18 =	vsel vm13, $0x14D, v18;
	v49 =	vsel vm12, $0xE05, v36;
	v0 =	vsel vm13, $0xE85, v0  }
0x111: {  	v14 =	vand.u32 $0xF, v62;
	v35 =	vsel vm13, $0xE86, v49;
	v0 =	vsel vm14, $0xF06, v0  }
0x112: {  	v62 =	vsel vm14, $0x18E, v18;
	v50 =	vimm.s32 $0xF89;
	[tilespmem:$0x1FBD0] =	vst v0;
	v0 =	vsel vm14, $0xF07, v35  }
0x113: {  	v26 =	vand.u32 $0xF, v28;
	v18 =	vand.u32 $0xF, v27;
	[tilespmem:$0x1FBE0] =	vst v0;
	v0 =	vsel vm0, $0x80A, v50  }
0x114: {  	v51 =	vimm.s32 $0xF8A;
	v55 =	vimm.s32 $0xF8D;
	v0 =	vsel vm1, $0x88B, v0  }
0x115: {  	v59 =	vimm.s32 $0x1781;
	v35 =	vsel vm0, $0x80B, v51;
	v0 =	vsel vm2, $0x90C, v0  }
0x116: {  	v52 =	vimm.s32 $0xF8B;
	v35 =	vsel vm1, $0x88C, v35;
	v0 =	vsel vm3, $0x98D, v0  }
0x117: {  	v36 =	vsel vm0, $0x80C, v52;
	v35 =	vsel vm2, $0x90D, v35;
	v0 =	vsel vm4, $0xA0E, v0  }
0x118: {  	v36 =	vsel vm1, $0x88D, v36;
	v35 =	vsel vm3, $0x98E, v35;
	v0 =	vsel vm5, $0xA8F, v0  }
0x119: {  	v36 =	vsel vm2, $0x90E, v36;
	v35 =	vsel vm4, $0xA0F, v35;
	v0 =	vsel vm6, $0xB00, v0  }
0x11a: {  	v36 =	vsel vm3, $0x98F, v36;
	v35 =	vsel vm5, $0xA80, v35;
	v0 =	vsel vm7, $0xB81, v0  }
0x11b: {  	v36 =	vsel vm4, $0xA00, v36;
	v35 =	vsel vm6, $0xB01, v35;
	v0 =	vsel vm8, $0xC02, v0  }
0x11c: {  	v36 =	vsel vm5, $0xA81, v36;
	v35 =	vsel vm7, $0xB82, v35;
	v0 =	vsel vm9, $0xC83, v0  }
0x11d: {  	v36 =	vsel vm6, $0xB02, v36;
	v35 =	vsel vm8, $0xC03, v35;
	v0 =	vsel vm10, $0xD04, v0  }
0x11e: {  	v36 =	vsel vm7, $0xB83, v36;
	v35 =	vsel vm9, $0xC84, v35;
	v0 =	vsel vm11, $0xD85, v0  }
0x11f: {  	v36 =	vsel vm8, $0xC04, v36;
	v35 =	vsel vm10, $0xD05, v35;
	v0 =	vsel vm12, $0xE06, v0  }
0x120: {  	v36 =	vsel vm9, $0xC85, v36;
	v35 =	vsel vm11, $0xD86, v35;
	v0 =	vsel vm13, $0xE87, v0  }
0x121: {  	v36 =	vsel vm10, $0xD06, v36;
	v39 =	vsel vm14, $0xF08, v0;
	v0 =	vsel vm12, $0xE07, v35  }
0x122: {  	v54 =	vimm.s32 $0xF8C;
	v36 =	vsel vm11, $0xD87, v36;
	v0 =	vsel vm13, $0xE88, v0  }
0x123: {  	v53 =	vsel vm12, $0xE08, v36;
	v37 =	vsel vm14, $0xF09, v0;
	v0 =	vsel vm0, $0x80D, v54  }
0x124: {  	v40 =	vimm.s32 $0x1784;
	v35 =	vsel vm13, $0xE89, v53;
	v0 =	vsel vm1, $0x88E, v0  }
0x125: {  	v32 =	vmovc v1;
	v1 =	vsel vm14, $0xF0A, v35;
	v35 =	vsel vm0, $0x80E, v55;
	v0 =	vsel vm2, $0x90F, v0  }
0x126: {  	v56 =	vimm.s32 $0xF8E;
	v35 =	vsel vm1, $0x88F, v35;
	v0 =	vsel vm3, $0x980, v0  }
0x127: {  	v36 =	vsel vm0, $0x80F, v56;
	v35 =	vsel vm2, $0x900, v35;
	v0 =	vsel vm4, $0xA01, v0  }
0x128: {  	v36 =	vsel vm1, $0x880, v36;
	v35 =	vsel vm3, $0x981, v35;
	v0 =	vsel vm5, $0xA82, v0  }
0x129: {  	v36 =	vsel vm2, $0x901, v36;
	v35 =	vsel vm4, $0xA02, v35;
	v0 =	vsel vm6, $0xB03, v0  }
0x12a: {  	v36 =	vsel vm3, $0x982, v36;
	v35 =	vsel vm5, $0xA83, v35;
	v0 =	vsel vm7, $0xB84, v0  }
0x12b: {  	v36 =	vsel vm4, $0xA03, v36;
	v35 =	vsel vm6, $0xB04, v35;
	v0 =	vsel vm8, $0xC05, v0  }
0x12c: {  	v36 =	vsel vm5, $0xA84, v36;
	v35 =	vsel vm7, $0xB85, v35;
	v0 =	vsel vm9, $0xC86, v0  }
0x12d: {  	v36 =	vsel vm6, $0xB05, v36;
	v35 =	vsel vm8, $0xC06, v35;
	v0 =	vsel vm10, $0xD07, v0  }
0x12e: {  	v36 =	vsel vm7, $0xB86, v36;
	v35 =	vsel vm9, $0xC87, v35;
	v0 =	vsel vm11, $0xD88, v0  }
0x12f: {  	v36 =	vsel vm8, $0xC07, v36;
	v35 =	vsel vm10, $0xD08, v35;
	v0 =	vsel vm12, $0xE09, v0  }
0x130: {  	v36 =	vsel vm9, $0xC88, v36;
	v35 =	vsel vm11, $0xD89, v35;
	v0 =	vsel vm13, $0xE8A, v0  }
0x131: {  	v27 =	vmovc v2;
	v36 =	vsel vm10, $0xD09, v36;
	v2 =	vsel vm14, $0xF0B, v0;
	v0 =	vsel vm12, $0xE0A, v35  }
0x132: {  	v58 =	vimm.s32 $0x1780;
	v36 =	vsel vm11, $0xD8A, v36;
	v0 =	vsel vm13, $0xE8B, v0  }
0x133: {  	v30 =	vmovc v4;
	v57 =	vsel vm12, $0xE0B, v36;
	v4 =	vsel vm14, $0xF0C, v0;
	v0 =	vsel vm0, $0x1001, v58  }
0x134: {  	v52 =	vimm.s32 $0x1788;
	v35 =	vsel vm13, $0xE8C, v57;
	v0 =	vsel vm1, $0x1082, v0  }
0x135: {  	v28 =	vmovc v5;
	v5 =	vsel vm14, $0xF0D, v35;
	v35 =	vsel vm0, $0x1002, v59;
	v0 =	vsel vm2, $0x1103, v0  }
0x136: {  	v60 =	vimm.s32 $0x1782;
	v35 =	vsel vm1, $0x1083, v35;
	v0 =	vsel vm3, $0x1184, v0  }
0x137: {  	v36 =	vsel vm0, $0x1003, v60;
	v35 =	vsel vm2, $0x1104, v35;
	v0 =	vsel vm4, $0x1205, v0  }
0x138: {  	v36 =	vsel vm1, $0x1084, v36;
	v35 =	vsel vm3, $0x1185, v35;
	v0 =	vsel vm5, $0x1286, v0  }
0x139: {  	v36 =	vsel vm2, $0x1105, v36;
	v35 =	vsel vm4, $0x1206, v35;
	v0 =	vsel vm6, $0x1307, v0  }
0x13a: {  	v36 =	vsel vm3, $0x1186, v36;
	v35 =	vsel vm5, $0x1287, v35;
	v0 =	vsel vm7, $0x1388, v0  }
0x13b: {  	v36 =	vsel vm4, $0x1207, v36;
	v35 =	vsel vm6, $0x1308, v35;
	v0 =	vsel vm8, $0x1409, v0  }
0x13c: {  	v36 =	vsel vm5, $0x1288, v36;
	v35 =	vsel vm7, $0x1389, v35;
	v0 =	vsel vm9, $0x148A, v0  }
0x13d: {  	v36 =	vsel vm6, $0x1309, v36;
	v35 =	vsel vm8, $0x140A, v35;
	v0 =	vsel vm10, $0x150B, v0  }
0x13e: {  	v36 =	vsel vm7, $0x138A, v36;
	v35 =	vsel vm9, $0x148B, v35;
	v0 =	vsel vm11, $0x158C, v0  }
0x13f: {  	v36 =	vsel vm8, $0x140B, v36;
	v35 =	vsel vm10, $0x150C, v35;
	v0 =	vsel vm12, $0x160D, v0  }
0x140: {  	v36 =	vsel vm9, $0x148C, v36;
	v35 =	vsel vm11, $0x158D, v35;
	v0 =	vsel vm13, $0x168E, v0  }
0x141: {  	v36 =	vsel vm10, $0x150D, v36;
	v44 =	vsel vm14, $0x170F, v0;
	v0 =	vsel vm12, $0x160E, v35  }
0x142: {  	v63 =	vimm.s32 $0x1783;
	v36 =	vsel vm11, $0x158E, v36;
	v0 =	vsel vm13, $0x168F, v0  }
0x143: {  	v61 =	vsel vm12, $0x160F, v36;
	v45 =	vsel vm14, $0x1700, v0;
	v0 =	vsel vm0, $0x1004, v63  }
0x144: {  	v56 =	vimm.s32 $0x178B;
	v35 =	vsel vm13, $0x1680, v61;
	v0 =	vsel vm1, $0x1085, v0  }
0x145: {  	v46 =	vsel vm14, $0x1701, v35;
	v35 =	vsel vm0, $0x1005, v40;
	v0 =	vsel vm2, $0x1106, v0  }
0x146: {  	v41 =	vimm.s32 $0x1785;
	v35 =	vsel vm1, $0x1086, v35;
	v0 =	vsel vm3, $0x1187, v0  }
0x147: {  	v36 =	vsel vm0, $0x1006, v41;
	v35 =	vsel vm2, $0x1107, v35;
	v0 =	vsel vm4, $0x1208, v0  }
0x148: {  	v36 =	vsel vm1, $0x1087, v36;
	v35 =	vsel vm3, $0x1188, v35;
	v0 =	vsel vm5, $0x1289, v0  }
0x149: {  	v36 =	vsel vm2, $0x1108, v36;
	v35 =	vsel vm4, $0x1209, v35;
	v0 =	vsel vm6, $0x130A, v0  }
0x14a: {  	v36 =	vsel vm3, $0x1189, v36;
	v35 =	vsel vm5, $0x128A, v35;
	v0 =	vsel vm7, $0x138B, v0  }
0x14b: {  	v36 =	vsel vm4, $0x120A, v36;
	v35 =	vsel vm6, $0x130B, v35;
	v0 =	vsel vm8, $0x140C, v0  }
0x14c: {  	v36 =	vsel vm5, $0x128B, v36;
	v35 =	vsel vm7, $0x138C, v35;
	v0 =	vsel vm9, $0x148D, v0  }
0x14d: {  	v36 =	vsel vm6, $0x130C, v36;
	v35 =	vsel vm8, $0x140D, v35;
	v0 =	vsel vm10, $0x150E, v0  }
0x14e: {  	v36 =	vsel vm7, $0x138D, v36;
	v35 =	vsel vm9, $0x148E, v35;
	v0 =	vsel vm11, $0x158F, v0  }
0x14f: {  	v36 =	vsel vm8, $0x140E, v36;
	v35 =	vsel vm10, $0x150F, v35;
	v0 =	vsel vm12, $0x1600, v0  }
0x150: {  	v36 =	vsel vm9, $0x148F, v36;
	v35 =	vsel vm11, $0x1580, v35;
	v0 =	vsel vm13, $0x1681, v0  }
0x151: {  	v36 =	vsel vm10, $0x1500, v36;
	v47 =	vsel vm14, $0x1702, v0;
	v0 =	vsel vm12, $0x1601, v35  }
0x152: {  	v43 =	vimm.s32 $0x1786;
	v36 =	vsel vm11, $0x1581, v36;
	v0 =	vsel vm13, $0x1682, v0  }
0x153: {  	v42 =	vsel vm12, $0x1602, v36;
	v48 =	vsel vm14, $0x1703, v0;
	v0 =	vsel vm0, $0x1007, v43  }
0x154: {  	v51 =	vimm.s32 $0x1787;
	v35 =	vsel vm13, $0x1683, v42;
	v0 =	vsel vm1, $0x1088, v0  }
0x155: {  	v49 =	vsel vm14, $0x1704, v35;
	v35 =	vsel vm0, $0x1008, v51;
	v0 =	vsel vm2, $0x1109, v0  }
0x156: {  	v60 =	vimm.s32 $0x178E;
	v35 =	vsel vm1, $0x1089, v35;
	v0 =	vsel vm3, $0x118A, v0  }
0x157: {  	v36 =	vsel vm0, $0x1009, v52;
	v35 =	vsel vm2, $0x110A, v35;
	v0 =	vsel vm4, $0x120B, v0  }
0x158: {  	v36 =	vsel vm1, $0x108A, v36;
	v35 =	vsel vm3, $0x118B, v35;
	v0 =	vsel vm5, $0x128C, v0  }
0x159: {  	v36 =	vsel vm2, $0x110B, v36;
	v35 =	vsel vm4, $0x120C, v35;
	v0 =	vsel vm6, $0x130D, v0  }
0x15a: {  	v36 =	vsel vm3, $0x118C, v36;
	v35 =	vsel vm5, $0x128D, v35;
	v0 =	vsel vm7, $0x138E, v0  }
0x15b: {  	v36 =	vsel vm4, $0x120D, v36;
	v35 =	vsel vm6, $0x130E, v35;
	v0 =	vsel vm8, $0x140F, v0  }
0x15c: {  	v36 =	vsel vm5, $0x128E, v36;
	v35 =	vsel vm7, $0x138F, v35;
	v0 =	vsel vm9, $0x1480, v0  }
0x15d: {  	v36 =	vsel vm6, $0x130F, v36;
	v35 =	vsel vm8, $0x1400, v35;
	v0 =	vsel vm10, $0x1501, v0  }
0x15e: {  	v36 =	vsel vm7, $0x1380, v36;
	v35 =	vsel vm9, $0x1481, v35;
	v0 =	vsel vm11, $0x1582, v0  }
0x15f: {  	v36 =	vsel vm8, $0x1401, v36;
	v35 =	vsel vm10, $0x1502, v35;
	v0 =	vsel vm12, $0x1603, v0  }
0x160: {  	v36 =	vsel vm9, $0x1482, v36;
	v35 =	vsel vm11, $0x1583, v35;
	v0 =	vsel vm13, $0x1684, v0  }
0x161: {  	v36 =	vsel vm10, $0x1503, v36;
	v16 =	vsel vm14, $0x1705, v0;
	v0 =	vsel vm12, $0x1604, v35  }
0x162: {  	v36 =	vsel vm11, $0x1584, v36;
	v54 =	vimm.s32 $0x1789;
	v0 =	vsel vm13, $0x1685, v0  }
0x163: {  	v53 =	vsel vm12, $0x1605, v36;
	v50 =	vsel vm14, $0x1706, v0;
	v0 =	vsel vm0, $0x100A, v54  }
0x164: {  	v55 =	vimm.s32 $0x178A;
	v35 =	vsel vm13, $0x1686, v53;
	v0 =	vsel vm1, $0x108B, v0  }
0x165: {  	v51 =	vsel vm14, $0x1707, v35;
	v35 =	vsel vm0, $0x100B, v55;
	v0 =	vsel vm2, $0x110C, v0  }
0x166: {  	v41 =	vimm.s32 $0x1F82;
	v35 =	vsel vm1, $0x108C, v35;
	v0 =	vsel vm3, $0x118D, v0  }
0x167: {  	v36 =	vsel vm0, $0x100C, v56;
	v35 =	vsel vm2, $0x110D, v35;
	v0 =	vsel vm4, $0x120E, v0  }
0x168: {  	v36 =	vsel vm1, $0x108D, v36;
	v35 =	vsel vm3, $0x118E, v35;
	v0 =	vsel vm5, $0x128F, v0  }
0x169: {  	v36 =	vsel vm2, $0x110E, v36;
	v35 =	vsel vm4, $0x120F, v35;
	v0 =	vsel vm6, $0x1300, v0  }
0x16a: {  	v36 =	vsel vm3, $0x118F, v36;
	v35 =	vsel vm5, $0x1280, v35;
	v0 =	vsel vm7, $0x1381, v0  }
0x16b: {  	v36 =	vsel vm4, $0x1200, v36;
	v35 =	vsel vm6, $0x1301, v35;
	v0 =	vsel vm8, $0x1402, v0  }
0x16c: {  	v36 =	vsel vm5, $0x1281, v36;
	v35 =	vsel vm7, $0x1382, v35;
	v0 =	vsel vm9, $0x1483, v0  }
0x16d: {  	v36 =	vsel vm6, $0x1302, v36;
	v35 =	vsel vm8, $0x1403, v35;
	v0 =	vsel vm10, $0x1504, v0  }
0x16e: {  	v36 =	vsel vm7, $0x1383, v36;
	v35 =	vsel vm9, $0x1484, v35;
	v0 =	vsel vm11, $0x1585, v0  }
0x16f: {  	v36 =	vsel vm8, $0x1404, v36;
	v35 =	vsel vm10, $0x1505, v35;
	v0 =	vsel vm12, $0x1606, v0  }
0x170: {  	v36 =	vsel vm9, $0x1485, v36;
	v35 =	vsel vm11, $0x1586, v35;
	v0 =	vsel vm13, $0x1687, v0  }
0x171: {  	v36 =	vsel vm10, $0x1506, v36;
	v52 =	vsel vm14, $0x1708, v0;
	v0 =	vsel vm12, $0x1607, v35  }
0x172: {  	v36 =	vsel vm11, $0x1587, v36;
	v58 =	vimm.s32 $0x178C;
	v0 =	vsel vm13, $0x1688, v0  }
0x173: {  	v57 =	vsel vm12, $0x1608, v36;
	v53 =	vsel vm14, $0x1709, v0;
	v0 =	vsel vm0, $0x100D, v58  }
0x174: {  	v59 =	vimm.s32 $0x178D;
	v35 =	vsel vm13, $0x1689, v57;
	v0 =	vsel vm1, $0x108E, v0  }
0x175: {  	v54 =	vsel vm14, $0x170A, v35;
	v35 =	vsel vm0, $0x100E, v59;
	v0 =	vsel vm2, $0x110F, v0  }
0x176: {  	v36 =	vsel vm0, $0x100F, v60;
	v35 =	vsel vm1, $0x108F, v35;
	v0 =	vsel vm3, $0x1180, v0  }
0x177: {  	v36 =	vsel vm1, $0x1080, v36;
	v35 =	vsel vm2, $0x1100, v35;
	v0 =	vsel vm4, $0x1201, v0  }
0x178: {  	v36 =	vsel vm2, $0x1101, v36;
	v35 =	vsel vm3, $0x1181, v35;
	v0 =	vsel vm5, $0x1282, v0  }
0x179: {  	v36 =	vsel vm3, $0x1182, v36;
	v35 =	vsel vm4, $0x1202, v35;
	v0 =	vsel vm6, $0x1303, v0  }
0x17a: {  	v36 =	vsel vm4, $0x1203, v36;
	v35 =	vsel vm5, $0x1283, v35;
	v0 =	vsel vm7, $0x1384, v0  }
0x17b: {  	v36 =	vsel vm5, $0x1284, v36;
	v35 =	vsel vm6, $0x1304, v35;
	v0 =	vsel vm8, $0x1405, v0  }
0x17c: {  	v36 =	vsel vm6, $0x1305, v36;
	v35 =	vsel vm7, $0x1385, v35;
	v0 =	vsel vm9, $0x1486, v0  }
0x17d: {  	v36 =	vsel vm7, $0x1386, v36;
	v35 =	vsel vm8, $0x1406, v35;
	v0 =	vsel vm10, $0x1507, v0  }
0x17e: {  	v36 =	vsel vm8, $0x1407, v36;
	v35 =	vsel vm9, $0x1487, v35;
	v0 =	vsel vm11, $0x1588, v0  }
0x17f: {  	v36 =	vsel vm9, $0x1488, v36;
	v35 =	vsel vm10, $0x1508, v35;
	v0 =	vsel vm12, $0x1609, v0  }
0x180: {  	v36 =	vsel vm10, $0x1509, v36;
	v35 =	vsel vm11, $0x1589, v35;
	v0 =	vsel vm13, $0x168A, v0  }
0x181: {  	v36 =	vsel vm11, $0x158A, v36;
	v55 =	vsel vm14, $0x170B, v0;
	v0 =	vsel vm12, $0x160A, v35  }
0x182: {  	v61 =	vsel vm12, $0x160B, v36;
	v63 =	vimm.s32 $0x1F80;
	v0 =	vsel vm13, $0x168B, v0  }
0x183: {  	v36 =	vsel vm0, $0x1803, v41;
	v56 =	vsel vm14, $0x170C, v0;
	v0 =	vsel vm0, $0x1801, v63  }
0x184: {  	v40 =	vimm.s32 $0x1F81;
	v35 =	vsel vm13, $0x168C, v61;
	v0 =	vsel vm1, $0x1882, v0  }
0x185: {  	v57 =	vsel vm14, $0x170D, v35;
	v35 =	vsel vm0, $0x1802, v40;
	v0 =	vsel vm2, $0x1903, v0  }
0x186: {  	v41 =	vimm.s32 $0x1F87;
	v35 =	vsel vm1, $0x1883, v35;
	v0 =	vsel vm3, $0x1984, v0  }
0x187: {  	v36 =	vsel vm1, $0x1884, v36;
	v35 =	vsel vm2, $0x1904, v35;
	v0 =	vsel vm4, $0x1A05, v0  }
0x188: {  	v36 =	vsel vm2, $0x1905, v36;
	v35 =	vsel vm3, $0x1985, v35;
	v0 =	vsel vm5, $0x1A86, v0  }
0x189: {  	v36 =	vsel vm3, $0x1986, v36;
	v35 =	vsel vm4, $0x1A06, v35;
	v0 =	vsel vm6, $0x1B07, v0  }
0x18a: {  	v36 =	vsel vm4, $0x1A07, v36;
	v35 =	vsel vm5, $0x1A87, v35;
	v0 =	vsel vm7, $0x1B88, v0  }
0x18b: {  	v36 =	vsel vm5, $0x1A88, v36;
	v35 =	vsel vm6, $0x1B08, v35;
	v0 =	vsel vm8, $0x1C09, v0  }
0x18c: {  	v36 =	vsel vm6, $0x1B09, v36;
	v35 =	vsel vm7, $0x1B89, v35;
	v0 =	vsel vm9, $0x1C8A, v0  }
0x18d: {  	v36 =	vsel vm7, $0x1B8A, v36;
	v35 =	vsel vm8, $0x1C0A, v35;
	v0 =	vsel vm10, $0x1D0B, v0  }
0x18e: {  	v36 =	vsel vm8, $0x1C0B, v36;
	v35 =	vsel vm9, $0x1C8B, v35;
	v0 =	vsel vm11, $0x1D8C, v0  }
0x18f: {  	v36 =	vsel vm9, $0x1C8C, v36;
	v35 =	vsel vm10, $0x1D0C, v35;
	v0 =	vsel vm12, $0x1E0D, v0  }
0x190: {  	v36 =	vsel vm10, $0x1D0D, v36;
	v35 =	vsel vm11, $0x1D8D, v35;
	v0 =	vsel vm13, $0x1E8E, v0  }
0x191: {  	v36 =	vsel vm11, $0x1D8E, v36;
	v58 =	vsel vm14, $0x1F0F, v0;
	v0 =	vsel vm12, $0x1E0E, v35  }
0x192: {  	v42 =	vsel vm12, $0x1E0F, v36;
	v43 =	vimm.s32 $0x1F83;
	v0 =	vsel vm13, $0x1E8F, v0  }
0x193: {  	v61 =	vimm.s32 $0x1F84;
	v59 =	vsel vm14, $0x1F00, v0;
	v0 =	vsel vm0, $0x1804, v43  }
0x194: {  	v63 =	vimm.s32 $0x1F85;
	v35 =	vsel vm13, $0x1E80, v42;
	v0 =	vsel vm1, $0x1885, v0  }
0x195: {  	v60 =	vsel vm14, $0x1F01, v35;
	v35 =	vsel vm0, $0x1805, v61;
	v0 =	vsel vm2, $0x1906, v0  }
0x196: {  	v36 =	vsel vm0, $0x1806, v63;
	v35 =	vsel vm1, $0x1886, v35;
	v0 =	vsel vm3, $0x1987, v0  }
0x197: {  	v36 =	vsel vm1, $0x1887, v36;
	v35 =	vsel vm2, $0x1907, v35;
	v0 =	vsel vm4, $0x1A08, v0  }
0x198: {  	v36 =	vsel vm2, $0x1908, v36;
	v35 =	vsel vm3, $0x1988, v35;
	v0 =	vsel vm5, $0x1A89, v0  }
0x199: {  	v36 =	vsel vm3, $0x1989, v36;
	v35 =	vsel vm4, $0x1A09, v35;
	v0 =	vsel vm6, $0x1B0A, v0  }
0x19a: {  	v36 =	vsel vm4, $0x1A0A, v36;
	v35 =	vsel vm5, $0x1A8A, v35;
	v0 =	vsel vm7, $0x1B8B, v0  }
0x19b: {  	v36 =	vsel vm5, $0x1A8B, v36;
	v35 =	vsel vm6, $0x1B0B, v35;
	v0 =	vsel vm8, $0x1C0C, v0  }
0x19c: {  	v36 =	vsel vm6, $0x1B0C, v36;
	v35 =	vsel vm7, $0x1B8C, v35;
	v0 =	vsel vm9, $0x1C8D, v0  }
0x19d: {  	v36 =	vsel vm7, $0x1B8D, v36;
	v35 =	vsel vm8, $0x1C0D, v35;
	v0 =	vsel vm10, $0x1D0E, v0  }
0x19e: {  	v36 =	vsel vm8, $0x1C0E, v36;
	v35 =	vsel vm9, $0x1C8E, v35;
	v0 =	vsel vm11, $0x1D8F, v0  }
0x19f: {  	v36 =	vsel vm9, $0x1C8F, v36;
	v35 =	vsel vm10, $0x1D0F, v35;
	v0 =	vsel vm12, $0x1E00, v0  }
0x1a0: {  	v36 =	vsel vm10, $0x1D00, v36;
	v35 =	vsel vm11, $0x1D80, v35;
	v0 =	vsel vm13, $0x1E81, v0  }
0x1a1: {  	v36 =	vsel vm11, $0x1D81, v36;
	v61 =	vsel vm14, $0x1F02, v0;
	v0 =	vsel vm12, $0x1E01, v35  }
0x1a2: {  	v40 =	vsel vm12, $0x1E02, v36;
	v36 =	vimm.s32 $0x1F86;
	v0 =	vsel vm13, $0x1E82, v0  }
0x1a3: {  	v35 =	vsel vm13, $0x1E83, v40;
	v63 =	vsel vm14, $0x1F03, v0;
	v0 =	vsel vm0, $0x1807, v36  }
0x1a4: {  	v42 =	vimm.s32 $0x1F88;
	v40 =	vsel vm14, $0x1F04, v35;
	v0 =	vsel vm1, $0x1888, v0  }
0x1a5: {  	v35 =	vsel vm0, $0x1808, v41;
	v36 =	vsel vm0, $0x1809, v42;
	v0 =	vsel vm2, $0x1909, v0  }
0x1a6: {  	v35 =	vsel vm1, $0x1889, v35;
	v36 =	vsel vm1, $0x188A, v36;
	v0 =	vsel vm3, $0x198A, v0  }
0x1a7: {  	v35 =	vsel vm2, $0x190A, v35;
	v36 =	vsel vm2, $0x190B, v36;
	v0 =	vsel vm4, $0x1A0B, v0  }
0x1a8: {  	v35 =	vsel vm3, $0x198B, v35;
	v36 =	vsel vm3, $0x198C, v36;
	v0 =	vsel vm5, $0x1A8C, v0  }
0x1a9: {  	v35 =	vsel vm4, $0x1A0C, v35;
	v36 =	vsel vm4, $0x1A0D, v36;
	v0 =	vsel vm6, $0x1B0D, v0  }
0x1aa: {  	v35 =	vsel vm5, $0x1A8D, v35;
	v36 =	vsel vm5, $0x1A8E, v36;
	v0 =	vsel vm7, $0x1B8E, v0  }
0x1ab: {  	v35 =	vsel vm6, $0x1B0E, v35;
	v36 =	vsel vm6, $0x1B0F, v36;
	v0 =	vsel vm8, $0x1C0F, v0  }
0x1ac: {  	v35 =	vsel vm7, $0x1B8F, v35;
	v36 =	vsel vm7, $0x1B80, v36;
	v0 =	vsel vm9, $0x1C80, v0  }
0x1ad: {  	v35 =	vsel vm8, $0x1C00, v35;
	v36 =	vsel vm8, $0x1C01, v36;
	v0 =	vsel vm10, $0x1D01, v0  }
0x1ae: {  	v35 =	vsel vm9, $0x1C81, v35;
	v36 =	vsel vm9, $0x1C82, v36;
	v0 =	vsel vm11, $0x1D82, v0  }
0x1af: {  	v35 =	vsel vm10, $0x1D02, v35;
	v36 =	vsel vm10, $0x1D03, v36;
	v0 =	vsel vm12, $0x1E03, v0  }
0x1b0: {  	v35 =	vsel vm11, $0x1D83, v35;
	v36 =	vsel vm11, $0x1D84, v36;
	v0 =	vsel vm13, $0x1E84, v0  }
0x1b1: {  	v43 =	vsel vm12, $0x1E05, v36;
	v42 =	vsel vm14, $0x1F05, v0;
	v0 =	vsel vm12, $0x1E04, v35  }
0x1b2: {  	v36 =	vimm.s32 $0x1F89;
	v35 =	vsel vm13, $0x1E86, v43;
	v0 =	vsel vm13, $0x1E85, v0  }
0x1b3: {  	v43 =	vsel vm14, $0x1F07, v35;
	v41 =	vsel vm14, $0x1F06, v0;
	v0 =	vsel vm0, $0x180A, v36  }
0x1b4: {  	v35 =	vimm.s32 $0x1F8A;
	v36 =	vimm.s32 $0x1F8B;
	v0 =	vsel vm1, $0x188B, v0  }
0x1b5: {  	v35 =	vsel vm0, $0x180B, v35;
	v36 =	vsel vm0, $0x180C, v36;
	v0 =	vsel vm2, $0x190C, v0  }
0x1b6: {  	v35 =	vsel vm1, $0x188C, v35;
	v36 =	vsel vm1, $0x188D, v36;
	v0 =	vsel vm3, $0x198D, v0  }
0x1b7: {  	v35 =	vsel vm2, $0x190D, v35;
	v36 =	vsel vm2, $0x190E, v36;
	v0 =	vsel vm4, $0x1A0E, v0  }
0x1b8: {  	v35 =	vsel vm3, $0x198E, v35;
	v36 =	vsel vm3, $0x198F, v36;
	v0 =	vsel vm5, $0x1A8F, v0  }
0x1b9: {  	v35 =	vsel vm4, $0x1A0F, v35;
	v36 =	vsel vm4, $0x1A00, v36;
	v0 =	vsel vm6, $0x1B00, v0  }
0x1ba: {  	v35 =	vsel vm5, $0x1A80, v35;
	v36 =	vsel vm5, $0x1A81, v36;
	v0 =	vsel vm7, $0x1B81, v0  }
0x1bb: {  	v35 =	vsel vm6, $0x1B01, v35;
	v36 =	vsel vm6, $0x1B02, v36;
	v0 =	vsel vm8, $0x1C02, v0  }
0x1bc: {  	v35 =	vsel vm7, $0x1B82, v35;
	v36 =	vsel vm7, $0x1B83, v36;
	v0 =	vsel vm9, $0x1C83, v0  }
0x1bd: {  	v35 =	vsel vm8, $0x1C03, v35;
	v36 =	vsel vm8, $0x1C04, v36;
	v0 =	vsel vm10, $0x1D04, v0  }
0x1be: {  	v35 =	vsel vm9, $0x1C84, v35;
	v36 =	vsel vm9, $0x1C85, v36;
	v0 =	vsel vm11, $0x1D85, v0  }
0x1bf: {  	v35 =	vsel vm10, $0x1D05, v35;
	v36 =	vsel vm10, $0x1D06, v36;
	v0 =	vsel vm12, $0x1E06, v0  }
0x1c0: {  	v35 =	vsel vm11, $0x1D86, v35;
	v36 =	vsel vm11, $0x1D87, v36;
	v0 =	vsel vm13, $0x1E87, v0  }
0x1c1: {  	v34 =	vmovc v6;
	v36 =	vsel vm12, $0x1E08, v36;
	v6 =	vsel vm14, $0x1F08, v0;
	v0 =	vsel vm12, $0x1E07, v35  }
0x1c2: {  	s3 =	stileid.u32;
	v35 =	vsel vm13, $0x1E89, v36;
	v0 =	vsel vm13, $0x1E88, v0  }
0x1c3: {  	s0 =	rddreg [dreg:$0x0];
	s4 =	sshll.u32 s3, $0x1;
	s3 =	simm.s32 $0x0;
	v33 =	vmov v7;
	v7 =	vsel vm14, $0x1F09, v0;
	v0 =	vsel vm14, $0x1F0A, v35  }
0x1c4: {  	[smem:$0x7FF] =	sst s3;
	[tilespmem:$0x1FBF0] =	vst v0  }
0x1c5: {  	s1 =	rddreg [dreg:$0x1];
	_ =	strace $0x80000047;
	[tilespmem:$0x1FC20] =	vst v30  }
0x1c6: {  	[tilespmem:$0x1FC30] =	vst v28  }
0x1c7: {  	[tilespmem:$0x1FC40] =	vst v34  }
0x1c8: {  	[tilespmem:$0x1FC50] =	vst v21  }
0x1c9: {  	[tilespmem:$0x1FC60] =	vst v33  }
0x1ca: {  	[tilespmem:$0x1FC70] =	vst v62  }
0x1cb: {  	[tilespmem:$0x1FC80] =	vst v27  }
0x1cc: {  	[tilespmem:$0x1FC90] =	vst v29  }
0x1cd: {  	[tilespmem:$0x1FCA0] =	vst v22  }
0x1ce: {  	[tilespmem:$0x1FCB0] =	vst v17  }
0x1cf: {  	[tilespmem:$0x1FCC0] =	vst v20  }
0x1d0: {  	[tilespmem:$0x1FCD0] =	vst v18  }
0x1d1: {  	[tilespmem:$0x1FCE0] =	vst v3  }
0x1d2: {  	[tilespmem:$0x1FCF0] =	vst v15  }
0x1d3: {  	[tilespmem:$0x1FD00] =	vst v8  }
0x1d4: {  	[tilespmem:$0x1FD10] =	vst v10  }
0x1d5: {  	[tilespmem:$0x1FD20] =	vst v12  }
0x1d6: {  	[tilespmem:$0x1FD40] =	vst v39  }
0x1d7: {  	[tilespmem:$0x1FD50] =	vst v37  }
0x1d8: {  	[tilespmem:$0x1FD60] =	vst v1  }
0x1d9: {  	[tilespmem:$0x1FD70] =	vst v2  }
0x1da: {  	[tilespmem:$0x1FD80] =	vst v4  }
0x1db: {  	[tilespmem:$0x1FD90] =	vst v5  }
0x1dc: {  	[tilespmem:$0x1FDA0] =	vst v44  }
0x1dd: {  	[tilespmem:$0x1FDB0] =	vst v45  }
0x1de: {  	[tilespmem:$0x1FDC0] =	vst v46  }
0x1df: {  	[tilespmem:$0x1FDD0] =	vst v47  }
0x1e0: {  	[tilespmem:$0x1FDE0] =	vst v48  }
0x1e1: {  	[tilespmem:$0x1FDF0] =	vst v49  }
0x1e2: {  	[tilespmem:$0x1FE00] =	vst v16  }
0x1e3: {  	[tilespmem:$0x1FE10] =	vst v50  }
0x1e4: {  	[tilespmem:$0x1FE20] =	vst v51  }
0x1e5: {  	[tilespmem:$0x1FE30] =	vst v52  }
0x1e6: {  	[tilespmem:$0x1FE40] =	vst v53  }
0x1e7: {  	[tilespmem:$0x1FE50] =	vst v54  }
0x1e8: {  	[tilespmem:$0x1FE60] =	vst v55  }
0x1e9: {  	[tilespmem:$0x1FE70] =	vst v56  }
0x1ea: {  	[tilespmem:$0x1FE80] =	vst v57  }
0x1eb: {  	[tilespmem:$0x1FE90] =	vst v58  }
0x1ec: {  	v36 =	vimm.s32 $0x1F8C;
	[tilespmem:$0x1FEA0] =	vst v59  }
0x1ed: {  	v0 =	vsel vm0, $0x180D, v36;
	[tilespmem:$0x1FEB0] =	vst v60  }
0x1ee: {  	v0 =	vsel vm1, $0x188E, v0;
	[tilespmem:$0x1FEC0] =	vst v61  }
0x1ef: {  	v35 =	vimm.s32 $0x1F8D;
	v36 =	vimm.s32 $0x1F8E;
	[tilespmem:$0x1FED0] =	vst v63;
	v0 =	vsel vm2, $0x190F, v0  }
0x1f0: {  	v35 =	vsel vm0, $0x180E, v35;
	v36 =	vsel vm0, $0x180F, v36;
	[tilespmem:$0x1FEE0] =	vst v40;
	v0 =	vsel vm3, $0x1980, v0  }
0x1f1: {  	v35 =	vsel vm1, $0x188F, v35;
	[tilespmem:$0x1FEF0] =	vst v42;
	v36 =	vsel vm1, $0x1880, v36;
	v0 =	vsel vm4, $0x1A01, v0  }
0x1f2: {  	[tilespmem:$0x1FF00] =	vst v41;
	v35 =	vsel vm2, $0x1900, v35;
	v36 =	vsel vm2, $0x1901, v36;
	v0 =	vsel vm5, $0x1A82, v0  }
0x1f3: {  	[tilespmem:$0x1FF10] =	vst v43;
	v35 =	vsel vm3, $0x1981, v35;
	v36 =	vsel vm3, $0x1982, v36;
	v0 =	vsel vm6, $0x1B03, v0  }
0x1f4: {  	[tilespmem:$0x1FF20] =	vst v14;
	v35 =	vsel vm4, $0x1A02, v35;
	v36 =	vsel vm4, $0x1A03, v36;
	v0 =	vsel vm7, $0x1B84, v0  }
0x1f5: {  	[tilespmem:$0x1FF30] =	vst v6;
	v35 =	vsel vm5, $0x1A83, v35;
	v36 =	vsel vm5, $0x1A84, v36;
	v0 =	vsel vm8, $0x1C05, v0  }
0x1f6: {  	[tilespmem:$0x1FF40] =	vst v7;
	v35 =	vsel vm6, $0x1B04, v35;
	v36 =	vsel vm6, $0x1B05, v36;
	v0 =	vsel vm9, $0x1C86, v0  }
0x1f7: {  	[tilespmem:$0x1FF70] =	vst v19;
	v35 =	vsel vm7, $0x1B85, v35;
	v36 =	vsel vm7, $0x1B86, v36;
	v0 =	vsel vm10, $0x1D07, v0  }
0x1f8: {  	[tilespmem:$0x1FF80] =	vst v31;
	v35 =	vsel vm8, $0x1C06, v35;
	v36 =	vsel vm8, $0x1C07, v36;
	v0 =	vsel vm11, $0x1D88, v0  }
0x1f9: {  	[tilespmem:$0x1FF90] =	vst v26;
	v35 =	vsel vm9, $0x1C87, v35;
	v36 =	vsel vm9, $0x1C88, v36;
	v0 =	vsel vm12, $0x1E09, v0  }
0x1fa: {  	[tilespmem:$0x1FFB0] =	vst v24;
	v35 =	vsel vm10, $0x1D08, v35;
	v36 =	vsel vm10, $0x1D09, v36;
	v0 =	vsel vm13, $0x1E8A, v0  }
0x1fb: {  	s2 =	srdreg.scid;
	s10 =	simm.s32 $0xC00;
	[tilespmem:$0x1FFC0] =	vst v32;
	v35 =	vsel vm11, $0x1D89, v35;
	v36 =	vsel vm11, $0x1D8A, v36;
	v0 =	vsel vm14, $0x1F0B, v0  }
0x1fc: {  	s11 =	simm.s32 $0x7A1400;
	s12 =	simm.s32 $0x1;
	s13 =	simm.s32 $0xE000;
	v38 =	vsel vm12, $0x1E0B, v36;
	[tilespmem:$0x1FC00] =	vst v0;
	v0 =	vsel vm12, $0x1E0A, v35  }
0x1fd: {  	s14 =	simm.s32 $0x2;
	s15 =	simm.s32 $0x6000;
	s2 =	sand.u32 $0x1, s2;
	[tilespmem:$0x1FFD0] =	vst v23;
	v35 =	vsel vm13, $0x1E8C, v38;
	v0 =	vsel vm13, $0x1E8B, v0  }
0x1fe: {  	s16 =	simm.s32 $0x14000;
	s17 =	simm.s32 $0x3;
	s4 =	sor.u32 s2, s4;
	[tilespmem:$0x1FFE0] =	vst v25;
	v36 =	vsel vm14, $0x1F0C, v0;
	v0 =	vsel vm14, $0x1F0D, v35  }
0x1ff: {  	s18 =	simm.s32 $0x4;
	s20 =	simm.s32 $0xC000;
	s7 =	smul.u32 $0x180, s4;
	[tilespmem:$0x1FC10] =	vst v0  }
.Ltmp0:
0x200: {  	s21 =	simm.s32 $0x5;
	s22 =	simm.s32 $0x0;
	v35 =	vmov v13;
	[tilespmem:$0x1FF50] =	vst v36;
	(pc) =	sbr.rel .LBB2_1-.Ltmp0, $4  }
0x201: {  	s5 =	sadd.s32 $0xA00, s1;
	s6 =	ssub.s32 $0x2, s2;
	s30 =	sadd.s32 s0, s7;
	v13 =	vmov v9;
	v9 =	vlaneseq.u32;
	[tilespmem:$0x1FFA0] =	vst v35  }
0x202: {  	s31 =	sadd.s32 $0xF4200, s0;
	s29 =	sshrl.u32 s6, $0x1;
	[dreg:$0x3] =	wrdreg s30;
	[tilespmem:$0x1FFF0] =	vst v13;
	v0 =	vmov v11;
	v11 =	vmul.u32 $0x41, v9  }
0x203: {  	s1 =	sadd.s32 $0x7A1A00, s1;
	s2 =	ssub.s32 s6, s29;
	[dreg:$0x4] =	wrdreg s31;
	[tilespmem:$0x1FD30] =	vst v0  }
0x204: {  	p0 =	sne.s32 s4, $0xC;
	s9 =	smax.u32 s2, $0x1;
	[dreg:$0x5] =	wrdreg s1;
	[tilespmem:$0x1FF60] =	vst v11  }
.LBB2_15:
0x205: {  	s22 =	sadd.s32 $0x1, s22  }
0x206: {  	p1 =	sne.s32 s22, s9  }
.Ltmp1:
0x207: {  	_ = 	snop;
	(pc) =	sbr.rel @!p1 .LBB2_16-.Ltmp1, $1  }
0x208: {  	_ =	sdelay $0x3  }
.LBB2_1:
.Ltmp2:
0x209: {  	(pc) =	sbr.rel .LBB2_2-.Ltmp2, $3  }
0x20a: {  	_ =	sdelay $0x1  }
0x20b: {  	s1 =	rddreg [dreg:$0x3];
	s23 =	simm.s32 $0x0  }
0x20c: {  	[tilespmem:s3], [sflag:$0x1] =	stream.strided.gather [hbm4b:s1+s10], $0x6000, s11, s10, $0x38;
	[tilespmem:$0x1A000] =	vst v63  }
.LBB2_10:
0x20d: {  	s23 =	sadd.s32 $0x1, s23  }
0x20e: {  	p1 =	sne.s32 s23, $0x29  }
.Ltmp3:
0x20f: {  	_ = 	snop;
	(pc) =	sbr.rel @!p1 .LBB2_11-.Ltmp3, $4  }
0x210: {  	v22 =	vld [tilespmem:$0x1FCA0]  }
0x211: {  	v20 =	vld [tilespmem:$0x1FCC0]  }
0x212: {  	v18 =	vld [tilespmem:$0x1FCD0]  }
0x213: {  	v3 =	vld [tilespmem:$0x1FCE0]  }
.LBB2_2:
0x214: {  	s1 =	sshll.u32 s23, $0x6  }
0x215: {  	s25 =	sor.u32 s4, s1  }
0x216: {  	s24 =	sor.u32 $0x20, s25  }
0x217: {  	p2 =	sgt.u32 s24, $0xA2B  }
0x218: {  	s1 =	smul.u32 @!p2 $0x180, s24  }
0x219: {  	p1 =	seq.s32 s23, $0x0;
	s6 =	simm.s32 @!p2 $0xC00  }
0x21a: {  	s7 =	simm.s32 @!p2 $0x7A1400;
	s8 =	simm.s32 @!p2 $0x6000;
	s2 =	sadd.s32 @!p2 s0, s1  }
0x21b: {  	[tilespmem:s8], [sflag:$0x2] =	stream.strided.gather @!p2 [hbm4b:s2+s6], $0x6000, s7, s6, $0x38;
	[tilespmem:$0x1A000] =	vst v63  }
0x21c: {  	s1 =	simm.s32 $0x10;
	s2 =	simm.s32 @!p1 $0x3  }
0x21d: {  	s26 =	simm.s32 $0x0;
	v36 =	vmov s1;
	_ =	swait.ge @!p1 [sflag:s2], $0x6000  }
0x21e: {  	v38 =	vmov s26;
	v36 =	vshll.u32 v36, $0x3;
	[sflag:s2] =	ssyncset.done @!p1 $0x0;
	v0 =	vld [tilespmem:$0x1FA30]  }
0x21f: {  	s19 =	simm.s32 $0x430;
	v39 =	vor.u32 s26, v9;
	v37 =	vor.u32 s1, v9;
	v36 =	vand.u32 $0x7FFFFC00, v36;
	[sflag:s2] =	ssyncadd.s32 @!p1 $0xFFFFA000  }
0x220: {  	v53 =	vor.u32 s19, v11;
	v37 =	vand.u32 $0x7F, v37;
	v43 =	vadd.s32 v12, v36;
	_ =	swait.ge [sflag:s12], $0x6000  }
0x221: {  	v38 =	vshll.u32 v38, $0x3;
	v41 =	vadd.s32 v8, v36;
	v44 =	vor.u32 v37, v43;
	v63 =	vld [tilespmem:$0x1FA40]  }
0x222: {  	v48 =	vand.u32 $0x6F, v39;
	v40 =	vadd.s32 v10, v36;
	v47 =	vor.u32 v37, v41  }
0x223: {  	v46 =	vand.u32 $0xC00, v38;
	v49 =	vor.u32 v37, v40;
	v42 =	vadd.s32 v0, v36  }
0x224: {  	v38 =	vadd.s32 v10, v46;
	[sflag:s12] =	ssyncset.done $0x0;
	v39 =	vadd.s32 v0, v46;
	v45 =	vor.u32 v37, v42  }
0x225: {  	v2 =	vor.u32 v48, v38;
	[sflag:s12] =	ssyncadd.s32 $0xFFFFA000;
	v36 =	vadd.s32 v8, v46;
	v50 =	vor.u32 v48, v39  }
0x226: {  	s6 =	simm.s32 $0x410;
	v51 =	vor.u32 v48, v36;
	v37 =	vadd.s32 v12, v46;
	v44 =	vld.idx.msk [tilespmem:v44+s3+$0x0], $0xffff;
	v1 =	vor.u32 s1, v63  }
0x227: {  	s30 =	simm.s32 $0x420;
	v56 =	vor.u32 s6, v11;
	v47 =	vld.idx.msk [tilespmem:v47+s3+$0x0], $0xffff;
	v48 =	vor.u32 v48, v37;
	v52 =	vand.u32 $0x7F, v1  }
0x228: {  	v58 =	vor.u32 s30, v11;
	s7 =	simm.s32 $0x400;
	v49 =	vld.idx.msk [tilespmem:v49+s3+$0x0], $0xffff;
	v54 =	vor.u32 v52, v43  }
0x229: {  	v55 =	vor.u32 s7, v11;
	v45 =	vld.idx.msk [tilespmem:v45+s3+$0x0], $0xffff  }
0x22a: {  	v60 =	vor.u32 s26, v11;
	v61 =	vor.u32 v52, v41;
	v50 =	vld.idx.msk [tilespmem:v50+s3+$0x0], $0xffff  }
0x22b: {  	s31 =	simm.s32 $0x30;
	v57 =	vor.u32 s26, v63;
	v59 =	vor.u32 v52, v42;
	v51 =	vld.idx.msk [tilespmem:v51+s3+$0x0], $0xffff;
	[tilespmem:v53+s13+$0x0] =	vst.idx.msk $0xffff, v44;
	v44 =	vor.u32 s1, v11  }
0x22c: {  	v0 =	vor.u32 s31, v11;
	v57 =	vand.u32 $0x6F, v57;
	v52 =	vor.u32 v52, v40;
	v48 =	vld.idx.msk [tilespmem:v48+s3+$0x0], $0xffff;
	[tilespmem:v56+s13+$0x0] =	vst.idx.msk $0xffff, v47  }
0x22d: {  	s28 =	simm.s32 $0x20;
	v1 =	vor.u32 s1, v28;
	v63 =	vor.u32 v57, v39;
	v53 =	vor.u32 s19, v30;
	[tilespmem:v58+s13+$0x0] =	vst.idx.msk $0xffff, v49;
	v54 =	vld.idx.msk [tilespmem:v54+s3+$0x0], $0xffff  }
0x22e: {  	v46 =	vld.idx.msk [tilespmem:v2+s3+$0x0], $0xffff;
	v56 =	vor.u32 v57, v36;
	[tilespmem:v55+s13+$0x0] =	vst.idx.msk $0xffff, v45;
	v45 =	vand.u32 $0x7F, v1;
	v55 =	vor.u32 s28, v11  }
0x22f: {  	[tilespmem:v60+s13+$0x0] =	vst.idx.msk $0xffff, v50;
	v50 =	vld.idx.msk [tilespmem:v61+s3+$0x0], $0xffff;
	v60 =	vor.u32 s6, v30;
	v47 =	vor.u32 v45, v43  }
0x230: {  	v58 =	vor.u32 s7, v30;
	v59 =	vld.idx.msk [tilespmem:v59+s3+$0x0], $0xffff;
	[tilespmem:v44+s13+$0x0] =	vst.idx.msk $0xffff, v51  }
0x231: {  	v44 =	vld.idx.msk [tilespmem:v52+s3+$0x0], $0xffff;
	v52 =	vor.u32 s30, v30;
	[tilespmem:v0+s13+$0x0] =	vst.idx.msk $0xffff, v48  }
0x232: {  	v2 =	vor.u32 s1, v21;
	v63 =	vld.idx.msk [tilespmem:v63+s3+$0x0], $0xffff;
	[tilespmem:v53+s13+$0x0] =	vst.idx.msk $0xffff, v54;
	v53 =	vor.u32 s26, v30  }
0x233: {  	v0 =	vand.u32 $0x7F, v2;
	v2 =	vor.u32 s1, v30;
	[tilespmem:v55+s13+$0x0] =	vst.idx.msk $0xffff, v46;
	v55 =	vld.idx.msk [tilespmem:v56+s3+$0x0], $0xffff  }
0x234: {  	v49 =	vor.u32 v57, v38;
	v1 =	vor.u32 s19, v34;
	[tilespmem:v60+s13+$0x0] =	vst.idx.msk $0xffff, v50;
	v47 =	vld.idx.msk [tilespmem:v47+s3+$0x0], $0xffff  }
0x235: {  	[tilespmem:v58+s13+$0x0] =	vst.idx.msk $0xffff, v59  }
0x236: {  	[tilespmem:v52+s13+$0x0] =	vst.idx.msk $0xffff, v44  }
0x237: {  	[tilespmem:v53+s13+$0x0] =	vst.idx.msk $0xffff, v63  }
0x238: {  	[tilespmem:v2+s13+$0x0] =	vst.idx.msk $0xffff, v55  }
0x239: {  	v57 =	vor.u32 v57, v37;
	v49 =	vld.idx.msk [tilespmem:v49+s3+$0x0], $0xffff;
	[tilespmem:v1+s13+$0x0] =	vst.idx.msk $0xffff, v47  }
0x23a: {  	v61 =	vor.u32 v45, v42;
	v58 =	vor.u32 s28, v30;
	v2 =	vld [tilespmem:$0x1FA60];
	_ =	sdelay $0x1  }
0x23b: {  	v51 =	vor.u32 s26, v28;
	v54 =	vor.u32 v45, v41  }
0x23c: {  	v51 =	vand.u32 $0x6F, v51;
	v45 =	vor.u32 v45, v40  }
0x23d: {  	v57 =	vld.idx.msk [tilespmem:v57+s3+$0x0], $0xffff;
	v59 =	vor.u32 v51, v39  }
0x23e: {  	v50 =	vor.u32 s31, v30;
	v60 =	vor.u32 v51, v36;
	v61 =	vld.idx.msk [tilespmem:v61+s3+$0x0], $0xffff;
	[tilespmem:v58+s13+$0x0] =	vst.idx.msk $0xffff, v49;
	v1 =	vor.u32 s1, v2  }
0x23f: {  	v56 =	vor.u32 v0, v43;
	v52 =	vor.u32 s7, v34;
	v48 =	vand.u32 $0x7F, v1;
	v1 =	vld [tilespmem:$0x1FA50]  }
0x240: {  	v53 =	vld.idx.msk [tilespmem:v54+s3+$0x0], $0xffff;
	v54 =	vor.u32 s6, v34  }
0x241: {  	v45 =	vld.idx.msk [tilespmem:v45+s3+$0x0], $0xffff;
	v47 =	vor.u32 s30, v34  }
0x242: {  	v63 =	vor.u32 s26, v34;
	v59 =	vld.idx.msk [tilespmem:v59+s3+$0x0], $0xffff;
	v58 =	vor.u32 s26, v21  }
0x243: {  	v44 =	vor.u32 v51, v38;
	v60 =	vld.idx.msk [tilespmem:v60+s3+$0x0], $0xffff;
	[tilespmem:v50+s13+$0x0] =	vst.idx.msk $0xffff, v57;
	v57 =	vand.u32 $0x6F, v58;
	v58 =	vor.u32 s1, v34  }
0x244: {  	v51 =	vor.u32 v51, v37;
	v55 =	vld.idx.msk [tilespmem:v56+s3+$0x0], $0xffff;
	[tilespmem:v52+s13+$0x0] =	vst.idx.msk $0xffff, v61;
	v49 =	vor.u32 s19, v1  }
0x245: {  	[tilespmem:v54+s13+$0x0] =	vst.idx.msk $0xffff, v53  }
0x246: {  	v46 =	vor.u32 v0, v42;
	[tilespmem:v47+s13+$0x0] =	vst.idx.msk $0xffff, v45  }
0x247: {  	v56 =	vor.u32 v0, v41;
	v0 =	vor.u32 v0, v40;
	[tilespmem:v63+s13+$0x0] =	vst.idx.msk $0xffff, v59  }
0x248: {  	v44 =	vld.idx.msk [tilespmem:v44+s3+$0x0], $0xffff;
	[tilespmem:v58+s13+$0x0] =	vst.idx.msk $0xffff, v60  }
0x249: {  	v61 =	vor.u32 s28, v34;
	v52 =	vor.u32 v57, v39;
	v51 =	vld.idx.msk [tilespmem:v51+s3+$0x0], $0xffff;
	[tilespmem:v49+s13+$0x0] =	vst.idx.msk $0xffff, v55  }
0x24a: {  	v53 =	vor.u32 s31, v34;
	v50 =	vor.u32 v48, v43;
	v4 =	vld [tilespmem:$0x1FA70]  }
0x24b: {  	v46 =	vld.idx.msk [tilespmem:v46+s3+$0x0], $0xffff;
	v47 =	vor.u32 s7, v1  }
0x24c: {  	v63 =	vor.u32 s1, v23;
	v0 =	vld.idx.msk [tilespmem:v0+s3+$0x0], $0xffff;
	v60 =	vor.u32 s30, v1  }
0x24d: {  	v54 =	vor.u32 v57, v36;
	v45 =	vor.u32 v57, v38;
	v56 =	vld.idx.msk [tilespmem:v56+s3+$0x0], $0xffff;
	v55 =	vor.u32 s6, v1  }
0x24e: {  	v52 =	vld.idx.msk [tilespmem:v52+s3+$0x0], $0xffff;
	v49 =	vor.u32 v57, v37;
	v57 =	vand.u32 $0x7F, v63;
	v63 =	vor.u32 s26, v1;
	[tilespmem:v61+s13+$0x0] =	vst.idx.msk $0xffff, v44  }
0x24f: {  	v50 =	vld.idx.msk [tilespmem:v50+s3+$0x0], $0xffff;
	[tilespmem:v53+s13+$0x0] =	vst.idx.msk $0xffff, v51;
	v58 =	vor.u32 s19, v4  }
0x250: {  	[tilespmem:v47+s13+$0x0] =	vst.idx.msk $0xffff, v46  }
0x251: {  	v59 =	vor.u32 v48, v42;
	[tilespmem:v60+s13+$0x0] =	vst.idx.msk $0xffff, v0  }
0x252: {  	v51 =	vor.u32 v48, v41;
	v48 =	vor.u32 v48, v40;
	[tilespmem:v55+s13+$0x0] =	vst.idx.msk $0xffff, v56  }
0x253: {  	v53 =	vld.idx.msk [tilespmem:v54+s3+$0x0], $0xffff;
	[tilespmem:v63+s13+$0x0] =	vst.idx.msk $0xffff, v52  }
0x254: {  	v2 =	vor.u32 s26, v2;
	v44 =	vor.u32 v57, v43;
	v54 =	vor.u32 s1, v1;
	v45 =	vld.idx.msk [tilespmem:v45+s3+$0x0], $0xffff;
	[tilespmem:v58+s13+$0x0] =	vst.idx.msk $0xffff, v50  }
0x255: {  	v61 =	vand.u32 $0x6F, v2;
	v46 =	vor.u32 s28, v1;
	v55 =	vor.u32 s31, v1;
	v1 =	vld [tilespmem:$0x1FA20]  }
0x256: {  	v47 =	vor.u32 v61, v39;
	v49 =	vld.idx.msk [tilespmem:v49+s3+$0x0], $0xffff  }
0x257: {  	v56 =	vor.u32 v61, v36;
	v48 =	vld.idx.msk [tilespmem:v48+s3+$0x0], $0xffff;
	v63 =	vor.u32 s30, v4  }
0x258: {  	v59 =	vld.idx.msk [tilespmem:v59+s3+$0x0], $0xffff;
	v60 =	vor.u32 v61, v37;
	v50 =	vor.u32 v61, v38;
	v58 =	vor.u32 s7, v4  }
0x259: {  	v0 =	vor.u32 s1, v25;
	v51 =	vld.idx.msk [tilespmem:v51+s3+$0x0], $0xffff;
	v61 =	vor.u32 s6, v4;
	[tilespmem:v54+s13+$0x0] =	vst.idx.msk $0xffff, v53;
	v54 =	vor.u32 v57, v42  }
0x25a: {  	v0 =	vand.u32 $0x7F, v0;
	v44 =	vld.idx.msk [tilespmem:v44+s3+$0x0], $0xffff;
	[tilespmem:v46+s13+$0x0] =	vst.idx.msk $0xffff, v45;
	v52 =	vor.u32 s19, v1  }
0x25b: {  	v47 =	vld.idx.msk [tilespmem:v47+s3+$0x0], $0xffff;
	v53 =	vor.u32 v0, v43;
	[tilespmem:v55+s13+$0x0] =	vst.idx.msk $0xffff, v49;
	v49 =	vor.u32 s26, v4  }
0x25c: {  	[tilespmem:v63+s13+$0x0] =	vst.idx.msk $0xffff, v48;
	v55 =	vld.idx.msk [tilespmem:v56+s3+$0x0], $0xffff;
	v56 =	vor.u32 s1, v4  }
0x25d: {  	v50 =	vld.idx.msk [tilespmem:v50+s3+$0x0], $0xffff;
	[tilespmem:v58+s13+$0x0] =	vst.idx.msk $0xffff, v59;
	v58 =	vor.u32 s28, v4  }
0x25e: {  	[tilespmem:v61+s13+$0x0] =	vst.idx.msk $0xffff, v51;
	v54 =	vld.idx.msk [tilespmem:v54+s3+$0x0], $0xffff;
	v63 =	vor.u32 s7, v1  }
0x25f: {  	v46 =	vor.u32 v57, v41;
	v60 =	vld.idx.msk [tilespmem:v60+s3+$0x0], $0xffff;
	[tilespmem:v52+s13+$0x0] =	vst.idx.msk $0xffff, v44;
	v44 =	vor.u32 s31, v4  }
0x260: {  	v2 =	vor.u32 s26, v23;
	v57 =	vor.u32 v57, v40;
	v48 =	vor.u32 s19, v13;
	[tilespmem:v49+s13+$0x0] =	vst.idx.msk $0xffff, v47;
	v53 =	vld.idx.msk [tilespmem:v53+s3+$0x0], $0xffff  }
0x261: {  	v45 =	vand.u32 $0x6F, v2;
	[tilespmem:v56+s13+$0x0] =	vst.idx.msk $0xffff, v55  }
0x262: {  	v59 =	vor.u32 v45, v39;
	[tilespmem:v58+s13+$0x0] =	vst.idx.msk $0xffff, v50  }
0x263: {  	v2 =	vor.u32 s1, v14;
	v52 =	vor.u32 v45, v36;
	[tilespmem:v63+s13+$0x0] =	vst.idx.msk $0xffff, v54  }
0x264: {  	v61 =	vor.u32 v45, v38;
	v51 =	vand.u32 $0x7F, v2;
	v46 =	vld.idx.msk [tilespmem:v46+s3+$0x0], $0xffff;
	[tilespmem:v44+s13+$0x0] =	vst.idx.msk $0xffff, v60  }
0x265: {  	v47 =	vor.u32 v51, v43;
	v49 =	vor.u32 s6, v1;
	v55 =	vld.idx.msk [tilespmem:v57+s3+$0x0], $0xffff;
	[tilespmem:v48+s13+$0x0] =	vst.idx.msk $0xffff, v53  }
0x266: {  	v57 =	vor.u32 s30, v1;
	v45 =	vor.u32 v45, v37;
	v6 =	vld [tilespmem:$0x1FA80]  }
0x267: {  	v2 =	vor.u32 s26, v25;
	v56 =	vor.u32 v0, v42;
	v59 =	vld.idx.msk [tilespmem:v59+s3+$0x0], $0xffff;
	v58 =	vor.u32 s26, v1  }
0x268: {  	v44 =	vor.u32 v0, v41;
	v52 =	vld.idx.msk [tilespmem:v52+s3+$0x0], $0xffff;
	v60 =	vor.u32 s1, v1;
	v0 =	vor.u32 v0, v40  }
0x269: {  	v50 =	vand.u32 $0x6F, v2;
	v61 =	vld.idx.msk [tilespmem:v61+s3+$0x0], $0xffff;
	v48 =	vor.u32 s28, v1  }
0x26a: {  	v53 =	vor.u32 v50, v39;
	v47 =	vld.idx.msk [tilespmem:v47+s3+$0x0], $0xffff;
	[tilespmem:v49+s13+$0x0] =	vst.idx.msk $0xffff, v46;
	v46 =	vor.u32 s19, v33  }
0x26b: {  	v63 =	vor.u32 v50, v36;
	v45 =	vld.idx.msk [tilespmem:v45+s3+$0x0], $0xffff;
	v49 =	vor.u32 s31, v1;
	[tilespmem:v57+s13+$0x0] =	vst.idx.msk $0xffff, v55;
	v2 =	vor.u32 s1, v6  }
0x26c: {  	v56 =	vld.idx.msk [tilespmem:v56+s3+$0x0], $0xffff;
	v57 =	vor.u32 v50, v38;
	[tilespmem:v58+s13+$0x0] =	vst.idx.msk $0xffff, v59;
	v58 =	vor.u32 s7, v13;
	v54 =	vand.u32 $0x7F, v2  }
0x26d: {  	v1 =	vor.u32 s30, v13;
	[tilespmem:v60+s13+$0x0] =	vst.idx.msk $0xffff, v52;
	v0 =	vld.idx.msk [tilespmem:v0+s3+$0x0], $0xffff;
	v55 =	vor.u32 v54, v43  }
0x26e: {  	v50 =	vor.u32 v50, v37;
	v44 =	vld.idx.msk [tilespmem:v44+s3+$0x0], $0xffff;
	[tilespmem:v48+s13+$0x0] =	vst.idx.msk $0xffff, v61  }
0x26f: {  	v59 =	vor.u32 s6, v13;
	v60 =	vor.u32 v51, v42;
	v53 =	vld.idx.msk [tilespmem:v53+s3+$0x0], $0xffff;
	[tilespmem:v46+s13+$0x0] =	vst.idx.msk $0xffff, v47  }
0x270: {  	v61 =	vor.u32 v51, v41;
	v46 =	vor.u32 s26, v13;
	v47 =	vld.idx.msk [tilespmem:v63+s3+$0x0], $0xffff;
	[tilespmem:v49+s13+$0x0] =	vst.idx.msk $0xffff, v45;
	v2 =	vor.u32 s26, v14  }
0x271: {  	v51 =	vor.u32 v51, v40;
	v63 =	vor.u32 s1, v13;
	v57 =	vld.idx.msk [tilespmem:v57+s3+$0x0], $0xffff;
	[tilespmem:v58+s13+$0x0] =	vst.idx.msk $0xffff, v56;
	v52 =	vand.u32 $0x6F, v2  }
0x272: {  	v56 =	vor.u32 s19, v62;
	[tilespmem:v1+s13+$0x0] =	vst.idx.msk $0xffff, v0;
	v0 =	vor.u32 v52, v36;
	v49 =	vld.idx.msk [tilespmem:v55+s3+$0x0], $0xffff  }
0x273: {  	v58 =	vor.u32 s28, v13;
	v50 =	vld.idx.msk [tilespmem:v50+s3+$0x0], $0xffff;
	v2 =	vor.u32 s1, v19;
	v55 =	vor.u32 v52, v39  }
0x274: {  	v45 =	vand.u32 $0x7F, v2;
	[tilespmem:v59+s13+$0x0] =	vst.idx.msk $0xffff, v44;
	v59 =	vor.u32 s31, v13;
	v48 =	vld.idx.msk [tilespmem:v60+s3+$0x0], $0xffff;
	v60 =	vor.u32 v52, v38  }
0x275: {  	v44 =	vor.u32 v45, v43;
	[tilespmem:v46+s13+$0x0] =	vst.idx.msk $0xffff, v53;
	v46 =	vor.u32 s7, v33;
	v53 =	vld.idx.msk [tilespmem:v61+s3+$0x0], $0xffff  }
0x276: {  	v61 =	vor.u32 s6, v33;
	[tilespmem:v63+s13+$0x0] =	vst.idx.msk $0xffff, v47;
	v47 =	vld.idx.msk [tilespmem:v51+s3+$0x0], $0xffff  }
0x277: {  	v1 =	vor.u32 s19, v31;
	v52 =	vor.u32 v52, v37;
	v0 =	vld.idx.msk [tilespmem:v0+s3+$0x0], $0xffff;
	[tilespmem:v56+s13+$0x0] =	vst.idx.msk $0xffff, v49;
	v49 =	vor.u32 s30, v33  }
0x278: {  	v2 =	vor.u32 s1, v33;
	v63 =	vor.u32 v54, v42;
	[tilespmem:v58+s13+$0x0] =	vst.idx.msk $0xffff, v57;
	v57 =	vor.u32 s26, v33;
	v55 =	vld.idx.msk [tilespmem:v55+s3+$0x0], $0xffff  }
0x279: {  	v51 =	vor.u32 s26, v6;
	v58 =	vor.u32 s1, v27;
	[tilespmem:v59+s13+$0x0] =	vst.idx.msk $0xffff, v50;
	v60 =	vld.idx.msk [tilespmem:v60+s3+$0x0], $0xffff;
	v56 =	vor.u32 v54, v41  }
0x27a: {  	v51 =	vand.u32 $0x6F, v51;
	v50 =	vand.u32 $0x7F, v58;
	[tilespmem:v46+s13+$0x0] =	vst.idx.msk $0xffff, v48;
	v54 =	vor.u32 v54, v40;
	v44 =	vld.idx.msk [tilespmem:v44+s3+$0x0], $0xffff  }
0x27b: {  	v59 =	vor.u32 v45, v41;
	v46 =	vor.u32 v50, v43;
	v48 =	vor.u32 s28, v33;
	[tilespmem:v61+s13+$0x0] =	vst.idx.msk $0xffff, v53  }
0x27c: {  	v53 =	vor.u32 v51, v39;
	v61 =	vor.u32 s31, v33;
	v52 =	vld.idx.msk [tilespmem:v52+s3+$0x0], $0xffff;
	[tilespmem:v49+s13+$0x0] =	vst.idx.msk $0xffff, v47  }
0x27d: {  	v47 =	vor.u32 v51, v36;
	v49 =	vld.idx.msk [tilespmem:v63+s3+$0x0], $0xffff;
	[tilespmem:v57+s13+$0x0] =	vst.idx.msk $0xffff, v55;
	v55 =	vor.u32 s7, v62  }
0x27e: {  	[tilespmem:v2+s13+$0x0] =	vst.idx.msk $0xffff, v0;
	v63 =	vor.u32 v51, v38;
	v56 =	vld.idx.msk [tilespmem:v56+s3+$0x0], $0xffff;
	v57 =	vor.u32 s6, v62  }
0x27f: {  	v58 =	vor.u32 s30, v62;
	v0 =	vor.u32 s1, v29;
	v51 =	vor.u32 v51, v37;
	v54 =	vld.idx.msk [tilespmem:v54+s3+$0x0], $0xffff;
	[tilespmem:v1+s13+$0x0] =	vst.idx.msk $0xffff, v44  }
0x280: {  	v0 =	vand.u32 $0x7F, v0;
	[tilespmem:v48+s13+$0x0] =	vst.idx.msk $0xffff, v60;
	v48 =	vor.u32 s19, v35;
	v44 =	vor.u32 v45, v42;
	v46 =	vld.idx.msk [tilespmem:v46+s3+$0x0], $0xffff  }
0x281: {  	v2 =	vor.u32 s26, v62;
	[tilespmem:v61+s13+$0x0] =	vst.idx.msk $0xffff, v52;
	v61 =	vor.u32 v0, v43;
	v53 =	vld.idx.msk [tilespmem:v53+s3+$0x0], $0xffff;
	v1 =	vor.u32 s26, v19  }
0x282: {  	v45 =	vor.u32 v45, v40;
	v60 =	vand.u32 $0x6F, v1;
	v47 =	vld.idx.msk [tilespmem:v47+s3+$0x0], $0xffff;
	[tilespmem:v55+s13+$0x0] =	vst.idx.msk $0xffff, v49;
	v49 =	vor.u32 s1, v62  }
0x283: {  	v1 =	vor.u32 v60, v39;
	v55 =	vld.idx.msk [tilespmem:v63+s3+$0x0], $0xffff;
	v63 =	vor.u32 s28, v62;
	[tilespmem:v57+s13+$0x0] =	vst.idx.msk $0xffff, v56  }
0x284: {  	v51 =	vld.idx.msk [tilespmem:v51+s3+$0x0], $0xffff;
	v57 =	vor.u32 s31, v62;
	[tilespmem:v58+s13+$0x0] =	vst.idx.msk $0xffff, v54;
	v54 =	vor.u32 v60, v36  }
0x285: {  	v44 =	vld.idx.msk [tilespmem:v44+s3+$0x0], $0xffff;
	v58 =	vor.u32 v60, v38;
	[tilespmem:v48+s13+$0x0] =	vst.idx.msk $0xffff, v46;
	v46 =	vor.u32 s7, v31  }
0x286: {  	[tilespmem:v2+s13+$0x0] =	vst.idx.msk $0xffff, v53;
	v48 =	vld.idx.msk [tilespmem:v59+s3+$0x0], $0xffff;
	v59 =	vor.u32 v60, v37;
	v60 =	vor.u32 s6, v31  }
0x287: {  	v52 =	vor.u32 s30, v31;
	v45 =	vld.idx.msk [tilespmem:v45+s3+$0x0], $0xffff;
	[tilespmem:v49+s13+$0x0] =	vst.idx.msk $0xffff, v47  }
0x288: {  	v2 =	vor.u32 s1, v17;
	v53 =	vld.idx.msk [tilespmem:v61+s3+$0x0], $0xffff;
	v61 =	vor.u32 v50, v42;
	v49 =	vor.u32 s19, v22;
	[tilespmem:v63+s13+$0x0] =	vst.idx.msk $0xffff, v55  }
0x289: {  	v56 =	vld.idx.msk [tilespmem:v1+s3+$0x0], $0xffff;
	v47 =	vand.u32 $0x7F, v2;
	[tilespmem:v57+s13+$0x0] =	vst.idx.msk $0xffff, v51;
	v51 =	vor.u32 v50, v41;
	v57 =	vor.u32 s26, v31  }
0x28a: {  	v1 =	vor.u32 s26, v27;
	v55 =	vor.u32 v47, v43;
	v54 =	vld.idx.msk [tilespmem:v54+s3+$0x0], $0xffff;
	[tilespmem:v46+s13+$0x0] =	vst.idx.msk $0xffff, v44;
	v44 =	vor.u32 s1, v31  }
0x28b: {  	v63 =	vand.u32 $0x6F, v1;
	v46 =	vor.u32 v50, v40;
	v50 =	vld.idx.msk [tilespmem:v58+s3+$0x0], $0xffff;
	v58 =	vor.u32 s28, v31;
	[tilespmem:v60+s13+$0x0] =	vst.idx.msk $0xffff, v48  }
0x28c: {  	v2 =	vor.u32 v63, v39;
	v59 =	vld.idx.msk [tilespmem:v59+s3+$0x0], $0xffff;
	v60 =	vor.u32 s31, v31;
	[tilespmem:v52+s13+$0x0] =	vst.idx.msk $0xffff, v45  }
0x28d: {  	v45 =	vor.u32 s7, v35;
	[tilespmem:v49+s13+$0x0] =	vst.idx.msk $0xffff, v53;
	v49 =	vor.u32 v63, v36;
	v53 =	vld.idx.msk [tilespmem:v61+s3+$0x0], $0xffff  }
0x28e: {  	v1 =	vor.u32 s1, v18;
	v61 =	vor.u32 v63, v38;
	[tilespmem:v57+s13+$0x0] =	vst.idx.msk $0xffff, v56;
	v51 =	vld.idx.msk [tilespmem:v51+s3+$0x0], $0xffff;
	v57 =	vor.u32 s6, v35  }
0x28f: {  	v52 =	vand.u32 $0x7F, v1;
	v63 =	vor.u32 v63, v37;
	v56 =	vor.u32 s19, v20;
	v55 =	vld.idx.msk [tilespmem:v55+s3+$0x0], $0xffff;
	[tilespmem:v44+s13+$0x0] =	vst.idx.msk $0xffff, v54  }
0x290: {  	v44 =	vld.idx.msk [tilespmem:v46+s3+$0x0], $0xffff;
	v46 =	vor.u32 v52, v43;
	[tilespmem:v58+s13+$0x0] =	vst.idx.msk $0xffff, v50;
	v50 =	vor.u32 s30, v35  }
0x291: {  	v48 =	vld.idx.msk [tilespmem:v2+s3+$0x0], $0xffff;
	v54 =	vor.u32 v0, v42;
	[tilespmem:v60+s13+$0x0] =	vst.idx.msk $0xffff, v59;
	v60 =	vor.u32 s26, v35  }
0x292: {  	v2 =	vor.u32 s26, v29;
	v59 =	vor.u32 v0, v41;
	v49 =	vld.idx.msk [tilespmem:v49+s3+$0x0], $0xffff;
	[tilespmem:v45+s13+$0x0] =	vst.idx.msk $0xffff, v53;
	v45 =	vor.u32 s1, v35  }
0x293: {  	v58 =	vand.u32 $0x6F, v2;
	v0 =	vor.u32 v0, v40;
	v53 =	vld.idx.msk [tilespmem:v61+s3+$0x0], $0xffff;
	v61 =	vor.u32 s28, v35;
	[tilespmem:v57+s13+$0x0] =	vst.idx.msk $0xffff, v51  }
0x294: {  	[tilespmem:v56+s13+$0x0] =	vst.idx.msk $0xffff, v55;
	v55 =	vor.u32 v58, v39;
	v56 =	vld.idx.msk [tilespmem:v63+s3+$0x0], $0xffff;
	v63 =	vor.u32 s31, v35  }
0x295: {  	v1 =	vor.u32 s1, v26;
	v51 =	vor.u32 v58, v36;
	v57 =	vor.u32 s19, v24;
	v46 =	vld.idx.msk [tilespmem:v46+s3+$0x0], $0xffff;
	[tilespmem:v50+s13+$0x0] =	vst.idx.msk $0xffff, v44  }
0x296: {  	v44 =	vor.u32 v58, v38;
	v50 =	vld.idx.msk [tilespmem:v54+s3+$0x0], $0xffff;
	v54 =	vand.u32 $0x7F, v1;
	[tilespmem:v60+s13+$0x0] =	vst.idx.msk $0xffff, v48;
	v48 =	vor.u32 s7, v22  }
0x297: {  	v59 =	vld.idx.msk [tilespmem:v59+s3+$0x0], $0xffff;
	v60 =	vor.u32 v54, v43;
	[tilespmem:v45+s13+$0x0] =	vst.idx.msk $0xffff, v49;
	v45 =	vor.u32 s6, v22  }
0x298: {  	v58 =	vor.u32 v58, v37;
	v0 =	vld.idx.msk [tilespmem:v0+s3+$0x0], $0xffff;
	[tilespmem:v61+s13+$0x0] =	vst.idx.msk $0xffff, v53;
	v53 =	vor.u32 s30, v22  }
0x299: {  	v49 =	vor.u32 v47, v42;
	v55 =	vld.idx.msk [tilespmem:v55+s3+$0x0], $0xffff;
	[tilespmem:v63+s13+$0x0] =	vst.idx.msk $0xffff, v56;
	v63 =	vor.u32 s26, v22  }
0x29a: {  	v51 =	vld.idx.msk [tilespmem:v51+s3+$0x0], $0xffff;
	[tilespmem:v57+s13+$0x0] =	vst.idx.msk $0xffff, v46;
	v46 =	vor.u32 s1, v22  }
0x29b: {  	v2 =	vor.u32 s26, v17;
	v56 =	vor.u32 v47, v41;
	v44 =	vld.idx.msk [tilespmem:v44+s3+$0x0], $0xffff;
	v57 =	vor.u32 s28, v22;
	[tilespmem:v48+s13+$0x0] =	vst.idx.msk $0xffff, v50  }
0x29c: {  	v61 =	vand.u32 $0x6F, v2;
	v47 =	vor.u32 v47, v40;
	v60 =	vld.idx.msk [tilespmem:v60+s3+$0x0], $0xffff;
	[tilespmem:v45+s13+$0x0] =	vst.idx.msk $0xffff, v59;
	v59 =	vor.u32 s19, v32  }
0x29d: {  	v48 =	vor.u32 v61, v39;
	v58 =	vld.idx.msk [tilespmem:v58+s3+$0x0], $0xffff;
	[tilespmem:v53+s13+$0x0] =	vst.idx.msk $0xffff, v0;
	v0 =	vor.u32 s31, v22  }
0x29e: {  	v45 =	vor.u32 v61, v36;
	v49 =	vld.idx.msk [tilespmem:v49+s3+$0x0], $0xffff;
	[tilespmem:v63+s13+$0x0] =	vst.idx.msk $0xffff, v55;
	v55 =	vor.u32 s7, v20  }
0x29f: {  	[tilespmem:v46+s13+$0x0] =	vst.idx.msk $0xffff, v51  }
0x2a0: {  	v53 =	vor.u32 v61, v38;
	v56 =	vld.idx.msk [tilespmem:v56+s3+$0x0], $0xffff;
	v46 =	vor.u32 s6, v20;
	[tilespmem:v57+s13+$0x0] =	vst.idx.msk $0xffff, v44  }
0x2a1: {  	v1 =	vor.u32 s1, v3;
	v61 =	vor.u32 v61, v37;
	v47 =	vld.idx.msk [tilespmem:v47+s3+$0x0], $0xffff;
	v44 =	vor.u32 s30, v20;
	[tilespmem:v59+s13+$0x0] =	vst.idx.msk $0xffff, v60  }
0x2a2: {  	v2 =	vor.u32 s26, v18;
	v51 =	vor.u32 v52, v42;
	v48 =	vld.idx.msk [tilespmem:v48+s3+$0x0], $0xffff;
	v60 =	vor.u32 s26, v20;
	[tilespmem:v0+s13+$0x0] =	vst.idx.msk $0xffff, v58  }
0x2a3: {  	v50 =	vand.u32 $0x7F, v1;
	v57 =	vor.u32 s1, v20;
	v59 =	vor.u32 v52, v41;
	v45 =	vld.idx.msk [tilespmem:v45+s3+$0x0], $0xffff;
	[tilespmem:v55+s13+$0x0] =	vst.idx.msk $0xffff, v49  }
0x2a4: {  	v43 =	vor.u32 v50, v43;
	v63 =	vand.u32 $0x6F, v2;
	v1 =	vld [tilespmem:$0x1FCF0]  }
0x2a5: {  	v53 =	vld.idx.msk [tilespmem:v53+s3+$0x0], $0xffff;
	v49 =	vor.u32 v63, v39;
	[tilespmem:v46+s13+$0x0] =	vst.idx.msk $0xffff, v56;
	v46 =	vor.u32 s28, v20  }
0x2a6: {  	v58 =	vld.idx.msk [tilespmem:v61+s3+$0x0], $0xffff;
	v56 =	vor.u32 v63, v36;
	[tilespmem:v44+s13+$0x0] =	vst.idx.msk $0xffff, v47;
	v44 =	vor.u32 s31, v20  }
0x2a7: {  	v47 =	vor.u32 v63, v38;
	v51 =	vld.idx.msk [tilespmem:v51+s3+$0x0], $0xffff;
	[tilespmem:v60+s13+$0x0] =	vst.idx.msk $0xffff, v48;
	v48 =	vor.u32 s7, v24  }
0x2a8: {  	v0 =	vor.u32 v63, v37;
	v59 =	vld.idx.msk [tilespmem:v59+s3+$0x0], $0xffff;
	[tilespmem:v57+s13+$0x0] =	vst.idx.msk $0xffff, v45;
	v45 =	vor.u32 s6, v24  }
0x2a9: {  	v52 =	vor.u32 v52, v40;
	v43 =	vld.idx.msk [tilespmem:v43+s3+$0x0], $0xffff;
	v55 =	vor.u32 s19, v1  }
0x2aa: {  	v2 =	vor.u32 s26, v26;
	v49 =	vld.idx.msk [tilespmem:v49+s3+$0x0], $0xffff;
	[tilespmem:v46+s13+$0x0] =	vst.idx.msk $0xffff, v53;
	v53 =	vor.u32 s26, v24  }
0x2ab: {  	v61 =	vor.u32 s1, v24;
	v60 =	vor.u32 v54, v42;
	v46 =	vand.u32 $0x6F, v2;
	v56 =	vld.idx.msk [tilespmem:v56+s3+$0x0], $0xffff;
	[tilespmem:v44+s13+$0x0] =	vst.idx.msk $0xffff, v58  }
0x2ac: {  	v62 =	vor.u32 s28, v24;
	v57 =	vor.u32 v46, v39;
	v47 =	vld.idx.msk [tilespmem:v47+s3+$0x0], $0xffff;
	[tilespmem:v48+s13+$0x0] =	vst.idx.msk $0xffff, v51  }
0x2ad: {  	v63 =	vor.u32 v46, v36;
	v0 =	vld.idx.msk [tilespmem:v0+s3+$0x0], $0xffff;
	[tilespmem:v45+s13+$0x0] =	vst.idx.msk $0xffff, v59;
	v45 =	vor.u32 s31, v24  }
0x2ae: {  	v52 =	vld.idx.msk [tilespmem:v52+s3+$0x0], $0xffff;
	[tilespmem:v55+s13+$0x0] =	vst.idx.msk $0xffff, v43;
	v55 =	vor.u32 s30, v24  }
0x2af: {  	v58 =	vor.u32 v46, v38;
	v43 =	vor.u32 v54, v41;
	[tilespmem:v53+s13+$0x0] =	vst.idx.msk $0xffff, v49  }
0x2b0: {  	v46 =	vor.u32 v46, v37;
	v59 =	vld.idx.msk [tilespmem:v60+s3+$0x0], $0xffff;
	v54 =	vor.u32 v54, v40;
	[tilespmem:v61+s13+$0x0] =	vst.idx.msk $0xffff, v56  }
0x2b1: {  	v2 =	vor.u32 s26, v3;
	v56 =	vld.idx.msk [tilespmem:v57+s3+$0x0], $0xffff;
	[tilespmem:v62+s13+$0x0] =	vst.idx.msk $0xffff, v47;
	v57 =	vor.u32 v50, v40;
	v40 =	vor.u32 s26, v32  }
0x2b2: {  	v47 =	vand.u32 $0x6F, v2;
	v60 =	vld.idx.msk [tilespmem:v63+s3+$0x0], $0xffff;
	[tilespmem:v45+s13+$0x0] =	vst.idx.msk $0xffff, v0;
	v0 =	vor.u32 s1, v32  }
0x2b3: {  	v3 =	vor.u32 v47, v39;
	[tilespmem:v55+s13+$0x0] =	vst.idx.msk $0xffff, v52;
	v55 =	vor.u32 s7, v32  }
0x2b4: {  	v42 =	vor.u32 v50, v42;
	v49 =	vor.u32 s6, v32;
	v43 =	vld.idx.msk [tilespmem:v43+s3+$0x0], $0xffff  }
0x2b5: {  	v41 =	vor.u32 v50, v41;
	v53 =	vld.idx.msk [tilespmem:v54+s3+$0x0], $0xffff;
	v54 =	vor.u32 s30, v32  }
0x2b6: {  	v48 =	vld.idx.msk [tilespmem:v46+s3+$0x0], $0xffff;
	[tilespmem:v40+s13+$0x0] =	vst.idx.msk $0xffff, v56  }
0x2b7: {  	v15 =	vor.u32 s1, v1;
	v39 =	vor.u32 v47, v36;
	v52 =	vld.idx.msk [tilespmem:v58+s3+$0x0], $0xffff;
	[tilespmem:v0+s13+$0x0] =	vst.idx.msk $0xffff, v60  }
0x2b8: {  	v38 =	vor.u32 v47, v38;
	v36 =	vor.u32 v47, v37;
	v47 =	vld.idx.msk [tilespmem:v3+s3+$0x0], $0xffff;
	[tilespmem:v55+s13+$0x0] =	vst.idx.msk $0xffff, v59  }
0x2b9: {  	v44 =	vor.u32 s31, v1;
	v37 =	vor.u32 s30, v1;
	[tilespmem:v49+s13+$0x0] =	vst.idx.msk $0xffff, v43;
	v42 =	vld.idx.msk [tilespmem:v42+s3+$0x0], $0xffff  }
0x2ba: {  	v51 =	vor.u32 s28, v32;
	v46 =	vor.u32 s28, v1;
	v40 =	vor.u32 s6, v1;
	[tilespmem:v54+s13+$0x0] =	vst.idx.msk $0xffff, v53;
	v50 =	vld.idx.msk [tilespmem:v41+s3+$0x0], $0xffff  }
0x2bb: {  	s29 =	simm.s32 $0x0;
	v43 =	vor.u32 s31, v32;
	v49 =	vor.u32 s26, v1;
	v41 =	vor.u32 s7, v1;
	v53 =	vld.idx.msk [tilespmem:v57+s3+$0x0], $0xffff  }
.LBB2_3:
0x2bc: {  	_ =	sdelay $0x2  }
0x2bd: {  	v1 =	vld [tilespmem:$0x1FA30];
	[tilespmem:v51+s13+$0x0] =	vst.idx.msk $0xffff, v52  }
0x2be: {  	v0 =	vmov s28;
	v54 =	vor.u32 s28, v9;
	s30 =	sadd.s32 $0x10, s28;
	[tilespmem:v43+s13+$0x0] =	vst.idx.msk $0xffff, v48  }
0x2bf: {  	v2 =	vld [tilespmem:$0x1FA40];
	v0 =	vshll.u32 v0, $0x3;
	v62 =	vmov s30;
	v3 =	vor.u32 s30, v9;
	[tilespmem:v41+s13+$0x0] =	vst.idx.msk $0xffff, v42  }
0x2c0: {  	v56 =	vld.idx.msk [tilespmem:v39+s3+$0x0], $0xffff;
	v0 =	vand.u32 $0xC00, v0;
	v63 =	vshll.u32 v62, $0x3;
	v32 =	vand.u32 $0x7F, v3;
	[tilespmem:v40+s13+$0x0] =	vst.idx.msk $0xffff, v50  }
0x2c1: {  	v51 =	vand.u32 $0x6F, v54;
	[tilespmem:v37+s13+$0x0] =	vst.idx.msk $0xffff, v53;
	v39 =	vadd.s32 v8, v0;
	v52 =	vld.idx.msk [tilespmem:v38+s3+$0x0], $0xffff;
	v38 =	vand.u32 $0x7FFFFC00, v63  }
0x2c2: {  	v54 =	vld.idx.msk [tilespmem:v36+s3+$0x0], $0xffff;
	v36 =	vadd.s32 v1, v0;
	v58 =	vor.u32 v51, v39;
	v42 =	vadd.s32 v1, v38  }
0x2c3: {  	v43 =	vadd.s32 v12, v38;
	v41 =	vadd.s32 v8, v38;
	v57 =	vor.u32 v51, v36  }
0x2c4: {  	v40 =	vadd.s32 v10, v38;
	v38 =	vadd.s32 v10, v0;
	v45 =	vor.u32 v32, v43  }
0x2c5: {  	v4 =	vld [tilespmem:$0x1FA60];
	[tilespmem:v49+s13+$0x0] =	vst.idx.msk $0xffff, v47;
	v59 =	vor.u32 v51, v38  }
0x2c6: {  	v24 =	vld [tilespmem:$0x1FA70];
	s26 =	sadd.s32 $0x800, s26;
	v37 =	vadd.s32 v12, v0;
	v55 =	vor.u32 s28, v2;
	[tilespmem:v15+s13+$0x0] =	vst.idx.msk $0xffff, v56;
	v0 =	vor.u32 v32, v42  }
0x2c7: {  	s6 =	sadd.s32 $0x10, s26;
	v48 =	vand.u32 $0x6F, v55;
	v55 =	vor.u32 v32, v41;
	[tilespmem:v44+s13+$0x0] =	vst.idx.msk $0xffff, v54;
	v44 =	vld.idx.msk [tilespmem:v58+s3+$0x0], $0xffff  }
0x2c8: {  	s1 =	sadd.s32 $0x430, s26;
	v47 =	vor.u32 s6, v11;
	v50 =	vor.u32 v32, v40;
	v57 =	vld.idx.msk [tilespmem:v57+s3+$0x0], $0xffff  }
0x2c9: {  	s31 =	sadd.s32 $0x20, s26;
	v2 =	vor.u32 s30, v2;
	v51 =	vor.u32 v51, v37;
	v32 =	vor.u32 s1, v11;
	[tilespmem:v46+s13+$0x0] =	vst.idx.msk $0xffff, v52;
	v53 =	vld.idx.msk [tilespmem:v45+s3+$0x0], $0xffff  }
0x2ca: {  	s7 =	sadd.s32 $0x400, s26;
	v2 =	vand.u32 $0x7F, v2;
	v61 =	vor.u32 v48, v39;
	v45 =	vor.u32 s31, v11;
	v59 =	vld.idx.msk [tilespmem:v59+s3+$0x0], $0xffff  }
0x2cb: {  	s2 =	sadd.s32 $0x410, s26;
	s8 =	sadd.s32 $0x420, s26;
	v3 =	vor.u32 v2, v43;
	v46 =	vor.u32 s7, v11;
	v0 =	vld.idx.msk [tilespmem:v0+s3+$0x0], $0xffff  }
0x2cc: {  	s19 =	sadd.s32 $0x30, s26;
	v5 =	vor.u32 s8, v11;
	v7 =	vor.u32 v2, v42;
	v52 =	vld.idx.msk [tilespmem:v55+s3+$0x0], $0xffff;
	v55 =	vor.u32 s2, v11  }
0x2cd: {  	v63 =	vor.u32 s26, v11;
	v56 =	vor.u32 s19, v11;
	v9 =	vor.u32 v2, v41;
	v50 =	vld.idx.msk [tilespmem:v50+s3+$0x0], $0xffff;
	[tilespmem:v47+s13+$0x0] =	vst.idx.msk $0xffff, v44  }
0x2ce: {  	v60 =	vor.u32 v48, v36;
	v2 =	vor.u32 v2, v40;
	v51 =	vld.idx.msk [tilespmem:v51+s3+$0x0], $0xffff;
	[tilespmem:v32+s13+$0x0] =	vst.idx.msk $0xffff, v53  }
0x2cf: {  	v62 =	vor.u32 v48, v38;
	v48 =	vor.u32 v48, v37;
	[tilespmem:v45+s13+$0x0] =	vst.idx.msk $0xffff, v59;
	v59 =	vld.idx.msk [tilespmem:v61+s3+$0x0], $0xffff  }
0x2d0: {  	v49 =	vor.u32 s7, v30;
	v14 =	vor.u32 s2, v30;
	[tilespmem:v46+s13+$0x0] =	vst.idx.msk $0xffff, v0;
	v3 =	vld.idx.msk [tilespmem:v3+s3+$0x0], $0xffff  }
0x2d1: {  	v12 =	vor.u32 s6, v30;
	v11 =	vor.u32 s28, v28;
	[tilespmem:v55+s13+$0x0] =	vst.idx.msk $0xffff, v52;
	v7 =	vld.idx.msk [tilespmem:v7+s3+$0x0], $0xffff  }
0x2d2: {  	v11 =	vand.u32 $0x6F, v11;
	v32 =	vor.u32 s30, v28;
	v53 =	vor.u32 s1, v30;
	[tilespmem:v5+s13+$0x0] =	vst.idx.msk $0xffff, v50;
	v9 =	vld.idx.msk [tilespmem:v9+s3+$0x0], $0xffff  }
0x2d3: {  	v16 =	vor.u32 s26, v30;
	v44 =	vor.u32 v11, v39;
	[tilespmem:v56+s13+$0x0] =	vst.idx.msk $0xffff, v51;
	v32 =	vand.u32 $0x7F, v32;
	v2 =	vld.idx.msk [tilespmem:v2+s3+$0x0], $0xffff  }
0x2d4: {  	v18 =	vor.u32 s28, v21;
	[tilespmem:v63+s13+$0x0] =	vst.idx.msk $0xffff, v57;
	v46 =	vor.u32 s8, v30;
	v48 =	vld.idx.msk [tilespmem:v48+s3+$0x0], $0xffff;
	v52 =	vor.u32 v32, v43  }
0x2d5: {  	v55 =	vor.u32 v32, v42;
	v20 =	vor.u32 v32, v41;
	v0 =	vor.u32 v32, v40;
	v32 =	vld.idx.msk [tilespmem:v60+s3+$0x0], $0xffff  }
0x2d6: {  	v1 =	vor.u32 s30, v21;
	v58 =	vor.u32 s19, v30;
	v60 =	vld.idx.msk [tilespmem:v62+s3+$0x0], $0xffff;
	[tilespmem:v12+s13+$0x0] =	vst.idx.msk $0xffff, v59  }
0x2d7: {  	v54 =	vor.u32 s31, v30;
	v47 =	vor.u32 v11, v38;
	[tilespmem:v53+s13+$0x0] =	vst.idx.msk $0xffff, v3;
	v53 =	vand.u32 $0x7F, v1;
	v1 =	vld [tilespmem:$0x1FA50]  }
0x2d8: {  	v5 =	vor.u32 v11, v36;
	v11 =	vor.u32 v11, v37;
	[tilespmem:v49+s13+$0x0] =	vst.idx.msk $0xffff, v7;
	v44 =	vld.idx.msk [tilespmem:v44+s3+$0x0], $0xffff  }
0x2d9: {  	v57 =	vor.u32 s6, v34;
	v45 =	vor.u32 s31, v34;
	[tilespmem:v14+s13+$0x0] =	vst.idx.msk $0xffff, v9;
	v52 =	vld.idx.msk [tilespmem:v52+s3+$0x0], $0xffff  }
0x2da: {  	v18 =	vand.u32 $0x6F, v18;
	v51 =	vor.u32 s19, v34;
	v56 =	vor.u32 s1, v34;
	[tilespmem:v46+s13+$0x0] =	vst.idx.msk $0xffff, v2;
	v14 =	vld.idx.msk [tilespmem:v55+s3+$0x0], $0xffff  }
0x2db: {  	v62 =	vor.u32 s26, v34;
	v3 =	vor.u32 v18, v36;
	v7 =	vor.u32 s7, v34;
	[tilespmem:v58+s13+$0x0] =	vst.idx.msk $0xffff, v48;
	v20 =	vld.idx.msk [tilespmem:v20+s3+$0x0], $0xffff  }
0x2dc: {  	v49 =	vor.u32 s2, v34;
	v9 =	vor.u32 s8, v34;
	[tilespmem:v16+s13+$0x0] =	vst.idx.msk $0xffff, v32;
	v16 =	vor.u32 v18, v39;
	v0 =	vld.idx.msk [tilespmem:v0+s3+$0x0], $0xffff  }
0x2dd: {  	v46 =	vor.u32 v18, v38;
	v61 =	vor.u32 v53, v43;
	[tilespmem:v54+s13+$0x0] =	vst.idx.msk $0xffff, v60;
	v11 =	vld.idx.msk [tilespmem:v11+s3+$0x0], $0xffff  }
0x2de: {  	v34 =	vor.u32 s30, v4;
	v63 =	vor.u32 v53, v42;
	v32 =	vor.u32 s28, v4;
	v4 =	vld [tilespmem:$0x1FC70];
	[tilespmem:v57+s13+$0x0] =	vst.idx.msk $0xffff, v44  }
0x2df: {  	v55 =	vor.u32 v53, v41;
	v2 =	vor.u32 v53, v40;
	v5 =	vld.idx.msk [tilespmem:v5+s3+$0x0], $0xffff;
	[tilespmem:v56+s13+$0x0] =	vst.idx.msk $0xffff, v52  }
0x2e0: {  	v18 =	vor.u32 v18, v37;
	v50 =	vand.u32 $0x6F, v32;
	v47 =	vld.idx.msk [tilespmem:v47+s3+$0x0], $0xffff;
	[tilespmem:v7+s13+$0x0] =	vst.idx.msk $0xffff, v14  }
0x2e1: {  	v22 =	vor.u32 v50, v39;
	v53 =	vor.u32 s6, v1;
	[tilespmem:v49+s13+$0x0] =	vst.idx.msk $0xffff, v20;
	v16 =	vld.idx.msk [tilespmem:v16+s3+$0x0], $0xffff  }
0x2e2: {  	v32 =	vor.u32 s1, v1;
	v52 =	vand.u32 $0x7F, v34;
	[tilespmem:v9+s13+$0x0] =	vst.idx.msk $0xffff, v0;
	v0 =	vor.u32 v50, v38;
	v56 =	vld.idx.msk [tilespmem:v61+s3+$0x0], $0xffff  }
0x2e3: {  	v9 =	vor.u32 v50, v37;
	v34 =	vor.u32 v52, v43;
	v7 =	vor.u32 v52, v42;
	v63 =	vld.idx.msk [tilespmem:v63+s3+$0x0], $0xffff  }
0x2e4: {  	v20 =	vor.u32 v52, v41;
	v49 =	vor.u32 v52, v40;
	v52 =	vor.u32 v50, v36;
	v50 =	vld.idx.msk [tilespmem:v55+s3+$0x0], $0xffff  }
0x2e5: {  	v48 =	vor.u32 s7, v1;
	[tilespmem:v51+s13+$0x0] =	vst.idx.msk $0xffff, v11;
	v2 =	vld.idx.msk [tilespmem:v2+s3+$0x0], $0xffff  }
0x2e6: {  	v58 =	vor.u32 s2, v1;
	[tilespmem:v62+s13+$0x0] =	vst.idx.msk $0xffff, v5;
	v18 =	vld.idx.msk [tilespmem:v18+s3+$0x0], $0xffff  }
0x2e7: {  	v14 =	vor.u32 s8, v1;
	[tilespmem:v45+s13+$0x0] =	vst.idx.msk $0xffff, v47;
	v3 =	vld.idx.msk [tilespmem:v3+s3+$0x0], $0xffff  }
0x2e8: {  	v54 =	vor.u32 s19, v1;
	v46 =	vld.idx.msk [tilespmem:v46+s3+$0x0], $0xffff;
	[tilespmem:v53+s13+$0x0] =	vst.idx.msk $0xffff, v16  }
0x2e9: {  	v61 =	vor.u32 s26, v1;
	[tilespmem:v32+s13+$0x0] =	vst.idx.msk $0xffff, v56;
	v22 =	vld.idx.msk [tilespmem:v22+s3+$0x0], $0xffff  }
0x2ea: {  	v12 =	vor.u32 s31, v1;
	v32 =	vor.u32 s1, v24;
	[tilespmem:v48+s13+$0x0] =	vst.idx.msk $0xffff, v63;
	v59 =	vld.idx.msk [tilespmem:v34+s3+$0x0], $0xffff  }
0x2eb: {  	v57 =	vor.u32 s6, v24;
	v5 =	vor.u32 s28, v23;
	[tilespmem:v58+s13+$0x0] =	vst.idx.msk $0xffff, v50;
	v7 =	vld.idx.msk [tilespmem:v7+s3+$0x0], $0xffff  }
0x2ec: {  	v11 =	vor.u32 s19, v24;
	v1 =	vor.u32 s30, v23;
	v5 =	vand.u32 $0x6F, v5;
	[tilespmem:v14+s13+$0x0] =	vst.idx.msk $0xffff, v2;
	v14 =	vld.idx.msk [tilespmem:v20+s3+$0x0], $0xffff  }
0x2ed: {  	v51 =	vor.u32 s7, v24;
	v44 =	vand.u32 $0x7F, v1;
	v58 =	vor.u32 v5, v39;
	[tilespmem:v54+s13+$0x0] =	vst.idx.msk $0xffff, v18;
	v47 =	vld.idx.msk [tilespmem:v49+s3+$0x0], $0xffff  }
0x2ee: {  	v55 =	vor.u32 s28, v25;
	v48 =	vor.u32 s2, v24;
	v34 =	vor.u32 v44, v43;
	[tilespmem:v61+s13+$0x0] =	vst.idx.msk $0xffff, v3;
	v9 =	vld.idx.msk [tilespmem:v9+s3+$0x0], $0xffff  }
0x2ef: {  	v60 =	vor.u32 v44, v42;
	v62 =	vor.u32 v44, v41;
	v63 =	vor.u32 s8, v24;
	[tilespmem:v32+s13+$0x0] =	vst.idx.msk $0xffff, v59;
	v32 =	vld [tilespmem:$0x1FA20]  }
0x2f0: {  	v45 =	vor.u32 s31, v24;
	v24 =	vor.u32 s26, v24;
	v44 =	vor.u32 v44, v40;
	[tilespmem:v12+s13+$0x0] =	vst.idx.msk $0xffff, v46;
	v52 =	vld.idx.msk [tilespmem:v52+s3+$0x0], $0xffff  }
0x2f1: {  	v26 =	vor.u32 s30, v25;
	v55 =	vand.u32 $0x6F, v55;
	v50 =	vor.u32 v5, v36;
	v0 =	vld.idx.msk [tilespmem:v0+s3+$0x0], $0xffff;
	[tilespmem:v57+s13+$0x0] =	vst.idx.msk $0xffff, v22  }
0x2f2: {  	v28 =	vor.u32 v55, v36;
	v3 =	vor.u32 v5, v37;
	[tilespmem:v51+s13+$0x0] =	vst.idx.msk $0xffff, v7;
	v58 =	vld.idx.msk [tilespmem:v58+s3+$0x0], $0xffff  }
0x2f3: {  	v59 =	vor.u32 v5, v38;
	v5 =	vand.u32 $0x7F, v26;
	[tilespmem:v48+s13+$0x0] =	vst.idx.msk $0xffff, v14;
	v34 =	vld.idx.msk [tilespmem:v34+s3+$0x0], $0xffff  }
0x2f4: {  	[tilespmem:v63+s13+$0x0] =	vst.idx.msk $0xffff, v47;
	v49 =	vor.u32 v5, v43;
	v48 =	vld.idx.msk [tilespmem:v60+s3+$0x0], $0xffff;
	v20 =	vor.u32 s1, v32  }
0x2f5: {  	v46 =	vor.u32 v5, v42;
	[tilespmem:v24+s13+$0x0] =	vst.idx.msk $0xffff, v52;
	v44 =	vld.idx.msk [tilespmem:v44+s3+$0x0], $0xffff;
	v12 =	vor.u32 s7, v32  }
0x2f6: {  	v50 =	vld.idx.msk [tilespmem:v50+s3+$0x0], $0xffff;
	v56 =	vor.u32 s6, v32;
	v16 =	vor.u32 s31, v32;
	v54 =	vor.u32 s8, v32  }
0x2f7: {  	[tilespmem:v11+s13+$0x0] =	vst.idx.msk $0xffff, v9;
	v26 =	vor.u32 s19, v32;
	v53 =	vor.u32 s2, v32;
	v61 =	vor.u32 s26, v32;
	v32 =	vld [tilespmem:$0x1FF20]  }
0x2f8: {  	v18 =	vor.u32 v5, v41;
	v5 =	vor.u32 v5, v40;
	[tilespmem:v45+s13+$0x0] =	vst.idx.msk $0xffff, v0;
	v3 =	vld.idx.msk [tilespmem:v3+s3+$0x0], $0xffff  }
0x2f9: {  	v30 =	vor.u32 s26, v13;
	v22 =	vor.u32 s19, v13;
	v7 =	vor.u32 v55, v39;
	v59 =	vld.idx.msk [tilespmem:v59+s3+$0x0], $0xffff;
	[tilespmem:v20+s13+$0x0] =	vst.idx.msk $0xffff, v34  }
0x2fa: {  	v51 =	vor.u32 v55, v38;
	v20 =	vor.u32 v55, v37;
	v55 =	vld.idx.msk [tilespmem:v62+s3+$0x0], $0xffff;
	[tilespmem:v12+s13+$0x0] =	vst.idx.msk $0xffff, v48  }
0x2fb: {  	v57 =	vor.u32 s7, v13;
	v47 =	vor.u32 s1, v13;
	[tilespmem:v54+s13+$0x0] =	vst.idx.msk $0xffff, v44;
	v14 =	vld.idx.msk [tilespmem:v49+s3+$0x0], $0xffff  }
0x2fc: {  	v34 =	vor.u32 s28, v32;
	v32 =	vor.u32 s30, v32;
	[tilespmem:v61+s13+$0x0] =	vst.idx.msk $0xffff, v50;
	v46 =	vld.idx.msk [tilespmem:v46+s3+$0x0], $0xffff  }
0x2fd: {  	v63 =	vor.u32 s8, v13;
	v24 =	vor.u32 s6, v13;
	[tilespmem:v56+s13+$0x0] =	vst.idx.msk $0xffff, v58;
	v49 =	vand.u32 $0x7F, v32;
	v5 =	vld.idx.msk [tilespmem:v5+s3+$0x0], $0xffff  }
0x2fe: {  	v0 =	vor.u32 s2, v13;
	[tilespmem:v16+s13+$0x0] =	vst.idx.msk $0xffff, v59;
	v2 =	vand.u32 $0x6F, v34;
	v28 =	vld.idx.msk [tilespmem:v28+s3+$0x0], $0xffff;
	v60 =	vor.u32 v49, v43  }
0x2ff: {  	[tilespmem:v26+s13+$0x0] =	vst.idx.msk $0xffff, v3;
	v32 =	vor.u32 s28, v6;
	v34 =	vld [tilespmem:$0x1FC60];
	v62 =	vor.u32 v49, v42;
	v45 =	vor.u32 v49, v41  }
0x300: {  	v7 =	vld.idx.msk [tilespmem:v7+s3+$0x0], $0xffff;
	v9 =	vor.u32 v49, v40;
	v11 =	vor.u32 v2, v36;
	[tilespmem:v53+s13+$0x0] =	vst.idx.msk $0xffff, v55  }
0x301: {  	v12 =	vor.u32 s30, v6;
	v49 =	vor.u32 v2, v39;
	v20 =	vld.idx.msk [tilespmem:v20+s3+$0x0], $0xffff;
	[tilespmem:v47+s13+$0x0] =	vst.idx.msk $0xffff, v14;
	v14 =	vand.u32 $0x6F, v32  }
0x302: {  	v32 =	vor.u32 v2, v38;
	v2 =	vor.u32 v2, v37;
	v18 =	vld.idx.msk [tilespmem:v18+s3+$0x0], $0xffff;
	[tilespmem:v57+s13+$0x0] =	vst.idx.msk $0xffff, v46  }
0x303: {  	v48 =	vor.u32 s1, v33;
	v50 =	vor.u32 s19, v33;
	v12 =	vand.u32 $0x7F, v12;
	[tilespmem:v63+s13+$0x0] =	vst.idx.msk $0xffff, v5;
	v47 =	vld.idx.msk [tilespmem:v60+s3+$0x0], $0xffff  }
0x304: {  	v54 =	vor.u32 s7, v33;
	v56 =	vor.u32 s2, v33;
	v44 =	vor.u32 v12, v43;
	[tilespmem:v30+s13+$0x0] =	vst.idx.msk $0xffff, v28  }
0x305: {  	v61 =	vor.u32 s8, v33;
	v53 =	vor.u32 s6, v33;
	[tilespmem:v24+s13+$0x0] =	vst.idx.msk $0xffff, v7;
	v7 =	vld.idx.msk [tilespmem:v9+s3+$0x0], $0xffff  }
0x306: {  	v58 =	vor.u32 v12, v41;
	v55 =	vor.u32 s31, v33;
	v33 =	vor.u32 s26, v34;
	v9 =	vld.idx.msk [tilespmem:v11+s3+$0x0], $0xffff;
	[tilespmem:v22+s13+$0x0] =	vst.idx.msk $0xffff, v20  }
0x307: {  	v46 =	vor.u32 s1, v4;
	v57 =	vor.u32 s31, v4;
	v16 =	vor.u32 v14, v36;
	[tilespmem:v0+s13+$0x0] =	vst.idx.msk $0xffff, v18;
	v2 =	vld.idx.msk [tilespmem:v2+s3+$0x0], $0xffff  }
0x308: {  	v60 =	vor.u32 v12, v42;
	v12 =	vor.u32 v12, v40;
	[tilespmem:v48+s13+$0x0] =	vst.idx.msk $0xffff, v47;
	v5 =	vld.idx.msk [tilespmem:v45+s3+$0x0], $0xffff  }
0x309: {  	v59 =	vor.u32 v14, v39;
	v47 =	vor.u32 v14, v38;
	v14 =	vor.u32 v14, v37;
	v26 =	vld.idx.msk [tilespmem:v44+s3+$0x0], $0xffff  }
0x30a: {  	v28 =	vor.u32 s2, v4;
	v48 =	vor.u32 s30, v19;
	[tilespmem:v61+s13+$0x0] =	vst.idx.msk $0xffff, v7;
	v44 =	vld.idx.msk [tilespmem:v51+s3+$0x0], $0xffff  }
0x30b: {  	v63 =	vor.u32 s8, v4;
	v18 =	vor.u32 s19, v4;
	[tilespmem:v33+s13+$0x0] =	vst.idx.msk $0xffff, v9;
	v3 =	vand.u32 $0x7F, v48;
	v51 =	vld.idx.msk [tilespmem:v62+s3+$0x0], $0xffff  }
0x30c: {  	v48 =	vor.u32 s6, v4;
	v62 =	vor.u32 s7, v4;
	v4 =	vor.u32 s26, v4;
	v16 =	vld.idx.msk [tilespmem:v16+s3+$0x0], $0xffff  }
0x30d: {  	v52 =	vor.u32 s31, v13;
	v12 =	vld.idx.msk [tilespmem:v12+s3+$0x0], $0xffff;
	v0 =	vor.u32 v3, v43;
	[tilespmem:v50+s13+$0x0] =	vst.idx.msk $0xffff, v2  }
0x30e: {  	v1 =	vor.u32 s28, v19;
	v45 =	vor.u32 s28, v27;
	[tilespmem:v56+s13+$0x0] =	vst.idx.msk $0xffff, v5;
	v14 =	vld.idx.msk [tilespmem:v14+s3+$0x0], $0xffff  }
0x30f: {  	v34 =	vand.u32 $0x6F, v1;
	v1 =	vor.u32 v3, v42;
	[tilespmem:v46+s13+$0x0] =	vst.idx.msk $0xffff, v26;
	v26 =	vand.u32 $0x6F, v45;
	v45 =	vld.idx.msk [tilespmem:v49+s3+$0x0], $0xffff  }
0x310: {  	v30 =	vor.u32 v3, v41;
	v3 =	vor.u32 v3, v40;
	v50 =	vor.u32 s28, v17;
	v46 =	vld.idx.msk [tilespmem:v58+s3+$0x0], $0xffff  }
0x311: {  	v11 =	vor.u32 v34, v36;
	[tilespmem:v4+s13+$0x0] =	vst.idx.msk $0xffff, v16;
	v4 =	vand.u32 $0x6F, v50;
	v50 =	vor.u32 s30, v17;
	v17 =	vld [tilespmem:$0x1FCA0]  }
0x312: {  	v20 =	vor.u32 v34, v37;
	[tilespmem:v52+s13+$0x0] =	vst.idx.msk $0xffff, v44;
	v52 =	vor.u32 s30, v27;
	v0 =	vld.idx.msk [tilespmem:v0+s3+$0x0], $0xffff  }
0x313: {  	v49 =	vor.u32 s1, v31;
	[tilespmem:v54+s13+$0x0] =	vst.idx.msk $0xffff, v51;
	v22 =	vand.u32 $0x7F, v52;
	v32 =	vld.idx.msk [tilespmem:v32+s3+$0x0], $0xffff  }
0x314: {  	[tilespmem:v63+s13+$0x0] =	vst.idx.msk $0xffff, v12;
	v5 =	vld.idx.msk [tilespmem:v60+s3+$0x0], $0xffff;
	v44 =	vor.u32 v22, v43  }
0x315: {  	v21 =	vmov v6;
	v24 =	vor.u32 v34, v39;
	v3 =	vld.idx.msk [tilespmem:v3+s3+$0x0], $0xffff;
	[tilespmem:v18+s13+$0x0] =	vst.idx.msk $0xffff, v14  }
0x316: {  	v6 =	vor.u32 v34, v38;
	v34 =	vor.u32 s1, v35;
	v9 =	vor.u32 s26, v31;
	v11 =	vld.idx.msk [tilespmem:v11+s3+$0x0], $0xffff;
	[tilespmem:v53+s13+$0x0] =	vst.idx.msk $0xffff, v45  }
0x317: {  	v56 =	vor.u32 s2, v31;
	v52 =	vor.u32 s19, v31;
	v58 =	vor.u32 v26, v36;
	[tilespmem:v28+s13+$0x0] =	vst.idx.msk $0xffff, v46;
	v20 =	vld.idx.msk [tilespmem:v20+s3+$0x0], $0xffff  }
0x318: {  	v61 =	vor.u32 v26, v39;
	v33 =	vor.u32 v26, v38;
	[tilespmem:v49+s13+$0x0] =	vst.idx.msk $0xffff, v0;
	v30 =	vld.idx.msk [tilespmem:v30+s3+$0x0], $0xffff  }
0x319: {  	v54 =	vor.u32 s7, v31;
	v26 =	vor.u32 v26, v37;
	v49 =	vor.u32 s30, v29;
	[tilespmem:v55+s13+$0x0] =	vst.idx.msk $0xffff, v32;
	v44 =	vld.idx.msk [tilespmem:v44+s3+$0x0], $0xffff  }
0x31a: {  	v51 =	vor.u32 s28, v29;
	v60 =	vor.u32 v22, v41;
	[tilespmem:v62+s13+$0x0] =	vst.idx.msk $0xffff, v5;
	v32 =	vand.u32 $0x7F, v49;
	v49 =	vld.idx.msk [tilespmem:v59+s3+$0x0], $0xffff  }
0x31b: {  	v0 =	vand.u32 $0x6F, v51;
	v29 =	vor.u32 s31, v17;
	[tilespmem:v9+s13+$0x0] =	vst.idx.msk $0xffff, v11;
	v47 =	vld.idx.msk [tilespmem:v47+s3+$0x0], $0xffff;
	v2 =	vor.u32 v32, v43  }
0x31c: {  	v27 =	vor.u32 s19, v35;
	v13 =	vor.u32 v22, v42;
	v1 =	vld.idx.msk [tilespmem:v1+s3+$0x0], $0xffff;
	v63 =	vor.u32 v0, v39;
	[tilespmem:$0x1F9E0] =	vst v29  }
0x31d: {  	v28 =	vor.u32 s2, v35;
	v16 =	vor.u32 v0, v38;
	v29 =	vld [tilespmem:$0x1FCD0];
	v55 =	vor.u32 v32, v42;
	[tilespmem:v52+s13+$0x0] =	vst.idx.msk $0xffff, v20  }
0x31e: {  	v59 =	vor.u32 v32, v41;
	v12 =	vor.u32 v32, v40;
	[tilespmem:v56+s13+$0x0] =	vst.idx.msk $0xffff, v30;
	v26 =	vld.idx.msk [tilespmem:v26+s3+$0x0], $0xffff  }
0x31f: {  	v32 =	vor.u32 v0, v36;
	v0 =	vor.u32 v0, v37;
	[tilespmem:v34+s13+$0x0] =	vst.idx.msk $0xffff, v44;
	v9 =	vld.idx.msk [tilespmem:v60+s3+$0x0], $0xffff  }
0x320: {  	[tilespmem:v48+s13+$0x0] =	vst.idx.msk $0xffff, v49;
	v48 =	vor.u32 s1, v17;
	v2 =	vld.idx.msk [tilespmem:v2+s3+$0x0], $0xffff  }
0x321: {  	v8 =	vor.u32 s6, v31;
	[tilespmem:v54+s13+$0x0] =	vst.idx.msk $0xffff, v1;
	v24 =	vld.idx.msk [tilespmem:v24+s3+$0x0], $0xffff  }
0x322: {  	v5 =	vor.u32 s7, v35;
	[tilespmem:v57+s13+$0x0] =	vst.idx.msk $0xffff, v47;
	v44 =	vor.u32 s28, v29;
	v13 =	vld.idx.msk [tilespmem:v13+s3+$0x0], $0xffff  }
0x323: {  	v34 =	vand.u32 $0x7F, v50;
	v6 =	vld.idx.msk [tilespmem:v6+s3+$0x0], $0xffff;
	[tilespmem:v27+s13+$0x0] =	vst.idx.msk $0xffff, v26  }
0x324: {  	v7 =	vor.u32 s8, v31;
	v47 =	vor.u32 v34, v43;
	[tilespmem:v28+s13+$0x0] =	vst.idx.msk $0xffff, v9;
	v0 =	vld.idx.msk [tilespmem:v0+s3+$0x0], $0xffff  }
0x325: {  	[tilespmem:v48+s13+$0x0] =	vst.idx.msk $0xffff, v2;
	v2 =	vand.u32 $0x6F, v44;
	v44 =	vmov v21;
	v21 =	vld [tilespmem:$0x1FCC0]  }
0x326: {  	v10 =	vor.u32 s31, v31;
	[tilespmem:v8+s13+$0x0] =	vst.idx.msk $0xffff, v24;
	v24 =	vld.idx.msk [tilespmem:v58+s3+$0x0], $0xffff  }
0x327: {  	v15 =	vor.u32 s26, v35;
	[tilespmem:v5+s13+$0x0] =	vst.idx.msk $0xffff, v13;
	v13 =	vld [tilespmem:$0x1FFB0]  }
0x328: {  	v22 =	vor.u32 v22, v40;
	v53 =	vor.u32 s6, v35;
	v46 =	vor.u32 s19, v17;
	v28 =	vld.idx.msk [tilespmem:v59+s3+$0x0], $0xffff  }
0x329: {  	[tilespmem:v7+s13+$0x0] =	vst.idx.msk $0xffff, v3;
	v56 =	vor.u32 v4, v39;
	v49 =	vor.u32 v4, v38;
	v3 =	vld.idx.msk [tilespmem:v47+s3+$0x0], $0xffff  }
0x32a: {  	v18 =	vor.u32 v34, v42;
	v54 =	vor.u32 v34, v41;
	v30 =	vor.u32 v34, v40;
	v58 =	vld.idx.msk [tilespmem:v61+s3+$0x0], $0xffff  }
0x32b: {  	v51 =	vor.u32 s31, v35;
	v34 =	vor.u32 v4, v36;
	v4 =	vor.u32 v4, v37;
	[tilespmem:v10+s13+$0x0] =	vst.idx.msk $0xffff, v6;
	v47 =	vld [tilespmem:$0x1FF90]  }
0x32c: {  	v45 =	vor.u32 s6, v17;
	v48 =	vor.u32 s30, v29;
	v33 =	vld.idx.msk [tilespmem:v33+s3+$0x0], $0xffff;
	v8 =	vor.u32 s6, v21;
	[tilespmem:v15+s13+$0x0] =	vst.idx.msk $0xffff, v24  }
0x32d: {  	v7 =	vand.u32 $0x7F, v48;
	v11 =	vor.u32 s1, v21;
	v15 =	vld [tilespmem:$0x1FCE0];
	[tilespmem:$0x1F9F0] =	vst v8;
	v8 =	vor.u32 s31, v21  }
0x32e: {  	v14 =	vor.u32 s7, v17;
	v1 =	vor.u32 s2, v17;
	[tilespmem:$0x1FA00] =	vst v8;
	v8 =	vld.idx.msk [tilespmem:v22+s3+$0x0], $0xffff;
	v22 =	vor.u32 v7, v43  }
0x32f: {  	v57 =	vor.u32 s8, v17;
	v17 =	vor.u32 s26, v17;
	[tilespmem:v46+s13+$0x0] =	vst.idx.msk $0xffff, v0;
	v32 =	vld.idx.msk [tilespmem:v32+s3+$0x0], $0xffff  }
0x330: {  	v62 =	vor.u32 s8, v35;
	v4 =	vld.idx.msk [tilespmem:v4+s3+$0x0], $0xffff;
	[tilespmem:v53+s13+$0x0] =	vst.idx.msk $0xffff, v58  }
0x331: {  	[tilespmem:v51+s13+$0x0] =	vst.idx.msk $0xffff, v33;
	v63 =	vld.idx.msk [tilespmem:v63+s3+$0x0], $0xffff  }
0x332: {  	v6 =	vor.u32 s19, v21;
	v16 =	vld.idx.msk [tilespmem:v16+s3+$0x0], $0xffff;
	[tilespmem:v11+s13+$0x0] =	vst.idx.msk $0xffff, v3  }
0x333: {  	v10 =	vor.u32 v7, v42;
	[tilespmem:$0x1FA10] =	vst v6;
	v9 =	vld.idx.msk [tilespmem:v22+s3+$0x0], $0xffff  }
0x334: {  	v52 =	vor.u32 v7, v41;
	v20 =	vor.u32 s2, v21;
	[tilespmem:v17+s13+$0x0] =	vst.idx.msk $0xffff, v32;
	v22 =	vld.idx.msk [tilespmem:v55+s3+$0x0], $0xffff  }
0x335: {  	v5 =	vor.u32 v7, v40;
	v60 =	vor.u32 s8, v21;
	[tilespmem:v62+s13+$0x0] =	vst.idx.msk $0xffff, v8;
	v8 =	vor.u32 s1, v13;
	v34 =	vld.idx.msk [tilespmem:v34+s3+$0x0], $0xffff  }
0x336: {  	v61 =	vor.u32 s26, v21;
	v6 =	vor.u32 s7, v21;
	v21 =	vor.u32 s28, v47;
	[tilespmem:v45+s13+$0x0] =	vst.idx.msk $0xffff, v63;
	v45 =	vld [tilespmem:$0x1FCF0]  }
0x337: {  	v7 =	vor.u32 v2, v36;
	v3 =	vand.u32 $0x6F, v21;
	v21 =	vor.u32 s30, v47;
	v12 =	vld.idx.msk [tilespmem:v12+s3+$0x0], $0xffff  }
0x338: {  	v24 =	vor.u32 s6, v13;
	v21 =	vand.u32 $0x7F, v21;
	v56 =	vld.idx.msk [tilespmem:v56+s3+$0x0], $0xffff  }
0x339: {  	v47 =	vor.u32 s28, v15;
	v55 =	vor.u32 v21, v43;
	[tilespmem:v14+s13+$0x0] =	vst.idx.msk $0xffff, v22;
	v14 =	vor.u32 s30, v15;
	v15 =	vld [tilespmem:$0x1FFC0]  }
0x33a: {  	v50 =	vor.u32 s31, v13;
	v53 =	vor.u32 s19, v13;
	[tilespmem:v8+s13+$0x0] =	vst.idx.msk $0xffff, v9;
	v8 =	vand.u32 $0x6F, v47;
	v47 =	vld [tilespmem:$0x1F9E0]  }
0x33b: {  	v58 =	vor.u32 s7, v13;
	v33 =	vor.u32 s2, v13;
	[tilespmem:v61+s13+$0x0] =	vst.idx.msk $0xffff, v34;
	v18 =	vld.idx.msk [tilespmem:v18+s3+$0x0], $0xffff  }
0x33c: {  	v11 =	vor.u32 s8, v13;
	v13 =	vor.u32 s26, v13;
	[tilespmem:v57+s13+$0x0] =	vst.idx.msk $0xffff, v12;
	v7 =	vld.idx.msk [tilespmem:v7+s3+$0x0], $0xffff  }
0x33d: {  	v30 =	vld.idx.msk [tilespmem:v30+s3+$0x0], $0xffff  }
0x33e: {  	[tilespmem:v1+s13+$0x0] =	vst.idx.msk $0xffff, v28;
	v22 =	vld.idx.msk [tilespmem:v55+s3+$0x0], $0xffff;
	v14 =	vand.u32 $0x7F, v14;
	v1 =	vor.u32 s1, v15  }
0x33f: {  	v26 =	vor.u32 v3, v36;
	v34 =	vld [tilespmem:$0x1FC40];
	v12 =	vor.u32 v14, v43  }
0x340: {  	v59 =	vor.u32 v21, v42;
	v32 =	vor.u32 v14, v42;
	v42 =	vld.idx.msk [tilespmem:v54+s3+$0x0], $0xffff;
	[tilespmem:v6+s13+$0x0] =	vst.idx.msk $0xffff, v18  }
0x341: {  	v18 =	vld [tilespmem:$0x1F9F0];
	[tilespmem:v13+s13+$0x0] =	vst.idx.msk $0xffff, v7  }
0x342: {  	v13 =	vld [tilespmem:$0x1FFF0];
	[tilespmem:v60+s13+$0x0] =	vst.idx.msk $0xffff, v30  }
0x343: {  	v48 =	vor.u32 v2, v39;
	v29 =	vor.u32 v2, v38;
	v30 =	vld [tilespmem:$0x1FC20];
	[tilespmem:v1+s13+$0x0] =	vst.idx.msk $0xffff, v22  }
0x344: {  	v27 =	vor.u32 v3, v39;
	v9 =	vor.u32 v3, v38;
	v6 =	vor.u32 s1, v45;
	v0 =	vld.idx.msk [tilespmem:v12+s3+$0x0], $0xffff  }
0x345: {  	v39 =	vor.u32 v8, v39;
	v38 =	vor.u32 v8, v38;
	[tilespmem:v20+s13+$0x0] =	vst.idx.msk $0xffff, v42;
	v7 =	vld.idx.msk [tilespmem:v26+s3+$0x0], $0xffff  }
0x346: {  	[tilespmem:v47+s13+$0x0] =	vst.idx.msk $0xffff, v16;
	v16 =	vor.u32 v8, v36;
	v36 =	vor.u32 v8, v37;
	v8 =	vld.idx.msk [tilespmem:v10+s3+$0x0], $0xffff  }
0x347: {  	v10 =	vld.idx.msk [tilespmem:v52+s3+$0x0], $0xffff  }
0x348: {  	v5 =	vld.idx.msk [tilespmem:v5+s3+$0x0], $0xffff  }
0x349: {  	[tilespmem:v6+s13+$0x0] =	vst.idx.msk $0xffff, v0;
	v6 =	vld [tilespmem:$0x1FA00]  }
0x34a: {  	v63 =	vor.u32 s26, v15;
	v1 =	vld.idx.msk [tilespmem:v49+s3+$0x0], $0xffff  }
0x34b: {  	v12 =	vld [tilespmem:$0x1FD20]  }
0x34c: {  	[tilespmem:v58+s13+$0x0] =	vst.idx.msk $0xffff, v8;
	v8 =	vld [tilespmem:$0x1FD00]  }
0x34d: {  	[tilespmem:v33+s13+$0x0] =	vst.idx.msk $0xffff, v10;
	v10 =	vld [tilespmem:$0x1FD10]  }
0x34e: {  	v62 =	vor.u32 v21, v41;
	v21 =	vor.u32 v21, v40;
	v33 =	vld [tilespmem:$0x1FC60];
	[tilespmem:v18+s13+$0x0] =	vst.idx.msk $0xffff, v56  }
0x34f: {  	[tilespmem:v63+s13+$0x0] =	vst.idx.msk $0xffff, v7;
	v61 =	vld.idx.msk [tilespmem:v48+s3+$0x0], $0xffff  }
0x350: {  	[tilespmem:v11+s13+$0x0] =	vst.idx.msk $0xffff, v5;
	v11 =	vld [tilespmem:$0x1FF60]  }
0x351: {  	[tilespmem:v6+s13+$0x0] =	vst.idx.msk $0xffff, v1;
	v6 =	vld [tilespmem:$0x1FA10]  }
0x352: {  	v47 =	vld.idx.msk [tilespmem:v16+s3+$0x0], $0xffff  }
0x353: {  	v5 =	vld.idx.msk [tilespmem:v21+s3+$0x0], $0xffff  }
0x354: {  	v21 =	vld [tilespmem:$0x1FC50];
	[tilespmem:v24+s13+$0x0] =	vst.idx.msk $0xffff, v61  }
0x355: {  	v0 =	vld.idx.msk [tilespmem:v27+s3+$0x0], $0xffff  }
0x356: {  	v28 =	vor.u32 s6, v15;
	v27 =	vld [tilespmem:$0x1FC80]  }
0x357: {  	v2 =	vor.u32 v2, v37;
	v1 =	vld.idx.msk [tilespmem:v29+s3+$0x0], $0xffff  }
0x358: {  	v29 =	vld [tilespmem:$0x1FC90]  }
0x359: {  	v17 =	vor.u32 s7, v15;
	[tilespmem:v6+s13+$0x0] =	vst.idx.msk $0xffff, v4;
	v4 =	vld.idx.msk [tilespmem:v59+s3+$0x0], $0xffff  }
0x35a: {  	v54 =	vor.u32 s2, v15;
	v6 =	vld.idx.msk [tilespmem:v62+s3+$0x0], $0xffff  }
0x35b: {  	v55 =	vor.u32 v14, v41;
	v57 =	vor.u32 s8, v15;
	[tilespmem:v28+s13+$0x0] =	vst.idx.msk $0xffff, v0;
	v28 =	vld [tilespmem:$0x1FC30]  }
0x35c: {  	s29 =	sadd.s32 $0x8, s29;
	v14 =	vor.u32 v14, v40;
	[tilespmem:v50+s13+$0x0] =	vst.idx.msk $0xffff, v1;
	v2 =	vld.idx.msk [tilespmem:v2+s3+$0x0], $0xffff  }
0x35d: {  	p3 =	slt.u32 s29, $0x58;
	v3 =	vor.u32 v3, v37;
	v52 =	vld.idx.msk [tilespmem:v9+s3+$0x0], $0xffff  }
.Ltmp4:
0x35e: {  	[tilespmem:v17+s13+$0x0] =	vst.idx.msk $0xffff, v4;
	v17 =	vld [tilespmem:$0x1FCB0];
	(pc) =	sbr.rel @p3 .LBB2_3-.Ltmp4, $4  }
0x35f: {  	v41 =	vor.u32 s7, v45;
	v40 =	vor.u32 s2, v45;
	[tilespmem:v54+s13+$0x0] =	vst.idx.msk $0xffff, v6;
	v42 =	vld.idx.msk [tilespmem:v32+s3+$0x0], $0xffff  }
0x360: {  	v46 =	vor.u32 s31, v45;
	v51 =	vor.u32 s31, v15;
	v43 =	vor.u32 s19, v15;
	[tilespmem:v57+s13+$0x0] =	vst.idx.msk $0xffff, v5;
	v50 =	vld.idx.msk [tilespmem:v55+s3+$0x0], $0xffff  }
0x361: {  	v15 =	vor.u32 s6, v45;
	v37 =	vor.u32 s8, v45;
	v22 =	vmov v44;
	[tilespmem:v53+s13+$0x0] =	vst.idx.msk $0xffff, v2;
	v53 =	vld.idx.msk [tilespmem:v14+s3+$0x0], $0xffff  }
0x362: {  	s28 =	sadd.s32 $0x20, s28;
	v44 =	vor.u32 s19, v45;
	v49 =	vor.u32 s26, v45;
	v9 =	vlaneseq.u32;
	v6 =	vmovc v22;
	v48 =	vld.idx.msk [tilespmem:v3+s3+$0x0], $0xffff  }
0x363: {  	_ = 	snop  }
0x364: {  	v14 =	vld [tilespmem:$0x1FF20]  }
0x365: {  	v32 =	vld [tilespmem:$0x1FFC0]  }
0x366: {  	v26 =	vld [tilespmem:$0x1FF90]  }
0x367: {  	v24 =	vld [tilespmem:$0x1FFB0];
	[tilespmem:v51+s13+$0x0] =	vst.idx.msk $0xffff, v52  }
0x368: {  	v0 =	vld.idx.msk [tilespmem:v39+s3+$0x0], $0xffff;
	[tilespmem:v49+s13+$0x0] =	vst.idx.msk $0xffff, v47  }
0x369: {  	v1 =	vld.idx.msk [tilespmem:v38+s3+$0x0], $0xffff;
	[tilespmem:v43+s13+$0x0] =	vst.idx.msk $0xffff, v48  }
0x36a: {  	[tilespmem:v41+s13+$0x0] =	vst.idx.msk $0xffff, v42;
	v2 =	vld.idx.msk [tilespmem:v36+s3+$0x0], $0xffff  }
0x36b: {  	p3 =	sgt.u32 s25, $0x9EB;
	[tilespmem:v40+s13+$0x0] =	vst.idx.msk $0xffff, v50  }
.Ltmp5:
0x36c: {  	[tilespmem:v37+s13+$0x0] =	vst.idx.msk $0xffff, v53;
	(pc) =	sbr.rel @p3 .LBB2_6-.Ltmp5, $4  }
0x36d: {  	s1 =	smul.u32 $0xC00, s25;
	[tilespmem:v15+s13+$0x0] =	vst.idx.msk $0xffff, v0  }
0x36e: {  	[tilespmem:v46+s13+$0x0] =	vst.idx.msk $0xffff, v1  }
0x36f: {  	s2 =	sadd.s32 s5, s1;
	[tilespmem:v44+s13+$0x0] =	vst.idx.msk $0xffff, v2  }
0x370: {  	[hbm4b:s2+s3] =	stream.linear.scatter [tilespmem:s13], [sflag:$0x3], $0x6000, $0x38;
	[tilespmem:$0x1A000] =	vst v63  }
.Ltmp6:
0x371: {  	(pc) =	sbr.rel .LBB2_7-.Ltmp6, $4  }
0x372: {  	s1 =	sshrl.u32 s1, $0x3  }
0x373: {  	s1 =	sadd.s32 s0, s1  }
0x374: {  	s1 =	sadd.s32 $0x6000, s1  }
0x375: {  	v62 =	vld [tilespmem:$0x1FC70];
	[tilespmem:s3], [sflag:$0x1] =	stream.strided.gather [hbm4b:s1+s10], $0x6000, s11, s10, $0x38  }
.LBB2_6:
.Ltmp7:
0x376: {  	(pc) =	sbr.rel @p2 .LBB2_10-.Ltmp7, $2  }
0x377: {  	_ =	sdelay $0x2  }
0x378: {  	v62 =	vld [tilespmem:$0x1FC70]  }
.LBB2_7:
0x379: {  	s1 =	simm.s32 $0x10;
	s2 =	simm.s32 @!p1 $0x4  }
0x37a: {  	v0 =	vmov s1;
	_ =	swait.ge @!p1 [sflag:s2], $0x6000  }
0x37b: {  	s25 =	simm.s32 $0x0;
	v1 =	vor.u32 s1, v9;
	v0 =	vshll.u32 v0, $0x3;
	v6 =	vld [tilespmem:$0x1FA30]  }
0x37c: {  	v2 =	vmov s25;
	v3 =	vor.u32 s25, v9;
	[sflag:s2] =	ssyncset.done @!p1 $0x0;
	v0 =	vand.u32 $0x7FFFFC00, v0  }
0x37d: {  	v1 =	vand.u32 $0x7F, v1;
	v2 =	vshll.u32 v2, $0x3;
	[sflag:s2] =	ssyncadd.s32 @!p1 $0xFFFFA000;
	v43 =	vadd.s32 v12, v0  }
0x37e: {  	v2 =	vand.u32 $0xC00, v2;
	v41 =	vadd.s32 v8, v0;
	_ =	swait.ge [sflag:s14], $0x6000;
	v4 =	vor.u32 v1, v43  }
0x37f: {  	v3 =	vand.u32 $0x6F, v3;
	v36 =	vadd.s32 v8, v2;
	v51 =	vor.u32 v1, v41;
	v56 =	vld [tilespmem:$0x1FA40]  }
0x380: {  	v8 =	vor.u32 v3, v36;
	v42 =	vadd.s32 v6, v0  }
0x381: {  	s19 =	simm.s32 $0x430;
	v38 =	vadd.s32 v10, v2;
	[sflag:s14] =	ssyncset.done $0x0;
	v5 =	vor.u32 v1, v42  }
0x382: {  	s7 =	simm.s32 $0x410;
	v20 =	vmovc v11;
	v57 =	vor.u32 s19, v11;
	v40 =	vadd.s32 v10, v0;
	v59 =	vor.u32 v3, v38;
	[sflag:s14] =	ssyncadd.s32 $0xFFFFA000  }
0x383: {  	v61 =	vor.u32 s7, v20;
	v39 =	vadd.s32 v6, v2;
	v1 =	vor.u32 v1, v40;
	v4 =	vld.idx.msk [tilespmem:v4+s15+$0x0], $0xffff  }
0x384: {  	v37 =	vadd.s32 v12, v2;
	v6 =	vor.u32 v3, v39;
	v7 =	vor.u32 s1, v56;
	v0 =	vld.idx.msk [tilespmem:v51+s15+$0x0], $0xffff  }
0x385: {  	s31 =	simm.s32 $0x400;
	v48 =	vor.u32 s1, v20;
	v3 =	vor.u32 v3, v37;
	v8 =	vld.idx.msk [tilespmem:v8+s15+$0x0], $0xffff;
	v7 =	vand.u32 $0x7F, v7  }
0x386: {  	v54 =	vmovc v13;
	s26 =	simm.s32 $0x20;
	v60 =	vor.u32 s31, v11;
	v13 =	vor.u32 s25, v56;
	v58 =	vor.u32 v7, v43;
	v5 =	vld.idx.msk [tilespmem:v5+s15+$0x0], $0xffff  }
0x387: {  	s6 =	simm.s32 $0x420;
	v2 =	vld.idx.msk [tilespmem:v59+s15+$0x0], $0xffff;
	v51 =	vor.u32 s26, v20;
	v13 =	vand.u32 $0x6F, v13;
	v22 =	vor.u32 v7, v41  }
0x388: {  	v63 =	vor.u32 s6, v20;
	v53 =	vor.u32 v13, v36;
	v1 =	vld.idx.msk [tilespmem:v1+s15+$0x0], $0xffff;
	[tilespmem:v57+s16+$0x0] =	vst.idx.msk $0xffff, v4  }
0x389: {  	s8 =	simm.s32 $0x30;
	v16 =	vor.u32 s25, v20;
	v15 =	vor.u32 v7, v42;
	v6 =	vld.idx.msk [tilespmem:v6+s15+$0x0], $0xffff;
	[tilespmem:v61+s16+$0x0] =	vst.idx.msk $0xffff, v0  }
0x38a: {  	v49 =	vor.u32 s1, v28;
	v55 =	vor.u32 s8, v20;
	v7 =	vor.u32 v7, v40;
	v3 =	vld.idx.msk [tilespmem:v3+s15+$0x0], $0xffff;
	[tilespmem:v48+s16+$0x0] =	vst.idx.msk $0xffff, v8  }
0x38b: {  	v50 =	vor.u32 s19, v30;
	v18 =	vor.u32 v13, v39;
	v10 =	vld.idx.msk [tilespmem:v58+s15+$0x0], $0xffff;
	[tilespmem:v60+s16+$0x0] =	vst.idx.msk $0xffff, v5;
	v5 =	vand.u32 $0x7F, v49  }
0x38c: {  	v59 =	vor.u32 s7, v30;
	[tilespmem:v51+s16+$0x0] =	vst.idx.msk $0xffff, v2;
	v58 =	vld.idx.msk [tilespmem:v22+s15+$0x0], $0xffff;
	v52 =	vor.u32 v5, v43  }
0x38d: {  	v56 =	vor.u32 v13, v38;
	v51 =	vld.idx.msk [tilespmem:v53+s15+$0x0], $0xffff;
	v53 =	vor.u32 s1, v30;
	[tilespmem:v63+s16+$0x0] =	vst.idx.msk $0xffff, v1  }
0x38e: {  	v57 =	vor.u32 s31, v30;
	[tilespmem:v16+s16+$0x0] =	vst.idx.msk $0xffff, v6;
	v15 =	vld.idx.msk [tilespmem:v15+s15+$0x0], $0xffff  }
0x38f: {  	v63 =	vor.u32 s6, v30;
	[tilespmem:v55+s16+$0x0] =	vst.idx.msk $0xffff, v3;
	v60 =	vld.idx.msk [tilespmem:v7+s15+$0x0], $0xffff  }
0x390: {  	v13 =	vor.u32 v13, v37;
	v48 =	vor.u32 s25, v30;
	v18 =	vld.idx.msk [tilespmem:v18+s15+$0x0], $0xffff;
	[tilespmem:v50+s16+$0x0] =	vst.idx.msk $0xffff, v10  }
0x391: {  	v22 =	vor.u32 v5, v42;
	[tilespmem:v59+s16+$0x0] =	vst.idx.msk $0xffff, v58;
	v0 =	vld.idx.msk [tilespmem:v52+s15+$0x0], $0xffff;
	v52 =	vor.u32 s19, v34  }
0x392: {  	v1 =	vld.idx.msk [tilespmem:v56+s15+$0x0], $0xffff;
	v56 =	vor.u32 s26, v30;
	[tilespmem:v53+s16+$0x0] =	vst.idx.msk $0xffff, v51  }
0x393: {  	[tilespmem:v57+s16+$0x0] =	vst.idx.msk $0xffff, v15  }
0x394: {  	v61 =	vor.u32 s25, v28;
	v49 =	vor.u32 v5, v41;
	[tilespmem:v63+s16+$0x0] =	vst.idx.msk $0xffff, v60  }
0x395: {  	v5 =	vor.u32 v5, v40;
	v7 =	vand.u32 $0x6F, v61;
	v13 =	vld.idx.msk [tilespmem:v13+s15+$0x0], $0xffff;
	[tilespmem:v48+s16+$0x0] =	vst.idx.msk $0xffff, v18  }
0x396: {  	v45 =	vmov v17;
	v50 =	vor.u32 s1, v21;
	v59 =	vor.u32 v7, v36;
	v17 =	vld.idx.msk [tilespmem:v22+s15+$0x0], $0xffff;
	[tilespmem:v52+s16+$0x0] =	vst.idx.msk $0xffff, v0  }
0x397: {  	v58 =	vor.u32 s8, v30;
	v2 =	vand.u32 $0x7F, v50;
	v57 =	vor.u32 v7, v39;
	v22 =	vld [tilespmem:$0x1FA60];
	[tilespmem:v56+s16+$0x0] =	vst.idx.msk $0xffff, v1  }
0x398: {  	v61 =	vor.u32 s31, v34;
	v55 =	vor.u32 v2, v43;
	v20 =	vld [tilespmem:$0x1FA50]  }
0x399: {  	v9 =	vld.idx.msk [tilespmem:v49+s15+$0x0], $0xffff;
	v63 =	vor.u32 s7, v34  }
0x39a: {  	v49 =	vor.u32 s6, v34;
	v5 =	vld.idx.msk [tilespmem:v5+s15+$0x0], $0xffff  }
0x39b: {  	v16 =	vld.idx.msk [tilespmem:v59+s15+$0x0], $0xffff;
	v59 =	vor.u32 s1, v34  }
0x39c: {  	v60 =	vor.u32 v7, v38;
	v18 =	vld.idx.msk [tilespmem:v57+s15+$0x0], $0xffff;
	v56 =	vor.u32 s25, v34;
	[tilespmem:v58+s16+$0x0] =	vst.idx.msk $0xffff, v13  }
0x39d: {  	v7 =	vor.u32 v7, v37;
	v51 =	vld.idx.msk [tilespmem:v55+s15+$0x0], $0xffff;
	[tilespmem:v61+s16+$0x0] =	vst.idx.msk $0xffff, v17;
	v53 =	vor.u32 s19, v20  }
0x39e: {  	[tilespmem:v63+s16+$0x0] =	vst.idx.msk $0xffff, v9  }
0x39f: {  	v48 =	vor.u32 v2, v42;
	v55 =	vor.u32 s25, v21;
	[tilespmem:v49+s16+$0x0] =	vst.idx.msk $0xffff, v5  }
0x3a0: {  	v52 =	vor.u32 v2, v41;
	v2 =	vor.u32 v2, v40;
	v58 =	vand.u32 $0x6F, v55;
	[tilespmem:v59+s16+$0x0] =	vst.idx.msk $0xffff, v16  }
0x3a1: {  	v4 =	vld.idx.msk [tilespmem:v60+s15+$0x0], $0xffff;
	v60 =	vor.u32 v58, v39;
	v50 =	vor.u32 s1, v22;
	[tilespmem:v56+s16+$0x0] =	vst.idx.msk $0xffff, v18  }
0x3a2: {  	v61 =	vor.u32 s26, v34;
	v7 =	vld.idx.msk [tilespmem:v7+s15+$0x0], $0xffff;
	v1 =	vand.u32 $0x7F, v50;
	[tilespmem:v53+s16+$0x0] =	vst.idx.msk $0xffff, v51  }
0x3a3: {  	v44 =	vmov v29;
	v63 =	vor.u32 s8, v34;
	v57 =	vor.u32 v1, v43;
	v29 =	vld [tilespmem:$0x1FA70]  }
0x3a4: {  	v0 =	vld.idx.msk [tilespmem:v48+s15+$0x0], $0xffff;
	v49 =	vor.u32 s31, v20  }
0x3a5: {  	v2 =	vld.idx.msk [tilespmem:v2+s15+$0x0], $0xffff;
	v56 =	vor.u32 s6, v20  }
0x3a6: {  	v21 =	vor.u32 v58, v36;
	v59 =	vor.u32 s25, v20;
	v8 =	vld.idx.msk [tilespmem:v60+s15+$0x0], $0xffff  }
0x3a7: {  	v47 =	vmov v14;
	v48 =	vor.u32 v58, v38;
	v14 =	vld.idx.msk [tilespmem:v52+s15+$0x0], $0xffff;
	v51 =	vor.u32 s7, v20;
	[tilespmem:v61+s16+$0x0] =	vst.idx.msk $0xffff, v4  }
0x3a8: {  	v50 =	vor.u32 v58, v37;
	v6 =	vld.idx.msk [tilespmem:v57+s15+$0x0], $0xffff;
	[tilespmem:v63+s16+$0x0] =	vst.idx.msk $0xffff, v7;
	v55 =	vor.u32 s19, v29  }
0x3a9: {  	[tilespmem:v49+s16+$0x0] =	vst.idx.msk $0xffff, v0  }
0x3aa: {  	[tilespmem:v56+s16+$0x0] =	vst.idx.msk $0xffff, v2  }
0x3ab: {  	v58 =	vor.u32 s25, v22;
	v53 =	vor.u32 v1, v42;
	v61 =	vld.idx.msk [tilespmem:v21+s15+$0x0], $0xffff;
	[tilespmem:v59+s16+$0x0] =	vst.idx.msk $0xffff, v8  }
0x3ac: {  	v52 =	vor.u32 s1, v23;
	v60 =	vor.u32 v1, v41;
	v17 =	vand.u32 $0x6F, v58;
	v3 =	vld.idx.msk [tilespmem:v48+s15+$0x0], $0xffff;
	[tilespmem:v51+s16+$0x0] =	vst.idx.msk $0xffff, v14  }
0x3ad: {  	v13 =	vand.u32 $0x7F, v52;
	v63 =	vor.u32 s1, v20;
	v49 =	vor.u32 v17, v39;
	v11 =	vld.idx.msk [tilespmem:v50+s15+$0x0], $0xffff;
	[tilespmem:v55+s16+$0x0] =	vst.idx.msk $0xffff, v6  }
0x3ae: {  	v57 =	vor.u32 v13, v43;
	v48 =	vor.u32 s26, v20;
	v50 =	vor.u32 s8, v20;
	v20 =	vld [tilespmem:$0x1FA20]  }
0x3af: {  	v1 =	vor.u32 v1, v40  }
0x3b0: {  	v51 =	vor.u32 v17, v36;
	v18 =	vld.idx.msk [tilespmem:v53+s15+$0x0], $0xffff;
	v53 =	vor.u32 s31, v29  }
0x3b1: {  	v52 =	vor.u32 v17, v38;
	v7 =	vld.idx.msk [tilespmem:v60+s15+$0x0], $0xffff;
	v58 =	vor.u32 s7, v29  }
0x3b2: {  	v56 =	vor.u32 v17, v37;
	v5 =	vld.idx.msk [tilespmem:v49+s15+$0x0], $0xffff;
	v22 =	vor.u32 s25, v29;
	v55 =	vor.u32 s1, v25;
	[tilespmem:v63+s16+$0x0] =	vst.idx.msk $0xffff, v61  }
0x3b3: {  	v60 =	vor.u32 v13, v42;
	v4 =	vld.idx.msk [tilespmem:v57+s15+$0x0], $0xffff;
	v2 =	vand.u32 $0x7F, v55;
	[tilespmem:v48+s16+$0x0] =	vst.idx.msk $0xffff, v3;
	v57 =	vor.u32 s19, v20  }
0x3b4: {  	v1 =	vld.idx.msk [tilespmem:v1+s15+$0x0], $0xffff;
	v61 =	vor.u32 s6, v29;
	[tilespmem:v50+s16+$0x0] =	vst.idx.msk $0xffff, v11;
	v59 =	vor.u32 v2, v43  }
0x3b5: {  	v21 =	vor.u32 v13, v41;
	v63 =	vor.u32 s25, v23;
	v48 =	vor.u32 s1, v29;
	[tilespmem:v53+s16+$0x0] =	vst.idx.msk $0xffff, v18;
	v23 =	vld.idx.msk [tilespmem:v51+s15+$0x0], $0xffff  }
0x3b6: {  	v13 =	vor.u32 v13, v40;
	v49 =	vor.u32 s26, v29;
	[tilespmem:v58+s16+$0x0] =	vst.idx.msk $0xffff, v7;
	v0 =	vand.u32 $0x6F, v63;
	v6 =	vld.idx.msk [tilespmem:v52+s15+$0x0], $0xffff  }
0x3b7: {  	[tilespmem:v22+s16+$0x0] =	vst.idx.msk $0xffff, v5;
	v16 =	vld.idx.msk [tilespmem:v56+s15+$0x0], $0xffff;
	v51 =	vor.u32 s8, v29;
	v50 =	vor.u32 v0, v39  }
0x3b8: {  	v10 =	vld.idx.msk [tilespmem:v60+s15+$0x0], $0xffff;
	v52 =	vor.u32 v0, v36;
	[tilespmem:v57+s16+$0x0] =	vst.idx.msk $0xffff, v4;
	v57 =	vor.u32 s31, v20  }
0x3b9: {  	v56 =	vor.u32 s19, v54;
	v55 =	vor.u32 v0, v38;
	[tilespmem:v61+s16+$0x0] =	vst.idx.msk $0xffff, v1;
	v9 =	vld.idx.msk [tilespmem:v59+s15+$0x0], $0xffff  }
0x3ba: {  	v3 =	vld.idx.msk [tilespmem:v21+s15+$0x0], $0xffff;
	[tilespmem:v48+s16+$0x0] =	vst.idx.msk $0xffff, v23  }
0x3bb: {  	v53 =	vor.u32 s1, v47;
	v0 =	vor.u32 v0, v37;
	v60 =	vld.idx.msk [tilespmem:v13+s15+$0x0], $0xffff;
	[tilespmem:v49+s16+$0x0] =	vst.idx.msk $0xffff, v6  }
0x3bc: {  	v7 =	vand.u32 $0x7F, v53;
	v61 =	vor.u32 v2, v42;
	[tilespmem:v51+s16+$0x0] =	vst.idx.msk $0xffff, v16;
	v18 =	vld.idx.msk [tilespmem:v50+s15+$0x0], $0xffff;
	v59 =	vor.u32 s7, v20  }
0x3bd: {  	v58 =	vor.u32 v7, v43;
	v63 =	vor.u32 s6, v20;
	v8 =	vld.idx.msk [tilespmem:v52+s15+$0x0], $0xffff;
	[tilespmem:v57+s16+$0x0] =	vst.idx.msk $0xffff, v10  }
0x3be: {  	v23 =	vor.u32 s25, v25;
	v25 =	vor.u32 s25, v20;
	v48 =	vor.u32 v2, v41;
	v17 =	vld.idx.msk [tilespmem:v55+s15+$0x0], $0xffff;
	[tilespmem:v56+s16+$0x0] =	vst.idx.msk $0xffff, v9  }
0x3bf: {  	v49 =	vor.u32 s1, v20;
	v2 =	vor.u32 v2, v40;
	v6 =	vand.u32 $0x6F, v23;
	v22 =	vld [tilespmem:$0x1FA80]  }
0x3c0: {  	v50 =	vor.u32 s26, v20;
	v0 =	vld.idx.msk [tilespmem:v0+s15+$0x0], $0xffff;
	v51 =	vor.u32 v6, v39  }
0x3c1: {  	v53 =	vor.u32 v6, v36;
	v56 =	vor.u32 s8, v20;
	v13 =	vld.idx.msk [tilespmem:v61+s15+$0x0], $0xffff;
	[tilespmem:v59+s16+$0x0] =	vst.idx.msk $0xffff, v3  }
0x3c2: {  	v55 =	vor.u32 s19, v33;
	v5 =	vld.idx.msk [tilespmem:v58+s15+$0x0], $0xffff;
	[tilespmem:v63+s16+$0x0] =	vst.idx.msk $0xffff, v60;
	v58 =	vor.u32 v6, v38  }
0x3c3: {  	[tilespmem:v25+s16+$0x0] =	vst.idx.msk $0xffff, v18;
	v59 =	vor.u32 s31, v54;
	v6 =	vor.u32 v6, v37;
	v4 =	vld.idx.msk [tilespmem:v48+s15+$0x0], $0xffff  }
0x3c4: {  	v60 =	vor.u32 s7, v54;
	[tilespmem:v49+s16+$0x0] =	vst.idx.msk $0xffff, v8;
	v63 =	vor.u32 v7, v42;
	v2 =	vld.idx.msk [tilespmem:v2+s15+$0x0], $0xffff;
	v52 =	vor.u32 s1, v22  }
0x3c5: {  	v21 =	vor.u32 s6, v54;
	v23 =	vor.u32 v7, v41;
	[tilespmem:v50+s16+$0x0] =	vst.idx.msk $0xffff, v17;
	v9 =	vld.idx.msk [tilespmem:v51+s15+$0x0], $0xffff;
	v10 =	vand.u32 $0x7F, v52  }
0x3c6: {  	v61 =	vor.u32 s25, v47;
	v25 =	vor.u32 s25, v54;
	v47 =	vld.idx.msk [tilespmem:v53+s15+$0x0], $0xffff;
	[tilespmem:v56+s16+$0x0] =	vst.idx.msk $0xffff, v0;
	v57 =	vor.u32 v10, v43  }
0x3c7: {  	v8 =	vand.u32 $0x6F, v61;
	v7 =	vor.u32 v7, v40;
	v48 =	vor.u32 s1, v54;
	[tilespmem:v55+s16+$0x0] =	vst.idx.msk $0xffff, v5;
	v14 =	vld.idx.msk [tilespmem:v58+s15+$0x0], $0xffff  }
0x3c8: {  	v51 =	vor.u32 v8, v39;
	v53 =	vor.u32 s26, v54;
	[tilespmem:v59+s16+$0x0] =	vst.idx.msk $0xffff, v13;
	v6 =	vld.idx.msk [tilespmem:v6+s15+$0x0], $0xffff  }
0x3c9: {  	v46 =	vmov v19;
	v59 =	vor.u32 v8, v38;
	[tilespmem:v60+s16+$0x0] =	vst.idx.msk $0xffff, v4;
	v58 =	vld.idx.msk [tilespmem:v63+s15+$0x0], $0xffff;
	v60 =	vor.u32 s31, v33  }
0x3ca: {  	v49 =	vor.u32 s1, v46;
	v56 =	vor.u32 s8, v54;
	[tilespmem:v21+s16+$0x0] =	vst.idx.msk $0xffff, v2;
	v61 =	vld.idx.msk [tilespmem:v23+s15+$0x0], $0xffff;
	v23 =	vor.u32 v10, v42  }
0x3cb: {  	v0 =	vand.u32 $0x7F, v49;
	v52 =	vor.u32 s19, v62;
	[tilespmem:v25+s16+$0x0] =	vst.idx.msk $0xffff, v9;
	v50 =	vld.idx.msk [tilespmem:v57+s15+$0x0], $0xffff;
	v57 =	vor.u32 v8, v36  }
0x3cc: {  	v55 =	vor.u32 v0, v43;
	v63 =	vor.u32 s7, v33;
	[tilespmem:v48+s16+$0x0] =	vst.idx.msk $0xffff, v47;
	v21 =	vld.idx.msk [tilespmem:v7+s15+$0x0], $0xffff  }
0x3cd: {  	v25 =	vor.u32 s6, v33;
	v12 =	vld.idx.msk [tilespmem:v51+s15+$0x0], $0xffff;
	[tilespmem:v53+s16+$0x0] =	vst.idx.msk $0xffff, v14  }
0x3ce: {  	v48 =	vor.u32 s25, v33;
	v47 =	vor.u32 v10, v41;
	v16 =	vld.idx.msk [tilespmem:v59+s15+$0x0], $0xffff;
	[tilespmem:v60+s16+$0x0] =	vst.idx.msk $0xffff, v58  }
0x3cf: {  	v22 =	vor.u32 s25, v22;
	v10 =	vor.u32 v10, v40;
	[tilespmem:v56+s16+$0x0] =	vst.idx.msk $0xffff, v6;
	v53 =	vor.u32 s26, v33;
	v58 =	vld.idx.msk [tilespmem:v23+s15+$0x0], $0xffff  }
0x3d0: {  	v7 =	vand.u32 $0x6F, v22;
	v60 =	vor.u32 s31, v62;
	v8 =	vor.u32 v8, v37;
	[tilespmem:v52+s16+$0x0] =	vst.idx.msk $0xffff, v50;
	v1 =	vld.idx.msk [tilespmem:v57+s15+$0x0], $0xffff  }
0x3d1: {  	v49 =	vor.u32 s1, v27;
	v51 =	vor.u32 s1, v33;
	[tilespmem:v63+s16+$0x0] =	vst.idx.msk $0xffff, v61;
	v4 =	vld.idx.msk [tilespmem:v55+s15+$0x0], $0xffff;
	v55 =	vor.u32 v7, v39  }
0x3d2: {  	v6 =	vand.u32 $0x7F, v49;
	[tilespmem:v25+s16+$0x0] =	vst.idx.msk $0xffff, v21;
	v50 =	vor.u32 s19, v31;
	v57 =	vor.u32 v7, v36  }
0x3d3: {  	[tilespmem:v48+s16+$0x0] =	vst.idx.msk $0xffff, v12;
	v61 =	vor.u32 s7, v62;
	v13 =	vld.idx.msk [tilespmem:v47+s15+$0x0], $0xffff;
	v52 =	vor.u32 v6, v43  }
0x3d4: {  	v21 =	vor.u32 s6, v62;
	v10 =	vld.idx.msk [tilespmem:v10+s15+$0x0], $0xffff;
	[tilespmem:v53+s16+$0x0] =	vst.idx.msk $0xffff, v16  }
0x3d5: {  	v56 =	vor.u32 s8, v33;
	v8 =	vld.idx.msk [tilespmem:v8+s15+$0x0], $0xffff;
	[tilespmem:v60+s16+$0x0] =	vst.idx.msk $0xffff, v58  }
0x3d6: {  	v47 =	vor.u32 s25, v62;
	[tilespmem:v51+s16+$0x0] =	vst.idx.msk $0xffff, v1;
	v9 =	vld.idx.msk [tilespmem:v55+s15+$0x0], $0xffff  }
0x3d7: {  	v49 =	vor.u32 s1, v62;
	[tilespmem:v50+s16+$0x0] =	vst.idx.msk $0xffff, v4;
	v5 =	vld.idx.msk [tilespmem:v57+s15+$0x0], $0xffff  }
0x3d8: {  	v59 =	vor.u32 v7, v38;
	v25 =	vor.u32 s19, v35;
	[tilespmem:v61+s16+$0x0] =	vst.idx.msk $0xffff, v13;
	v2 =	vld.idx.msk [tilespmem:v52+s15+$0x0], $0xffff  }
0x3d9: {  	[tilespmem:v21+s16+$0x0] =	vst.idx.msk $0xffff, v10  }
0x3da: {  	v7 =	vor.u32 v7, v37;
	[tilespmem:v56+s16+$0x0] =	vst.idx.msk $0xffff, v8  }
0x3db: {  	v63 =	vor.u32 v0, v42;
	[tilespmem:v47+s16+$0x0] =	vst.idx.msk $0xffff, v9  }
0x3dc: {  	v22 =	vor.u32 s1, v44;
	v23 =	vor.u32 v0, v41;
	[tilespmem:v49+s16+$0x0] =	vst.idx.msk $0xffff, v5  }
0x3dd: {  	v46 =	vor.u32 s25, v46;
	v0 =	vor.u32 v0, v40;
	v1 =	vand.u32 $0x7F, v22;
	v50 =	vld.idx.msk [tilespmem:v59+s15+$0x0], $0xffff;
	[tilespmem:v25+s16+$0x0] =	vst.idx.msk $0xffff, v2  }
0x3de: {  	v16 =	vand.u32 $0x6F, v46;
	v51 =	vor.u32 s26, v62;
	v48 =	vor.u32 v1, v43;
	v20 =	vld [tilespmem:$0x1FCA0]  }
0x3df: {  	v53 =	vor.u32 s8, v62;
	v7 =	vld.idx.msk [tilespmem:v7+s15+$0x0], $0xffff;
	v52 =	vor.u32 v16, v39  }
0x3e0: {  	v55 =	vor.u32 v16, v36;
	v4 =	vld.idx.msk [tilespmem:v63+s15+$0x0], $0xffff;
	v57 =	vor.u32 s31, v31  }
0x3e1: {  	v58 =	vld.idx.msk [tilespmem:v23+s15+$0x0], $0xffff;
	v56 =	vor.u32 v16, v38;
	v59 =	vor.u32 s7, v31  }
0x3e2: {  	v0 =	vld.idx.msk [tilespmem:v0+s15+$0x0], $0xffff;
	v23 =	vor.u32 s6, v31;
	v16 =	vor.u32 v16, v37  }
0x3e3: {  	v63 =	vor.u32 v6, v42;
	v61 =	vld.idx.msk [tilespmem:v48+s15+$0x0], $0xffff;
	[tilespmem:v51+s16+$0x0] =	vst.idx.msk $0xffff, v50;
	v22 =	vor.u32 s19, v20  }
0x3e4: {  	v49 =	vor.u32 s25, v31;
	v13 =	vld.idx.msk [tilespmem:v52+s15+$0x0], $0xffff;
	[tilespmem:v53+s16+$0x0] =	vst.idx.msk $0xffff, v7  }
0x3e5: {  	v10 =	vld.idx.msk [tilespmem:v55+s15+$0x0], $0xffff;
	[tilespmem:v57+s16+$0x0] =	vst.idx.msk $0xffff, v4  }
0x3e6: {  	v60 =	vor.u32 s1, v45;
	v48 =	vor.u32 v6, v41;
	[tilespmem:v59+s16+$0x0] =	vst.idx.msk $0xffff, v58;
	v52 =	vld.idx.msk [tilespmem:v56+s15+$0x0], $0xffff  }
0x3e7: {  	v5 =	vand.u32 $0x7F, v60;
	v47 =	vor.u32 s25, v27;
	v51 =	vor.u32 v6, v40;
	[tilespmem:v23+s16+$0x0] =	vst.idx.msk $0xffff, v0;
	v16 =	vld.idx.msk [tilespmem:v16+s15+$0x0], $0xffff  }
0x3e8: {  	v25 =	vor.u32 v5, v43;
	v19 =	vand.u32 $0x6F, v47;
	v50 =	vor.u32 s1, v31;
	v58 =	vld.idx.msk [tilespmem:v63+s15+$0x0], $0xffff;
	[tilespmem:v22+s16+$0x0] =	vst.idx.msk $0xffff, v61  }
0x3e9: {  	v55 =	vor.u32 v19, v39;
	v46 =	vld [tilespmem:$0x1FCD0];
	[tilespmem:v49+s16+$0x0] =	vst.idx.msk $0xffff, v13  }
0x3ea: {  	v53 =	vor.u32 s26, v31;
	v57 =	vor.u32 v19, v36;
	v47 =	vld [tilespmem:$0x1FCC0]  }
0x3eb: {  	v59 =	vor.u32 v19, v38;
	v56 =	vor.u32 s8, v31;
	v7 =	vld.idx.msk [tilespmem:v48+s15+$0x0], $0xffff  }
0x3ec: {  	v21 =	vor.u32 s7, v35;
	v19 =	vor.u32 v19, v37;
	v22 =	vld.idx.msk [tilespmem:v51+s15+$0x0], $0xffff  }
0x3ed: {  	v60 =	vor.u32 s31, v35;
	v48 =	vor.u32 s6, v35;
	v12 =	vld.idx.msk [tilespmem:v25+s15+$0x0], $0xffff;
	[tilespmem:v50+s16+$0x0] =	vst.idx.msk $0xffff, v10;
	v50 =	vor.u32 v1, v41  }
0x3ee: {  	v25 =	vor.u32 v1, v42;
	v3 =	vld.idx.msk [tilespmem:v55+s15+$0x0], $0xffff;
	v1 =	vor.u32 v1, v40;
	v61 =	vor.u32 s1, v46  }
0x3ef: {  	v49 =	vor.u32 s25, v44;
	[tilespmem:v53+s16+$0x0] =	vst.idx.msk $0xffff, v52;
	v8 =	vld.idx.msk [tilespmem:v57+s15+$0x0], $0xffff;
	v11 =	vand.u32 $0x7F, v61;
	v63 =	vor.u32 s19, v47  }
0x3f0: {  	[tilespmem:v56+s16+$0x0] =	vst.idx.msk $0xffff, v16;
	v15 =	vand.u32 $0x6F, v49;
	v52 =	vor.u32 s1, v35;
	v53 =	vld.idx.msk [tilespmem:v59+s15+$0x0], $0xffff;
	v23 =	vor.u32 v11, v43  }
0x3f1: {  	v51 =	vor.u32 s25, v35;
	[tilespmem:v21+s16+$0x0] =	vst.idx.msk $0xffff, v7;
	v57 =	vld.idx.msk [tilespmem:v19+s15+$0x0], $0xffff;
	v59 =	vor.u32 v15, v36  }
0x3f2: {  	v55 =	vor.u32 s26, v35;
	v56 =	vor.u32 v15, v39;
	[tilespmem:v48+s16+$0x0] =	vst.idx.msk $0xffff, v22;
	v16 =	vld.idx.msk [tilespmem:v50+s15+$0x0], $0xffff  }
0x3f3: {  	[tilespmem:v60+s16+$0x0] =	vst.idx.msk $0xffff, v58;
	v58 =	vor.u32 s8, v35;
	v61 =	vor.u32 v15, v38;
	v1 =	vld.idx.msk [tilespmem:v1+s15+$0x0], $0xffff  }
0x3f4: {  	v22 =	vor.u32 s31, v20;
	v15 =	vor.u32 v15, v37;
	[tilespmem:v63+s16+$0x0] =	vst.idx.msk $0xffff, v12;
	v63 =	vld.idx.msk [tilespmem:v25+s15+$0x0], $0xffff  }
0x3f5: {  	v60 =	vor.u32 s1, v26;
	v21 =	vor.u32 s19, v24;
	v35 =	vor.u32 v5, v42;
	[tilespmem:v52+s16+$0x0] =	vst.idx.msk $0xffff, v8;
	v4 =	vld.idx.msk [tilespmem:v23+s15+$0x0], $0xffff  }
0x3f6: {  	v10 =	vand.u32 $0x7F, v60;
	[tilespmem:v51+s16+$0x0] =	vst.idx.msk $0xffff, v3;
	v7 =	vld.idx.msk [tilespmem:v59+s15+$0x0], $0xffff;
	v25 =	vor.u32 s7, v20  }
0x3f7: {  	v48 =	vor.u32 s6, v20;
	[tilespmem:v55+s16+$0x0] =	vst.idx.msk $0xffff, v53;
	v12 =	vld.idx.msk [tilespmem:v56+s15+$0x0], $0xffff;
	v23 =	vor.u32 v10, v43  }
0x3f8: {  	v49 =	vor.u32 s25, v45;
	v50 =	vor.u32 v5, v41;
	v51 =	vor.u32 s25, v20;
	[tilespmem:v58+s16+$0x0] =	vst.idx.msk $0xffff, v57;
	v2 =	vld.idx.msk [tilespmem:v61+s15+$0x0], $0xffff  }
0x3f9: {  	v17 =	vand.u32 $0x6F, v49;
	v5 =	vor.u32 v5, v40;
	v52 =	vor.u32 s1, v20;
	v15 =	vld.idx.msk [tilespmem:v15+s15+$0x0], $0xffff;
	[tilespmem:v22+s16+$0x0] =	vst.idx.msk $0xffff, v63  }
0x3fa: {  	v53 =	vor.u32 s26, v20;
	v55 =	vor.u32 v17, v39;
	[tilespmem:v21+s16+$0x0] =	vst.idx.msk $0xffff, v4;
	v8 =	vld.idx.msk [tilespmem:v35+s15+$0x0], $0xffff  }
0x3fb: {  	v57 =	vor.u32 v17, v36;
	v59 =	vor.u32 s8, v20;
	v61 =	vor.u32 v17, v38;
	v44 =	vld [tilespmem:$0x1FCE0];
	[tilespmem:v25+s16+$0x0] =	vst.idx.msk $0xffff, v16  }
0x3fc: {  	v17 =	vor.u32 v17, v37;
	v63 =	vor.u32 s31, v47;
	v18 =	vld.idx.msk [tilespmem:v23+s15+$0x0], $0xffff;
	[tilespmem:v48+s16+$0x0] =	vst.idx.msk $0xffff, v1  }
0x3fd: {  	v58 =	vor.u32 s19, v32;
	[tilespmem:v51+s16+$0x0] =	vst.idx.msk $0xffff, v12;
	v13 =	vld.idx.msk [tilespmem:v50+s15+$0x0], $0xffff  }
0x3fe: {  	v22 =	vor.u32 v11, v42;
	[tilespmem:v52+s16+$0x0] =	vst.idx.msk $0xffff, v7;
	v5 =	vld.idx.msk [tilespmem:v5+s15+$0x0], $0xffff  }
0x3ff: {  	v21 =	vor.u32 s7, v47;
	v35 =	vor.u32 v11, v41;
	[tilespmem:v53+s16+$0x0] =	vst.idx.msk $0xffff, v2;
	v3 =	vld.idx.msk [tilespmem:v55+s15+$0x0], $0xffff  }
0x400: {  	v11 =	vor.u32 v11, v40;
	v23 =	vor.u32 s6, v47;
	v25 =	vor.u32 s25, v46;
	[tilespmem:v59+s16+$0x0] =	vst.idx.msk $0xffff, v15;
	v0 =	vld.idx.msk [tilespmem:v57+s15+$0x0], $0xffff  }
0x401: {  	v52 =	vor.u32 s8, v47;
	v45 =	vand.u32 $0x6F, v25;
	v17 =	vld.idx.msk [tilespmem:v17+s15+$0x0], $0xffff;
	[tilespmem:v63+s16+$0x0] =	vst.idx.msk $0xffff, v8;
	v56 =	vor.u32 s1, v44  }
0x402: {  	v46 =	vor.u32 s1, v47;
	v12 =	vld.idx.msk [tilespmem:v61+s15+$0x0], $0xffff;
	v1 =	vor.u32 v45, v37;
	[tilespmem:v58+s16+$0x0] =	vst.idx.msk $0xffff, v18;
	v6 =	vand.u32 $0x7F, v56  }
0x403: {  	v50 =	vor.u32 s26, v47;
	v19 =	vld [tilespmem:$0x1FCF0];
	v60 =	vor.u32 v6, v43  }
0x404: {  	v51 =	vor.u32 v45, v36;
	v7 =	vld.idx.msk [tilespmem:v22+s15+$0x0], $0xffff;
	[tilespmem:v21+s16+$0x0] =	vst.idx.msk $0xffff, v13;
	v43 =	vor.u32 s25, v47  }
0x405: {  	v55 =	vor.u32 s31, v24;
	v48 =	vor.u32 v45, v39;
	[tilespmem:v23+s16+$0x0] =	vst.idx.msk $0xffff, v5;
	v16 =	vld.idx.msk [tilespmem:v35+s15+$0x0], $0xffff  }
0x406: {  	v57 =	vor.u32 s7, v24;
	v53 =	vor.u32 v45, v38;
	v58 =	vor.u32 s25, v26;
	[tilespmem:v52+s16+$0x0] =	vst.idx.msk $0xffff, v17;
	v11 =	vld.idx.msk [tilespmem:v11+s15+$0x0], $0xffff  }
0x407: {  	v56 =	vor.u32 v10, v42;
	[tilespmem:v46+s16+$0x0] =	vst.idx.msk $0xffff, v0;
	v61 =	vand.u32 $0x6F, v58;
	v23 =	vor.u32 s8, v24;
	v1 =	vld.idx.msk [tilespmem:v1+s15+$0x0], $0xffff  }
0x408: {  	[tilespmem:v50+s16+$0x0] =	vst.idx.msk $0xffff, v12;
	v4 =	vor.u32 v61, v37;
	v49 =	vor.u32 s19, v19;
	v9 =	vld.idx.msk [tilespmem:v60+s15+$0x0], $0xffff  }
0x409: {  	v59 =	vor.u32 v10, v41;
	v13 =	vld.idx.msk [tilespmem:v51+s15+$0x0], $0xffff;
	[tilespmem:v43+s16+$0x0] =	vst.idx.msk $0xffff, v3;
	v60 =	vor.u32 s6, v24  }
0x40a: {  	v63 =	vor.u32 s25, v24;
	v10 =	vor.u32 v10, v40;
	[tilespmem:v55+s16+$0x0] =	vst.idx.msk $0xffff, v7;
	v8 =	vld.idx.msk [tilespmem:v48+s15+$0x0], $0xffff  }
0x40b: {  	v20 =	vor.u32 s1, v24;
	v14 =	vor.u32 v61, v39;
	v5 =	vld.idx.msk [tilespmem:v53+s15+$0x0], $0xffff;
	[tilespmem:v57+s16+$0x0] =	vst.idx.msk $0xffff, v16  }
0x40c: {  	v21 =	vor.u32 s26, v24;
	v22 =	vor.u32 v61, v36;
	v25 =	vld.idx.msk [tilespmem:v56+s15+$0x0], $0xffff;
	[tilespmem:v23+s16+$0x0] =	vst.idx.msk $0xffff, v1  }
0x40d: {  	v26 =	vor.u32 s31, v32;
	v24 =	vor.u32 v61, v38;
	v48 =	vld.idx.msk [tilespmem:v4+s15+$0x0], $0xffff;
	[tilespmem:v49+s16+$0x0] =	vst.idx.msk $0xffff, v9  }
0x40e: {  	v35 =	vor.u32 v6, v42;
	v47 =	vor.u32 s7, v32;
	[tilespmem:v60+s16+$0x0] =	vst.idx.msk $0xffff, v11;
	v9 =	vld.idx.msk [tilespmem:v59+s15+$0x0], $0xffff  }
0x40f: {  	v55 =	vor.u32 s25, v44;
	v56 =	vor.u32 v6, v41;
	v57 =	vor.u32 s6, v32;
	[tilespmem:v63+s16+$0x0] =	vst.idx.msk $0xffff, v8;
	v10 =	vld.idx.msk [tilespmem:v10+s15+$0x0], $0xffff  }
0x410: {  	v58 =	vor.u32 v6, v40;
	v2 =	vand.u32 $0x6F, v55;
	[tilespmem:v20+s16+$0x0] =	vst.idx.msk $0xffff, v13;
	v59 =	vor.u32 s25, v32;
	v14 =	vld.idx.msk [tilespmem:v14+s15+$0x0], $0xffff  }
0x411: {  	[tilespmem:v21+s16+$0x0] =	vst.idx.msk $0xffff, v5;
	v61 =	vor.u32 s1, v32;
	v60 =	vld.idx.msk [tilespmem:v22+s15+$0x0], $0xffff;
	v63 =	vor.u32 v2, v39  }
0x412: {  	v45 =	vor.u32 s1, v19;
	[tilespmem:v26+s16+$0x0] =	vst.idx.msk $0xffff, v25;
	v52 =	vld.idx.msk [tilespmem:v24+s15+$0x0], $0xffff  }
0x413: {  	v31 =	vmovc v54;
	v51 =	vor.u32 s26, v32;
	v46 =	vor.u32 s26, v19;
	v44 =	vor.u32 s8, v19;
	v42 =	vld.idx.msk [tilespmem:v35+s15+$0x0], $0xffff;
	[tilespmem:v47+s16+$0x0] =	vst.idx.msk $0xffff, v9  }
0x414: {  	v41 =	vor.u32 s31, v19;
	v40 =	vor.u32 s7, v19;
	v38 =	vor.u32 v2, v38;
	[tilespmem:v57+s16+$0x0] =	vst.idx.msk $0xffff, v10;
	v50 =	vld.idx.msk [tilespmem:v56+s15+$0x0], $0xffff  }
0x415: {  	v43 =	vor.u32 s8, v32;
	v49 =	vor.u32 s25, v19;
	v39 =	vor.u32 v2, v36;
	[tilespmem:v59+s16+$0x0] =	vst.idx.msk $0xffff, v14;
	v53 =	vld.idx.msk [tilespmem:v58+s15+$0x0], $0xffff  }
0x416: {  	s28 =	simm.s32 $0x0;
	v35 =	vmov v33;
	v36 =	vor.u32 v2, v37;
	v37 =	vor.u32 s6, v19;
	[tilespmem:v61+s16+$0x0] =	vst.idx.msk $0xffff, v60;
	v47 =	vld.idx.msk [tilespmem:v63+s15+$0x0], $0xffff  }
.LBB2_8:
0x417: {  	_ = 	snop  }
0x418: {  	v16 =	vld [tilespmem:$0x1FA40]  }
0x419: {  	v0 =	vmov s26;
	v7 =	vlaneseq.u32;
	s29 =	sadd.s32 $0x10, s26;
	v10 =	vld [tilespmem:$0x1FD20]  }
0x41a: {  	v8 =	vld [tilespmem:$0x1FA30];
	v1 =	vor.u32 s26, v7;
	v0 =	vshll.u32 v0, $0x3;
	v4 =	vmov s29  }
0x41b: {  	v3 =	vld.idx.msk [tilespmem:v39+s15+$0x0], $0xffff;
	s25 =	sadd.s32 $0x800, s25;
	v7 =	vor.u32 s29, v7;
	v1 =	vand.u32 $0x6F, v1;
	v4 =	vshll.u32 v4, $0x3;
	[tilespmem:v51+s16+$0x0] =	vst.idx.msk $0xffff, v52  }
0x41c: {  	v9 =	vld [tilespmem:$0x1FD10];
	s6 =	sadd.s32 $0x10, s25;
	s7 =	sadd.s32 $0x30, s25;
	v0 =	vand.u32 $0xC00, v0;
	v7 =	vand.u32 $0x7F, v7;
	v4 =	vand.u32 $0x7FFFFC00, v4;
	[tilespmem:v43+s16+$0x0] =	vst.idx.msk $0xffff, v48  }
0x41d: {  	s19 =	sadd.s32 $0x400, s25;
	[tilespmem:v41+s16+$0x0] =	vst.idx.msk $0xffff, v42;
	v51 =	vld [tilespmem:$0x1FD00];
	v25 =	vor.u32 s26, v28;
	v26 =	vor.u32 s6, v30;
	v27 =	vor.u32 s7, v30  }
0x41e: {  	s1 =	sadd.s32 $0x410, s25;
	[tilespmem:v40+s16+$0x0] =	vst.idx.msk $0xffff, v50;
	v60 =	vor.u32 s19, v30;
	v61 =	vor.u32 s29, v28;
	v6 =	vld.idx.msk [tilespmem:v36+s15+$0x0], $0xffff;
	v43 =	vadd.s32 v10, v4  }
0x41f: {  	v22 =	vld [tilespmem:$0x1FF60];
	[tilespmem:v37+s16+$0x0] =	vst.idx.msk $0xffff, v53;
	v28 =	vor.u32 s1, v30;
	v42 =	vadd.s32 v8, v4;
	v52 =	vor.u32 v7, v43  }
0x420: {  	[tilespmem:v49+s16+$0x0] =	vst.idx.msk $0xffff, v47;
	v2 =	vor.u32 s26, v16;
	v36 =	vadd.s32 v8, v0;
	v53 =	vor.u32 v7, v42  }
0x421: {  	s30 =	sadd.s32 $0x20, s25;
	v5 =	vld.idx.msk [tilespmem:v38+s15+$0x0], $0xffff;
	v40 =	vadd.s32 v9, v4;
	v38 =	vadd.s32 v9, v0;
	v55 =	vor.u32 v1, v36  }
0x422: {  	v29 =	vld [tilespmem:$0x1FC50];
	s2 =	sadd.s32 $0x430, s25;
	s8 =	sadd.s32 $0x420, s25;
	[tilespmem:v45+s16+$0x0] =	vst.idx.msk $0xffff, v3;
	v59 =	vand.u32 $0x6F, v25;
	v25 =	vor.u32 s30, v30;
	v11 =	vor.u32 v1, v38  }
0x423: {  	v45 =	vor.u32 s2, v30;
	v41 =	vadd.s32 v51, v4;
	[tilespmem:v44+s16+$0x0] =	vst.idx.msk $0xffff, v6;
	v44 =	vor.u32 s8, v30;
	v30 =	vld [tilespmem:$0x1FC20]  }
0x424: {  	v37 =	vadd.s32 v10, v0;
	v14 =	vor.u32 s25, v22;
	v54 =	vor.u32 v7, v41;
	v4 =	vld.idx.msk [tilespmem:v52+s15+$0x0], $0xffff  }
0x425: {  	v16 =	vor.u32 s29, v16;
	v39 =	vadd.s32 v51, v0;
	v7 =	vor.u32 v7, v40;
	v0 =	vld.idx.msk [tilespmem:v53+s15+$0x0], $0xffff  }
0x426: {  	v17 =	vor.u32 s6, v22;
	v18 =	vor.u32 s2, v22;
	v56 =	vor.u32 v1, v39;
	[tilespmem:v46+s16+$0x0] =	vst.idx.msk $0xffff, v5;
	v9 =	vld.idx.msk [tilespmem:v55+s15+$0x0], $0xffff  }
0x427: {  	v57 =	vor.u32 s30, v22;
	v58 =	vor.u32 s19, v22;
	v1 =	vor.u32 v1, v37;
	v11 =	vld.idx.msk [tilespmem:v11+s15+$0x0], $0xffff  }
0x428: {  	v32 =	vor.u32 s26, v29;
	v16 =	vand.u32 $0x7F, v16;
	v52 =	vor.u32 s29, v29;
	v29 =	vld [tilespmem:$0x1FA70]  }
0x429: {  	v19 =	vor.u32 s7, v22;
	v21 =	vor.u32 s1, v22;
	v20 =	vor.u32 v16, v43;
	v8 =	vld.idx.msk [tilespmem:v54+s15+$0x0], $0xffff  }
0x42a: {  	v63 =	vand.u32 $0x7F, v61;
	v2 =	vand.u32 $0x6F, v2;
	v23 =	vor.u32 v16, v42;
	v7 =	vld.idx.msk [tilespmem:v7+s15+$0x0], $0xffff  }
0x42b: {  	v48 =	vor.u32 v63, v42;
	v12 =	vor.u32 v2, v36;
	v15 =	vor.u32 v2, v38;
	v10 =	vld.idx.msk [tilespmem:v56+s15+$0x0], $0xffff  }
0x42c: {  	v24 =	vor.u32 v16, v41;
	v46 =	vor.u32 v63, v43;
	v1 =	vld.idx.msk [tilespmem:v1+s15+$0x0], $0xffff;
	[tilespmem:v18+s16+$0x0] =	vst.idx.msk $0xffff, v4  }
0x42d: {  	v22 =	vor.u32 s8, v22;
	v33 =	vor.u32 v63, v41;
	[tilespmem:v58+s16+$0x0] =	vst.idx.msk $0xffff, v0;
	v0 =	vor.u32 v63, v40;
	v63 =	vld [tilespmem:$0x1FA60]  }
0x42e: {  	v16 =	vor.u32 v16, v40;
	v20 =	vld.idx.msk [tilespmem:v20+s15+$0x0], $0xffff  }
0x42f: {  	v13 =	vor.u32 v2, v39;
	[tilespmem:v14+s16+$0x0] =	vst.idx.msk $0xffff, v9;
	v47 =	vld.idx.msk [tilespmem:v23+s15+$0x0], $0xffff  }
0x430: {  	v2 =	vor.u32 v2, v37;
	[tilespmem:v57+s16+$0x0] =	vst.idx.msk $0xffff, v11;
	v12 =	vld.idx.msk [tilespmem:v12+s15+$0x0], $0xffff  }
0x431: {  	v15 =	vld.idx.msk [tilespmem:v15+s15+$0x0], $0xffff;
	[tilespmem:v21+s16+$0x0] =	vst.idx.msk $0xffff, v8  }
0x432: {  	[tilespmem:v22+s16+$0x0] =	vst.idx.msk $0xffff, v7;
	v49 =	vld.idx.msk [tilespmem:v24+s15+$0x0], $0xffff  }
0x433: {  	[tilespmem:v17+s16+$0x0] =	vst.idx.msk $0xffff, v10;
	v16 =	vld.idx.msk [tilespmem:v16+s15+$0x0], $0xffff  }
0x434: {  	v30 =	vor.u32 s25, v30;
	v14 =	vor.u32 v59, v38;
	[tilespmem:v19+s16+$0x0] =	vst.idx.msk $0xffff, v1;
	v13 =	vld.idx.msk [tilespmem:v13+s15+$0x0], $0xffff  }
0x435: {  	v7 =	vor.u32 v59, v36;
	v2 =	vld.idx.msk [tilespmem:v2+s15+$0x0], $0xffff;
	[tilespmem:v45+s16+$0x0] =	vst.idx.msk $0xffff, v20  }
0x436: {  	[tilespmem:v60+s16+$0x0] =	vst.idx.msk $0xffff, v47;
	v8 =	vld.idx.msk [tilespmem:v46+s15+$0x0], $0xffff  }
0x437: {  	v23 =	vld.idx.msk [tilespmem:v48+s15+$0x0], $0xffff  }
0x438: {  	v50 =	vor.u32 v59, v39;
	[tilespmem:v25+s16+$0x0] =	vst.idx.msk $0xffff, v15;
	v46 =	vld [tilespmem:$0x1FA50]  }
0x439: {  	v6 =	vor.u32 v59, v37;
	v53 =	vor.u32 s2, v34;
	[tilespmem:v30+s16+$0x0] =	vst.idx.msk $0xffff, v12;
	v14 =	vld.idx.msk [tilespmem:v14+s15+$0x0], $0xffff  }
0x43a: {  	v54 =	vor.u32 s19, v34;
	v11 =	vand.u32 $0x7F, v52;
	v7 =	vld.idx.msk [tilespmem:v7+s15+$0x0], $0xffff;
	[tilespmem:v28+s16+$0x0] =	vst.idx.msk $0xffff, v49  }
0x43b: {  	v56 =	vor.u32 v11, v43;
	[tilespmem:v44+s16+$0x0] =	vst.idx.msk $0xffff, v16;
	v61 =	vld.idx.msk [tilespmem:v33+s15+$0x0], $0xffff  }
0x43c: {  	v58 =	vor.u32 v11, v42;
	[tilespmem:v26+s16+$0x0] =	vst.idx.msk $0xffff, v13;
	v0 =	vld.idx.msk [tilespmem:v0+s15+$0x0], $0xffff  }
0x43d: {  	v3 =	vor.u32 s30, v34;
	v51 =	vand.u32 $0x6F, v32;
	[tilespmem:v27+s16+$0x0] =	vst.idx.msk $0xffff, v2;
	v10 =	vld.idx.msk [tilespmem:v50+s15+$0x0], $0xffff  }
0x43e: {  	v55 =	vor.u32 s1, v34;
	v57 =	vor.u32 s25, v34;
	v12 =	vor.u32 v51, v38;
	v6 =	vld.idx.msk [tilespmem:v6+s15+$0x0], $0xffff;
	[tilespmem:v53+s16+$0x0] =	vst.idx.msk $0xffff, v8  }
0x43f: {  	v18 =	vor.u32 v51, v36;
	v22 =	vor.u32 s6, v34;
	v1 =	vor.u32 s7, v34;
	[tilespmem:v54+s16+$0x0] =	vst.idx.msk $0xffff, v23;
	v54 =	vld [tilespmem:$0x1FFD0]  }
0x440: {  	v59 =	vor.u32 s8, v34;
	v30 =	vor.u32 s26, v63;
	v28 =	vor.u32 v11, v41;
	v21 =	vld.idx.msk [tilespmem:v56+s15+$0x0], $0xffff  }
0x441: {  	v17 =	vor.u32 v51, v37;
	v60 =	vor.u32 v11, v40;
	v47 =	vand.u32 $0x6F, v30;
	v32 =	vld.idx.msk [tilespmem:v58+s15+$0x0], $0xffff  }
0x442: {  	v48 =	vor.u32 s29, v63;
	v63 =	vor.u32 s1, v29;
	v11 =	vor.u32 v51, v39;
	[tilespmem:v3+s16+$0x0] =	vst.idx.msk $0xffff, v14;
	v56 =	vld [tilespmem:$0x1FFE0]  }
0x443: {  	v19 =	vand.u32 $0x7F, v48;
	v20 =	vor.u32 v47, v36;
	v48 =	vor.u32 s8, v29;
	v12 =	vld.idx.msk [tilespmem:v12+s15+$0x0], $0xffff;
	[tilespmem:v57+s16+$0x0] =	vst.idx.msk $0xffff, v7  }
0x444: {  	v52 =	vor.u32 v47, v38;
	v13 =	vor.u32 s30, v46;
	v49 =	vor.u32 s2, v46;
	v18 =	vld.idx.msk [tilespmem:v18+s15+$0x0], $0xffff;
	[tilespmem:v55+s16+$0x0] =	vst.idx.msk $0xffff, v61  }
0x445: {  	v27 =	vor.u32 v19, v43;
	v50 =	vor.u32 s19, v46;
	v51 =	vor.u32 s1, v46;
	[tilespmem:v59+s16+$0x0] =	vst.idx.msk $0xffff, v0;
	v53 =	vld.idx.msk [tilespmem:v28+s15+$0x0], $0xffff  }
0x446: {  	v4 =	vor.u32 v19, v42;
	v30 =	vor.u32 s25, v46;
	v23 =	vor.u32 s8, v46;
	[tilespmem:v22+s16+$0x0] =	vst.idx.msk $0xffff, v10;
	v5 =	vld.idx.msk [tilespmem:v60+s15+$0x0], $0xffff  }
0x447: {  	v16 =	vor.u32 v19, v41;
	v3 =	vor.u32 s30, v29;
	v59 =	vor.u32 s2, v29;
	[tilespmem:v1+s16+$0x0] =	vst.idx.msk $0xffff, v6;
	v11 =	vld.idx.msk [tilespmem:v11+s15+$0x0], $0xffff  }
0x448: {  	v1 =	vor.u32 s7, v29;
	v61 =	vor.u32 s19, v29;
	v24 =	vor.u32 s29, v54;
	v17 =	vld.idx.msk [tilespmem:v17+s15+$0x0], $0xffff  }
0x449: {  	[tilespmem:v49+s16+$0x0] =	vst.idx.msk $0xffff, v21;
	v58 =	vand.u32 $0x7F, v24;
	v24 =	vor.u32 s6, v29;
	v49 =	vor.u32 s25, v29;
	v29 =	vld [tilespmem:$0x1FA20]  }
0x44a: {  	v19 =	vor.u32 v19, v40;
	v33 =	vor.u32 s6, v46;
	[tilespmem:v50+s16+$0x0] =	vst.idx.msk $0xffff, v32;
	v25 =	vld.idx.msk [tilespmem:v27+s15+$0x0], $0xffff  }
0x44b: {  	v34 =	vor.u32 v47, v39;
	[tilespmem:v13+s16+$0x0] =	vst.idx.msk $0xffff, v12;
	v4 =	vld.idx.msk [tilespmem:v4+s15+$0x0], $0xffff  }
0x44c: {  	v15 =	vor.u32 s7, v46;
	v8 =	vor.u32 v47, v37;
	v55 =	vor.u32 s26, v54;
	v0 =	vld.idx.msk [tilespmem:v52+s15+$0x0], $0xffff;
	[tilespmem:v30+s16+$0x0] =	vst.idx.msk $0xffff, v18  }
0x44d: {  	v57 =	vor.u32 s26, v56;
	v45 =	vor.u32 s29, v56;
	v60 =	vor.u32 v58, v43;
	v20 =	vld.idx.msk [tilespmem:v20+s15+$0x0], $0xffff;
	[tilespmem:v51+s16+$0x0] =	vst.idx.msk $0xffff, v53  }
0x44e: {  	v7 =	vand.u32 $0x6F, v55;
	v27 =	vor.u32 v58, v42;
	v54 =	vand.u32 $0x7F, v45;
	[tilespmem:v23+s16+$0x0] =	vst.idx.msk $0xffff, v5;
	v16 =	vld.idx.msk [tilespmem:v16+s15+$0x0], $0xffff  }
0x44f: {  	v51 =	vor.u32 v7, v36;
	[tilespmem:v33+s16+$0x0] =	vst.idx.msk $0xffff, v11;
	v22 =	vor.u32 s6, v29;
	v55 =	vor.u32 s2, v29;
	v19 =	vld.idx.msk [tilespmem:v19+s15+$0x0], $0xffff  }
0x450: {  	v11 =	vor.u32 s30, v29;
	v23 =	vor.u32 s7, v29;
	v56 =	vor.u32 s19, v29;
	v34 =	vld.idx.msk [tilespmem:v34+s15+$0x0], $0xffff  }
0x451: {  	[tilespmem:v15+s16+$0x0] =	vst.idx.msk $0xffff, v17;
	v33 =	vor.u32 s1, v29;
	v45 =	vor.u32 s25, v29;
	v17 =	vor.u32 s8, v29;
	v29 =	vld [tilespmem:$0x1FF20]  }
0x452: {  	v28 =	vor.u32 v58, v41;
	v8 =	vld.idx.msk [tilespmem:v8+s15+$0x0], $0xffff;
	[tilespmem:v59+s16+$0x0] =	vst.idx.msk $0xffff, v25  }
0x453: {  	v50 =	vor.u32 v58, v40;
	[tilespmem:v61+s16+$0x0] =	vst.idx.msk $0xffff, v4;
	v53 =	vld.idx.msk [tilespmem:v60+s15+$0x0], $0xffff  }
0x454: {  	v26 =	vor.u32 v7, v39;
	v60 =	vld.idx.msk [tilespmem:v27+s15+$0x0], $0xffff;
	[tilespmem:v49+s16+$0x0] =	vst.idx.msk $0xffff, v20  }
0x455: {  	v21 =	vand.u32 $0x6F, v57;
	v25 =	vor.u32 v7, v38;
	v10 =	vld.idx.msk [tilespmem:v51+s15+$0x0], $0xffff  }
0x456: {  	v7 =	vor.u32 v7, v37;
	v57 =	vor.u32 s26, v29;
	v58 =	vor.u32 s29, v29;
	[tilespmem:v63+s16+$0x0] =	vst.idx.msk $0xffff, v16;
	v29 =	vld [tilespmem:$0x1FA80]  }
0x457: {  	[tilespmem:v48+s16+$0x0] =	vst.idx.msk $0xffff, v19;
	v28 =	vld.idx.msk [tilespmem:v28+s15+$0x0], $0xffff  }
0x458: {  	v30 =	vor.u32 v54, v43;
	[tilespmem:v24+s16+$0x0] =	vst.idx.msk $0xffff, v34;
	v9 =	vld.idx.msk [tilespmem:v50+s15+$0x0], $0xffff  }
0x459: {  	v13 =	vor.u32 v54, v42;
	[tilespmem:v3+s16+$0x0] =	vst.idx.msk $0xffff, v0;
	v26 =	vld.idx.msk [tilespmem:v26+s15+$0x0], $0xffff  }
0x45a: {  	v46 =	vor.u32 v21, v36;
	[tilespmem:v1+s16+$0x0] =	vst.idx.msk $0xffff, v8;
	v25 =	vld.idx.msk [tilespmem:v25+s15+$0x0], $0xffff  }
0x45b: {  	v6 =	vor.u32 v21, v39;
	v14 =	vor.u32 v21, v38;
	v7 =	vld.idx.msk [tilespmem:v7+s15+$0x0], $0xffff  }
0x45c: {  	v18 =	vor.u32 v21, v37;
	v15 =	vor.u32 v54, v41;
	v21 =	vand.u32 $0x7F, v58;
	v58 =	vld [tilespmem:$0x1FF70];
	[tilespmem:v55+s16+$0x0] =	vst.idx.msk $0xffff, v53  }
0x45d: {  	v52 =	vor.u32 v54, v40;
	[tilespmem:v56+s16+$0x0] =	vst.idx.msk $0xffff, v60;
	v59 =	vld.idx.msk [tilespmem:v30+s15+$0x0], $0xffff  }
0x45e: {  	v44 =	vor.u32 s8, v31;
	v13 =	vld.idx.msk [tilespmem:v13+s15+$0x0], $0xffff;
	[tilespmem:v45+s16+$0x0] =	vst.idx.msk $0xffff, v10  }
0x45f: {  	v47 =	vor.u32 s25, v31;
	v32 =	vor.u32 s30, v62;
	v61 =	vor.u32 s2, v31;
	v46 =	vld.idx.msk [tilespmem:v46+s15+$0x0], $0xffff  }
0x460: {  	v0 =	vor.u32 s1, v31;
	v53 =	vor.u32 s26, v29;
	v55 =	vor.u32 s29, v29;
	v29 =	vld [tilespmem:$0x1FC80];
	[tilespmem:v33+s16+$0x0] =	vst.idx.msk $0xffff, v28  }
0x461: {  	v27 =	vor.u32 s30, v31;
	v63 =	vor.u32 s19, v31;
	v30 =	vor.u32 v21, v43;
	[tilespmem:v17+s16+$0x0] =	vst.idx.msk $0xffff, v9;
	v15 =	vld.idx.msk [tilespmem:v15+s15+$0x0], $0xffff  }
0x462: {  	v20 =	vor.u32 s6, v31;
	v5 =	vand.u32 $0x6F, v57;
	v34 =	vor.u32 v21, v42;
	[tilespmem:v22+s16+$0x0] =	vst.idx.msk $0xffff, v26;
	v4 =	vld.idx.msk [tilespmem:v52+s15+$0x0], $0xffff  }
0x463: {  	v49 =	vor.u32 s25, v35;
	v24 =	vor.u32 s7, v31;
	v8 =	vor.u32 v5, v36;
	[tilespmem:v11+s16+$0x0] =	vst.idx.msk $0xffff, v25;
	v6 =	vld.idx.msk [tilespmem:v6+s15+$0x0], $0xffff  }
0x464: {  	v3 =	vor.u32 v21, v41;
	v1 =	vor.u32 v21, v40;
	[tilespmem:v23+s16+$0x0] =	vst.idx.msk $0xffff, v7;
	v14 =	vld.idx.msk [tilespmem:v14+s15+$0x0], $0xffff  }
0x465: {  	v19 =	vor.u32 v5, v38;
	v21 =	vor.u32 v5, v39;
	v18 =	vld.idx.msk [tilespmem:v18+s15+$0x0], $0xffff;
	[tilespmem:v61+s16+$0x0] =	vst.idx.msk $0xffff, v59  }
0x466: {  	v50 =	vor.u32 s19, v62;
	v5 =	vor.u32 v5, v37;
	v23 =	vor.u32 s6, v62;
	[tilespmem:v63+s16+$0x0] =	vst.idx.msk $0xffff, v13;
	v56 =	vld.idx.msk [tilespmem:v30+s15+$0x0], $0xffff  }
0x467: {  	v12 =	vand.u32 $0x7F, v55;
	v59 =	vor.u32 s26, v58;
	v61 =	vor.u32 s29, v58;
	v34 =	vld.idx.msk [tilespmem:v34+s15+$0x0], $0xffff;
	[tilespmem:v47+s16+$0x0] =	vst.idx.msk $0xffff, v46  }
0x468: {  	v28 =	vor.u32 s2, v35;
	v63 =	vor.u32 s2, v62;
	v46 =	vor.u32 s8, v62;
	v58 =	vld.idx.msk [tilespmem:v8+s15+$0x0], $0xffff;
	[tilespmem:v0+s16+$0x0] =	vst.idx.msk $0xffff, v15  }
0x469: {  	v47 =	vor.u32 s25, v62;
	v15 =	vor.u32 s7, v62;
	[tilespmem:v44+s16+$0x0] =	vst.idx.msk $0xffff, v4;
	v4 =	vor.u32 s1, v62;
	v62 =	vld [tilespmem:$0x1FC90]  }
0x46a: {  	v54 =	vand.u32 $0x6F, v53;
	v17 =	vor.u32 s19, v35;
	v57 =	vor.u32 v12, v43;
	v3 =	vld.idx.msk [tilespmem:v3+s15+$0x0], $0xffff  }
0x46b: {  	v45 =	vor.u32 v12, v42;
	v26 =	vor.u32 v12, v41;
	[tilespmem:v20+s16+$0x0] =	vst.idx.msk $0xffff, v6;
	v1 =	vld.idx.msk [tilespmem:v1+s15+$0x0], $0xffff  }
0x46c: {  	v11 =	vor.u32 v12, v40;
	v12 =	vor.u32 v54, v36;
	[tilespmem:v27+s16+$0x0] =	vst.idx.msk $0xffff, v14;
	v21 =	vld.idx.msk [tilespmem:v21+s15+$0x0], $0xffff  }
0x46d: {  	v22 =	vor.u32 s1, v35;
	[tilespmem:v24+s16+$0x0] =	vst.idx.msk $0xffff, v18;
	v19 =	vld.idx.msk [tilespmem:v19+s15+$0x0], $0xffff  }
0x46e: {  	v48 =	vor.u32 s8, v35;
	v5 =	vld.idx.msk [tilespmem:v5+s15+$0x0], $0xffff;
	[tilespmem:v28+s16+$0x0] =	vst.idx.msk $0xffff, v56  }
0x46f: {  	v33 =	vor.u32 s30, v35;
	v25 =	vor.u32 v54, v39;
	v30 =	vor.u32 s6, v35;
	v9 =	vld.idx.msk [tilespmem:v57+s15+$0x0], $0xffff  }
0x470: {  	v60 =	vand.u32 $0x6F, v59;
	v59 =	vor.u32 s29, v29;
	v57 =	vor.u32 s26, v29;
	v29 =	vld [tilespmem:$0x1FF80];
	[tilespmem:v49+s16+$0x0] =	vst.idx.msk $0xffff, v58  }
0x471: {  	v10 =	vor.u32 s7, v35;
	v7 =	vand.u32 $0x7F, v61;
	v28 =	vor.u32 v54, v38;
	[tilespmem:v17+s16+$0x0] =	vst.idx.msk $0xffff, v34;
	v12 =	vld.idx.msk [tilespmem:v12+s15+$0x0], $0xffff  }
0x472: {  	v2 =	vor.u32 v54, v37;
	v53 =	vor.u32 v7, v42;
	[tilespmem:v22+s16+$0x0] =	vst.idx.msk $0xffff, v3;
	v3 =	vld.idx.msk [tilespmem:v45+s15+$0x0], $0xffff  }
0x473: {  	v13 =	vor.u32 v60, v38;
	v16 =	vor.u32 v60, v37;
	[tilespmem:v48+s16+$0x0] =	vst.idx.msk $0xffff, v1;
	v26 =	vld.idx.msk [tilespmem:v26+s15+$0x0], $0xffff  }
0x474: {  	v8 =	vor.u32 v60, v36;
	v56 =	vor.u32 v7, v43;
	[tilespmem:v30+s16+$0x0] =	vst.idx.msk $0xffff, v21;
	v11 =	vld.idx.msk [tilespmem:v11+s15+$0x0], $0xffff  }
0x475: {  	v44 =	vor.u32 v7, v41;
	v6 =	vor.u32 v7, v40;
	[tilespmem:v33+s16+$0x0] =	vst.idx.msk $0xffff, v19;
	v25 =	vld.idx.msk [tilespmem:v25+s15+$0x0], $0xffff  }
0x476: {  	v20 =	vor.u32 v60, v39;
	[tilespmem:v10+s16+$0x0] =	vst.idx.msk $0xffff, v5;
	v10 =	vld.idx.msk [tilespmem:v28+s15+$0x0], $0xffff;
	v60 =	vor.u32 s2, v29;
	v24 =	vor.u32 s6, v29  }
0x477: {  	v2 =	vld.idx.msk [tilespmem:v2+s15+$0x0], $0xffff;
	v27 =	vor.u32 s30, v29;
	v52 =	vor.u32 s7, v29;
	v34 =	vor.u32 s19, v29  }
0x478: {  	[tilespmem:v63+s16+$0x0] =	vst.idx.msk $0xffff, v9;
	v22 =	vor.u32 s1, v29;
	v1 =	vor.u32 s8, v29;
	v7 =	vor.u32 s25, v29;
	v29 =	vld [tilespmem:$0x1FFA0]  }
0x479: {  	v0 =	vld.idx.msk [tilespmem:v56+s15+$0x0], $0xffff;
	[tilespmem:v47+s16+$0x0] =	vst.idx.msk $0xffff, v12  }
0x47a: {  	[tilespmem:v50+s16+$0x0] =	vst.idx.msk $0xffff, v3;
	v8 =	vld.idx.msk [tilespmem:v8+s15+$0x0], $0xffff  }
0x47b: {  	v14 =	vand.u32 $0x7F, v59;
	[tilespmem:v4+s16+$0x0] =	vst.idx.msk $0xffff, v26;
	v50 =	vld.idx.msk [tilespmem:v53+s15+$0x0], $0xffff  }
0x47c: {  	v61 =	vor.u32 v14, v43;
	[tilespmem:v46+s16+$0x0] =	vst.idx.msk $0xffff, v11;
	v58 =	vld.idx.msk [tilespmem:v44+s15+$0x0], $0xffff  }
0x47d: {  	[tilespmem:v23+s16+$0x0] =	vst.idx.msk $0xffff, v25;
	v6 =	vld.idx.msk [tilespmem:v6+s15+$0x0], $0xffff  }
0x47e: {  	v55 =	vor.u32 v14, v41;
	[tilespmem:v32+s16+$0x0] =	vst.idx.msk $0xffff, v10;
	v20 =	vld.idx.msk [tilespmem:v20+s15+$0x0], $0xffff  }
0x47f: {  	v54 =	vor.u32 v14, v42;
	v59 =	vor.u32 s29, v62;
	v9 =	vand.u32 $0x6F, v57;
	[tilespmem:v15+s16+$0x0] =	vst.idx.msk $0xffff, v2;
	v13 =	vld.idx.msk [tilespmem:v13+s15+$0x0], $0xffff  }
0x480: {  	v48 =	vor.u32 v9, v36;
	v56 =	vor.u32 v9, v39;
	v16 =	vld.idx.msk [tilespmem:v16+s15+$0x0], $0xffff;
	[tilespmem:v60+s16+$0x0] =	vst.idx.msk $0xffff, v0  }
0x481: {  	v30 =	vor.u32 s6, v29;
	v51 =	vor.u32 s30, v29;
	v17 =	vld.idx.msk [tilespmem:v61+s15+$0x0], $0xffff;
	v61 =	vor.u32 s2, v29  }
0x482: {  	v45 =	vor.u32 s7, v29;
	v3 =	vor.u32 s19, v29;
	v60 =	vand.u32 $0x7F, v59;
	v59 =	vld [tilespmem:$0x1FCB0];
	[tilespmem:v7+s16+$0x0] =	vst.idx.msk $0xffff, v8  }
0x483: {  	v4 =	vor.u32 s1, v29;
	v33 =	vor.u32 s8, v29;
	v57 =	vor.u32 s25, v29;
	v29 =	vld [tilespmem:$0x1FF90];
	[tilespmem:v34+s16+$0x0] =	vst.idx.msk $0xffff, v50  }
0x484: {  	v18 =	vor.u32 v9, v38;
	[tilespmem:v22+s16+$0x0] =	vst.idx.msk $0xffff, v58;
	v54 =	vld.idx.msk [tilespmem:v54+s15+$0x0], $0xffff  }
0x485: {  	v9 =	vor.u32 v9, v37;
	[tilespmem:v24+s16+$0x0] =	vst.idx.msk $0xffff, v20;
	v20 =	vld.idx.msk [tilespmem:v48+s15+$0x0], $0xffff  }
0x486: {  	v63 =	vor.u32 s26, v62;
	v62 =	vor.u32 v60, v43;
	[tilespmem:v61+s16+$0x0] =	vst.idx.msk $0xffff, v17;
	v61 =	vld [tilespmem:$0x1FCA0]  }
0x487: {  	v14 =	vor.u32 v14, v40;
	v0 =	vand.u32 $0x6F, v63;
	v28 =	vor.u32 v60, v42;
	v8 =	vld.idx.msk [tilespmem:v55+s15+$0x0], $0xffff  }
0x488: {  	v26 =	vor.u32 v60, v41;
	v11 =	vor.u32 v60, v40;
	[tilespmem:v27+s16+$0x0] =	vst.idx.msk $0xffff, v13;
	v27 =	vld.idx.msk [tilespmem:v56+s15+$0x0], $0xffff  }
0x489: {  	v19 =	vor.u32 v0, v36;
	[tilespmem:v52+s16+$0x0] =	vst.idx.msk $0xffff, v16;
	v60 =	vor.u32 s29, v59;
	v18 =	vld.idx.msk [tilespmem:v18+s15+$0x0], $0xffff  }
0x48a: {  	v53 =	vor.u32 v0, v39;
	v63 =	vor.u32 s26, v59;
	v9 =	vld.idx.msk [tilespmem:v9+s15+$0x0], $0xffff;
	v21 =	vand.u32 $0x7F, v60  }
0x48b: {  	[tilespmem:v1+s16+$0x0] =	vst.idx.msk $0xffff, v6;
	v12 =	vand.u32 $0x6F, v63;
	v5 =	vld.idx.msk [tilespmem:v62+s15+$0x0], $0xffff;
	v63 =	vor.u32 v21, v43;
	v62 =	vor.u32 s2, v61  }
0x48c: {  	v60 =	vld [tilespmem:$0x1FCD0];
	v22 =	vor.u32 v12, v36;
	v58 =	vor.u32 v12, v39;
	[tilespmem:v3+s16+$0x0] =	vst.idx.msk $0xffff, v54  }
0x48d: {  	v44 =	vor.u32 v12, v38;
	v6 =	vor.u32 v12, v37;
	v12 =	vld.idx.msk [tilespmem:v14+s15+$0x0], $0xffff;
	[tilespmem:v57+s16+$0x0] =	vst.idx.msk $0xffff, v20  }
0x48e: {  	[tilespmem:v4+s16+$0x0] =	vst.idx.msk $0xffff, v8;
	v8 =	vld.idx.msk [tilespmem:v28+s15+$0x0], $0xffff  }
0x48f: {  	[tilespmem:v30+s16+$0x0] =	vst.idx.msk $0xffff, v27;
	v19 =	vld.idx.msk [tilespmem:v19+s15+$0x0], $0xffff  }
0x490: {  	v49 =	vor.u32 s6, v61;
	v53 =	vld.idx.msk [tilespmem:v53+s15+$0x0], $0xffff;
	[tilespmem:v62+s16+$0x0] =	vst.idx.msk $0xffff, v5  }
0x491: {  	v1 =	vld.idx.msk [tilespmem:v63+s15+$0x0], $0xffff  }
0x492: {  	v17 =	vor.u32 v0, v38;
	[tilespmem:v51+s16+$0x0] =	vst.idx.msk $0xffff, v18;
	v63 =	vld [tilespmem:$0x1FCC0]  }
0x493: {  	v0 =	vor.u32 v0, v37;
	v59 =	vor.u32 s7, v61;
	v2 =	vor.u32 s19, v61;
	v26 =	vld.idx.msk [tilespmem:v26+s15+$0x0], $0xffff;
	[tilespmem:v33+s16+$0x0] =	vst.idx.msk $0xffff, v12  }
0x494: {  	v15 =	vor.u32 v21, v42;
	v25 =	vor.u32 s1, v61;
	[tilespmem:$0x1F9D0] =	vst v59;
	v11 =	vld.idx.msk [tilespmem:v11+s15+$0x0], $0xffff  }
0x495: {  	v32 =	vor.u32 v21, v41;
	v34 =	vor.u32 s8, v61;
	[tilespmem:v49+s16+$0x0] =	vst.idx.msk $0xffff, v53;
	v49 =	vld [tilespmem:$0x1F9D0]  }
0x496: {  	v21 =	vor.u32 v21, v40;
	[tilespmem:v45+s16+$0x0] =	vst.idx.msk $0xffff, v9;
	v45 =	vld [tilespmem:$0x1FFC0];
	v59 =	vor.u32 s25, v61  }
0x497: {  	v17 =	vld.idx.msk [tilespmem:v17+s15+$0x0], $0xffff;
	v10 =	vor.u32 s2, v63  }
0x498: {  	v0 =	vld.idx.msk [tilespmem:v0+s15+$0x0], $0xffff;
	[tilespmem:v2+s16+$0x0] =	vst.idx.msk $0xffff, v8  }
0x499: {  	v62 =	vor.u32 s29, v60;
	[tilespmem:v25+s16+$0x0] =	vst.idx.msk $0xffff, v26;
	v15 =	vld.idx.msk [tilespmem:v15+s15+$0x0], $0xffff  }
0x49a: {  	v46 =	vor.u32 s30, v61;
	v7 =	vand.u32 $0x7F, v62;
	v32 =	vld.idx.msk [tilespmem:v32+s15+$0x0], $0xffff;
	[tilespmem:v34+s16+$0x0] =	vst.idx.msk $0xffff, v11;
	v13 =	vor.u32 s19, v63  }
0x49b: {  	v61 =	vor.u32 s26, v60;
	[tilespmem:v59+s16+$0x0] =	vst.idx.msk $0xffff, v19;
	v14 =	vor.u32 v7, v43;
	v21 =	vld.idx.msk [tilespmem:v21+s15+$0x0], $0xffff;
	v16 =	vor.u32 s1, v63  }
0x49c: {  	v5 =	vand.u32 $0x6F, v61;
	v24 =	vor.u32 v7, v42;
	v55 =	vor.u32 s8, v63;
	[tilespmem:v10+s16+$0x0] =	vst.idx.msk $0xffff, v1;
	v10 =	vld [tilespmem:$0x1FFB0]  }
0x49d: {  	v60 =	vor.u32 s26, v29;
	v52 =	vor.u32 v7, v41;
	v22 =	vld.idx.msk [tilespmem:v22+s15+$0x0], $0xffff;
	v56 =	vor.u32 s25, v63;
	[tilespmem:v49+s16+$0x0] =	vst.idx.msk $0xffff, v0  }
0x49e: {  	v54 =	vor.u32 v5, v39;
	v3 =	vor.u32 v7, v40;
	v7 =	vor.u32 v5, v36;
	v6 =	vld.idx.msk [tilespmem:v6+s15+$0x0], $0xffff  }
0x49f: {  	v48 =	vor.u32 s7, v63;
	v1 =	vand.u32 $0x6F, v60;
	v60 =	vor.u32 s29, v29;
	v29 =	vld [tilespmem:$0x1FCE0];
	[tilespmem:v13+s16+$0x0] =	vst.idx.msk $0xffff, v15  }
0x4a0: {  	v23 =	vor.u32 v5, v38;
	v5 =	vor.u32 v5, v37;
	[tilespmem:v16+s16+$0x0] =	vst.idx.msk $0xffff, v32;
	v4 =	vld.idx.msk [tilespmem:v14+s15+$0x0], $0xffff  }
0x4a1: {  	[tilespmem:v55+s16+$0x0] =	vst.idx.msk $0xffff, v21;
	v32 =	vld.idx.msk [tilespmem:v24+s15+$0x0], $0xffff;
	v12 =	vor.u32 s2, v10  }
0x4a2: {  	[tilespmem:v56+s16+$0x0] =	vst.idx.msk $0xffff, v22;
	v55 =	vld.idx.msk [tilespmem:v52+s15+$0x0], $0xffff;
	v30 =	vor.u32 s19, v10  }
0x4a3: {  	v14 =	vand.u32 $0x7F, v60;
	v7 =	vld.idx.msk [tilespmem:v7+s15+$0x0], $0xffff;
	v62 =	vor.u32 s25, v10  }
0x4a4: {  	v3 =	vld.idx.msk [tilespmem:v3+s15+$0x0], $0xffff;
	v33 =	vor.u32 v14, v43;
	v57 =	vor.u32 v14, v42;
	[tilespmem:v48+s16+$0x0] =	vst.idx.msk $0xffff, v6  }
0x4a5: {  	v5 =	vld.idx.msk [tilespmem:v5+s15+$0x0], $0xffff;
	v20 =	vor.u32 s6, v10;
	v28 =	vor.u32 s30, v10;
	v51 =	vor.u32 s26, v29  }
0x4a6: {  	v61 =	vor.u32 s8, v10;
	[tilespmem:v12+s16+$0x0] =	vst.idx.msk $0xffff, v4;
	v4 =	vand.u32 $0x6F, v51;
	v51 =	vor.u32 s29, v29;
	v29 =	vld [tilespmem:$0x1FCF0]  }
0x4a7: {  	v27 =	vor.u32 s7, v10;
	v18 =	vor.u32 s1, v10;
	v10 =	vor.u32 v14, v40;
	[tilespmem:v30+s16+$0x0] =	vst.idx.msk $0xffff, v32;
	v30 =	vld [tilespmem:$0x1FC20]  }
0x4a8: {  	[tilespmem:v62+s16+$0x0] =	vst.idx.msk $0xffff, v7;
	v62 =	vld [tilespmem:$0x1FC70]  }
0x4a9: {  	v60 =	vor.u32 v14, v41;
	v14 =	vor.u32 v1, v36;
	v8 =	vld.idx.msk [tilespmem:v33+s15+$0x0], $0xffff;
	v2 =	vand.u32 $0x7F, v51  }
0x4aa: {  	v50 =	vor.u32 s6, v63;
	v9 =	vor.u32 v1, v37;
	v33 =	vor.u32 v2, v42;
	v42 =	vld.idx.msk [tilespmem:v58+s15+$0x0], $0xffff  }
0x4ab: {  	v25 =	vor.u32 s2, v45;
	[tilespmem:v61+s16+$0x0] =	vst.idx.msk $0xffff, v3;
	v57 =	vld.idx.msk [tilespmem:v57+s15+$0x0], $0xffff  }
0x4ac: {  	[tilespmem:v46+s16+$0x0] =	vst.idx.msk $0xffff, v17;
	v3 =	vld.idx.msk [tilespmem:v10+s15+$0x0], $0xffff;
	v11 =	vor.u32 v2, v43  }
0x4ad: {  	v47 =	vor.u32 s30, v63;
	v58 =	vld.idx.msk [tilespmem:v44+s15+$0x0], $0xffff  }
0x4ae: {  	v19 =	vor.u32 s19, v45;
	v63 =	vor.u32 v1, v39;
	[tilespmem:v27+s16+$0x0] =	vst.idx.msk $0xffff, v5;
	v7 =	vld.idx.msk [tilespmem:v14+s15+$0x0], $0xffff  }
0x4af: {  	v12 =	vor.u32 v1, v38;
	v1 =	vor.u32 s25, v45;
	v48 =	vld.idx.msk [tilespmem:v9+s15+$0x0], $0xffff;
	[tilespmem:v50+s16+$0x0] =	vst.idx.msk $0xffff, v42  }
0x4b0: {  	v17 =	vor.u32 v4, v36;
	[tilespmem:v25+s16+$0x0] =	vst.idx.msk $0xffff, v8;
	v56 =	vld.idx.msk [tilespmem:v54+s15+$0x0], $0xffff  }
0x4b1: {  	[tilespmem:v18+s16+$0x0] =	vst.idx.msk $0xffff, v55;
	v25 =	vor.u32 s2, v29;
	v0 =	vld.idx.msk [tilespmem:v11+s15+$0x0], $0xffff  }
0x4b2: {  	v34 =	vor.u32 s1, v45;
	v39 =	vor.u32 v4, v39;
	[tilespmem:v47+s16+$0x0] =	vst.idx.msk $0xffff, v58;
	v58 =	vld.idx.msk [tilespmem:v60+s15+$0x0], $0xffff  }
0x4b3: {  	v38 =	vor.u32 v4, v38;
	v36 =	vor.u32 v4, v37;
	[tilespmem:v19+s16+$0x0] =	vst.idx.msk $0xffff, v57;
	v4 =	vld.idx.msk [tilespmem:v23+s15+$0x0], $0xffff  }
0x4b4: {  	v59 =	vor.u32 s8, v45;
	v53 =	vor.u32 v2, v41;
	[tilespmem:v1+s16+$0x0] =	vst.idx.msk $0xffff, v7;
	v42 =	vld.idx.msk [tilespmem:v33+s15+$0x0], $0xffff  }
0x4b5: {  	s28 =	sadd.s32 $0x8, s28;
	v2 =	vor.u32 v2, v40;
	v47 =	vld.idx.msk [tilespmem:v17+s15+$0x0], $0xffff;
	[tilespmem:v20+s16+$0x0] =	vst.idx.msk $0xffff, v56  }
0x4b6: {  	p1 =	slt.u32 s28, $0x58;
	v26 =	vor.u32 s6, v45;
	[tilespmem:v25+s16+$0x0] =	vst.idx.msk $0xffff, v0;
	v0 =	vld.idx.msk [tilespmem:v63+s15+$0x0], $0xffff  }
.Ltmp8:
0x4b7: {  	[tilespmem:v34+s16+$0x0] =	vst.idx.msk $0xffff, v58;
	v34 =	vld [tilespmem:$0x1FC40];
	(pc) =	sbr.rel @p1 .LBB2_8-.Ltmp8, $4  }
0x4b8: {  	v43 =	vor.u32 s7, v45;
	[tilespmem:v28+s16+$0x0] =	vst.idx.msk $0xffff, v4;
	v28 =	vld [tilespmem:$0x1FC30]  }
0x4b9: {  	v51 =	vor.u32 s30, v45;
	v45 =	vor.u32 s6, v29;
	v46 =	vor.u32 s30, v29;
	[tilespmem:v59+s16+$0x0] =	vst.idx.msk $0xffff, v3;
	v50 =	vld.idx.msk [tilespmem:v53+s15+$0x0], $0xffff  }
0x4ba: {  	v44 =	vor.u32 s7, v29;
	v41 =	vor.u32 s19, v29;
	v40 =	vor.u32 s1, v29;
	v53 =	vld.idx.msk [tilespmem:v2+s15+$0x0], $0xffff  }
0x4bb: {  	s26 =	sadd.s32 $0x20, s26;
	v37 =	vor.u32 s8, v29;
	v49 =	vor.u32 s25, v29;
	v52 =	vld.idx.msk [tilespmem:v12+s15+$0x0], $0xffff;
	[tilespmem:v26+s16+$0x0] =	vst.idx.msk $0xffff, v0  }
0x4bc: {  	_ =	sdelay $0x3  }
0x4bd: {  	[tilespmem:v43+s16+$0x0] =	vst.idx.msk $0xffff, v48  }
0x4be: {  	v0 =	vld.idx.msk [tilespmem:v39+s15+$0x0], $0xffff;
	[tilespmem:v41+s16+$0x0] =	vst.idx.msk $0xffff, v42  }
0x4bf: {  	v2 =	vld.idx.msk [tilespmem:v36+s15+$0x0], $0xffff;
	[tilespmem:v51+s16+$0x0] =	vst.idx.msk $0xffff, v52  }
0x4c0: {  	[tilespmem:v49+s16+$0x0] =	vst.idx.msk $0xffff, v47;
	v1 =	vld.idx.msk [tilespmem:v38+s15+$0x0], $0xffff  }
0x4c1: {  	[tilespmem:v40+s16+$0x0] =	vst.idx.msk $0xffff, v50  }
0x4c2: {  	[tilespmem:v37+s16+$0x0] =	vst.idx.msk $0xffff, v53  }
0x4c3: {  	[tilespmem:v45+s16+$0x0] =	vst.idx.msk $0xffff, v0  }
0x4c4: {  	[tilespmem:v44+s16+$0x0] =	vst.idx.msk $0xffff, v2  }
0x4c5: {  	[tilespmem:v46+s16+$0x0] =	vst.idx.msk $0xffff, v1  }
0x4c6: {  	v21 =	vld [tilespmem:$0x1FC50]  }
0x4c7: {  	v23 =	vld [tilespmem:$0x1FFD0]  }
0x4c8: {  	v25 =	vld [tilespmem:$0x1FFE0]  }
0x4c9: {  	v14 =	vld [tilespmem:$0x1FF20]  }
0x4ca: {  	v19 =	vld [tilespmem:$0x1FF70]  }
0x4cb: {  	v13 =	vmov v31;
	v31 =	vld [tilespmem:$0x1FF80]  }
0x4cc: {  	v27 =	vld [tilespmem:$0x1FC80]  }
0x4cd: {  	v33 =	vmov v35;
	v35 =	vld [tilespmem:$0x1FFA0]  }
0x4ce: {  	v29 =	vld [tilespmem:$0x1FC90]  }
0x4cf: {  	v17 =	vld [tilespmem:$0x1FCB0]  }
0x4d0: {  	v24 =	vld [tilespmem:$0x1FFB0]  }
0x4d1: {  	v26 =	vld [tilespmem:$0x1FF90]  }
.Ltmp9:
0x4d2: {  	v32 =	vld [tilespmem:$0x1FFC0];
	(pc) =	sbr.rel .LBB2_10-.Ltmp9, $4  }
0x4d3: {  	s1 =	smul.u32 $0xC00, s24;
	v8 =	vld [tilespmem:$0x1FD00]  }
0x4d4: {  	v10 =	vld [tilespmem:$0x1FD10]  }
0x4d5: {  	s1 =	sadd.s32 s5, s1;
	v12 =	vld [tilespmem:$0x1FD20]  }
0x4d6: {  	v9 =	vlaneseq.u32;
	[hbm4b:s1+s3] =	stream.linear.scatter [tilespmem:s16], [sflag:$0x4], $0x6000, $0x38;
	v11 =	vld [tilespmem:$0x1FF60]  }
.LBB2_11:
0x4d7: {  	_ =	swait.ge [sflag:s17], $0x6000  }
.Ltmp10:
0x4d8: {  	[sflag:s17] =	ssyncset.done $0x0;
	(pc) =	sbr.rel @p0 .LBB2_15-.Ltmp10, $4  }
0x4d9: {  	[sflag:s17] =	ssyncadd.s32 $0xFFFFA000  }
0x4da: {  	_ =	swait.ge [sflag:s18], $0x6000  }
0x4db: {  	[sflag:s18] =	ssyncset.done $0x0  }
0x4dc: {  	v15 =	vld [tilespmem:$0x1FCF0];
	[sflag:s18] =	ssyncadd.s32 $0xFFFFA000  }
0x4dd: {  	s1 =	rddreg [dreg:$0x4];
	s2 =	simm.s32 $0x400  }
0x4de: {  	[tilespmem:s20], [sflag:$0x5] =	stream.strided.gather [hbm4b:s1+s2], $0x2000, s11, s2, $0x38;
	[tilespmem:$0x1A000] =	vst v63  }
0x4df: {  	_ =	swait.ge [sflag:s21], $0x2000  }
0x4e0: {  	[sflag:s21] =	ssyncset.done $0x0  }
0x4e1: {  	p1 =	por $0x1, $0x1;
	s2 =	simm.s32 $0x0;
	[sflag:s21] =	ssyncadd.s32 $0xFFFFE000  }
.LBB2_13:
0x4e2: {  	v0 =	vimm.s32 $0xF80  }
0x4e3: {  	v37 =	vmul.u32 $0x81, v9;
	v0 =	vsel vm0, $0x801, v0  }
0x4e4: {  	s1 =	sshll.u32 s2, $0x2;
	v0 =	vsel vm1, $0x882, v0  }
0x4e5: {  	v1 =	vor.u32 s1, v37;
	v0 =	vsel vm2, $0x903, v0  }
0x4e6: {  	v51 =	vld [tilespmem:$0x1FD30];
	v0 =	vsel vm3, $0x984, v0  }
0x4e7: {  	v0 =	vsel vm4, $0xA05, v0  }
0x4e8: {  	v0 =	vsel vm5, $0xA86, v0  }
0x4e9: {  	s7 =	sshll.u32 s2, $0x8;
	v0 =	vsel vm6, $0xB07, v0  }
0x4ea: {  	v3 =	vor.u32 s7, v11;
	v1 =	vld.idx.msk [tilespmem:v1+s20+$0x0], $0xffff;
	v0 =	vsel vm7, $0xB88, v0  }
0x4eb: {  	v38 =	vor.u32 $0x800, v37;
	v4 =	vor.u32 s1, v51;
	v0 =	vsel vm8, $0xC09, v0  }
0x4ec: {  	v52 =	vld [tilespmem:$0x1FA90];
	v2 =	vor.u32 s1, v38;
	v0 =	vsel vm9, $0xC8A, v0  }
0x4ed: {  	v0 =	vsel vm10, $0xD0B, v0  }
0x4ee: {  	v0 =	vsel vm11, $0xD8C, v0  }
0x4ef: {  	[tilespmem:v3+s13+$0x0] =	vst.idx.msk $0xffff, v1;
	v0 =	vsel vm12, $0xE0D, v0  }
0x4f0: {  	s6 =	sor.u32 $0x10, s7;
	v59 =	vor.u32 s7, v30;
	v1 =	vld.idx.msk [tilespmem:v4+s20+$0x0], $0xffff;
	v0 =	vsel vm13, $0xE8E, v0  }
0x4f1: {  	v5 =	vor.u32 s6, v11;
	v60 =	vor.u32 s1, v52;
	v2 =	vld.idx.msk [tilespmem:v2+s20+$0x0], $0xffff;
	v36 =	vsel vm14, $0xF0F, v0  }
0x4f2: {  	v53 =	vld [tilespmem:$0x1FAA0];
	v0 =	vor.u32 s1, v36;
	_ =	sdelay $0x1  }
0x4f3: {  	v43 =	vld [tilespmem:$0x1FB70]  }
0x4f4: {  	v17 =	vld [tilespmem:$0x1FA50];
	[tilespmem:v59+s13+$0x0] =	vst.idx.msk $0xffff, v1  }
0x4f5: {  	v39 =	vor.u32 s7, v34;
	[tilespmem:v5+s13+$0x0] =	vst.idx.msk $0xffff, v2;
	v1 =	vld.idx.msk [tilespmem:v60+s20+$0x0], $0xffff  }
0x4f6: {  	v61 =	vor.u32 s6, v30;
	v40 =	vor.u32 s1, v53;
	v0 =	vld.idx.msk [tilespmem:v0+s20+$0x0], $0xffff  }
0x4f7: {  	v54 =	vld [tilespmem:$0x1FAB0]  }
0x4f8: {  	v63 =	vor.u32 s1, v43  }
0x4f9: {  	v44 =	vld [tilespmem:$0x1FB80]  }
0x4fa: {  	v29 =	vld [tilespmem:$0x1FA70];
	[tilespmem:v39+s13+$0x0] =	vst.idx.msk $0xffff, v1  }
0x4fb: {  	v50 =	vor.u32 s7, v17;
	[tilespmem:v61+s13+$0x0] =	vst.idx.msk $0xffff, v0;
	v0 =	vld.idx.msk [tilespmem:v40+s20+$0x0], $0xffff  }
0x4fc: {  	v55 =	vld [tilespmem:$0x1FAC0];
	v56 =	vor.u32 s1, v54  }
0x4fd: {  	v48 =	vor.u32 s6, v34;
	v41 =	vld.idx.msk [tilespmem:v63+s20+$0x0], $0xffff  }
0x4fe: {  	v49 =	vor.u32 s1, v44  }
0x4ff: {  	v26 =	vld [tilespmem:$0x1FB90]  }
0x500: {  	v16 =	vld [tilespmem:$0x1FA20];
	[tilespmem:v50+s13+$0x0] =	vst.idx.msk $0xffff, v0  }
0x501: {  	v59 =	vor.u32 s7, v29;
	v0 =	vld.idx.msk [tilespmem:v56+s20+$0x0], $0xffff  }
0x502: {  	v60 =	vor.u32 s1, v55;
	[tilespmem:v48+s13+$0x0] =	vst.idx.msk $0xffff, v41;
	v56 =	vld [tilespmem:$0x1FAD0]  }
0x503: {  	v57 =	vor.u32 s6, v17;
	v3 =	vld.idx.msk [tilespmem:v49+s20+$0x0], $0xffff  }
0x504: {  	v58 =	vor.u32 s1, v26  }
0x505: {  	v39 =	vld [tilespmem:$0x1FBA0]  }
0x506: {  	[tilespmem:v59+s13+$0x0] =	vst.idx.msk $0xffff, v0  }
0x507: {  	v40 =	vor.u32 s7, v16;
	v0 =	vld.idx.msk [tilespmem:v60+s20+$0x0], $0xffff  }
0x508: {  	v41 =	vor.u32 s1, v56;
	[tilespmem:v57+s13+$0x0] =	vst.idx.msk $0xffff, v3;
	v57 =	vld [tilespmem:$0x1FAE0]  }
0x509: {  	v61 =	vor.u32 s6, v29;
	v3 =	vld.idx.msk [tilespmem:v58+s20+$0x0], $0xffff  }
0x50a: {  	v63 =	vor.u32 s1, v39  }
0x50b: {  	v18 =	vld [tilespmem:$0x1FBB0]  }
0x50c: {  	[tilespmem:v40+s13+$0x0] =	vst.idx.msk $0xffff, v0  }
0x50d: {  	v46 =	vor.u32 s7, v13;
	v0 =	vld.idx.msk [tilespmem:v41+s20+$0x0], $0xffff  }
0x50e: {  	v58 =	vld [tilespmem:$0x1FAF0];
	v47 =	vor.u32 s1, v57;
	[tilespmem:v61+s13+$0x0] =	vst.idx.msk $0xffff, v3  }
0x50f: {  	v42 =	vor.u32 s6, v16;
	v3 =	vld.idx.msk [tilespmem:v63+s20+$0x0], $0xffff  }
0x510: {  	v45 =	vor.u32 s1, v18  }
0x511: {  	v41 =	vld [tilespmem:$0x1FBC0]  }
0x512: {  	[tilespmem:v46+s13+$0x0] =	vst.idx.msk $0xffff, v0  }
0x513: {  	v50 =	vor.u32 s7, v33;
	v0 =	vld.idx.msk [tilespmem:v47+s20+$0x0], $0xffff  }
0x514: {  	v59 =	vor.u32 s1, v58;
	[tilespmem:v42+s13+$0x0] =	vst.idx.msk $0xffff, v3  }
0x515: {  	v48 =	vor.u32 s6, v13;
	v3 =	vld.idx.msk [tilespmem:v45+s20+$0x0], $0xffff  }
0x516: {  	v49 =	vor.u32 s1, v41;
	_ =	sdelay $0x1  }
0x517: {  	v42 =	vld [tilespmem:$0x1FBD0];
	[tilespmem:v50+s13+$0x0] =	vst.idx.msk $0xffff, v0  }
0x518: {  	v0 =	vld.idx.msk [tilespmem:v59+s20+$0x0], $0xffff  }
0x519: {  	[tilespmem:v48+s13+$0x0] =	vst.idx.msk $0xffff, v3;
	v59 =	vld [tilespmem:$0x1FB00]  }
0x51a: {  	v60 =	vor.u32 s6, v33;
	v3 =	vld.idx.msk [tilespmem:v49+s20+$0x0], $0xffff;
	_ =	sdelay $0x2  }
0x51b: {  	v63 =	vor.u32 s7, v62  }
0x51c: {  	v40 =	vor.u32 s1, v59  }
0x51d: {  	v61 =	vor.u32 s1, v42;
	[tilespmem:v60+s13+$0x0] =	vst.idx.msk $0xffff, v3;
	v60 =	vld [tilespmem:$0x1FB10];
	_ =	sdelay $0x1  }
0x51e: {  	v45 =	vld [tilespmem:$0x1FBE0]  }
0x51f: {  	[tilespmem:v63+s13+$0x0] =	vst.idx.msk $0xffff, v0  }
0x520: {  	v50 =	vor.u32 s7, v31;
	v0 =	vld.idx.msk [tilespmem:v40+s20+$0x0], $0xffff  }
0x521: {  	v3 =	vld.idx.msk [tilespmem:v61+s20+$0x0], $0xffff;
	v63 =	vor.u32 s1, v60  }
0x522: {  	v48 =	vor.u32 s6, v62;
	v61 =	vld [tilespmem:$0x1FB20]  }
0x523: {  	v49 =	vor.u32 s1, v45  }
0x524: {  	v46 =	vld [tilespmem:$0x1FD40]  }
0x525: {  	[tilespmem:v50+s13+$0x0] =	vst.idx.msk $0xffff, v0  }
0x526: {  	v47 =	vor.u32 s7, v35;
	v0 =	vld.idx.msk [tilespmem:v63+s20+$0x0], $0xffff  }
0x527: {  	[tilespmem:v48+s13+$0x0] =	vst.idx.msk $0xffff, v3;
	v48 =	vor.u32 s1, v61  }
0x528: {  	v40 =	vor.u32 s6, v31;
	v3 =	vld.idx.msk [tilespmem:v49+s20+$0x0], $0xffff  }
0x529: {  	v5 =	vor.u32 s1, v46  }
0x52a: {  	v50 =	vld [tilespmem:$0x1FD50]  }
0x52b: {  	[tilespmem:v47+s13+$0x0] =	vst.idx.msk $0xffff, v0;
	v47 =	vld [tilespmem:$0x1FB30]  }
0x52c: {  	v63 =	vor.u32 s7, v22;
	v0 =	vld.idx.msk [tilespmem:v48+s20+$0x0], $0xffff  }
0x52d: {  	[tilespmem:v40+s13+$0x0] =	vst.idx.msk $0xffff, v3  }
0x52e: {  	v49 =	vor.u32 s6, v35;
	v3 =	vld.idx.msk [tilespmem:v5+s20+$0x0], $0xffff  }
0x52f: {  	v5 =	vor.u32 s1, v50  }
0x530: {  	v48 =	vld [tilespmem:$0x1FD60];
	v40 =	vor.u32 s1, v47  }
0x531: {  	[tilespmem:v63+s13+$0x0] =	vst.idx.msk $0xffff, v0;
	v63 =	vld [tilespmem:$0x1FB40];
	_ =	sdelay $0x1  }
0x532: {  	[tilespmem:v49+s13+$0x0] =	vst.idx.msk $0xffff, v3  }
0x533: {  	v46 =	vor.u32 s6, v22;
	v3 =	vld.idx.msk [tilespmem:v5+s20+$0x0], $0xffff  }
0x534: {  	v1 =	vor.u32 s7, v20;
	v50 =	vor.u32 s1, v48;
	v0 =	vld.idx.msk [tilespmem:v40+s20+$0x0], $0xffff  }
0x535: {  	v49 =	vld [tilespmem:$0x1FD70];
	v40 =	vor.u32 s1, v63;
	_ =	sdelay $0x2  }
0x536: {  	[tilespmem:v46+s13+$0x0] =	vst.idx.msk $0xffff, v3  }
0x537: {  	v46 =	vor.u32 s6, v20;
	v3 =	vld.idx.msk [tilespmem:v50+s20+$0x0], $0xffff;
	[tilespmem:v1+s13+$0x0] =	vst.idx.msk $0xffff, v0  }
0x538: {  	v50 =	vor.u32 s1, v49;
	v0 =	vld.idx.msk [tilespmem:v40+s20+$0x0], $0xffff  }
0x539: {  	v40 =	vld [tilespmem:$0x1FB50];
	_ =	sdelay $0x1  }
0x53a: {  	v6 =	vor.u32 $0x1000, v37  }
0x53b: {  	v7 =	vor.u32 s1, v6;
	[tilespmem:v46+s13+$0x0] =	vst.idx.msk $0xffff, v3  }
0x53c: {  	v1 =	vor.u32 s7, v24;
	v3 =	vld.idx.msk [tilespmem:v50+s20+$0x0], $0xffff  }
0x53d: {  	s30 =	sshrl.u32 s2, $0x2;
	v8 =	vor.u32 $0x1800, v37;
	v50 =	vld [tilespmem:$0x1FD80];
	v2 =	vor.u32 s1, v40  }
0x53e: {  	s8 =	sor.u32 $0x1, s30;
	v9 =	vor.u32 s1, v8;
	v40 =	vld [tilespmem:$0x1FB60]  }
0x53f: {  	v12 =	vld [tilespmem:$0x1FF60];
	s31 =	sor.u32 $0x20, s7;
	s2 =	sshll.u32 s8, $0x4  }
0x540: {  	v8 =	vor.u32 s2, v8;
	v10 =	vor.u32 s31, v11;
	v7 =	vld.idx.msk [tilespmem:v7+s20+$0x0], $0xffff  }
0x541: {  	v14 =	vld [tilespmem:$0x1FF60];
	v46 =	vor.u32 s6, v24;
	[tilespmem:v1+s13+$0x0] =	vst.idx.msk $0xffff, v0  }
0x542: {  	v1 =	vor.u32 s7, v32;
	v5 =	vor.u32 s1, v50;
	v0 =	vld.idx.msk [tilespmem:v2+s20+$0x0], $0xffff  }
0x543: {  	v9 =	vld.idx.msk [tilespmem:v9+s20+$0x0], $0xffff;
	v2 =	vor.u32 s1, v40  }
0x544: {  	v50 =	vld [tilespmem:$0x1FD90]  }
0x545: {  	v8 =	vld.idx.msk [tilespmem:v8+s20+$0x0], $0xffff;
	[tilespmem:v10+s13+$0x0] =	vst.idx.msk $0xffff, v7  }
0x546: {  	v10 =	vld [tilespmem:$0x1FF60];
	[tilespmem:v46+s13+$0x0] =	vst.idx.msk $0xffff, v3  }
0x547: {  	v46 =	vor.u32 s6, v32;
	v3 =	vld.idx.msk [tilespmem:v5+s20+$0x0], $0xffff;
	[tilespmem:v1+s13+$0x0] =	vst.idx.msk $0xffff, v0  }
0x548: {  	v1 =	vld.idx.msk [tilespmem:v2+s20+$0x0], $0xffff;
	v2 =	vor.u32 s7, v15  }
0x549: {  	v5 =	vor.u32 s1, v50;
	v50 =	vld [tilespmem:$0x1FDA0]  }
0x54a: {  	v40 =	vld [tilespmem:$0x1FD40]  }
0x54b: {  	v0 =	vor.u32 s2, v37;
	v37 =	vld [tilespmem:$0x1FD50]  }
0x54c: {  	[tilespmem:v46+s13+$0x0] =	vst.idx.msk $0xffff, v3;
	v3 =	vor.u32 s2, v38;
	v46 =	vld [tilespmem:$0x1FE90]  }
0x54d: {  	s7 =	sor.u32 $0x30, s7;
	[tilespmem:v2+s13+$0x0] =	vst.idx.msk $0xffff, v1;
	v1 =	vor.u32 s2, v51;
	v51 =	vld [tilespmem:$0x1FF60]  }
0x54e: {  	v11 =	vor.u32 s1, v50;
	v7 =	vor.u32 s2, v50;
	v50 =	vld [tilespmem:$0x1FDB0];
	v12 =	vor.u32 s7, v12  }
0x54f: {  	v4 =	vld.idx.msk [tilespmem:v5+s20+$0x0], $0xffff  }
0x550: {  	s8 =	sshll.u32 s8, $0xA;
	v6 =	vor.u32 s2, v6;
	v5 =	vor.u32 s6, v15;
	v0 =	vld.idx.msk [tilespmem:v0+s20+$0x0], $0xffff  }
0x551: {  	s19 =	sor.u32 $0x10, s8;
	s24 =	sor.u32 $0x30, s8;
	v14 =	vor.u32 s8, v14;
	v38 =	vmovc v15;
	v15 =	vmov v13;
	v13 =	vor.u32 s1, v46;
	v2 =	vld.idx.msk [tilespmem:v3+s20+$0x0], $0xffff  }
0x552: {  	v10 =	vor.u32 s24, v10;
	v3 =	vor.u32 s19, v51;
	v51 =	vld [tilespmem:$0x1FF60]  }
0x553: {  	v11 =	vld.idx.msk [tilespmem:v11+s20+$0x0], $0xffff;
	[tilespmem:v12+s13+$0x0] =	vst.idx.msk $0xffff, v9;
	v9 =	vor.u32 s31, v30  }
0x554: {  	v12 =	vor.u32 s2, v46;
	v46 =	vld [tilespmem:$0x1FEA0]  }
0x555: {  	[tilespmem:v5+s13+$0x0] =	vst.idx.msk $0xffff, v4;
	v5 =	vld.idx.msk [tilespmem:v6+s20+$0x0], $0xffff  }
0x556: {  	s23 =	sor.u32 $0x20, s8;
	[tilespmem:v14+s13+$0x0] =	vst.idx.msk $0xffff, v0;
	v0 =	vor.u32 s1, v50;
	v14 =	vor.u32 s7, v30;
	v13 =	vld.idx.msk [tilespmem:v13+s20+$0x0], $0xffff  }
0x557: {  	[tilespmem:v10+s13+$0x0] =	vst.idx.msk $0xffff, v8;
	v4 =	vor.u32 s2, v36;
	v1 =	vld.idx.msk [tilespmem:v1+s20+$0x0], $0xffff;
	v6 =	vor.u32 s23, v51  }
0x558: {  	[tilespmem:v9+s13+$0x0] =	vst.idx.msk $0xffff, v11;
	v9 =	vor.u32 s2, v50;
	v50 =	vld [tilespmem:$0x1FDC0];
	v51 =	vor.u32 s8, v30  }
0x559: {  	v36 =	vld [tilespmem:$0x1FF50];
	[tilespmem:v3+s13+$0x0] =	vst.idx.msk $0xffff, v2;
	v2 =	vor.u32 s1, v46  }
0x55a: {  	v11 =	vld.idx.msk [tilespmem:v12+s20+$0x0], $0xffff;
	v12 =	vor.u32 s24, v30  }
0x55b: {  	v0 =	vld.idx.msk [tilespmem:v0+s20+$0x0], $0xffff;
	[tilespmem:v14+s13+$0x0] =	vst.idx.msk $0xffff, v13;
	v13 =	vor.u32 s31, v34;
	v14 =	vor.u32 s2, v46  }
0x55c: {  	v4 =	vld.idx.msk [tilespmem:v4+s20+$0x0], $0xffff;
	[tilespmem:v6+s13+$0x0] =	vst.idx.msk $0xffff, v5;
	v5 =	vor.u32 s2, v52  }
0x55d: {  	v52 =	vor.u32 s19, v30;
	[tilespmem:v51+s13+$0x0] =	vst.idx.msk $0xffff, v1;
	v1 =	vor.u32 s1, v50;
	v51 =	vld [tilespmem:$0x1FEB0]  }
0x55e: {  	v8 =	vor.u32 s2, v43;
	v43 =	vor.u32 s7, v34;
	v2 =	vld.idx.msk [tilespmem:v2+s20+$0x0], $0xffff  }
0x55f: {  	v10 =	vor.u32 s23, v30;
	[tilespmem:v12+s13+$0x0] =	vst.idx.msk $0xffff, v11;
	v7 =	vld.idx.msk [tilespmem:v7+s20+$0x0], $0xffff  }
0x560: {  	[tilespmem:v13+s13+$0x0] =	vst.idx.msk $0xffff, v0;
	v13 =	vld.idx.msk [tilespmem:v14+s20+$0x0], $0xffff  }
0x561: {  	v14 =	vor.u32 s24, v34;
	v5 =	vld.idx.msk [tilespmem:v5+s20+$0x0], $0xffff  }
0x562: {  	[tilespmem:v52+s13+$0x0] =	vst.idx.msk $0xffff, v4;
	v4 =	vor.u32 s1, v51;
	v52 =	vor.u32 s8, v34;
	v1 =	vld.idx.msk [tilespmem:v1+s20+$0x0], $0xffff  }
0x563: {  	[tilespmem:v43+s13+$0x0] =	vst.idx.msk $0xffff, v2;
	v2 =	vor.u32 s31, v17;
	v3 =	vor.u32 s2, v51;
	v43 =	vld [tilespmem:$0x1FDD0]  }
0x564: {  	[tilespmem:v10+s13+$0x0] =	vst.idx.msk $0xffff, v7;
	v7 =	vor.u32 s2, v53;
	v8 =	vld.idx.msk [tilespmem:v8+s20+$0x0], $0xffff;
	v10 =	vor.u32 s19, v34  }
0x565: {  	v11 =	vor.u32 s2, v44;
	v53 =	vld [tilespmem:$0x1FEC0]  }
0x566: {  	v12 =	vor.u32 s23, v34;
	[tilespmem:v14+s13+$0x0] =	vst.idx.msk $0xffff, v13;
	v9 =	vld.idx.msk [tilespmem:v9+s20+$0x0], $0xffff  }
0x567: {  	v0 =	vor.u32 s2, v50;
	[tilespmem:v52+s13+$0x0] =	vst.idx.msk $0xffff, v5;
	v4 =	vld.idx.msk [tilespmem:v4+s20+$0x0], $0xffff  }
0x568: {  	v51 =	vor.u32 s1, v43;
	[tilespmem:v2+s13+$0x0] =	vst.idx.msk $0xffff, v1;
	v2 =	vld.idx.msk [tilespmem:v3+s20+$0x0], $0xffff  }
0x569: {  	v52 =	vor.u32 s7, v17;
	[tilespmem:v10+s13+$0x0] =	vst.idx.msk $0xffff, v8;
	v7 =	vld.idx.msk [tilespmem:v7+s20+$0x0], $0xffff  }
0x56a: {  	v14 =	vor.u32 s23, v17;
	v8 =	vor.u32 s1, v53;
	v10 =	vor.u32 s8, v17;
	v11 =	vld.idx.msk [tilespmem:v11+s20+$0x0], $0xffff  }
0x56b: {  	[tilespmem:v12+s13+$0x0] =	vst.idx.msk $0xffff, v9;
	v9 =	vor.u32 s2, v54;
	v12 =	vor.u32 s19, v17;
	v54 =	vor.u32 s24, v17;
	v17 =	vld [tilespmem:$0x1FED0]  }
0x56c: {  	v13 =	vor.u32 s2, v26;
	v0 =	vld.idx.msk [tilespmem:v0+s20+$0x0], $0xffff  }
0x56d: {  	v5 =	vld.idx.msk [tilespmem:v51+s20+$0x0], $0xffff  }
0x56e: {  	v1 =	vor.u32 s2, v43;
	[tilespmem:v52+s13+$0x0] =	vst.idx.msk $0xffff, v4;
	v51 =	vld [tilespmem:$0x1FDE0]  }
0x56f: {  	v43 =	vor.u32 s31, v29;
	v50 =	vor.u32 s2, v53;
	[tilespmem:v10+s13+$0x0] =	vst.idx.msk $0xffff, v7;
	v8 =	vld.idx.msk [tilespmem:v8+s20+$0x0], $0xffff  }
0x570: {  	v10 =	vor.u32 s7, v29;
	[tilespmem:v12+s13+$0x0] =	vst.idx.msk $0xffff, v11;
	v9 =	vld.idx.msk [tilespmem:v9+s20+$0x0], $0xffff  }
0x571: {  	v44 =	vor.u32 s24, v29;
	v11 =	vor.u32 s1, v17;
	v12 =	vor.u32 s8, v29;
	v13 =	vld.idx.msk [tilespmem:v13+s20+$0x0], $0xffff  }
0x572: {  	v53 =	vor.u32 s2, v55;
	v55 =	vor.u32 s23, v29;
	[tilespmem:v14+s13+$0x0] =	vst.idx.msk $0xffff, v0;
	v14 =	vor.u32 s19, v29;
	v29 =	vld [tilespmem:$0x1FDF0]  }
0x573: {  	[tilespmem:v54+s13+$0x0] =	vst.idx.msk $0xffff, v2;
	v1 =	vld.idx.msk [tilespmem:v1+s20+$0x0], $0xffff  }
0x574: {  	v52 =	vor.u32 s1, v51;
	[tilespmem:v43+s13+$0x0] =	vst.idx.msk $0xffff, v5;
	v43 =	vld.idx.msk [tilespmem:v50+s20+$0x0], $0xffff  }
0x575: {  	v54 =	vor.u32 s2, v39;
	[tilespmem:v10+s13+$0x0] =	vst.idx.msk $0xffff, v8;
	v10 =	vor.u32 s2, v17;
	v17 =	vld [tilespmem:$0x1FEE0]  }
0x576: {  	v39 =	vor.u32 s2, v51;
	[tilespmem:v12+s13+$0x0] =	vst.idx.msk $0xffff, v9;
	v11 =	vld.idx.msk [tilespmem:v11+s20+$0x0], $0xffff;
	v12 =	vor.u32 s7, v16  }
0x577: {  	[tilespmem:v14+s13+$0x0] =	vst.idx.msk $0xffff, v13;
	v0 =	vld.idx.msk [tilespmem:v53+s20+$0x0], $0xffff;
	v14 =	vor.u32 s8, v16  }
0x578: {  	v46 =	vor.u32 s2, v56;
	v9 =	vor.u32 s1, v29;
	v53 =	vor.u32 s2, v29;
	v29 =	vld [tilespmem:$0x1FE10]  }
0x579: {  	v8 =	vor.u32 s31, v16;
	v7 =	vld.idx.msk [tilespmem:v52+s20+$0x0], $0xffff  }
0x57a: {  	v50 =	vor.u32 s19, v16;
	[tilespmem:v55+s13+$0x0] =	vst.idx.msk $0xffff, v1;
	v2 =	vld.idx.msk [tilespmem:v54+s20+$0x0], $0xffff  }
0x57b: {  	v51 =	vor.u32 s2, v18;
	v4 =	vld.idx.msk [tilespmem:v39+s20+$0x0], $0xffff;
	[tilespmem:v12+s13+$0x0] =	vst.idx.msk $0xffff, v11  }
0x57c: {  	v13 =	vor.u32 s1, v17;
	v12 =	vor.u32 s2, v17;
	v17 =	vld [tilespmem:$0x1FEF0];
	[tilespmem:v14+s13+$0x0] =	vst.idx.msk $0xffff, v0  }
0x57d: {  	[tilespmem:v44+s13+$0x0] =	vst.idx.msk $0xffff, v43;
	v52 =	vor.u32 s23, v16;
	v1 =	vld.idx.msk [tilespmem:v46+s20+$0x0], $0xffff  }
0x57e: {  	v56 =	vor.u32 s8, v15;
	[tilespmem:v8+s13+$0x0] =	vst.idx.msk $0xffff, v7;
	v8 =	vld.idx.msk [tilespmem:v10+s20+$0x0], $0xffff  }
0x57f: {  	v57 =	vor.u32 s2, v57;
	[tilespmem:v50+s13+$0x0] =	vst.idx.msk $0xffff, v2;
	v10 =	vor.u32 s24, v16;
	v16 =	vld [tilespmem:$0x1FE00]  }
0x580: {  	v5 =	vld.idx.msk [tilespmem:v51+s20+$0x0], $0xffff  }
0x581: {  	v11 =	vor.u32 s31, v15;
	v9 =	vld.idx.msk [tilespmem:v9+s20+$0x0], $0xffff  }
0x582: {  	v14 =	vor.u32 s7, v15;
	[tilespmem:v52+s13+$0x0] =	vst.idx.msk $0xffff, v4;
	v13 =	vld.idx.msk [tilespmem:v13+s20+$0x0], $0xffff  }
0x583: {  	v7 =	vld.idx.msk [tilespmem:v53+s20+$0x0], $0xffff;
	v55 =	vor.u32 s1, v17;
	[tilespmem:v56+s13+$0x0] =	vst.idx.msk $0xffff, v1  }
0x584: {  	v39 =	vor.u32 s19, v15;
	v54 =	vor.u32 s1, v16;
	v4 =	vld.idx.msk [tilespmem:v57+s20+$0x0], $0xffff  }
0x585: {  	v51 =	vor.u32 s2, v29;
	[tilespmem:v10+s13+$0x0] =	vst.idx.msk $0xffff, v8;
	v8 =	vor.u32 s2, v41;
	v41 =	vor.u32 s1, v29;
	v29 =	vld [tilespmem:$0x1FE20]  }
0x586: {  	v10 =	vor.u32 s23, v15;
	[tilespmem:v11+s13+$0x0] =	vst.idx.msk $0xffff, v9;
	v11 =	vld.idx.msk [tilespmem:v12+s20+$0x0], $0xffff  }
0x587: {  	v9 =	vor.u32 s2, v16;
	v12 =	vor.u32 s24, v15;
	[tilespmem:v14+s13+$0x0] =	vst.idx.msk $0xffff, v13;
	v14 =	vor.u32 s2, v17;
	v17 =	vld [tilespmem:$0x1FF00]  }
0x588: {  	v46 =	vor.u32 s8, v33;
	v2 =	vld.idx.msk [tilespmem:v55+s20+$0x0], $0xffff  }
0x589: {  	v50 =	vor.u32 s2, v58;
	[tilespmem:v39+s13+$0x0] =	vst.idx.msk $0xffff, v5;
	v0 =	vld.idx.msk [tilespmem:v54+s20+$0x0], $0xffff  }
0x58a: {  	v13 =	vor.u32 s31, v33;
	v8 =	vld.idx.msk [tilespmem:v8+s20+$0x0], $0xffff  }
0x58b: {  	[tilespmem:v10+s13+$0x0] =	vst.idx.msk $0xffff, v7;
	v10 =	vor.u32 s19, v33;
	v54 =	vor.u32 s1, v29;
	v56 =	vor.u32 s2, v29;
	v29 =	vld [tilespmem:$0x1FF30]  }
0x58c: {  	[tilespmem:v12+s13+$0x0] =	vst.idx.msk $0xffff, v11;
	v11 =	vor.u32 s2, v42;
	v9 =	vld.idx.msk [tilespmem:v9+s20+$0x0], $0xffff;
	v12 =	vor.u32 s23, v33  }
0x58d: {  	v43 =	vor.u32 s7, v33;
	[tilespmem:v46+s13+$0x0] =	vst.idx.msk $0xffff, v4;
	v44 =	vor.u32 s1, v17;
	v53 =	vor.u32 s2, v17;
	v17 =	vld [tilespmem:$0x1FF10]  }
0x58e: {  	v7 =	vld.idx.msk [tilespmem:v50+s20+$0x0], $0xffff  }
0x58f: {  	[tilespmem:v13+s13+$0x0] =	vst.idx.msk $0xffff, v0;
	v13 =	vld.idx.msk [tilespmem:v14+s20+$0x0], $0xffff;
	v14 =	vor.u32 s24, v33  }
0x590: {  	[tilespmem:v10+s13+$0x0] =	vst.idx.msk $0xffff, v8;
	v10 =	vor.u32 s8, v62;
	v1 =	vld.idx.msk [tilespmem:v41+s20+$0x0], $0xffff  }
0x591: {  	v52 =	vor.u32 s31, v62;
	[tilespmem:v12+s13+$0x0] =	vst.idx.msk $0xffff, v9;
	v9 =	vor.u32 s2, v59;
	v11 =	vld.idx.msk [tilespmem:v11+s20+$0x0], $0xffff  }
0x592: {  	[tilespmem:v43+s13+$0x0] =	vst.idx.msk $0xffff, v2;
	v8 =	vor.u32 s1, v17;
	v12 =	vor.u32 s19, v62;
	v39 =	vor.u32 s2, v17;
	v17 =	vld [tilespmem:$0x1FE30]  }
0x593: {  	v55 =	vor.u32 s7, v62;
	v5 =	vld.idx.msk [tilespmem:v44+s20+$0x0], $0xffff  }
0x594: {  	v0 =	vld.idx.msk [tilespmem:v51+s20+$0x0], $0xffff;
	[tilespmem:v14+s13+$0x0] =	vst.idx.msk $0xffff, v13  }
0x595: {  	v13 =	vor.u32 s2, v45;
	v14 =	vor.u32 s23, v62;
	[tilespmem:v10+s13+$0x0] =	vst.idx.msk $0xffff, v7;
	v57 =	vld.idx.msk [tilespmem:v53+s20+$0x0], $0xffff  }
0x596: {  	v58 =	vor.u32 s24, v62;
	[tilespmem:v52+s13+$0x0] =	vst.idx.msk $0xffff, v1;
	v9 =	vld.idx.msk [tilespmem:v9+s20+$0x0], $0xffff  }
0x597: {  	v41 =	vor.u32 s1, v17;
	[tilespmem:v12+s13+$0x0] =	vst.idx.msk $0xffff, v11;
	v12 =	vor.u32 s8, v31;
	v45 =	vor.u32 s2, v17;
	v17 =	vld [tilespmem:$0x1FE40]  }
0x598: {  	v59 =	vor.u32 s31, v31;
	[tilespmem:v55+s13+$0x0] =	vst.idx.msk $0xffff, v5;
	v4 =	vld.idx.msk [tilespmem:v54+s20+$0x0], $0xffff  }
0x599: {  	v10 =	vor.u32 s7, v31;
	v8 =	vld.idx.msk [tilespmem:v8+s20+$0x0], $0xffff  }
0x59a: {  	[tilespmem:v14+s13+$0x0] =	vst.idx.msk $0xffff, v0;
	v13 =	vld.idx.msk [tilespmem:v13+s20+$0x0], $0xffff  }
0x59b: {  	v42 =	vor.u32 s2, v60;
	v11 =	vor.u32 s1, v29;
	[tilespmem:v58+s13+$0x0] =	vst.idx.msk $0xffff, v57;
	v1 =	vld.idx.msk [tilespmem:v56+s20+$0x0], $0xffff  }
0x59c: {  	v14 =	vor.u32 s19, v31;
	[tilespmem:v12+s13+$0x0] =	vst.idx.msk $0xffff, v9;
	v9 =	vor.u32 s1, v17;
	v55 =	vor.u32 s2, v17;
	v17 =	vld [tilespmem:$0x1FE50]  }
0x59d: {  	v43 =	vor.u32 s2, v40;
	v44 =	vor.u32 s23, v31;
	[tilespmem:v59+s13+$0x0] =	vst.idx.msk $0xffff, v4;
	v46 =	vld.idx.msk [tilespmem:v39+s20+$0x0], $0xffff  }
0x59e: {  	v50 =	vor.u32 s24, v31;
	[tilespmem:v10+s13+$0x0] =	vst.idx.msk $0xffff, v8;
	v10 =	vor.u32 s2, v29;
	v29 =	vld [tilespmem:$0x1FF40]  }
0x59f: {  	v8 =	vor.u32 s31, v35;
	v7 =	vld.idx.msk [tilespmem:v41+s20+$0x0], $0xffff  }
0x5a0: {  	v12 =	vor.u32 s7, v35;
	v11 =	vld.idx.msk [tilespmem:v11+s20+$0x0], $0xffff  }
0x5a1: {  	v0 =	vld.idx.msk [tilespmem:v42+s20+$0x0], $0xffff;
	[tilespmem:v14+s13+$0x0] =	vst.idx.msk $0xffff, v13;
	v14 =	vor.u32 s8, v35  }
0x5a2: {  	v51 =	vor.u32 s2, v61;
	[tilespmem:v44+s13+$0x0] =	vst.idx.msk $0xffff, v1;
	v2 =	vld.idx.msk [tilespmem:v43+s20+$0x0], $0xffff  }
0x5a3: {  	v52 =	vor.u32 s19, v35;
	v13 =	vor.u32 s1, v29;
	[tilespmem:v50+s13+$0x0] =	vst.idx.msk $0xffff, v46;
	v4 =	vld.idx.msk [tilespmem:v45+s20+$0x0], $0xffff  }
0x5a4: {  	v53 =	vor.u32 s2, v37;
	[tilespmem:v8+s13+$0x0] =	vst.idx.msk $0xffff, v7;
	v8 =	vld.idx.msk [tilespmem:v10+s20+$0x0], $0xffff  }
0x5a5: {  	[tilespmem:v12+s13+$0x0] =	vst.idx.msk $0xffff, v11;
	v12 =	vor.u32 s2, v29;
	v29 =	vld [tilespmem:$0x1FBF0]  }
0x5a6: {  	v54 =	vor.u32 s23, v35;
	v9 =	vld.idx.msk [tilespmem:v9+s20+$0x0], $0xffff;
	[tilespmem:v14+s13+$0x0] =	vst.idx.msk $0xffff, v0  }
0x5a7: {  	v10 =	vor.u32 s24, v35;
	v1 =	vld.idx.msk [tilespmem:v51+s20+$0x0], $0xffff  }
0x5a8: {  	v11 =	vor.u32 s31, v22;
	[tilespmem:v52+s13+$0x0] =	vst.idx.msk $0xffff, v2;
	v13 =	vld.idx.msk [tilespmem:v13+s20+$0x0], $0xffff  }
0x5a9: {  	v5 =	vld.idx.msk [tilespmem:v53+s20+$0x0], $0xffff  }
0x5aa: {  	v58 =	vor.u32 s8, v22;
	v56 =	vor.u32 s1, v17;
	v53 =	vld [tilespmem:$0x1FB60]  }
0x5ab: {  	v14 =	vor.u32 s7, v22;
	[tilespmem:v54+s13+$0x0] =	vst.idx.msk $0xffff, v4;
	v54 =	vld [tilespmem:$0x1FD90]  }
0x5ac: {  	v59 =	vor.u32 s2, v47;
	[tilespmem:v10+s13+$0x0] =	vst.idx.msk $0xffff, v8;
	v7 =	vld.idx.msk [tilespmem:v55+s20+$0x0], $0xffff  }
0x5ad: {  	v60 =	vor.u32 s19, v22;
	v57 =	vor.u32 s1, v29;
	[tilespmem:v11+s13+$0x0] =	vst.idx.msk $0xffff, v9;
	v11 =	vld.idx.msk [tilespmem:v12+s20+$0x0], $0xffff  }
0x5ae: {  	v8 =	vor.u32 s2, v48;
	v10 =	vor.u32 s23, v22;
	v9 =	vor.u32 s2, v17;
	v17 =	vld [tilespmem:$0x1FE60]  }
0x5af: {  	v0 =	vld.idx.msk [tilespmem:v56+s20+$0x0], $0xffff;
	[tilespmem:v58+s13+$0x0] =	vst.idx.msk $0xffff, v1  }
0x5b0: {  	v12 =	vor.u32 s24, v22;
	[tilespmem:v14+s13+$0x0] =	vst.idx.msk $0xffff, v13;
	v14 =	vor.u32 s2, v29;
	v29 =	vld [tilespmem:$0x1FC00]  }
0x5b1: {  	v13 =	vor.u32 s31, v20;
	v4 =	vld.idx.msk [tilespmem:v59+s20+$0x0], $0xffff  }
0x5b2: {  	v40 =	vor.u32 s8, v20;
	[tilespmem:v60+s13+$0x0] =	vst.idx.msk $0xffff, v5;
	v2 =	vld.idx.msk [tilespmem:v57+s20+$0x0], $0xffff  }
0x5b3: {  	v37 =	vor.u32 s7, v20;
	v41 =	vor.u32 s2, v63;
	[tilespmem:v10+s13+$0x0] =	vst.idx.msk $0xffff, v7;
	v8 =	vld.idx.msk [tilespmem:v8+s20+$0x0], $0xffff  }
0x5b4: {  	v10 =	vor.u32 s19, v20;
	v61 =	vor.u32 s1, v17;
	v9 =	vld.idx.msk [tilespmem:v9+s20+$0x0], $0xffff  }
0x5b5: {  	[tilespmem:v12+s13+$0x0] =	vst.idx.msk $0xffff, v11;
	v12 =	vor.u32 s23, v20;
	v42 =	vor.u32 s2, v17;
	v17 =	vld [tilespmem:$0x1FE70]  }
0x5b6: {  	v39 =	vor.u32 s1, v29;
	[tilespmem:v13+s13+$0x0] =	vst.idx.msk $0xffff, v0;
	v13 =	vld.idx.msk [tilespmem:v14+s20+$0x0], $0xffff  }
0x5b7: {  	v14 =	vor.u32 s24, v20;
	v44 =	vor.u32 s2, v29;
	[tilespmem:v40+s13+$0x0] =	vst.idx.msk $0xffff, v4;
	v29 =	vld [tilespmem:$0x1FC10]  }
0x5b8: {  	[tilespmem:v37+s13+$0x0] =	vst.idx.msk $0xffff, v2;
	v7 =	vld.idx.msk [tilespmem:v41+s20+$0x0], $0xffff  }
0x5b9: {  	[tilespmem:v10+s13+$0x0] =	vst.idx.msk $0xffff, v8;
	v1 =	vld.idx.msk [tilespmem:v61+s20+$0x0], $0xffff  }
0x5ba: {  	v11 =	vor.u32 s2, v49;
	v10 =	vor.u32 s8, v24;
	[tilespmem:v12+s13+$0x0] =	vst.idx.msk $0xffff, v9;
	v9 =	vld [tilespmem:$0x1FB50]  }
0x5bb: {  	v43 =	vor.u32 s31, v24;
	v5 =	vld.idx.msk [tilespmem:v39+s20+$0x0], $0xffff  }
0x5bc: {  	v46 =	vor.u32 s7, v24;
	v45 =	vor.u32 s1, v17;
	[tilespmem:v14+s13+$0x0] =	vst.idx.msk $0xffff, v13;
	v13 =	vld [tilespmem:$0x1FD80]  }
0x5bd: {  	v8 =	vor.u32 s1, v36;
	v0 =	vld.idx.msk [tilespmem:v42+s20+$0x0], $0xffff;
	v14 =	vor.u32 s23, v24  }
0x5be: {  	v47 =	vor.u32 s2, v17;
	v17 =	vld [tilespmem:$0x1FE80]  }
0x5bf: {  	v11 =	vld.idx.msk [tilespmem:v11+s20+$0x0], $0xffff;
	v12 =	vor.u32 s19, v24;
	[tilespmem:v10+s13+$0x0] =	vst.idx.msk $0xffff, v7;
	v9 =	vor.u32 s2, v9  }
0x5c0: {  	v49 =	vor.u32 s24, v24;
	v48 =	vld.idx.msk [tilespmem:v44+s20+$0x0], $0xffff;
	[tilespmem:v43+s13+$0x0] =	vst.idx.msk $0xffff, v1  }
0x5c1: {  	v50 =	vor.u32 s31, v32;
	v4 =	vld.idx.msk [tilespmem:v45+s20+$0x0], $0xffff;
	v13 =	vor.u32 s2, v13;
	[tilespmem:v46+s13+$0x0] =	vst.idx.msk $0xffff, v5  }
0x5c2: {  	v51 =	vor.u32 s2, v36;
	v10 =	vor.u32 s7, v32;
	[tilespmem:v14+s13+$0x0] =	vst.idx.msk $0xffff, v0;
	v8 =	vld.idx.msk [tilespmem:v8+s20+$0x0], $0xffff  }
0x5c3: {  	v55 =	vor.u32 s23, v32;
	v52 =	vor.u32 s1, v17;
	v1 =	vld.idx.msk [tilespmem:v47+s20+$0x0], $0xffff  }
0x5c4: {  	[tilespmem:v12+s13+$0x0] =	vst.idx.msk $0xffff, v11;
	v11 =	vor.u32 s1, v29;
	v12 =	vor.u32 s8, v32;
	v9 =	vld.idx.msk [tilespmem:v9+s20+$0x0], $0xffff  }
0x5c5: {  	v56 =	vor.u32 s2, v17;
	[tilespmem:v49+s13+$0x0] =	vst.idx.msk $0xffff, v48  }
0x5c6: {  	v0 =	vor.u32 s2, v53;
	v14 =	vor.u32 s19, v32;
	[tilespmem:v50+s13+$0x0] =	vst.idx.msk $0xffff, v4;
	v13 =	vld.idx.msk [tilespmem:v13+s20+$0x0], $0xffff  }
0x5c7: {  	v58 =	vor.u32 s24, v32;
	v2 =	vor.u32 s2, v54;
	v57 =	vld.idx.msk [tilespmem:v51+s20+$0x0], $0xffff;
	[tilespmem:v10+s13+$0x0] =	vst.idx.msk $0xffff, v8  }
0x5c8: {  	v7 =	vld.idx.msk [tilespmem:v52+s20+$0x0], $0xffff;
	v8 =	vor.u32 s31, v38;
	v10 =	vor.u32 s2, v29;
	[tilespmem:v55+s13+$0x0] =	vst.idx.msk $0xffff, v1  }
0x5c9: {  	[tilespmem:v12+s13+$0x0] =	vst.idx.msk $0xffff, v9;
	v9 =	vor.u32 s7, v38;
	v11 =	vld.idx.msk [tilespmem:v11+s20+$0x0], $0xffff  }
0x5ca: {  	v61 =	vor.u32 s23, v38;
	v3 =	vld.idx.msk [tilespmem:v56+s20+$0x0], $0xffff  }
0x5cb: {  	v12 =	vor.u32 s8, v38;
	v0 =	vld.idx.msk [tilespmem:v0+s20+$0x0], $0xffff;
	[tilespmem:v14+s13+$0x0] =	vst.idx.msk $0xffff, v13  }
0x5cc: {  	v60 =	vor.u32 s19, v38;
	[tilespmem:v58+s13+$0x0] =	vst.idx.msk $0xffff, v57;
	v59 =	vld.idx.msk [tilespmem:v2+s20+$0x0], $0xffff  }
0x5cd: {  	p2 =	por p1, p1;
	v63 =	vor.u32 s24, v38;
	[tilespmem:v8+s13+$0x0] =	vst.idx.msk $0xffff, v7;
	v5 =	vld.idx.msk [tilespmem:v10+s20+$0x0], $0xffff  }
.Ltmp11:
0x5ce: {  	[tilespmem:v9+s13+$0x0] =	vst.idx.msk $0xffff, v11;
	(pc) =	sbr.rel @p2 .LBB2_13-.Ltmp11, $4  }
0x5cf: {  	[tilespmem:v61+s13+$0x0] =	vst.idx.msk $0xffff, v3  }
0x5d0: {  	[tilespmem:v12+s13+$0x0] =	vst.idx.msk $0xffff, v0  }
0x5d1: {  	[tilespmem:v60+s13+$0x0] =	vst.idx.msk $0xffff, v59  }
0x5d2: {  	p1 =	por $0x0, $0x0;
	s2 =	simm.s32 $0x8;
	v13 =	vmov v15;
	v15 =	vmov v38;
	v11 =	vld [tilespmem:$0x1FF60];
	v9 =	vlaneseq.u32;
	[tilespmem:v63+s13+$0x0] =	vst.idx.msk $0xffff, v5  }
0x5d3: {  	s1 =	rddreg [dreg:$0x5]  }
0x5d4: {  	[hbm4b:s1+s3] =	stream.linear.scatter [tilespmem:s13], [sflag:$0x5], $0x1000, $0x38;
	[tilespmem:$0x1A000] =	vst v63  }
0x5d5: {  	_ =	swait.ge [sflag:s21], $0x1000  }
0x5d6: {  	v29 =	vld [tilespmem:$0x1FC90]  }
0x5d7: {  	v17 =	vld [tilespmem:$0x1FCB0]  }
0x5d8: {  	v3 =	vld [tilespmem:$0x1FCE0]  }
0x5d9: {  	v8 =	vld [tilespmem:$0x1FD00]  }
.Ltmp12:
0x5da: {  	v10 =	vld [tilespmem:$0x1FD10];
	(pc) =	sbr.rel .LBB2_15-.Ltmp12, $4  }
0x5db: {  	v12 =	vld [tilespmem:$0x1FD20]  }
0x5dc: {  	v14 =	vld [tilespmem:$0x1FF20]  }
0x5dd: {  	[sflag:s21] =	ssyncset.done $0x0;
	v26 =	vld [tilespmem:$0x1FF90]  }
0x5de: {  	v18 =	vld [tilespmem:$0x1FCD0];
	[sflag:s21] =	ssyncadd.s32 $0xFFFFF000  }
.LBB2_16:
0x5df: {  	_ =	sfence.sel $0x180000  }
0x5e0: {  	[bflag:$0x0] =	sbarrier.arrive $0xFFFF  }
0x5e1: {  	_ =	strace $0x90000047  }
0x5e2: {  	s0 =	stileid.u32;
	[bflag:$0x2] =	sbarrier.arrive $0xFFFF  }
0x5e3: {  	p0 =	sne.s32 s0, $0x0;
	s0 =	rddreg [dreg:$0x2]  }
0x5e4: {  	s0 =	sadd.s32 @!p0 $0x100000, s0  }
0x5e5: {  	[sflag:s0] =	ssyncadd.tile.s32 @!p0 $0x1;
	_ =	shalt  }
.Lfunc_end2:
_tile_overlayer_lowered:
.L_overlay_start_2:
0x5e6: {  	(tag) =	ssettag $0x2  }
0x5e7: {  	s0 =	rddreg [dreg:$0x0];
	s2 =	stileid.u32  }
0x5e8: {  	s1 =	rddreg [dreg:$0x1];
	p0 =	sne.s32 s2, $0x0  }
0x5e9: {  	s3 =	rddreg [dreg:$0x2];
	[bflag:$0x3] =	sbarrier.arrive $0xFFFF;
	s2 =	simm.s32 @!p0 $0x1C05  }
0x5ea: {  	[timem:s3], [sflag:s2] =	dma.local @!p0 [hbm:s0], s1  }
0x5eb: {  	s0 =	simm.s32 @!p0 $0x5  }
0x5ec: {  	_ =	swait.ge @!p0 [sflag:s0], s1  }
0x5ed: {  	s1 =	ssub.s32 @!p0 $0x0, s1;
	[sflag:s0] =	ssyncset.done @!p0 $0x0  }
0x5ee: {  	[sflag:s0] =	ssyncadd.s32 @!p0 s1  }
0x5ef: {  	[bflag:$0x3] =	sbarrier.arrive $0xFFFF  }
0x5f0: {  	_ =	shalt  }

// kernel: kernel.7.cloned.1.call-start
scs
__scs_entry_jumppad:
0x0: {  	(pc) =	sbr.rel $0x88, $3  }
0x1: {  	(tag) =	ssettag $0x0;
	lr =	simm.s32 $0x1  }
0x2: {  	[smem:$0x3F9E] =	sst lr;
	_ =	strace $0xD0000000  }
0x3: {  	_ = 	snop  }
0x4: {  	_ = 	snop  }
0x5: {  	_ = 	snop  }
0x6: {  	_ = 	snop  }
0x7: {  	_ = 	snop  }
__scs_overlays_trampoline_lowered:
0x8: {  	[smem:$0x3FAD] =	sst s0  }
0x9: {  	[smem:$0x3FAE] =	sst s1  }
0xa: {  	[smem:$0x3FAF] =	sst s2  }
0xb: {  	[smem:$0x3FB0] =	sst s3  }
0xc: {  	[smem:$0x3FB1] =	sst s4  }
0xd: {  	[smem:$0x3FB2] =	sst s5  }
0xe: {  	[smem:$0x3FB3] =	sst s6  }
0xf: {  	[smem:$0x3FB4] =	sst s7  }
0x10: {  	[smem:$0x3FB5] =	sst s8  }
0x11: {  	[smem:$0x3FB6] =	sst s9;
	s0 =	simm.s32 @!p0 $0x0  }
0x12: {  	s1 =	sld [smem:$0x3F9C];
	s0 =	simm.s32 @p0 $0x1  }
0x13: {  	[smem:$0x3FB7] =	sst s0;
	s0 =	simm.s32 @!p1 $0x0  }
0x14: {  	s2 =	sld [smem:$0x3F9B];
	s0 =	simm.s32 @p1 $0x1  }
0x15: {  	[smem:$0x3FB8] =	sst s0;
	s0 =	simm.s32 @!p2 $0x0  }
0x16: {  	s3 =	sld [smem:$0x3FDB];
	s0 =	simm.s32 @p2 $0x1  }
0x17: {  	s4 =	simm.s32 $0x1BF5;
	[smem:$0x3FBA] =	sst s0  }
0x18: {  	s0 =	sld [smem:$0x3F9D];
	_ =	swait.ge [sflag:s4], $0x0  }
0x19: {  	s7 =	sld [smem:$0x3F9E]  }
0x1a: {  	s8 =	sadd.s32 $0xFFFFE003, lr  }
0x1b: {  	s9 =	sadd.s32 $0xFFFFFEF7, lr;
	s5 =	simm.s32 $0xFFFFFFFF;
	p2 =	slt.u32 s8, $0xFFFFF086  }
0x1c: {  	p1 =	slt.u32 s9, $0xF7A;
	s5 =	simm.s32 @!p2 $0x0  }
0x1d: {  	s5 =	simm.s32 @p1 $0x1;
	p0 =	seq.s32 s7, s2  }
0x1e: {  	s7 =	smul.u32 @!p0 $0xF7A, s2;
	p2 =	seq.s32 @!p0 s5, $0x0  }
0x1f: {  	s9 =	smul.u32 $0xF7A, s1;
	s8 =	simm.s32 @!p0 $0x1BF5;
	p2 =	por !p2, p0  }
0x20: {  	[sflag:s8] =	ssyncset.s32 @!p0 $0xFFFFF086;
	s6 =	sadd.s32 @!p0 s3, s7;
	s7 =	simm.s32 @!p0 $0x108  }
0x21: {  	s3 =	sadd.s32 s3, s9;
	s6 =	sadd.s32 @!p0 $0x88, s6;
	s7 =	simm.s32 @p2 $0x1082  }
0x22: {  	[simem:s7], [sflag:s8] =	dma.local @!p0 [hbm:s6], $0xF7A  }
0x23: {  	s9 =	sor.u32 $0xD0000000, s2;
	s6 =	simm.s32 $0x108;
	_ =	swait.ge @!p0 [sflag:s8], $0x0  }
0x24: {  	s3 =	sadd.s32 $0x88, s3;
	s6 =	simm.s32 @!p1 $0x1082;
	[sflag:s4] =	ssyncset.s32 $0xFFFFF086  }
0x25: {  	[simem:s6], [sflag:s4] =	dma.local [hbm:s3], $0xF7A  }
0x26: {  	[smem:$0x3F9E] =	sst s1;
	(tag) =	ssettag s2;
	_ =	strace s9  }
0x27: {  	s1 =	sld [smem:$0x3FAE]  }
0x28: {  	s2 =	sld [smem:$0x3FAF]  }
0x29: {  	s4 =	sld [smem:$0x3FB1]  }
0x2a: {  	p0 =	seq.s32 s5, $0x0;
	s5 =	sld [smem:$0x3FB2]  }
0x2b: {  	s6 =	sld [smem:$0x3FB3]  }
0x2c: {  	s7 =	sld [smem:$0x3FB4]  }
0x2d: {  	s3 =	simm.s32 $0x108;
	s8 =	sld [smem:$0x3FB5]  }
0x2e: {  	s3 =	simm.s32 @!p0 $0x1082;
	s9 =	sld [smem:$0x3FB6]  }
0x2f: {  	lr =	sadd.s32 s0, s3;
	s0 =	sld [smem:$0x3FAD]  }
0x30: {  	s3 =	sld [smem:$0x3FB0]  }
0x31: {  	[smem:$0x3FB9] =	sst s10  }
0x32: {  	s10 =	sld [smem:$0x3FB7];
	_ =	sdelay $0x3  }
0x33: {  	p0 =	seq.s32 s10, $0x1;
	s10 =	sld [smem:$0x3FB9];
	_ =	sdelay $0x3  }
0x34: {  	[smem:$0x3FB9] =	sst s10  }
0x35: {  	s10 =	sld [smem:$0x3FB8];
	_ =	sdelay $0x3  }
0x36: {  	p1 =	seq.s32 s10, $0x1;
	s10 =	sld [smem:$0x3FB9];
	_ =	sdelay $0x3  }
0x37: {  	[smem:$0x3FB9] =	sst s10  }
0x38: {  	s10 =	sld [smem:$0x3FBA]  }
0x39: {  	_ = 	snop;
	(pc) =	sbr.ind lr, $3  }
0x3a: {  	_ = 	snop  }
0x3b: {  	_ = 	snop  }
0x3c: {  	p2 =	seq.s32 s10, $0x1;
	s10 =	sld [smem:$0x3FB9]  }
0x3d: {  	_ =	shalt  }
0x3e: {  	_ =	shalt  }
0x3f: {  	_ =	shalt  }
0x40: {  	_ =	shalt  }
0x41: {  	_ =	shalt  }
0x42: {  	_ =	shalt  }
0x43: {  	_ =	shalt  }
0x44: {  	_ =	shalt  }
0x45: {  	_ =	shalt  }
0x46: {  	_ =	shalt  }
0x47: {  	_ =	shalt  }
0x48: {  	_ =	shalt  }
0x49: {  	_ =	shalt  }
0x4a: {  	_ =	shalt  }
0x4b: {  	_ =	shalt  }
0x4c: {  	_ =	shalt  }
0x4d: {  	_ =	shalt  }
0x4e: {  	_ =	shalt  }
0x4f: {  	_ =	shalt  }
0x50: {  	_ =	shalt  }
0x51: {  	_ =	shalt  }
0x52: {  	_ =	shalt  }
0x53: {  	_ =	shalt  }
0x54: {  	_ =	shalt  }
0x55: {  	_ =	shalt  }
0x56: {  	_ =	shalt  }
0x57: {  	_ =	shalt  }
0x58: {  	_ =	shalt  }
0x59: {  	_ =	shalt  }
0x5a: {  	_ =	shalt  }
0x5b: {  	_ =	shalt  }
0x5c: {  	_ =	shalt  }
0x5d: {  	_ =	shalt  }
0x5e: {  	_ =	shalt  }
0x5f: {  	_ =	shalt  }
0x60: {  	_ =	shalt  }
0x61: {  	_ =	shalt  }
0x62: {  	_ =	shalt  }
0x63: {  	_ =	shalt  }
0x64: {  	_ =	shalt  }
0x65: {  	_ =	shalt  }
0x66: {  	_ =	shalt  }
0x67: {  	_ =	shalt  }
0x68: {  	_ =	shalt  }
0x69: {  	_ =	shalt  }
0x6a: {  	_ =	shalt  }
0x6b: {  	_ =	shalt  }
0x6c: {  	_ =	shalt  }
0x6d: {  	_ =	shalt  }
0x6e: {  	_ =	shalt  }
0x6f: {  	_ =	shalt  }
0x70: {  	_ =	shalt  }
0x71: {  	_ =	shalt  }
0x72: {  	_ =	shalt  }
0x73: {  	_ =	shalt  }
0x74: {  	_ =	shalt  }
0x75: {  	_ =	shalt  }
0x76: {  	_ =	shalt  }
0x77: {  	_ =	shalt  }
0x78: {  	_ =	shalt  }
0x79: {  	_ =	shalt  }
0x7a: {  	_ =	shalt  }
0x7b: {  	_ =	shalt  }
0x7c: {  	_ =	shalt  }
0x7d: {  	_ =	shalt  }
0x7e: {  	_ =	shalt  }
0x7f: {  	_ =	shalt  }
0x80: {  	_ =	shalt  }
0x81: {  	_ =	shalt  }
0x82: {  	_ =	shalt  }
0x83: {  	_ =	shalt  }
0x84: {  	_ =	shalt  }
0x85: {  	_ =	shalt  }
0x86: {  	_ =	shalt  }
0x87: {  	_ =	shalt  }
.Lfunc_end0:
.L_simem_size_0:
called_computation.1_lowered:
.L_overlay_start_0:
0x88: {  	s2 =	sld [smem:$0x3FD9]  }
0x89: {  	s3 =	sld [smem:$0x3FFE];
	_ =	sdelay $0x1  }
0x8a: {  	s1 =	srdreg.scid  }
0x8b: {  	s0 =	sand.u32 $0x1, s1  }
0x8c: {  	s17 =	sshll.u32 s0, $0xA;
	s2 =	sadd.s32 s3, s2  }
0x8d: {  	s2 =	sadd.s32 s2, s17  }
0x8e: {  	[smem:$0x3FC5] =	sst s2  }
0x8f: {  	_ = 	snop  }
0x90: {  	s2 =	sld [smem:$0x3FC7]  }
0x91: {  	s18 =	sld [smem:$0x3FD0];
	(tm) =	ssettm $0x1  }
0x92: {  	s4 =	sld [smem:$0x3FFB];
	_ =	sdelay $0x3  }
0x93: {  	_ =	strace s4  }
0x94: {  	s4 =	sld [smem:$0x3FFC];
	_ =	sdelay $0x3  }
0x95: {  	_ =	strace s4  }
0x96: {  	s4 =	sld [smem:$0x3FFD];
	_ =	sdelay $0x3  }
0x97: {  	_ =	strace s4  }
0x98: {  	_ =	strace $0x8FFFFFFF  }
0x99: {  	s19 =	sld [smem:$0x3FDB];
	_ =	sdelay $0x1  }
0x9a: {  	s5 =	simm.s32 $_scs_section_size  }
0x9b: {  	s6 =	simm.s32 $_size__tile_overlayer_lowered;
	s7 =	simm.s32 $_tile_overlayer_lowered  }
0x9c: {  	s22 =	simm.s32 $0x1BFF;
	s21 =	sshll.u32 s7, $0x1;
	s4 =	sadd.s32 s5, s19  }
0x9d: {  	s8 =	simm.s32 $0x0;
	s20 =	sshll.u32 s6, $0x1;
	s6 =	sadd.s32 s21, s4  }
0x9e: {  	[timem:s8], [sflag:s22] =	dma.local [hbm:s6], s20  }
0x9f: {  	_ =	swait.ge [sflag:s22], s20  }
0xa0: {  	s5 =	ssub.s32 $0x0, s20;
	[sflag:s22] =	ssyncset.done $0x0  }
0xa1: {  	[sflag:s22] =	ssyncadd.s32 s5;
	_ =	sdelay $0x1  }
0xa2: {  	s23 =	simm.s32 $0x1B8B  }
0xa3: {  	_ =	swait.ge [sflag:s23], $0x1  }
0xa4: {  	[sflag:s23] =	ssyncset.done $0x0  }
0xa5: {  	s25 =	simm.s32 $0x1B8E;
	s24 =	sld [smem:$0x3FFE];
	[sflag:s23] =	ssyncadd.s32 $0xFFFFFFFF  }
0xa6: {  	s26 =	simm.s32 $execute0_lowered;
	[smem:$0x3FD2] =	sst s25  }
0xa7: {  	s6 =	sshll.u32 s26, $0x1;
	_ =	strace $0x80000049;
	[dreg:$0x1] =	wrdreg $0xFFFFFFFF  }
0xa8: {  	s28 =	simm.s32 $_size_execute0_lowered;
	s4 =	sadd.s32 s4, s6;
	[dreg:$0x0] =	wrdreg $0x0  }
0xa9: {  	s6 =	sshll.u32 s28, $0x1;
	[dreg:$0x2] =	wrdreg s4  }
0xaa: {  	[dreg:$0x3] =	wrdreg s6  }
0xab: {  	[dreg:$0x4] =	wrdreg $0xC0  }
0xac: {  	_ =	task [dreg:s8], $0x5FFFF  }
0xad: {  	[dreg:$0x1] =	wrdreg $0xFFFFFFFF  }
0xae: {  	[dreg:$0x0] =	wrdreg $0x60  }
0xaf: {  	[dreg:$0x2] =	wrdreg s24  }
0xb0: {  	[dreg:$0x3] =	wrdreg s2  }
0xb1: {  	[dreg:$0x4] =	wrdreg s18  }
0xb2: {  	[dreg:$0x5] =	wrdreg $0x9  }
0xb3: {  	_ =	task.clear_ibuf [dreg:s8], $0x6FFFF;
	_ =	strace $0x90000049  }
0xb4: {  	s29 =	simm.s32 $0x9;
	_ =	strace $0x8000004B  }
0xb5: {  	_ =	swait.ge [sflag:s29], $0x1  }
0xb6: {  	[sflag:s29] =	ssyncadd.s32 $0xFFFFFFFF  }
0xb7: {  	_ =	strace $0x9000004B  }
0xb8: {  	_ =	sfence  }
0xb9: {  	s30 =	sld [smem:$0x0];
	_ =	sdelay $0x2  }
0xba: {  	s31 =	sshll.u32 s1, $0xD;
	s1 =	sshrl.u32 s1, $0x2  }
0xbb: {  	s3 =	sand.u32 $0x4000, s31;
	s1 =	sadd.s32 s1, s30  }
0xbc: {  	s0 =	sor.u32 s3, s0;
	s1 =	sshll.u32 s1, $0x11  }
0xbd: {  	s0 =	sor.u32 s1, s0  }
0xbe: {  	s0 =	sadd.s32 $0x8F2B, s0  }
0xbf: {  	[sflag:s0] =	ssyncadd.remote.s32 $0x1  }
0xc0: {  	_ =	sfence.sel $0xFFFF  }
0xc1: {  	[dreg:$0x0] =	wrdreg $0xFFFFFFFF;
	(pc) =	sbr.abs _section_cstart, $3  }
0xc2: {  	[dreg:$0x1] =	wrdreg $0xFFFFFFFF  }
0xc3: {  	_ =	task.clear_ibuf [dreg:s8], $0x2FFFF;
	_ =	strace $0x9FFFFFFF  }
0xc4: {  	(tm) =	ssettm $0x7FFFFFFF  }
0xc5: {  	_ =	shalt  }
tec
execute0_lowered:
.L_overlay_start_1:
0x0: {  	(tag) =	ssettag $0x1  }
0x1: {  	s0 =	rddreg [dreg:$0x0]  }
0x2: {  	s1 =	srdreg.scid;
	s3 =	stileid.u32  }
0x3: {  	s2 =	rddreg [dreg:$0x2];
	s8 =	simm.s32 $0x5;
	s10 =	simm.s32 $0x68  }
0x4: {  	s12 =	simm.s32 $0x60;
	s14 =	simm.s32 $0xC8;
	s15 =	simm.s32 $0x9600  }
0x5: {  	s16 =	simm.s32 $0x130;
	s17 =	simm.s32 $0xB000;
	s18 =	simm.s32 $0x190  }
0x6: {  	s19 =	simm.s32 $0xC800;
	s20 =	simm.s32 $0x1F8;
	s21 =	simm.s32 $0xE200  }
0x7: {  	s22 =	simm.s32 $0xFA00;
	s23 =	simm.s32 $0x11400;
	s24 =	simm.s32 $0x1  }
0x8: {  	s25 =	simm.s32 $0x2;
	s28 =	simm.s32 $0x4;
	s29 =	simm.s32 $0x12C40  }
0x9: {  	s1 =	sand.u32 $0x1, s1;
	s4 =	sshll.u32 s3, $0x1;
	s3 =	simm.s32 $0x0  }
0xa: {  	s30 =	simm.s32 $0x0;
	s6 =	sor.u32 s1, s4;
	[smem:$0x7FF] =	sst s3  }
0xb: {  	s1 =	ssub.s32 $0x2, s1;
	s4 =	smul.u32 $0xC80, s6;
	s31 =	sshll.u32 s6, $0xA  }
0xc: {  	_ =	strace $0x8000004A;
	s26 =	sshrl.u32 s1, $0x1;
	s6 =	sadd.s32 s2, s31  }
0xd: {  	s5 =	sadd.s32 s4, s0;
	s4 =	sadd.s32 $0xA00, s0;
	s0 =	ssub.s32 s1, s26  }
0xe: {  	v9 =	vimm.s32 $0xF;
	s26 =	simm.s32 $0x3;
	s5 =	sadd.s32 $0x7A1C00, s5;
	s7 =	smax.u32 s0, $0x1  }
.LBB2_1:
0xf: {  	[tilespmem:s3], [sflag:$0x5] =	stream.linear.gather [hbm4b:s5+s3], $0x6400, $0x38;
	[tilespmem:$0x14C40] =	vst v63  }
0x10: {  	_ =	swait.ge [sflag:s8], $0x6400  }
0x11: {  	[sflag:s8] =	ssyncset.done $0x0  }
0x12: {  	[sflag:s8] =	ssyncadd.s32 $0xFFFF9C00  }
0x13: {  	s1 =	simm.s32 $0x12C00;
	s0 =	rddreg [dreg:$0x1]  }
0x14: {  	[tilespmem:s1], [sflag:$0x5] =	stream.linear.gather [hbm4b:s0+s3], $0x40, $0x38;
	[tilespmem:$0x14C40] =	vst v63  }
0x15: {  	_ =	swait.ge [sflag:s8], $0x40  }
0x16: {  	[sflag:s8] =	ssyncset.done $0x0  }
0x17: {  	[sflag:s8] =	ssyncadd.s32 $0xFFFFFFC0  }
0x18: {  	v4 =	vld [tilespmem:$0x12C00]  }
0x19: {  	v12 =	vld [tilespmem:$0x12C10]  }
0x1a: {  	s11 =	simm.s32 $0x6400;
	v10 =	vld [tilespmem:$0x12C20]  }
0x1b: {  	v14 =	vld [tilespmem:$0x12C30];
	[tilespmem:s11], [sflag:$0x1] =	stream.indirect.gather [hbm4b:s4+s10], $0x40, s3, s10, $0xb8  }
0x1c: {  	s13 =	simm.s32 $0x7E00  }
0x1d: {  	[tilespmem:s13], [sflag:$0x1] =	stream.indirect.gather [hbm4b:s4+s12], $0x40, s10, s12, $0xb8;
	[tilespmem:$0x14C40] =	vst v63  }
0x1e: {  	_ = 	snop  }
0x1f: {  	[tilespmem:s15], [sflag:$0x2] =	stream.indirect.gather [hbm4b:s4+s10], $0x40, s14, s10, $0xb8;
	[tilespmem:$0x14C40] =	vst v63  }
0x20: {  	[tilespmem:$0x1FFC0] =	vst v10  }
0x21: {  	[tilespmem:$0x1FFD0] =	vst v14  }
0x22: {  	[tilespmem:s17], [sflag:$0x2] =	stream.indirect.gather [hbm4b:s4+s12], $0x40, s16, s12, $0xb8;
	[tilespmem:$0x14C40] =	vst v63  }
0x23: {  	[tilespmem:$0x1FFE0] =	vst v12  }
0x24: {  	[tilespmem:s19], [sflag:$0x3] =	stream.indirect.gather [hbm4b:s4+s10], $0x40, s18, s10, $0xb8;
	[tilespmem:$0x14C40] =	vst v63  }
0x25: {  	s31 =	simm.s32 $0x0;
	[tilespmem:$0x1FFF0] =	vst v4  }
0x26: {  	[tilespmem:s21], [sflag:$0x3] =	stream.indirect.gather [hbm4b:s4+s12], $0x40, s20, s12, $0xb8;
	[tilespmem:$0x14C40] =	vst v63  }
.LBB2_2:
0x27: {  	s1 =	sshllo.u32 s31, $0x2  }
0x28: {  	s0 =	smul.u32 $0x320, s1;
	_ =	sdelay $0x1  }
0x29: {  	s0 =	sshra.s32 s0, $0x2  }
0x2a: {  	[tilespmem:s22], [sflag:$0x4] =	stream.indirect.gather [hbm4b:s4+s10], $0x40, s0, s10, $0xb8;
	[tilespmem:$0x14C40] =	vst v63  }
0x2b: {  	s0 =	sadd.s32 $0x68, s0  }
0x2c: {  	[tilespmem:s23], [sflag:$0x4] =	stream.indirect.gather [hbm4b:s4+s12], $0x40, s0, s12, $0xb8;
	[tilespmem:$0x14C40] =	vst v63  }
0x2d: {  	_ =	swait.ge [sflag:s24], $0x3200  }
0x2e: {  	[sflag:s24] =	ssyncset.done $0x0  }
0x2f: {  	s9 =	simm.s32 $0x6480;
	[sflag:s24] =	ssyncadd.s32 $0xFFFFCE00  }
0x30: {  	v37 =	vld [tilespmem:s9+$0xFFFFFF80]  }
0x31: {  	v46 =	vld [tilespmem:s9+$0xFFFFFFE0]  }
0x32: {  	v44 =	vld [tilespmem:s9+$0x20]  }
0x33: {  	v50 =	vld [tilespmem:s9+$0xFFFFFFD0]  }
0x34: {  	v47 =	vld [tilespmem:s9+$0xFFFFFFC0]  }
0x35: {  	v13 =	vld [tilespmem:s9+$0x30]  }
0x36: {  	v5 =	vld [tilespmem:s9+$0x10]  }
0x37: {  	v32 =	vld [tilespmem:s9+$0x0]  }
0x38: {  	v38 =	vld [tilespmem:s9+$0xFFFFFF90]  }
0x39: {  	v39 =	vld [tilespmem:s9+$0xFFFFFFA0]  }
0x3a: {  	v48 =	vld [tilespmem:s9+$0xFFFFFFF0];
	[tilespmem:$0x1FFB0] =	vst v13  }
0x3b: {  	v3 =	vld [tilespmem:s9+$0xFFFFFFB0];
	[tilespmem:$0x1FF30] =	vst v5  }
0x3c: {  	v1 =	vmul.f32 v37, v4;
	v0 =	vmul.f32 v50, v12;
	v15 =	vld [tilespmem:s9+$0x50]  }
0x3d: {  	v2 =	vmul.f32 v47, v4;
	v6 =	vmul.f32 v32, v4;
	v16 =	vld [tilespmem:s9+$0x40]  }
0x3e: {  	v8 =	vmul.f32 v38, v12;
	v5 =	vmul.f32 v5, v12;
	v62 =	vld [tilespmem:s9+$0x70]  }
0x3f: {  	s11 =	simm.s32 $0x6580;
	v7 =	vmul.f32 v46, v10;
	v43 =	vmul.f32 v48, v14;
	v2 =	vadd.f32 v0, v2;
	v52 =	vld [tilespmem:s9+$0x60]  }
0x40: {  	v1 =	vadd.f32 v8, v1;
	v17 =	vld [tilespmem:s11+$0xFFFFFF80];
	v5 =	vadd.f32 v5, v6;
	v0 =	vmovc v10;
	v10 =	vmul.f32 v44, v10  }
0x41: {  	v8 =	vmul.f32 v13, v14;
	v13 =	vld [tilespmem:s11+$0x70];
	v2 =	vadd.f32 v7, v2;
	v11 =	vmul.f32 v39, v0;
	[tilespmem:$0x1FF40] =	vst v15  }
0x42: {  	v5 =	vadd.f32 v10, v5;
	v49 =	vld [tilespmem:s11+$0x50]  }
0x43: {  	v10 =	vmul.f32 v3, v14;
	v2 =	vadd.f32 v43, v2;
	v1 =	vadd.f32 v11, v1;
	v51 =	vld [tilespmem:s11+$0x40]  }
0x44: {  	v45 =	vadd.f32 v8, v5;
	v27 =	vld [tilespmem:s11+$0xFFFFFFE0]  }
0x45: {  	v11 =	vmul.f32 v15, v12;
	v8 =	vmul.f32 v16, v4;
	(xrf2) =	vadd.scan.msk.f32 $0xffff, v2;
	v15 =	vld [tilespmem:s11+$0x20];
	v1 =	vadd.f32 v10, v1  }
0x46: {  	v24 =	vld [tilespmem:s11+$0xFFFFFFA0];
	(xrf2) =	vadd.scan.msk.f32 $0xffff, v45  }
0x47: {  	v2 =	vmul.f32 v52, v0;
	v5 =	vmovc v14;
	v14 =	vld [tilespmem:s11+$0x60];
	v8 =	vadd.f32 v11, v8;
	(xrf2) =	vadd.scan.msk.f32 $0xffff, v1  }
0x48: {  	v11 =	vld [tilespmem:s11+$0xFFFFFFD0]  }
0x49: {  	v2 =	vadd.f32 v2, v8;
	v8 =	vld [tilespmem:s11+$0xFFFFFFF0];
	[tilespmem:$0x1FF50] =	vst v51  }
0x4a: {  	v20 =	vmov v16;
	v16 =	vld [tilespmem:s11+$0x30];
	[tilespmem:$0x1FF60] =	vst v49  }
0x4b: {  	v1 =	vmul.f32 v62, v5;
	[tilespmem:$0x1FF70] =	vst v13  }
0x4c: {  	v33 =	vmul.f32 v13, v5;
	v53 =	vld [tilespmem:s11+$0x10]  }
0x4d: {  	v10 =	vmul.f32 v51, v4;
	v31 =	vmul.f32 v15, v0;
	v1 =	vadd.f32 v1, v2;
	v13 =	vld [tilespmem:s11+$0xFFFFFFC0]  }
0x4e: {  	v26 =	vmov v15;
	v40 =	vmul.f32 v24, v0;
	v21 =	vmul.f32 v27, v0;
	v28 =	vld [tilespmem:s11+$0xFFFFFF90];
	[tilespmem:$0x1FF80] =	vst v11  }
0x4f: {  	v2 =	vmul.f32 v17, v4;
	v22 =	vmov v14;
	v15 =	vmul.f32 v14, v0;
	(xrf2) =	vadd.scan.msk.f32 $0xffff, v1;
	v54 =	vld [tilespmem:s11+$0x0];
	v18, _, _ =	vpop (xrf2)  }
0x50: {  	s13 =	simm.s32 $0x6680;
	v30 =	vmul.f32 v11, v12;
	v1 =	vmul.f32 v49, v12;
	v29 =	vld [tilespmem:s11+$0xFFFFFFB0];
	v14 =	vmov v8;
	v8, _, _ =	vpop (xrf2)  }
0x51: {  	v11 =	vld [tilespmem:s13+$0xFFFFFF80];
	v35 =	vmul.f32 v14, v5;
	[tilespmem:$0x1FF90] =	vst v53;
	v23, _, _ =	vpop (xrf2);
	v8 =	vperm.xlane v8, v9  }
0x52: {  	v1 =	vadd.f32 v1, v10;
	v45 =	vperm.xlane v18, v9;
	v6 =	vld [tilespmem:s13+$0x70];
	v34 =	vperm.xlane v23, v9  }
0x53: {  	v36 =	vmul.f32 v13, v4;
	v18 =	vld [tilespmem:s13+$0x60];
	v41 =	vmul.f32 $1.442695020e+00, v8  }
0x54: {  	v42 =	vmul.f32 v53, v12;
	v1 =	vadd.f32 v15, v1;
	v10 =	vld [tilespmem:s13+$0x50];
	v34 =	vmul.f32 $1.442695020e+00, v34  }
0x55: {  	v55 =	vmul.f32 v54, v4;
	v15 =	vld [tilespmem:s13+$0x40];
	v56 =	vadd.f32 v30, v36;
	(erf) = vpow2.f32 v41  }
0x56: {  	v51 =	vmul.f32 v16, v5;
	v7 =	vld [tilespmem:s13+$0x20];
	(erf) = vpow2.f32 v34  }
0x57: {  	v57 =	vmul.f32 $1.442695020e+00, v45;
	v36 =	vld [tilespmem:s13+$0xFFFFFFF0];
	v53 =	vadd.f32 v21, v56;
	v41 =	vadd.f32 v42, v55  }
0x58: {  	v58 =	vmul.f32 v28, v12;
	v19 =	vmov v54;
	v61 =	vmul.f32 v29, v5;
	v34 =	vld [tilespmem:s13+$0xFFFFFFD0]  }
0x59: {  	v30, _, _ =	vpop (xrf2);
	v53 =	vadd.f32 v35, v53;
	v35 =	vld [tilespmem:s13+$0xFFFFFF90];
	(erf) = vpow2.f32 v57;
	v31 =	vadd.f32 v31, v41  }
0x5a: {  	v54 =	vmul.f32 v11, v4;
	v2 =	vadd.f32 v58, v2;
	v59 =	vperm.xlane v30, v9;
	v30 =	vld [tilespmem:s13+$0xFFFFFFE0];
	[tilespmem:$0x1FFA0] =	vst v6  }
0x5b: {  	v56 =	vmul.f32 v15, v4;
	v63 =	vmul.f32 v10, v12;
	v55 =	vadd.f32 v51, v31;
	v31 =	vld [tilespmem:s13+$0xFFFFFFC0]  }
0x5c: {  	v49 =	vimm.f32 $0.0e+00;
	v42 =	vmul.f32 v6, v5;
	v60 =	vmul.f32 $1.442695020e+00, v59  }
0x5d: {  	v2 =	vadd.f32 v40, v2;
	v6 =	vmul.f32 v18, v0;
	v51 =	vmul.f32 v7, v0  }
0x5e: {  	v1 =	vadd.f32 v33, v1;
	(xrf2) =	vadd.scan.msk.f32 $0xffff, v53;
	(erf) = vpow2.f32 v60;
	v58 =	vmul.f32 v34, v12;
	v41 =	vpop (erf)  }
0x5f: {  	v2 =	vadd.f32 v61, v2;
	(xrf2) =	vadd.scan.msk.f32 $0xffff, v55;
	v55 =	vmul.f32 v36, v5;
	v60 =	vmul.f32 v35, v12;
	v59 =	vpop (erf)  }
0x60: {  	v43 =	vmovc v7;
	v40 =	vadd.f32 v63, v56;
	v63 =	vmul.f32 v31, v4;
	v3 =	vmul.f32 v59, v3  }
0x61: {  	v33 =	vld [tilespmem:s13+$0x10];
	v57 =	vmul.f32 v30, v0;
	(xrf2) =	vadd.scan.msk.f32 $0xffff, v2;
	v2 =	vmul.f32 v59, v37;
	v7 =	vadd.f32 v59, v49  }
0x62: {  	(xrf2) =	vadd.scan.msk.f32 $0xffff, v1;
	v61 =	vpop (erf);
	v58 =	vadd.f32 v58, v63;
	v1 =	vadd.f32 v3, v49;
	v3 =	vmul.f32 v59, v38  }
0x63: {  	v53 =	vmul.f32 v59, v39;
	v37 =	vld [tilespmem:s13+$0x0];
	v63 =	vmul.f32 v61, v48;
	v48 =	vadd.f32 v2, v49  }
0x64: {  	v39 =	vld [tilespmem:s13+$0xFFFFFFA0];
	v2 =	vmul.f32 v61, v50;
	v57 =	vadd.f32 v57, v58;
	v3 =	vadd.f32 v3, v49  }
0x65: {  	v45 =	vadd.f32 v6, v40;
	v56 =	vadd.f32 v60, v54;
	v38 =	vld [tilespmem:s13+$0x30]  }
0x66: {  	v25 =	vmovc v13;
	v54 =	vmul.f32 v33, v12;
	v59 =	vadd.f32 v55, v57;
	v55 =	vadd.f32 v2, v3;
	v3 =	vld [tilespmem:$0x1FFB0]  }
0x67: {  	v23 =	vmovc v16;
	v40 =	vld [tilespmem:s13+$0xFFFFFFB0];
	v47 =	vmul.f32 v61, v47;
	v46 =	vmul.f32 v61, v46;
	v6 =	vadd.f32 v61, v7  }
0x68: {  	v60 =	vadd.f32 v53, v49;
	v50 =	vmul.f32 v41, v44;
	v7, _, _ =	vpop (xrf2);
	v58 =	vmul.f32 v37, v4  }
0x69: {  	v1 =	vadd.f32 v63, v1;
	v44 =	vpop (erf);
	v53 =	vmul.f32 v39, v0;
	v7 =	vperm.xlane v7, v9  }
0x6a: {  	v63 =	vadd.f32 v46, v60;
	v0, _, _ =	vpop (xrf2);
	v62 =	vmul.f32 v44, v62;
	v57 =	vmul.f32 v38, v5  }
0x6b: {  	v2, _, _ =	vpop (xrf2);
	v49 =	vadd.f32 v54, v58;
	v54 =	vmul.f32 v44, v52;
	v46 =	vmul.f32 v41, v3  }
0x6c: {  	v21 =	vmovc v11;
	v60 =	vadd.f32 v41, v6;
	v58 =	vmul.f32 v40, v5;
	v2 =	vperm.xlane v2, v9  }
0x6d: {  	s2 =	simm.s32 $0x6780;
	s0 =	simm.s32 $0x8;
	v61 =	vmul.f32 $1.442695020e+00, v7;
	v3 =	vperm.xlane v0, v9;
	v0, _, _ =	vpop (xrf2);
	v1 =	vadd.f32 v46, v1  }
.LBB2_3:
0x6e: {  	v16 =	vmov v39;
	v39 =	vld [tilespmem:$0x1FF50];
	v8 =	vmov v15  }
0x6f: {  	[tilespmem:$0x1FF50] =	vst v8;
	v8 =	vld [tilespmem:$0x1FF30];
	_ =	sdelay $0x4  }
0x70: {  	v13 =	vmul.f32 v41, v8;
	v8 =	vld [tilespmem:$0x1FF40];
	_ =	sdelay $0x3  }
0x71: {  	v52 =	vld [tilespmem:s2+$0xFFFFFF80]  }
0x72: {  	v11 =	vmovc v30;
	v30 =	vadd.f32 v50, v63;
	v50 =	vadd.f32 v53, v56;
	v53 =	vmul.f32 v44, v8;
	v8 =	vld [tilespmem:$0x1FF60]  }
0x73: {  	v6 =	vld [tilespmem:$0x1FF80]  }
0x74: {  	v51 =	vadd.f32 v51, v49;
	v49 =	vld [tilespmem:s2+$0x70]  }
0x75: {  	v46 =	vld [tilespmem:s2+$0x60]  }
0x76: {  	v4 =	vmov v24;
	v24 =	vmov v36;
	v36 =	vld [tilespmem:s2+$0x50];
	v3 =	vmul.f32 $1.442695020e+00, v3  }
0x77: {  	v0 =	vperm.xlane v0, v9;
	v15 =	vld [tilespmem:s2+$0x40];
	v2 =	vmul.f32 $1.442695020e+00, v2;
	v9 =	vmov v8  }
0x78: {  	(erf) = vpow2.f32 v3;
	[tilespmem:$0x1FF40] =	vst v9;
	v9 =	vld [tilespmem:$0x1FF90]  }
0x79: {  	v7 =	vmov v34;
	v34 =	vld [tilespmem:s2+$0xFFFFFFD0];
	(erf) = vpow2.f32 v2  }
0x7a: {  	v1 =	vadd.f32 v62, v1;
	v62 =	vmovc v23;
	v23 =	vmov v38;
	v38 =	vadd.f32 v57, v51;
	v57 =	vld [tilespmem:s2+$0x20]  }
0x7b: {  	v2 =	vadd.f32 v54, v30;
	v30 =	vld [tilespmem:s2+$0xFFFFFFE0]  }
0x7c: {  	v32 =	vmul.f32 v41, v32;
	v63 =	vadd.f32 v42, v45;
	(xrf2) =	vadd.scan.msk.f32 $0xffff, v59;
	v5 =	vmovc v6;
	v6 =	vmov v14;
	v14 =	vld [tilespmem:$0x1FFF0]  }
0x7d: {  	[tilespmem:$0x1FF80] =	vst v7;
	v51 =	vadd.f32 v47, v48;
	(erf) = vpow2.f32 v61;
	v55 =	vadd.f32 v13, v55;
	v13 =	vld [tilespmem:$0x1FFD0];
	v9 =	vmovc v9  }
0x7e: {  	v56 =	vadd.f32 v44, v60;
	v60 =	vmovc v28;
	v28 =	vmovc v35;
	v0 =	vmul.f32 $1.442695020e+00, v0;
	v8 =	vmov v33;
	[tilespmem:$0x1FF30] =	vst v9;
	v9 =	vld [tilespmem:$0x1FFE0]  }
0x7f: {  	v3 =	vmul.f32 v44, v20;
	v7 =	vmovc v25;
	v25 =	vmov v31;
	v31 =	vadd.f32 v32, v51;
	[tilespmem:$0x1FF90] =	vst v8;
	v8 =	vld [tilespmem:$0x1FFC0]  }
0x80: {  	[tilespmem:$0x1FF20] =	vst v11;
	v45 =	vadd.f32 v58, v50;
	v11 =	vmovc v10;
	v20 =	vmovc v39;
	v39 =	vld [tilespmem:s2+$0xFFFFFFA0];
	v10 =	vmov v36;
	(erf) = vpow2.f32 v0  }
0x81: {  	v3 =	vadd.f32 v3, v31;
	v31 =	vld [tilespmem:s2+$0xFFFFFFC0];
	v54 =	vmul.f32 v52, v14;
	v58 =	vmul.f32 v15, v14;
	v41 =	vpop (erf)  }
0x82: {  	(xrf2) =	vadd.scan.msk.f32 $0xffff, v38;
	v38 =	vld [tilespmem:s2+$0x30];
	v0 =	vadd.f32 v53, v55;
	v42 =	vmul.f32 v49, v13;
	v50 =	vmul.f32 v41, v26;
	v55 =	vpop (erf)  }
0x83: {  	v35 =	vld [tilespmem:s2+$0xFFFFFF90];
	v32 =	vmovc v19;
	v19 =	vmov v37;
	[tilespmem:$0x1FF60] =	vst v11;
	v4 =	vmul.f32 v55, v4;
	v59 =	vmul.f32 v10, v9  }
0x84: {  	v44 =	vmovc v29;
	v11 =	vadd.f32 v55, v56;
	v51 =	vmul.f32 v57, v8;
	v61 =	vmul.f32 v46, v8  }
0x85: {  	v36 =	vld [tilespmem:s2+$0xFFFFFFF0];
	v26 =	vmovc v43;
	v53 =	vmul.f32 v39, v8;
	v47 =	vmul.f32 v30, v8;
	v37 =	vadd.f32 v59, v58  }
0x86: {  	(xrf2) =	vadd.scan.msk.f32 $0xffff, v45;
	v4 =	vadd.f32 v4, v2;
	v8 =	vpop (erf);
	v48 =	vmul.f32 v34, v9;
	v58 =	vmul.f32 v31, v14  }
0x87: {  	v43 =	vmovc v57;
	v57 =	vmul.f32 v38, v13;
	v6 =	vmul.f32 v8, v6;
	v45 =	vadd.f32 v61, v37  }
0x88: {  	v37 =	vmul.f32 v55, v44;
	v44 =	vmul.f32 v35, v9;
	v2 =	vadd.f32 v48, v58  }
0x89: {  	v33 =	vld [tilespmem:s2+$0x10];
	v61, _, _ =	vpop (xrf2);
	(xrf2) =	vadd.scan.msk.f32 $0xffff, v63;
	v63 =	vmul.f32 v55, v17;
	v55 =	vmul.f32 v55, v60;
	v60 =	vadd.f32 v8, v11  }
0x8a: {  	v29 =	vmovc v40;
	v40 =	vld [tilespmem:s2+$0xFFFFFFB0];
	v59 =	vmul.f32 v36, v13;
	v1 =	vadd.f32 v37, v1;
	v2 =	vadd.f32 v47, v2  }
0x8b: {  	v5 =	vmul.f32 v8, v5;
	v37 =	vld [tilespmem:s2+$0x0];
	v56 =	vadd.f32 v44, v54;
	v48 =	vadd.f32 v63, v3  }
0x8c: {  	v47 =	vmul.f32 v8, v7;
	v7 =	vmul.f32 v8, v27;
	v44 =	vpop (erf);
	v59 =	vadd.f32 v59, v2;
	v2 =	vld [tilespmem:$0x1FFA0]  }
0x8d: {  	s0 =	sadd.s32 $0x4, s0;
	v63 =	vmovc v49;
	v54 =	vmul.f32 v44, v22;
	v22 =	vmov v18;
	v18 =	vadd.f32 v55, v0;
	v0 =	vld [tilespmem:$0x1FF70]  }
0x8e: {  	v12 =	vimm.s32 $0xF;
	p0 =	slt.u32 s0, $0xC4;
	v17 =	vmovc v21;
	v9 =	vmul.f32 v33, v9;
	v21 =	vmovc v52;
	[tilespmem:$0x1FFA0] =	vst v63;
	v63 =	vadd.f32 v7, v4;
	v4 =	vld [tilespmem:$0x1FF20]  }
.Ltmp0:
0x8f: {  	v11, _, _ =	vpop (xrf2);
	v52 =	vperm.xlane v61, v12;
	v27 =	vmul.f32 v41, v62;
	v1 =	vadd.f32 v6, v1;
	(pc) =	sbr.rel @p0 .LBB2_3-.Ltmp0, $4  }
0x90: {  	v58 =	vmul.f32 v40, v13;
	v8, _, _ =	vpop (xrf2);
	v60 =	vadd.f32 v41, v60;
	v3 =	vmul.f32 v37, v14  }
0x91: {  	v61 =	vmul.f32 $1.442695020e+00, v52;
	v1 =	vadd.f32 v27, v1;
	v14 =	vmovc v24;
	v24 =	vmovc v16;
	v55 =	vadd.f32 v5, v18  }
0x92: {  	v13 =	vmovc v2;
	v2 =	vperm.xlane v8, v12;
	v49 =	vadd.f32 v9, v3;
	v9 =	vimm.s32 $0xF;
	v18 =	vmovc v46  }
0x93: {  	s2 =	sadd.s32 $0x100, s2;
	v62 =	vmul.f32 v44, v0;
	[tilespmem:$0x1FF70] =	vst v13;
	v3 =	vperm.xlane v11, v9;
	v0, _, _ =	vpop (xrf2);
	v27 =	vmov v4  }
0x94: {  	v4 =	vadd.f32 v51, v49  }
0x95: {  	v5 =	vadd.f32 v53, v56  }
0x96: {  	v4 =	vadd.f32 v57, v4  }
0x97: {  	(xrf2) =	vadd.scan.msk.f32 $0xffff, v59;
	v5 =	vadd.f32 v58, v5  }
0x98: {  	(xrf2) =	vadd.scan.msk.f32 $0xffff, v4  }
0x99: {  	(xrf2) =	vadd.scan.msk.f32 $0xffff, v5  }
0x9a: {  	v4 =	vadd.f32 v42, v45;
	_ =	sdelay $0x1  }
0x9b: {  	v3 =	vmul.f32 $1.442695020e+00, v3;
	(xrf2) =	vadd.scan.msk.f32 $0xffff, v4  }
0x9c: {  	v2 =	vmul.f32 $1.442695020e+00, v2;
	v8 =	vld [tilespmem:$0x1FF30]  }
0x9d: {  	v11 =	vld [tilespmem:$0x1FF40];
	(erf) = vpow2.f32 v3  }
0x9e: {  	v0 =	vperm.xlane v0, v9;
	(erf) = vpow2.f32 v2;
	_ =	sdelay $0x1  }
0x9f: {  	v0 =	vmul.f32 $1.442695020e+00, v0;
	(erf) = vpow2.f32 v61;
	v2, _, _ =	vpop (xrf2)  }
0xa0: {  	v3 =	vmul.f32 v41, v32;
	v8 =	vmul.f32 v41, v8;
	v4, _, _ =	vpop (xrf2)  }
0xa1: {  	v11 =	vmul.f32 v44, v11;
	v5, _, _ =	vpop (xrf2);
	v4 =	vperm.xlane v4, v9  }
0xa2: {  	v2 =	vperm.xlane v2, v9;
	v5 =	vperm.xlane v5, v9  }
0xa3: {  	v12 =	vimm.s32 $0xF;
	(erf) = vpow2.f32 v0;
	v0 =	vmul.f32 $1.442695020e+00, v4  }
0xa4: {  	v8 =	vadd.f32 v8, v55;
	v2 =	vmul.f32 $1.442695020e+00, v2;
	v13, _, _ =	vpop (xrf2);
	v4 =	vmul.f32 $1.442695020e+00, v5  }
0xa5: {  	v7 =	vadd.f32 v50, v63;
	v9 =	vpop (erf);
	v13 =	vperm.xlane v13, v12;
	(erf) = vpow2.f32 v0  }
0xa6: {  	v59 =	vpop (erf);
	v5 =	vadd.f32 v44, v60;
	(erf) = vpow2.f32 v4;
	v4 =	vadd.f32 v47, v48  }
0xa7: {  	v60 =	vmul.f32 v59, v17;
	v17 =	vmul.f32 v59, v24;
	v0 =	vadd.f32 v54, v7  }
0xa8: {  	(erf) = vpow2.f32 v2;
	v2 =	vadd.f32 v3, v4;
	v3 =	vadd.f32 v11, v8;
	v8 =	vpop (erf)  }
0xa9: {  	v0 =	vadd.f32 v17, v0;
	v17 =	vmul.f32 v8, v27  }
0xaa: {  	v13 =	vmul.f32 $1.442695020e+00, v13;
	v5 =	vadd.f32 v59, v5  }
0xab: {  	v12 =	vld [tilespmem:$0x1FF80];
	v4 =	vmul.f32 v9, v26;
	v11 =	vmul.f32 v59, v29;
	v0 =	vadd.f32 v17, v0  }
0xac: {  	v6 =	vmul.f32 v44, v20;
	v1 =	vadd.f32 v62, v1;
	v5 =	vadd.f32 v8, v5  }
0xad: {  	(erf) = vpow2.f32 v13;
	v13 =	vmul.f32 v8, v14;
	v0 =	vadd.f32 v4, v0;
	v4 =	vld [tilespmem:$0x1FF90]  }
0xae: {  	v63 =	vmul.f32 v9, v19;
	v5 =	vadd.f32 v9, v5  }
0xaf: {  	v7 =	vmul.f32 v59, v28;
	v2 =	vadd.f32 v6, v2;
	v1 =	vadd.f32 v11, v1;
	v11 =	vpop (erf)  }
0xb0: {  	v12 =	vmul.f32 v8, v12;
	v8 =	vmul.f32 v8, v25;
	v5 =	vadd.f32 v11, v5;
	v61 =	vpop (erf)  }
0xb1: {  	v62 =	vld [tilespmem:$0x1FF70];
	v2 =	vadd.f32 v60, v2;
	v1 =	vadd.f32 v13, v1;
	v14 =	vmul.f32 v11, v22;
	v13 =	vpop (erf)  }
0xb2: {  	v22 =	vmul.f32 v9, v23;
	v5 =	vadd.f32 v13, v5;
	v4 =	vmul.f32 v9, v4;
	v9 =	vld [tilespmem:$0x1FF50]  }
0xb3: {  	v3 =	vadd.f32 v7, v3;
	v2 =	vadd.f32 v8, v2;
	v8 =	vld [tilespmem:$0x1FF60];
	v17 =	vpop (erf)  }
0xb4: {  	v5 =	vadd.f32 v17, v5  }
0xb5: {  	v3 =	vadd.f32 v12, v3;
	v1 =	vadd.f32 v22, v1  }
0xb6: {  	v7 =	vmul.f32 v11, v62;
	v0 =	vadd.f32 v14, v0;
	v5 =	vadd.f32 v61, v5  }
0xb7: {  	v2 =	vadd.f32 v63, v2;
	v3 =	vadd.f32 v4, v3;
	v4 =	vpop (erf);
	v9 =	vmul.f32 v11, v9  }
0xb8: {  	v12 =	vmul.f32 v61, v37;
	v8 =	vmul.f32 v11, v8;
	v5 =	vadd.f32 v4, v5  }
0xb9: {  	v35 =	vmul.f32 v13, v35;
	v2 =	vadd.f32 v9, v2;
	v9 =	vmul.f32 v13, v39  }
0xba: {  	v3 =	vadd.f32 v8, v3;
	v8 =	vmul.f32 v13, v21;
	(erf) = vrcp.f32 v5  }
0xbb: {  	v0 =	vadd.f32 v9, v0;
	v9 =	vmul.f32 v17, v36;
	v36 =	vmul.f32 v17, v30  }
0xbc: {  	v11 =	vmul.f32 v17, v34;
	v3 =	vadd.f32 v35, v3;
	v5 =	vmul.f32 v61, v43  }
0xbd: {  	v2 =	vadd.f32 v8, v2;
	v8 =	vmul.f32 v17, v31;
	v0 =	vadd.f32 v36, v0  }
0xbe: {  	v32 =	vmul.f32 v13, v40;
	v1 =	vadd.f32 v7, v1;
	v3 =	vadd.f32 v11, v3  }
0xbf: {  	v6 =	vmul.f32 v61, v33;
	v2 =	vadd.f32 v8, v2;
	v0 =	vadd.f32 v5, v0;
	v5 =	vld [tilespmem:$0x1FFA0]  }
0xc0: {  	v1 =	vadd.f32 v32, v1  }
0xc1: {  	v39 =	vmul.f32 v4, v15;
	v3 =	vadd.f32 v6, v3;
	v2 =	vadd.f32 v12, v2  }
0xc2: {  	v8 =	vmul.f32 v61, v38;
	v1 =	vadd.f32 v9, v1;
	v9 =	vmul.f32 v4, v10  }
0xc3: {  	v40 =	vmul.f32 v4, v18;
	v2 =	vadd.f32 v39, v2  }
0xc4: {  	v1 =	vadd.f32 v8, v1;
	v3 =	vadd.f32 v9, v3;
	v4 =	vmul.f32 v4, v5;
	v5 =	vpop (erf)  }
0xc5: {  	s0 =	sshll.u32 s31, $0x8;
	v0 =	vadd.f32 v40, v0;
	v2 =	vmul.f32 v5, v2  }
0xc6: {  	p0 =	seq.s32 s31, $0x1F;
	s0 =	sand.u32 $0x3FFFFF00, s0;
	v3 =	vmul.f32 v5, v3;
	v1 =	vadd.f32 v4, v1  }
0xc7: {  	s2 =	smul.u32 @!p0 $0xC80, s31;
	v0 =	vmul.f32 v5, v0;
	[tilespmem:s0+$0x12C40] =	vst v2  }
0xc8: {  	[tilespmem:s0+$0x12C50] =	vst v3;
	v1 =	vmul.f32 v5, v1  }
0xc9: {  	s2 =	sshra.s32 @!p0 s2, $0x2;
	[tilespmem:s0+$0x12C60] =	vst v0  }
0xca: {  	s11 =	simm.s32 @!p0 $0x68;
	s13 =	simm.s32 @!p0 $0x6400;
	s9 =	sadd.s32 @!p0 $0x320, s2;
	[tilespmem:s0+$0x12C70] =	vst v1  }
0xcb: {  	[tilespmem:s13], [sflag:$0x1] =	stream.indirect.gather @!p0 [hbm4b:s4+s11], $0x40, s9, s11, $0xb8;
	[tilespmem:$0x14C40] =	vst v63  }
0xcc: {  	s9 =	sadd.s32 @!p0 $0x388, s2;
	s11 =	simm.s32 @!p0 $0x60;
	s13 =	simm.s32 @!p0 $0x7E00  }
0xcd: {  	[tilespmem:s13], [sflag:$0x1] =	stream.indirect.gather @!p0 [hbm4b:s4+s11], $0x40, s9, s11, $0xb8;
	[tilespmem:$0x14C40] =	vst v63  }
0xce: {  	_ =	swait.ge [sflag:s25], $0x3200  }
0xcf: {  	v62 =	vld [tilespmem:$0x1FFF0]  }
0xd0: {  	v13 =	vld [tilespmem:$0x1FFE0]  }
0xd1: {  	[sflag:s25] =	ssyncset.done $0x0;
	v11 =	vld [tilespmem:$0x1FFC0]  }
0xd2: {  	s13 =	simm.s32 $0x9680;
	v12 =	vld [tilespmem:$0x1FFD0];
	[sflag:s25] =	ssyncadd.s32 $0xFFFFCE00  }
0xd3: {  	v37 =	vld [tilespmem:s13+$0xFFFFFF80]  }
0xd4: {  	v46 =	vld [tilespmem:s13+$0xFFFFFFE0]  }
0xd5: {  	v44 =	vld [tilespmem:s13+$0x20]  }
0xd6: {  	v50 =	vld [tilespmem:s13+$0xFFFFFFD0]  }
0xd7: {  	v47 =	vld [tilespmem:s13+$0xFFFFFFC0]  }
0xd8: {  	v15 =	vld [tilespmem:s13+$0x30]  }
0xd9: {  	v4 =	vld [tilespmem:s13+$0x10]  }
0xda: {  	v32 =	vld [tilespmem:s13+$0x0]  }
0xdb: {  	v38 =	vld [tilespmem:s13+$0xFFFFFF90]  }
0xdc: {  	v39 =	vld [tilespmem:s13+$0xFFFFFFA0]  }
0xdd: {  	v48 =	vld [tilespmem:s13+$0xFFFFFFF0];
	[tilespmem:$0x1FF00] =	vst v15  }
0xde: {  	v1 =	vmul.f32 v37, v62;
	v3 =	vld [tilespmem:s13+$0xFFFFFFB0];
	[tilespmem:$0x1FE80] =	vst v4  }
0xdf: {  	v0 =	vmul.f32 v50, v13;
	v2 =	vmul.f32 v47, v62;
	v16 =	vld [tilespmem:s13+$0x70]  }
0xe0: {  	v5 =	vmul.f32 v32, v62;
	v4 =	vmul.f32 v4, v13  }
0xe1: {  	v41 =	vmul.f32 v46, v11;
	v42 =	vmul.f32 v38, v13;
	v2 =	vadd.f32 v0, v2  }
0xe2: {  	v8 =	vmul.f32 v44, v11;
	v10 =	vmul.f32 v39, v11;
	v14 =	vld [tilespmem:s13+$0x50];
	v4 =	vadd.f32 v4, v5  }
0xe3: {  	v1 =	vadd.f32 v42, v1;
	v5 =	vmul.f32 v48, v12;
	v2 =	vadd.f32 v41, v2  }
0xe4: {  	v43 =	vmul.f32 v15, v12;
	v0 =	vld [tilespmem:s13+$0x40];
	v4 =	vadd.f32 v8, v4;
	[tilespmem:$0x1FF10] =	vst v16  }
0xe5: {  	s11 =	simm.s32 $0x9780;
	v1 =	vadd.f32 v10, v1;
	v8 =	vmul.f32 v3, v12;
	v2 =	vadd.f32 v5, v2;
	v52 =	vld [tilespmem:s13+$0x60]  }
0xe6: {  	v4 =	vadd.f32 v43, v4;
	v17 =	vld [tilespmem:s11+$0xFFFFFF80]  }
0xe7: {  	v45 =	vld [tilespmem:s11+$0x70];
	[tilespmem:$0x1FE90] =	vst v14;
	v1 =	vadd.f32 v8, v1;
	(xrf2) =	vadd.scan.msk.f32 $0xffff, v2  }
0xe8: {  	v10 =	vmul.f32 v14, v13;
	v14 =	vld [tilespmem:s11+$0x60];
	(xrf2) =	vadd.scan.msk.f32 $0xffff, v4  }
0xe9: {  	v20 =	vmov v0;
	v49 =	vmul.f32 v0, v62;
	v0 =	vld [tilespmem:s11+$0x50];
	(xrf2) =	vadd.scan.msk.f32 $0xffff, v1  }
0xea: {  	v5 =	vld [tilespmem:s11+$0x40]  }
0xeb: {  	v27 =	vld [tilespmem:s11+$0xFFFFFFE0]  }
0xec: {  	v4 =	vadd.f32 v10, v49;
	v10 =	vld [tilespmem:s11+$0x20]  }
0xed: {  	v8 =	vld [tilespmem:s11+$0xFFFFFFF0]  }
0xee: {  	v24 =	vld [tilespmem:s11+$0xFFFFFFA0];
	v2 =	vmul.f32 v52, v11  }
0xef: {  	v9 =	vimm.s32 $0xF;
	v51 =	vld [tilespmem:s11+$0xFFFFFFD0];
	[tilespmem:$0x1FEA0] =	vst v5  }
0xf0: {  	v1 =	vmul.f32 v16, v12;
	v2 =	vadd.f32 v2, v4;
	v4 =	vmul.f32 v5, v62;
	v5 =	vld [tilespmem:s11+$0x30];
	[tilespmem:$0x1FEB0] =	vst v0  }
0xf1: {  	v26 =	vmov v10;
	v31 =	vmul.f32 v10, v11;
	v22 =	vmov v14;
	[tilespmem:$0x1FEC0] =	vst v45;
	v10, _, _ =	vpop (xrf2)  }
0xf2: {  	v15 =	vmul.f32 v14, v11;
	v14 =	vmov v8;
	v53 =	vld [tilespmem:s11+$0xFFFFFFC0];
	v1 =	vadd.f32 v1, v2;
	v8, _, _ =	vpop (xrf2)  }
0xf3: {  	v16 =	vmul.f32 v27, v11;
	v28 =	vld [tilespmem:s11+$0xFFFFFF90];
	v18, _, _ =	vpop (xrf2);
	v8 =	vperm.xlane v8, v9  }
0xf4: {  	(xrf2) =	vadd.scan.msk.f32 $0xffff, v1;
	v1 =	vmul.f32 v0, v13;
	v0 =	vld [tilespmem:s11+$0x10];
	[tilespmem:$0x1FED0] =	vst v51;
	v18 =	vperm.xlane v18, v9  }
0xf5: {  	v30 =	vmul.f32 v51, v13;
	v54 =	vld [tilespmem:s11+$0x0];
	v56 =	vmul.f32 $1.442695020e+00, v8  }
0xf6: {  	v2 =	vmul.f32 v17, v62;
	v58 =	vmul.f32 $1.442695020e+00, v18  }
0xf7: {  	v1 =	vadd.f32 v1, v4;
	v4 =	vperm.xlane v10, v9;
	(erf) = vpow2.f32 v56  }
0xf8: {  	s13 =	simm.s32 $0x9880;
	v29 =	vld [tilespmem:s11+$0xFFFFFFB0];
	v55 =	vmul.f32 v53, v62;
	(erf) = vpow2.f32 v58  }
0xf9: {  	v7 =	vld [tilespmem:s13+$0xFFFFFF80];
	v60 =	vmul.f32 v28, v13;
	v4 =	vmul.f32 $1.442695020e+00, v4;
	[tilespmem:$0x1FEE0] =	vst v0  }
0xfa: {  	v49 =	vimm.f32 $0.0e+00;
	v57 =	vmul.f32 v0, v13;
	v0 =	vld [tilespmem:s13+$0x70];
	v59 =	vmul.f32 v54, v62  }
0xfb: {  	v1 =	vadd.f32 v15, v1;
	v34 =	vadd.f32 v30, v55;
	v15 =	vld [tilespmem:s13+$0x40];
	(erf) = vpow2.f32 v4  }
0xfc: {  	v40 =	vmul.f32 v24, v11;
	v23 =	vmovc v5;
	v63 =	vmul.f32 v5, v12;
	v5 =	vld [tilespmem:s13+$0x20];
	v36 =	vadd.f32 v57, v59  }
0xfd: {  	v35 =	vmul.f32 v14, v12;
	v2 =	vadd.f32 v60, v2;
	v18 =	vld [tilespmem:s13+$0x60];
	v57 =	vadd.f32 v16, v34  }
0xfe: {  	v33 =	vmul.f32 v45, v12;
	v19 =	vmovc v54;
	v10 =	vld [tilespmem:s13+$0x50];
	v58 =	vmul.f32 v29, v12;
	v4 =	vadd.f32 v31, v36  }
0xff: {  	v54 =	vmul.f32 v7, v62;
	v2 =	vadd.f32 v40, v2;
	v30, _, _ =	vpop (xrf2);
	v59 =	vadd.f32 v35, v57  }
0x100: {  	v34 =	vld [tilespmem:s13+$0xFFFFFFD0];
	v61 =	vperm.xlane v30, v9;
	v60 =	vmul.f32 v15, v62;
	v4 =	vadd.f32 v63, v4;
	v41 =	vpop (erf)  }
0x101: {  	v2 =	vadd.f32 v58, v2;
	v36 =	vld [tilespmem:s13+$0xFFFFFFF0];
	v42 =	vmul.f32 v0, v12;
	v51 =	vmul.f32 v5, v11;
	(xrf2) =	vadd.scan.msk.f32 $0xffff, v59;
	v56 =	vpop (erf)  }
0x102: {  	v1 =	vadd.f32 v33, v1;
	v35 =	vld [tilespmem:s13+$0xFFFFFF90];
	v63 =	vmul.f32 v18, v11;
	(xrf2) =	vadd.scan.msk.f32 $0xffff, v4;
	v3 =	vmul.f32 v56, v3  }
0x103: {  	v30 =	vld [tilespmem:s13+$0xFFFFFFE0];
	[tilespmem:$0x1FEF0] =	vst v0;
	v31 =	vmul.f32 $1.442695020e+00, v61;
	v61 =	vmul.f32 v10, v13;
	(xrf2) =	vadd.scan.msk.f32 $0xffff, v2  }
0x104: {  	v2 =	vmul.f32 v56, v37;
	v55 =	vpop (erf);
	(xrf2) =	vadd.scan.msk.f32 $0xffff, v1;
	v1 =	vadd.f32 v3, v49;
	v3 =	vmul.f32 v56, v38  }
0x105: {  	(erf) = vpow2.f32 v31;
	v31 =	vld [tilespmem:s13+$0xFFFFFFC0];
	v40 =	vadd.f32 v56, v49;
	v6 =	vmul.f32 v55, v48  }
0x106: {  	v33 =	vld [tilespmem:s13+$0x10];
	v48 =	vadd.f32 v2, v49;
	v2 =	vmul.f32 v55, v50;
	v3 =	vadd.f32 v3, v49  }
0x107: {  	v57 =	vmul.f32 v34, v13;
	v4 =	vadd.f32 v61, v60;
	v37 =	vld [tilespmem:s13+$0x0];
	v47 =	vmul.f32 v55, v47  }
0x108: {  	v46 =	vmul.f32 v55, v46;
	v61 =	vadd.f32 v55, v40;
	v55 =	vadd.f32 v2, v3;
	v3 =	vld [tilespmem:$0x1FF00]  }
0x109: {  	v59 =	vmul.f32 v35, v13;
	v45 =	vadd.f32 v63, v4;
	v4 =	vmul.f32 v56, v39;
	v39 =	vld [tilespmem:s13+$0xFFFFFFA0]  }
0x10a: {  	v21 =	vmov v7;
	v58 =	vmul.f32 v36, v12;
	v38 =	vld [tilespmem:s13+$0x30];
	v7 =	vmul.f32 v31, v62  }
0x10b: {  	v25 =	vmovc v53;
	v53 =	vmul.f32 v30, v11;
	v56 =	vadd.f32 v59, v54;
	v40 =	vld [tilespmem:s13+$0xFFFFFFB0];
	v4 =	vadd.f32 v4, v49  }
0x10c: {  	v54 =	vmul.f32 v33, v13;
	v50 =	vmul.f32 v41, v44;
	v57 =	vadd.f32 v57, v7  }
0x10d: {  	v63 =	vadd.f32 v46, v4;
	v7 =	vmul.f32 v37, v62;
	v62, _, _ =	vpop (xrf2);
	v4 =	vmul.f32 v41, v3;
	v3 =	vld [tilespmem:$0x1FF10]  }
0x10e: {  	v1 =	vadd.f32 v6, v1;
	v57 =	vadd.f32 v53, v57;
	v53 =	vmul.f32 v39, v11;
	v44 =	vpop (erf)  }
0x10f: {  	v49 =	vadd.f32 v54, v7;
	v0, _, _ =	vpop (xrf2);
	v54 =	vmul.f32 v44, v52;
	v52 =	vperm.xlane v62, v9  }
0x110: {  	v2, _, _ =	vpop (xrf2);
	v59 =	vadd.f32 v58, v57;
	v57 =	vmul.f32 v38, v12;
	v58 =	vmul.f32 v40, v12  }
0x111: {  	v43 =	vmovc v5;
	v60 =	vadd.f32 v41, v61;
	v2 =	vperm.xlane v2, v9;
	v61 =	vmul.f32 $1.442695020e+00, v52  }
0x112: {  	s9 =	simm.s32 $0x8;
	s11 =	simm.s32 $0x9980;
	v1 =	vadd.f32 v4, v1;
	v62 =	vmul.f32 v44, v3;
	v3 =	vperm.xlane v0, v9;
	v0, _, _ =	vpop (xrf2)  }
.LBB2_5:
0x113: {  	v52 =	vld [tilespmem:s11+$0xFFFFFF80]  }
0x114: {  	v7 =	vld [tilespmem:$0x1FED0]  }
0x115: {  	v0 =	vperm.xlane v0, v9;
	v9 =	vld [tilespmem:$0x1FE80]  }
0x116: {  	v4 =	vadd.f32 v51, v49;
	v49 =	vld [tilespmem:s11+$0x70]  }
0x117: {  	v46 =	vld [tilespmem:s11+$0x60]  }
0x118: {  	v11 =	vmov v30;
	v8 =	vmov v34;
	v30 =	vadd.f32 v50, v63;
	v50 =	vld [tilespmem:s11+$0x50]  }
0x119: {  	[tilespmem:$0x1FED0] =	vst v8;
	v8 =	vld [tilespmem:$0x1FEA0]  }
0x11a: {  	v13 =	vmul.f32 v41, v9;
	v9 =	vld [tilespmem:$0x1FE90]  }
0x11b: {  	v12 =	vmov v10;
	v10 =	vld [tilespmem:$0x1FEE0]  }
0x11c: {  	v34 =	vld [tilespmem:s11+$0xFFFFFFD0];
	v3 =	vmul.f32 $1.442695020e+00, v3;
	[tilespmem:$0x1FE70] =	vst v11;
	v11 =	vadd.f32 v53, v56  }
0x11d: {  	v32 =	vmul.f32 v41, v32;
	v5 =	vmovc v24;
	v24 =	vmov v36;
	v36 =	vld [tilespmem:s11+$0xFFFFFFF0];
	v2 =	vmul.f32 $1.442695020e+00, v2  }
0x11e: {  	v4 =	vadd.f32 v57, v4;
	v57 =	vld [tilespmem:s11+$0x20];
	(erf) = vpow2.f32 v3;
	v3 =	vmul.f32 v44, v20  }
0x11f: {  	v63 =	vadd.f32 v42, v45;
	(erf) = vpow2.f32 v2;
	v20 =	vmovc v8;
	v8 =	vmovc v15;
	v53 =	vmul.f32 v44, v9;
	v9 =	vld [tilespmem:$0x1FEB0]  }
0x120: {  	v51 =	vadd.f32 v47, v48;
	v45 =	vadd.f32 v58, v11;
	v6 =	vmovc v7;
	v7 =	vmovc v14;
	v14 =	vld [tilespmem:$0x1FFF0];
	v11 =	vmov v10  }
0x121: {  	v15 =	vld [tilespmem:s11+$0x40];
	[tilespmem:$0x1FE80] =	vst v11  }
0x122: {  	v11 =	vld [tilespmem:$0x1FFE0];
	[tilespmem:$0x1FEA0] =	vst v8;
	v8 =	vmov v25;
	v25 =	vmov v31;
	v31 =	vadd.f32 v32, v51  }
0x123: {  	(xrf2) =	vadd.scan.msk.f32 $0xffff, v59;
	v0 =	vmul.f32 $1.442695020e+00, v0;
	v41 =	vadd.f32 v13, v55;
	v13 =	vld [tilespmem:$0x1FFD0]  }
0x124: {  	v1 =	vadd.f32 v62, v1;
	(erf) = vpow2.f32 v61;
	v3 =	vadd.f32 v3, v31;
	v31 =	vld [tilespmem:s11+$0xFFFFFFC0];
	v58 =	vmovc v9;
	v9 =	vmovc v33  }
0x125: {  	v16 =	vmovc v39;
	v56 =	vadd.f32 v44, v60;
	v60 =	vmovc v28;
	v28 =	vmov v35;
	(erf) = vpow2.f32 v0;
	[tilespmem:$0x1FEE0] =	vst v9;
	v9 =	vld [tilespmem:$0x1FFC0]  }
0x126: {  	v39 =	vld [tilespmem:s11+$0xFFFFFFA0];
	v2 =	vadd.f32 v54, v30;
	v10 =	vmovc v50;
	v54 =	vmul.f32 v52, v14;
	v59 =	vmul.f32 v15, v14  }
0x127: {  	v30 =	vld [tilespmem:s11+$0xFFFFFFE0];
	(xrf2) =	vadd.scan.msk.f32 $0xffff, v4;
	v4 =	vmul.f32 v10, v11;
	v48 =	vmul.f32 v34, v11;
	v0 =	vadd.f32 v53, v41;
	v41 =	vpop (erf)  }
0x128: {  	v35 =	vld [tilespmem:s11+$0xFFFFFF90];
	v44 =	vmov v29;
	v42 =	vmul.f32 v49, v13;
	v50 =	vmul.f32 v41, v26;
	v55 =	vpop (erf)  }
0x129: {  	v29 =	vmovc v40;
	v40 =	vld [tilespmem:s11+$0xFFFFFFB0];
	v4 =	vadd.f32 v4, v59;
	v59 =	vmul.f32 v36, v13;
	v5 =	vmul.f32 v55, v5  }
0x12a: {  	v62 =	vmov v23;
	v33 =	vld [tilespmem:s11+$0x10];
	[tilespmem:$0x1FE90] =	vst v58;
	v58 =	vmul.f32 v31, v14;
	v51 =	vmul.f32 v57, v9  }
0x12b: {  	v23 =	vmovc v38;
	(xrf2) =	vadd.scan.msk.f32 $0xffff, v45;
	v32 =	vmov v19;
	v61 =	vmul.f32 v46, v9;
	v53 =	vmul.f32 v39, v9  }
0x12c: {  	[tilespmem:$0x1FEB0] =	vst v12;
	v12 =	vadd.f32 v55, v56;
	v47 =	vmul.f32 v30, v9;
	v9 =	vmul.f32 v55, v44  }
0x12d: {  	v19 =	vmovc v37;
	v5 =	vadd.f32 v5, v2;
	v2 =	vadd.f32 v48, v58;
	v44 =	vmul.f32 v35, v11  }
0x12e: {  	v58 =	vmul.f32 v40, v13;
	v45 =	vadd.f32 v61, v4;
	v1 =	vadd.f32 v9, v1;
	v4 =	vpop (erf)  }
0x12f: {  	v56 =	vadd.f32 v44, v54;
	v9 =	vmul.f32 v33, v11;
	v61, _, _ =	vpop (xrf2);
	(xrf2) =	vadd.scan.msk.f32 $0xffff, v63;
	v63 =	vmul.f32 v55, v17  }
0x130: {  	v37 =	vld [tilespmem:s11+$0x0];
	v26 =	vmovc v43;
	v2 =	vadd.f32 v47, v2;
	v7 =	vmul.f32 v4, v7;
	v6 =	vmul.f32 v4, v6  }
0x131: {  	v38 =	vld [tilespmem:s11+$0x30];
	v47 =	vmul.f32 v4, v8;
	v55 =	vmul.f32 v55, v60;
	v60 =	vadd.f32 v4, v12;
	v44 =	vpop (erf)  }
0x132: {  	v43 =	vmovc v57;
	v4 =	vmul.f32 v4, v27;
	v59 =	vadd.f32 v59, v2;
	v2 =	vld [tilespmem:$0x1FEF0];
	v54 =	vmul.f32 v44, v22  }
0x133: {  	s9 =	sadd.s32 $0x4, s9;
	v12 =	vimm.s32 $0xF;
	v22 =	vmovc v18;
	v48 =	vadd.f32 v63, v3;
	v18 =	vadd.f32 v55, v0;
	v0 =	vld [tilespmem:$0x1FEC0];
	v63 =	vmovc v49  }
0x134: {  	p1 =	slt.u32 s9, $0xC4;
	v17 =	vmovc v21;
	v21 =	vmov v52;
	v52 =	vperm.xlane v61, v12;
	[tilespmem:$0x1FEF0] =	vst v63;
	v63 =	vadd.f32 v4, v5;
	v4 =	vld [tilespmem:$0x1FE70]  }
.Ltmp1:
0x135: {  	v27 =	vmul.f32 v41, v62;
	v11, _, _ =	vpop (xrf2);
	v1 =	vadd.f32 v7, v1;
	v3 =	vmul.f32 v37, v14;
	(pc) =	sbr.rel @p1 .LBB2_5-.Ltmp1, $4  }
0x136: {  	v57 =	vmul.f32 v38, v13;
	v14 =	vmovc v24;
	v24 =	vmovc v16;
	v60 =	vadd.f32 v41, v60;
	v61 =	vmul.f32 $1.442695020e+00, v52  }
0x137: {  	v8, _, _ =	vpop (xrf2);
	v1 =	vadd.f32 v27, v1;
	v49 =	vadd.f32 v9, v3;
	v9 =	vimm.s32 $0xF  }
0x138: {  	v55 =	vadd.f32 v6, v18;
	v13 =	vmovc v2;
	v2 =	vperm.xlane v8, v12;
	v3 =	vperm.xlane v11, v9  }
0x139: {  	s11 =	sadd.s32 $0x100, s11;
	[tilespmem:$0x1FEC0] =	vst v13;
	v18 =	vmov v46;
	v62 =	vmul.f32 v44, v0;
	v0, _, _ =	vpop (xrf2);
	v27 =	vmov v4  }
0x13a: {  	v4 =	vadd.f32 v51, v49  }
0x13b: {  	v5 =	vadd.f32 v53, v56  }
0x13c: {  	v4 =	vadd.f32 v57, v4  }
0x13d: {  	(xrf2) =	vadd.scan.msk.f32 $0xffff, v59;
	v5 =	vadd.f32 v58, v5  }
0x13e: {  	(xrf2) =	vadd.scan.msk.f32 $0xffff, v4  }
0x13f: {  	(xrf2) =	vadd.scan.msk.f32 $0xffff, v5  }
0x140: {  	v4 =	vadd.f32 v42, v45;
	_ =	sdelay $0x1  }
0x141: {  	v3 =	vmul.f32 $1.442695020e+00, v3;
	(xrf2) =	vadd.scan.msk.f32 $0xffff, v4  }
0x142: {  	v2 =	vmul.f32 $1.442695020e+00, v2  }
0x143: {  	v0 =	vperm.xlane v0, v9;
	v8 =	vld [tilespmem:$0x1FE80];
	(erf) = vpow2.f32 v3  }
0x144: {  	(erf) = vpow2.f32 v2  }
0x145: {  	v11 =	vld [tilespmem:$0x1FE90];
	v0 =	vmul.f32 $1.442695020e+00, v0  }
0x146: {  	(erf) = vpow2.f32 v61;
	v2, _, _ =	vpop (xrf2)  }
0x147: {  	v3 =	vmul.f32 v41, v32;
	(erf) = vpow2.f32 v0;
	v4, _, _ =	vpop (xrf2)  }
0x148: {  	v8 =	vmul.f32 v41, v8;
	v5, _, _ =	vpop (xrf2);
	v4 =	vperm.xlane v4, v9  }
0x149: {  	v2 =	vperm.xlane v2, v9;
	v5 =	vperm.xlane v5, v9  }
0x14a: {  	v12 =	vimm.s32 $0xF;
	v11 =	vmul.f32 v44, v11;
	v0 =	vmul.f32 $1.442695020e+00, v4  }
0x14b: {  	v8 =	vadd.f32 v8, v55;
	v2 =	vmul.f32 $1.442695020e+00, v2;
	v13, _, _ =	vpop (xrf2);
	v4 =	vmul.f32 $1.442695020e+00, v5  }
0x14c: {  	v7 =	vadd.f32 v50, v63;
	v9 =	vpop (erf);
	v13 =	vperm.xlane v13, v12;
	(erf) = vpow2.f32 v0  }
0x14d: {  	v59 =	vpop (erf);
	v5 =	vadd.f32 v44, v60;
	(erf) = vpow2.f32 v4;
	v4 =	vadd.f32 v47, v48  }
0x14e: {  	v60 =	vmul.f32 v59, v17;
	v17 =	vmul.f32 v59, v24;
	v0 =	vadd.f32 v54, v7  }
0x14f: {  	(erf) = vpow2.f32 v2;
	v2 =	vadd.f32 v3, v4;
	v3 =	vadd.f32 v11, v8;
	v8 =	vpop (erf)  }
0x150: {  	v0 =	vadd.f32 v17, v0;
	v17 =	vmul.f32 v8, v27  }
0x151: {  	v13 =	vmul.f32 $1.442695020e+00, v13;
	v5 =	vadd.f32 v59, v5  }
0x152: {  	v12 =	vld [tilespmem:$0x1FED0];
	v4 =	vmul.f32 v9, v26;
	v11 =	vmul.f32 v59, v29;
	v0 =	vadd.f32 v17, v0  }
0x153: {  	v6 =	vmul.f32 v44, v20;
	v1 =	vadd.f32 v62, v1;
	v5 =	vadd.f32 v8, v5  }
0x154: {  	(erf) = vpow2.f32 v13;
	v13 =	vmul.f32 v8, v14;
	v0 =	vadd.f32 v4, v0;
	v4 =	vld [tilespmem:$0x1FEE0]  }
0x155: {  	v63 =	vmul.f32 v9, v19;
	v5 =	vadd.f32 v9, v5  }
0x156: {  	v7 =	vmul.f32 v59, v28;
	v2 =	vadd.f32 v6, v2;
	v1 =	vadd.f32 v11, v1;
	v11 =	vpop (erf)  }
0x157: {  	v12 =	vmul.f32 v8, v12;
	v8 =	vmul.f32 v8, v25;
	v5 =	vadd.f32 v11, v5;
	v61 =	vpop (erf)  }
0x158: {  	v62 =	vld [tilespmem:$0x1FEC0];
	v2 =	vadd.f32 v60, v2;
	v1 =	vadd.f32 v13, v1;
	v14 =	vmul.f32 v11, v22;
	v13 =	vpop (erf)  }
0x159: {  	v22 =	vmul.f32 v9, v23;
	v5 =	vadd.f32 v13, v5;
	v4 =	vmul.f32 v9, v4;
	v9 =	vld [tilespmem:$0x1FEA0]  }
0x15a: {  	v3 =	vadd.f32 v7, v3;
	v2 =	vadd.f32 v8, v2;
	v8 =	vld [tilespmem:$0x1FEB0];
	v17 =	vpop (erf)  }
0x15b: {  	v5 =	vadd.f32 v17, v5  }
0x15c: {  	v3 =	vadd.f32 v12, v3;
	v1 =	vadd.f32 v22, v1  }
0x15d: {  	v7 =	vmul.f32 v11, v62;
	v0 =	vadd.f32 v14, v0;
	v5 =	vadd.f32 v61, v5  }
0x15e: {  	v2 =	vadd.f32 v63, v2;
	v3 =	vadd.f32 v4, v3;
	v4 =	vpop (erf);
	v9 =	vmul.f32 v11, v9  }
0x15f: {  	v12 =	vmul.f32 v61, v37;
	v8 =	vmul.f32 v11, v8;
	v5 =	vadd.f32 v4, v5  }
0x160: {  	v35 =	vmul.f32 v13, v35;
	v2 =	vadd.f32 v9, v2;
	v9 =	vmul.f32 v13, v39  }
0x161: {  	v3 =	vadd.f32 v8, v3;
	v8 =	vmul.f32 v13, v21;
	(erf) = vrcp.f32 v5  }
0x162: {  	v0 =	vadd.f32 v9, v0;
	v9 =	vmul.f32 v17, v36;
	v36 =	vmul.f32 v17, v30  }
0x163: {  	v11 =	vmul.f32 v17, v34;
	v3 =	vadd.f32 v35, v3;
	v5 =	vmul.f32 v61, v43  }
0x164: {  	v2 =	vadd.f32 v8, v2;
	v8 =	vmul.f32 v17, v31;
	v0 =	vadd.f32 v36, v0  }
0x165: {  	v32 =	vmul.f32 v13, v40;
	v1 =	vadd.f32 v7, v1;
	v3 =	vadd.f32 v11, v3  }
0x166: {  	v6 =	vmul.f32 v61, v33;
	v2 =	vadd.f32 v8, v2;
	v0 =	vadd.f32 v5, v0;
	v5 =	vld [tilespmem:$0x1FEF0]  }
0x167: {  	v1 =	vadd.f32 v32, v1  }
0x168: {  	v39 =	vmul.f32 v4, v15;
	v3 =	vadd.f32 v6, v3;
	v2 =	vadd.f32 v12, v2  }
0x169: {  	v8 =	vmul.f32 v61, v38;
	v1 =	vadd.f32 v9, v1;
	v9 =	vmul.f32 v4, v10  }
0x16a: {  	v40 =	vmul.f32 v4, v18;
	v2 =	vadd.f32 v39, v2  }
0x16b: {  	v1 =	vadd.f32 v8, v1;
	v3 =	vadd.f32 v9, v3;
	v4 =	vmul.f32 v4, v5;
	v5 =	vpop (erf)  }
0x16c: {  	v0 =	vadd.f32 v40, v0;
	v2 =	vmul.f32 v5, v2  }
0x16d: {  	v3 =	vmul.f32 v5, v3;
	v1 =	vadd.f32 v4, v1  }
0x16e: {  	v0 =	vmul.f32 v5, v0;
	[tilespmem:s0+$0x12C80] =	vst v2  }
0x16f: {  	[tilespmem:s0+$0x12C90] =	vst v3;
	v1 =	vmul.f32 v5, v1  }
0x170: {  	[tilespmem:s0+$0x12CA0] =	vst v0  }
0x171: {  	s9 =	sadd.s32 @!p0 $0x3E8, s2;
	s11 =	simm.s32 @!p0 $0x68;
	s13 =	simm.s32 @!p0 $0x9600;
	[tilespmem:s0+$0x12CB0] =	vst v1  }
0x172: {  	[tilespmem:s13], [sflag:$0x2] =	stream.indirect.gather @!p0 [hbm4b:s4+s11], $0x40, s9, s11, $0xb8;
	[tilespmem:$0x14C40] =	vst v63  }
0x173: {  	s9 =	sadd.s32 @!p0 $0x450, s2;
	s11 =	simm.s32 @!p0 $0x60;
	s13 =	simm.s32 @!p0 $0xB000  }
0x174: {  	[tilespmem:s13], [sflag:$0x2] =	stream.indirect.gather @!p0 [hbm4b:s4+s11], $0x40, s9, s11, $0xb8;
	[tilespmem:$0x14C40] =	vst v63  }
0x175: {  	_ =	swait.ge [sflag:s26], $0x3200  }
0x176: {  	v62 =	vld [tilespmem:$0x1FFF0]  }
0x177: {  	v13 =	vld [tilespmem:$0x1FFE0]  }
0x178: {  	[sflag:s26] =	ssyncset.done $0x0;
	v11 =	vld [tilespmem:$0x1FFC0]  }
0x179: {  	s13 =	simm.s32 $0xC880;
	v12 =	vld [tilespmem:$0x1FFD0];
	[sflag:s26] =	ssyncadd.s32 $0xFFFFCE00  }
0x17a: {  	v37 =	vld [tilespmem:s13+$0xFFFFFF80]  }
0x17b: {  	v46 =	vld [tilespmem:s13+$0xFFFFFFE0]  }
0x17c: {  	v44 =	vld [tilespmem:s13+$0x20]  }
0x17d: {  	v50 =	vld [tilespmem:s13+$0xFFFFFFD0]  }
0x17e: {  	v47 =	vld [tilespmem:s13+$0xFFFFFFC0]  }
0x17f: {  	v15 =	vld [tilespmem:s13+$0x30]  }
0x180: {  	v4 =	vld [tilespmem:s13+$0x10]  }
0x181: {  	v32 =	vld [tilespmem:s13+$0x0]  }
0x182: {  	v38 =	vld [tilespmem:s13+$0xFFFFFF90]  }
0x183: {  	v39 =	vld [tilespmem:s13+$0xFFFFFFA0]  }
0x184: {  	v48 =	vld [tilespmem:s13+$0xFFFFFFF0];
	[tilespmem:$0x1FE50] =	vst v15  }
0x185: {  	v1 =	vmul.f32 v37, v62;
	v3 =	vld [tilespmem:s13+$0xFFFFFFB0];
	[tilespmem:$0x1FDD0] =	vst v4  }
0x186: {  	v0 =	vmul.f32 v50, v13;
	v2 =	vmul.f32 v47, v62;
	v16 =	vld [tilespmem:s13+$0x70]  }
0x187: {  	v5 =	vmul.f32 v32, v62;
	v4 =	vmul.f32 v4, v13  }
0x188: {  	v41 =	vmul.f32 v46, v11;
	v42 =	vmul.f32 v38, v13;
	v2 =	vadd.f32 v0, v2  }
0x189: {  	v8 =	vmul.f32 v44, v11;
	v10 =	vmul.f32 v39, v11;
	v14 =	vld [tilespmem:s13+$0x50];
	v4 =	vadd.f32 v4, v5  }
0x18a: {  	v1 =	vadd.f32 v42, v1;
	v5 =	vmul.f32 v48, v12;
	v2 =	vadd.f32 v41, v2  }
0x18b: {  	v43 =	vmul.f32 v15, v12;
	v0 =	vld [tilespmem:s13+$0x40];
	v4 =	vadd.f32 v8, v4;
	[tilespmem:$0x1FE60] =	vst v16  }
0x18c: {  	s11 =	simm.s32 $0xC980;
	v1 =	vadd.f32 v10, v1;
	v8 =	vmul.f32 v3, v12;
	v2 =	vadd.f32 v5, v2;
	v52 =	vld [tilespmem:s13+$0x60]  }
0x18d: {  	v4 =	vadd.f32 v43, v4;
	v17 =	vld [tilespmem:s11+$0xFFFFFF80]  }
0x18e: {  	v45 =	vld [tilespmem:s11+$0x70];
	[tilespmem:$0x1FDE0] =	vst v14;
	v1 =	vadd.f32 v8, v1;
	(xrf2) =	vadd.scan.msk.f32 $0xffff, v2  }
0x18f: {  	v10 =	vmul.f32 v14, v13;
	v14 =	vld [tilespmem:s11+$0x60];
	(xrf2) =	vadd.scan.msk.f32 $0xffff, v4  }
0x190: {  	v20 =	vmov v0;
	v49 =	vmul.f32 v0, v62;
	v0 =	vld [tilespmem:s11+$0x50];
	(xrf2) =	vadd.scan.msk.f32 $0xffff, v1  }
0x191: {  	v5 =	vld [tilespmem:s11+$0x40]  }
0x192: {  	v27 =	vld [tilespmem:s11+$0xFFFFFFE0]  }
0x193: {  	v4 =	vadd.f32 v10, v49;
	v10 =	vld [tilespmem:s11+$0x20]  }
0x194: {  	v8 =	vld [tilespmem:s11+$0xFFFFFFF0]  }
0x195: {  	v24 =	vld [tilespmem:s11+$0xFFFFFFA0];
	v2 =	vmul.f32 v52, v11  }
0x196: {  	v9 =	vimm.s32 $0xF;
	v51 =	vld [tilespmem:s11+$0xFFFFFFD0];
	[tilespmem:$0x1FDF0] =	vst v5  }
0x197: {  	v1 =	vmul.f32 v16, v12;
	v2 =	vadd.f32 v2, v4;
	v4 =	vmul.f32 v5, v62;
	v5 =	vld [tilespmem:s11+$0x30];
	[tilespmem:$0x1FE00] =	vst v0  }
0x198: {  	v26 =	vmov v10;
	v31 =	vmul.f32 v10, v11;
	v22 =	vmov v14;
	[tilespmem:$0x1FE10] =	vst v45;
	v10, _, _ =	vpop (xrf2)  }
0x199: {  	v15 =	vmul.f32 v14, v11;
	v14 =	vmov v8;
	v53 =	vld [tilespmem:s11+$0xFFFFFFC0];
	v1 =	vadd.f32 v1, v2;
	v8, _, _ =	vpop (xrf2)  }
0x19a: {  	v16 =	vmul.f32 v27, v11;
	v28 =	vld [tilespmem:s11+$0xFFFFFF90];
	v18, _, _ =	vpop (xrf2);
	v8 =	vperm.xlane v8, v9  }
0x19b: {  	(xrf2) =	vadd.scan.msk.f32 $0xffff, v1;
	v1 =	vmul.f32 v0, v13;
	v0 =	vld [tilespmem:s11+$0x10];
	[tilespmem:$0x1FE20] =	vst v51;
	v18 =	vperm.xlane v18, v9  }
0x19c: {  	v30 =	vmul.f32 v51, v13;
	v54 =	vld [tilespmem:s11+$0x0];
	v56 =	vmul.f32 $1.442695020e+00, v8  }
0x19d: {  	v2 =	vmul.f32 v17, v62;
	v58 =	vmul.f32 $1.442695020e+00, v18  }
0x19e: {  	v1 =	vadd.f32 v1, v4;
	v4 =	vperm.xlane v10, v9;
	(erf) = vpow2.f32 v56  }
0x19f: {  	s13 =	simm.s32 $0xCA80;
	v29 =	vld [tilespmem:s11+$0xFFFFFFB0];
	v55 =	vmul.f32 v53, v62;
	(erf) = vpow2.f32 v58  }
0x1a0: {  	v7 =	vld [tilespmem:s13+$0xFFFFFF80];
	v60 =	vmul.f32 v28, v13;
	v4 =	vmul.f32 $1.442695020e+00, v4;
	[tilespmem:$0x1FE30] =	vst v0  }
0x1a1: {  	v49 =	vimm.f32 $0.0e+00;
	v57 =	vmul.f32 v0, v13;
	v0 =	vld [tilespmem:s13+$0x70];
	v59 =	vmul.f32 v54, v62  }
0x1a2: {  	v1 =	vadd.f32 v15, v1;
	v34 =	vadd.f32 v30, v55;
	v15 =	vld [tilespmem:s13+$0x40];
	(erf) = vpow2.f32 v4  }
0x1a3: {  	v40 =	vmul.f32 v24, v11;
	v23 =	vmovc v5;
	v63 =	vmul.f32 v5, v12;
	v5 =	vld [tilespmem:s13+$0x20];
	v36 =	vadd.f32 v57, v59  }
0x1a4: {  	v35 =	vmul.f32 v14, v12;
	v2 =	vadd.f32 v60, v2;
	v18 =	vld [tilespmem:s13+$0x60];
	v57 =	vadd.f32 v16, v34  }
0x1a5: {  	v33 =	vmul.f32 v45, v12;
	v19 =	vmovc v54;
	v10 =	vld [tilespmem:s13+$0x50];
	v58 =	vmul.f32 v29, v12;
	v4 =	vadd.f32 v31, v36  }
0x1a6: {  	v54 =	vmul.f32 v7, v62;
	v2 =	vadd.f32 v40, v2;
	v30, _, _ =	vpop (xrf2);
	v59 =	vadd.f32 v35, v57  }
0x1a7: {  	v34 =	vld [tilespmem:s13+$0xFFFFFFD0];
	v61 =	vperm.xlane v30, v9;
	v60 =	vmul.f32 v15, v62;
	v4 =	vadd.f32 v63, v4;
	v41 =	vpop (erf)  }
0x1a8: {  	v2 =	vadd.f32 v58, v2;
	v36 =	vld [tilespmem:s13+$0xFFFFFFF0];
	v42 =	vmul.f32 v0, v12;
	v51 =	vmul.f32 v5, v11;
	(xrf2) =	vadd.scan.msk.f32 $0xffff, v59;
	v56 =	vpop (erf)  }
0x1a9: {  	v1 =	vadd.f32 v33, v1;
	v35 =	vld [tilespmem:s13+$0xFFFFFF90];
	v63 =	vmul.f32 v18, v11;
	(xrf2) =	vadd.scan.msk.f32 $0xffff, v4;
	v3 =	vmul.f32 v56, v3  }
0x1aa: {  	v30 =	vld [tilespmem:s13+$0xFFFFFFE0];
	[tilespmem:$0x1FE40] =	vst v0;
	v31 =	vmul.f32 $1.442695020e+00, v61;
	v61 =	vmul.f32 v10, v13;
	(xrf2) =	vadd.scan.msk.f32 $0xffff, v2  }
0x1ab: {  	v2 =	vmul.f32 v56, v37;
	v55 =	vpop (erf);
	(xrf2) =	vadd.scan.msk.f32 $0xffff, v1;
	v1 =	vadd.f32 v3, v49;
	v3 =	vmul.f32 v56, v38  }
0x1ac: {  	(erf) = vpow2.f32 v31;
	v31 =	vld [tilespmem:s13+$0xFFFFFFC0];
	v40 =	vadd.f32 v56, v49;
	v6 =	vmul.f32 v55, v48  }
0x1ad: {  	v33 =	vld [tilespmem:s13+$0x10];
	v48 =	vadd.f32 v2, v49;
	v2 =	vmul.f32 v55, v50;
	v3 =	vadd.f32 v3, v49  }
0x1ae: {  	v57 =	vmul.f32 v34, v13;
	v4 =	vadd.f32 v61, v60;
	v37 =	vld [tilespmem:s13+$0x0];
	v47 =	vmul.f32 v55, v47  }
0x1af: {  	v46 =	vmul.f32 v55, v46;
	v61 =	vadd.f32 v55, v40;
	v55 =	vadd.f32 v2, v3;
	v3 =	vld [tilespmem:$0x1FE50]  }
0x1b0: {  	v59 =	vmul.f32 v35, v13;
	v45 =	vadd.f32 v63, v4;
	v4 =	vmul.f32 v56, v39;
	v39 =	vld [tilespmem:s13+$0xFFFFFFA0]  }
0x1b1: {  	v21 =	vmov v7;
	v58 =	vmul.f32 v36, v12;
	v38 =	vld [tilespmem:s13+$0x30];
	v7 =	vmul.f32 v31, v62  }
0x1b2: {  	v25 =	vmovc v53;
	v53 =	vmul.f32 v30, v11;
	v56 =	vadd.f32 v59, v54;
	v40 =	vld [tilespmem:s13+$0xFFFFFFB0];
	v4 =	vadd.f32 v4, v49  }
0x1b3: {  	v54 =	vmul.f32 v33, v13;
	v50 =	vmul.f32 v41, v44;
	v57 =	vadd.f32 v57, v7  }
0x1b4: {  	v63 =	vadd.f32 v46, v4;
	v7 =	vmul.f32 v37, v62;
	v62, _, _ =	vpop (xrf2);
	v4 =	vmul.f32 v41, v3;
	v3 =	vld [tilespmem:$0x1FE60]  }
0x1b5: {  	v1 =	vadd.f32 v6, v1;
	v57 =	vadd.f32 v53, v57;
	v53 =	vmul.f32 v39, v11;
	v44 =	vpop (erf)  }
0x1b6: {  	v49 =	vadd.f32 v54, v7;
	v0, _, _ =	vpop (xrf2);
	v54 =	vmul.f32 v44, v52;
	v52 =	vperm.xlane v62, v9  }
0x1b7: {  	v2, _, _ =	vpop (xrf2);
	v59 =	vadd.f32 v58, v57;
	v57 =	vmul.f32 v38, v12;
	v58 =	vmul.f32 v40, v12  }
0x1b8: {  	v43 =	vmovc v5;
	v60 =	vadd.f32 v41, v61;
	v2 =	vperm.xlane v2, v9;
	v61 =	vmul.f32 $1.442695020e+00, v52  }
0x1b9: {  	s9 =	simm.s32 $0x8;
	s11 =	simm.s32 $0xCB80;
	v1 =	vadd.f32 v4, v1;
	v62 =	vmul.f32 v44, v3;
	v3 =	vperm.xlane v0, v9;
	v0, _, _ =	vpop (xrf2)  }
.LBB2_7:
0x1ba: {  	v52 =	vld [tilespmem:s11+$0xFFFFFF80]  }
0x1bb: {  	v7 =	vld [tilespmem:$0x1FE20]  }
0x1bc: {  	v0 =	vperm.xlane v0, v9;
	v9 =	vld [tilespmem:$0x1FDD0]  }
0x1bd: {  	v4 =	vadd.f32 v51, v49;
	v49 =	vld [tilespmem:s11+$0x70]  }
0x1be: {  	v46 =	vld [tilespmem:s11+$0x60]  }
0x1bf: {  	v11 =	vmov v30;
	v8 =	vmov v34;
	v30 =	vadd.f32 v50, v63;
	v50 =	vld [tilespmem:s11+$0x50]  }
0x1c0: {  	[tilespmem:$0x1FE20] =	vst v8;
	v8 =	vld [tilespmem:$0x1FDF0]  }
0x1c1: {  	v13 =	vmul.f32 v41, v9;
	v9 =	vld [tilespmem:$0x1FDE0]  }
0x1c2: {  	v12 =	vmov v10;
	v10 =	vld [tilespmem:$0x1FE30]  }
0x1c3: {  	v34 =	vld [tilespmem:s11+$0xFFFFFFD0];
	v3 =	vmul.f32 $1.442695020e+00, v3;
	[tilespmem:$0x1FDC0] =	vst v11;
	v11 =	vadd.f32 v53, v56  }
0x1c4: {  	v32 =	vmul.f32 v41, v32;
	v5 =	vmovc v24;
	v24 =	vmov v36;
	v36 =	vld [tilespmem:s11+$0xFFFFFFF0];
	v2 =	vmul.f32 $1.442695020e+00, v2  }
0x1c5: {  	v4 =	vadd.f32 v57, v4;
	v57 =	vld [tilespmem:s11+$0x20];
	(erf) = vpow2.f32 v3;
	v3 =	vmul.f32 v44, v20  }
0x1c6: {  	v63 =	vadd.f32 v42, v45;
	(erf) = vpow2.f32 v2;
	v20 =	vmovc v8;
	v8 =	vmovc v15;
	v53 =	vmul.f32 v44, v9;
	v9 =	vld [tilespmem:$0x1FE00]  }
0x1c7: {  	v51 =	vadd.f32 v47, v48;
	v45 =	vadd.f32 v58, v11;
	v6 =	vmovc v7;
	v7 =	vmovc v14;
	v14 =	vld [tilespmem:$0x1FFF0];
	v11 =	vmov v10  }
0x1c8: {  	v15 =	vld [tilespmem:s11+$0x40];
	[tilespmem:$0x1FDD0] =	vst v11  }
0x1c9: {  	v11 =	vld [tilespmem:$0x1FFE0];
	[tilespmem:$0x1FDF0] =	vst v8;
	v8 =	vmov v25;
	v25 =	vmov v31;
	v31 =	vadd.f32 v32, v51  }
0x1ca: {  	(xrf2) =	vadd.scan.msk.f32 $0xffff, v59;
	v0 =	vmul.f32 $1.442695020e+00, v0;
	v41 =	vadd.f32 v13, v55;
	v13 =	vld [tilespmem:$0x1FFD0]  }
0x1cb: {  	v1 =	vadd.f32 v62, v1;
	(erf) = vpow2.f32 v61;
	v3 =	vadd.f32 v3, v31;
	v31 =	vld [tilespmem:s11+$0xFFFFFFC0];
	v58 =	vmovc v9;
	v9 =	vmovc v33  }
0x1cc: {  	v16 =	vmovc v39;
	v56 =	vadd.f32 v44, v60;
	v60 =	vmovc v28;
	v28 =	vmov v35;
	(erf) = vpow2.f32 v0;
	[tilespmem:$0x1FE30] =	vst v9;
	v9 =	vld [tilespmem:$0x1FFC0]  }
0x1cd: {  	v39 =	vld [tilespmem:s11+$0xFFFFFFA0];
	v2 =	vadd.f32 v54, v30;
	v10 =	vmovc v50;
	v54 =	vmul.f32 v52, v14;
	v59 =	vmul.f32 v15, v14  }
0x1ce: {  	v30 =	vld [tilespmem:s11+$0xFFFFFFE0];
	(xrf2) =	vadd.scan.msk.f32 $0xffff, v4;
	v4 =	vmul.f32 v10, v11;
	v48 =	vmul.f32 v34, v11;
	v0 =	vadd.f32 v53, v41;
	v41 =	vpop (erf)  }
0x1cf: {  	v35 =	vld [tilespmem:s11+$0xFFFFFF90];
	v44 =	vmov v29;
	v42 =	vmul.f32 v49, v13;
	v50 =	vmul.f32 v41, v26;
	v55 =	vpop (erf)  }
0x1d0: {  	v29 =	vmovc v40;
	v40 =	vld [tilespmem:s11+$0xFFFFFFB0];
	v4 =	vadd.f32 v4, v59;
	v59 =	vmul.f32 v36, v13;
	v5 =	vmul.f32 v55, v5  }
0x1d1: {  	v62 =	vmov v23;
	v33 =	vld [tilespmem:s11+$0x10];
	[tilespmem:$0x1FDE0] =	vst v58;
	v58 =	vmul.f32 v31, v14;
	v51 =	vmul.f32 v57, v9  }
0x1d2: {  	v23 =	vmovc v38;
	(xrf2) =	vadd.scan.msk.f32 $0xffff, v45;
	v32 =	vmov v19;
	v61 =	vmul.f32 v46, v9;
	v53 =	vmul.f32 v39, v9  }
0x1d3: {  	[tilespmem:$0x1FE00] =	vst v12;
	v12 =	vadd.f32 v55, v56;
	v47 =	vmul.f32 v30, v9;
	v9 =	vmul.f32 v55, v44  }
0x1d4: {  	v19 =	vmovc v37;
	v5 =	vadd.f32 v5, v2;
	v2 =	vadd.f32 v48, v58;
	v44 =	vmul.f32 v35, v11  }
0x1d5: {  	v58 =	vmul.f32 v40, v13;
	v45 =	vadd.f32 v61, v4;
	v1 =	vadd.f32 v9, v1;
	v4 =	vpop (erf)  }
0x1d6: {  	v56 =	vadd.f32 v44, v54;
	v9 =	vmul.f32 v33, v11;
	v61, _, _ =	vpop (xrf2);
	(xrf2) =	vadd.scan.msk.f32 $0xffff, v63;
	v63 =	vmul.f32 v55, v17  }
0x1d7: {  	v37 =	vld [tilespmem:s11+$0x0];
	v26 =	vmovc v43;
	v2 =	vadd.f32 v47, v2;
	v7 =	vmul.f32 v4, v7;
	v6 =	vmul.f32 v4, v6  }
0x1d8: {  	v38 =	vld [tilespmem:s11+$0x30];
	v47 =	vmul.f32 v4, v8;
	v55 =	vmul.f32 v55, v60;
	v60 =	vadd.f32 v4, v12;
	v44 =	vpop (erf)  }
0x1d9: {  	v43 =	vmovc v57;
	v4 =	vmul.f32 v4, v27;
	v59 =	vadd.f32 v59, v2;
	v2 =	vld [tilespmem:$0x1FE40];
	v54 =	vmul.f32 v44, v22  }
0x1da: {  	s9 =	sadd.s32 $0x4, s9;
	v12 =	vimm.s32 $0xF;
	v22 =	vmovc v18;
	v48 =	vadd.f32 v63, v3;
	v18 =	vadd.f32 v55, v0;
	v0 =	vld [tilespmem:$0x1FE10];
	v63 =	vmovc v49  }
0x1db: {  	p1 =	slt.u32 s9, $0xC4;
	v17 =	vmovc v21;
	v21 =	vmov v52;
	v52 =	vperm.xlane v61, v12;
	[tilespmem:$0x1FE40] =	vst v63;
	v63 =	vadd.f32 v4, v5;
	v4 =	vld [tilespmem:$0x1FDC0]  }
.Ltmp2:
0x1dc: {  	v27 =	vmul.f32 v41, v62;
	v11, _, _ =	vpop (xrf2);
	v1 =	vadd.f32 v7, v1;
	v3 =	vmul.f32 v37, v14;
	(pc) =	sbr.rel @p1 .LBB2_7-.Ltmp2, $4  }
0x1dd: {  	v57 =	vmul.f32 v38, v13;
	v14 =	vmovc v24;
	v24 =	vmovc v16;
	v60 =	vadd.f32 v41, v60;
	v61 =	vmul.f32 $1.442695020e+00, v52  }
0x1de: {  	v8, _, _ =	vpop (xrf2);
	v1 =	vadd.f32 v27, v1;
	v49 =	vadd.f32 v9, v3;
	v9 =	vimm.s32 $0xF  }
0x1df: {  	v55 =	vadd.f32 v6, v18;
	v13 =	vmovc v2;
	v2 =	vperm.xlane v8, v12;
	v3 =	vperm.xlane v11, v9  }
0x1e0: {  	s11 =	sadd.s32 $0x100, s11;
	[tilespmem:$0x1FE10] =	vst v13;
	v18 =	vmov v46;
	v62 =	vmul.f32 v44, v0;
	v0, _, _ =	vpop (xrf2);
	v27 =	vmov v4  }
0x1e1: {  	v4 =	vadd.f32 v51, v49  }
0x1e2: {  	v5 =	vadd.f32 v53, v56  }
0x1e3: {  	v4 =	vadd.f32 v57, v4  }
0x1e4: {  	(xrf2) =	vadd.scan.msk.f32 $0xffff, v59;
	v5 =	vadd.f32 v58, v5  }
0x1e5: {  	(xrf2) =	vadd.scan.msk.f32 $0xffff, v4  }
0x1e6: {  	(xrf2) =	vadd.scan.msk.f32 $0xffff, v5  }
0x1e7: {  	v4 =	vadd.f32 v42, v45;
	_ =	sdelay $0x1  }
0x1e8: {  	v3 =	vmul.f32 $1.442695020e+00, v3;
	(xrf2) =	vadd.scan.msk.f32 $0xffff, v4  }
0x1e9: {  	v2 =	vmul.f32 $1.442695020e+00, v2  }
0x1ea: {  	v0 =	vperm.xlane v0, v9;
	v8 =	vld [tilespmem:$0x1FDD0];
	(erf) = vpow2.f32 v3  }
0x1eb: {  	(erf) = vpow2.f32 v2  }
0x1ec: {  	v11 =	vld [tilespmem:$0x1FDE0];
	v0 =	vmul.f32 $1.442695020e+00, v0  }
0x1ed: {  	(erf) = vpow2.f32 v61;
	v2, _, _ =	vpop (xrf2)  }
0x1ee: {  	v3 =	vmul.f32 v41, v32;
	(erf) = vpow2.f32 v0;
	v4, _, _ =	vpop (xrf2)  }
0x1ef: {  	v8 =	vmul.f32 v41, v8;
	v5, _, _ =	vpop (xrf2);
	v4 =	vperm.xlane v4, v9  }
0x1f0: {  	v2 =	vperm.xlane v2, v9;
	v5 =	vperm.xlane v5, v9  }
0x1f1: {  	v12 =	vimm.s32 $0xF;
	v11 =	vmul.f32 v44, v11;
	v0 =	vmul.f32 $1.442695020e+00, v4  }
0x1f2: {  	v8 =	vadd.f32 v8, v55;
	v2 =	vmul.f32 $1.442695020e+00, v2;
	v13, _, _ =	vpop (xrf2);
	v4 =	vmul.f32 $1.442695020e+00, v5  }
0x1f3: {  	v7 =	vadd.f32 v50, v63;
	v9 =	vpop (erf);
	v13 =	vperm.xlane v13, v12;
	(erf) = vpow2.f32 v0  }
0x1f4: {  	v59 =	vpop (erf);
	v5 =	vadd.f32 v44, v60;
	(erf) = vpow2.f32 v4;
	v4 =	vadd.f32 v47, v48  }
0x1f5: {  	v60 =	vmul.f32 v59, v17;
	v17 =	vmul.f32 v59, v24;
	v0 =	vadd.f32 v54, v7  }
0x1f6: {  	(erf) = vpow2.f32 v2;
	v2 =	vadd.f32 v3, v4;
	v3 =	vadd.f32 v11, v8;
	v8 =	vpop (erf)  }
0x1f7: {  	v0 =	vadd.f32 v17, v0;
	v17 =	vmul.f32 v8, v27  }
0x1f8: {  	v13 =	vmul.f32 $1.442695020e+00, v13;
	v5 =	vadd.f32 v59, v5  }
0x1f9: {  	v12 =	vld [tilespmem:$0x1FE20];
	v4 =	vmul.f32 v9, v26;
	v11 =	vmul.f32 v59, v29;
	v0 =	vadd.f32 v17, v0  }
0x1fa: {  	v6 =	vmul.f32 v44, v20;
	v1 =	vadd.f32 v62, v1;
	v5 =	vadd.f32 v8, v5  }
0x1fb: {  	(erf) = vpow2.f32 v13;
	v13 =	vmul.f32 v8, v14;
	v0 =	vadd.f32 v4, v0;
	v4 =	vld [tilespmem:$0x1FE30]  }
0x1fc: {  	v63 =	vmul.f32 v9, v19;
	v5 =	vadd.f32 v9, v5  }
0x1fd: {  	v7 =	vmul.f32 v59, v28;
	v2 =	vadd.f32 v6, v2;
	v1 =	vadd.f32 v11, v1;
	v11 =	vpop (erf)  }
0x1fe: {  	v12 =	vmul.f32 v8, v12;
	v8 =	vmul.f32 v8, v25;
	v5 =	vadd.f32 v11, v5;
	v61 =	vpop (erf)  }
0x1ff: {  	v62 =	vld [tilespmem:$0x1FE10];
	v2 =	vadd.f32 v60, v2;
	v1 =	vadd.f32 v13, v1;
	v14 =	vmul.f32 v11, v22;
	v13 =	vpop (erf)  }
0x200: {  	v22 =	vmul.f32 v9, v23;
	v5 =	vadd.f32 v13, v5;
	v4 =	vmul.f32 v9, v4;
	v9 =	vld [tilespmem:$0x1FDF0]  }
0x201: {  	v3 =	vadd.f32 v7, v3;
	v2 =	vadd.f32 v8, v2;
	v8 =	vld [tilespmem:$0x1FE00];
	v17 =	vpop (erf)  }
0x202: {  	v5 =	vadd.f32 v17, v5  }
0x203: {  	v3 =	vadd.f32 v12, v3;
	v1 =	vadd.f32 v22, v1  }
0x204: {  	v7 =	vmul.f32 v11, v62;
	v0 =	vadd.f32 v14, v0;
	v5 =	vadd.f32 v61, v5  }
0x205: {  	v2 =	vadd.f32 v63, v2;
	v3 =	vadd.f32 v4, v3;
	v4 =	vpop (erf);
	v9 =	vmul.f32 v11, v9  }
0x206: {  	v12 =	vmul.f32 v61, v37;
	v8 =	vmul.f32 v11, v8;
	v5 =	vadd.f32 v4, v5  }
0x207: {  	v35 =	vmul.f32 v13, v35;
	v2 =	vadd.f32 v9, v2;
	v9 =	vmul.f32 v13, v39  }
0x208: {  	v3 =	vadd.f32 v8, v3;
	v8 =	vmul.f32 v13, v21;
	(erf) = vrcp.f32 v5  }
0x209: {  	v0 =	vadd.f32 v9, v0;
	v9 =	vmul.f32 v17, v36;
	v36 =	vmul.f32 v17, v30  }
0x20a: {  	v11 =	vmul.f32 v17, v34;
	v3 =	vadd.f32 v35, v3;
	v5 =	vmul.f32 v61, v43  }
0x20b: {  	v2 =	vadd.f32 v8, v2;
	v8 =	vmul.f32 v17, v31;
	v0 =	vadd.f32 v36, v0  }
0x20c: {  	v32 =	vmul.f32 v13, v40;
	v1 =	vadd.f32 v7, v1;
	v3 =	vadd.f32 v11, v3  }
0x20d: {  	v6 =	vmul.f32 v61, v33;
	v2 =	vadd.f32 v8, v2;
	v0 =	vadd.f32 v5, v0;
	v5 =	vld [tilespmem:$0x1FE40]  }
0x20e: {  	v1 =	vadd.f32 v32, v1  }
0x20f: {  	v39 =	vmul.f32 v4, v15;
	v3 =	vadd.f32 v6, v3;
	v2 =	vadd.f32 v12, v2  }
0x210: {  	v8 =	vmul.f32 v61, v38;
	v1 =	vadd.f32 v9, v1;
	v9 =	vmul.f32 v4, v10  }
0x211: {  	v40 =	vmul.f32 v4, v18;
	v2 =	vadd.f32 v39, v2  }
0x212: {  	v1 =	vadd.f32 v8, v1;
	v3 =	vadd.f32 v9, v3;
	v4 =	vmul.f32 v4, v5;
	v5 =	vpop (erf)  }
0x213: {  	v0 =	vadd.f32 v40, v0;
	v2 =	vmul.f32 v5, v2  }
0x214: {  	v3 =	vmul.f32 v5, v3;
	v1 =	vadd.f32 v4, v1  }
0x215: {  	v0 =	vmul.f32 v5, v0;
	[tilespmem:s0+$0x12CC0] =	vst v2  }
0x216: {  	[tilespmem:s0+$0x12CD0] =	vst v3;
	v1 =	vmul.f32 v5, v1  }
0x217: {  	[tilespmem:s0+$0x12CE0] =	vst v0  }
0x218: {  	s9 =	simm.s32 @!p0 $0x68;
	s11 =	simm.s32 @!p0 $0xC800;
	[tilespmem:s0+$0x12CF0] =	vst v1;
	s0 =	sadd.s32 @!p0 $0x4B0, s2  }
0x219: {  	[tilespmem:s11], [sflag:$0x3] =	stream.indirect.gather @!p0 [hbm4b:s4+s9], $0x40, s0, s9, $0xb8;
	[tilespmem:$0x14C40] =	vst v63  }
0x21a: {  	s0 =	sadd.s32 @!p0 $0x518, s2;
	s2 =	simm.s32 @!p0 $0x60;
	s9 =	simm.s32 @!p0 $0xE200  }
0x21b: {  	[tilespmem:s9], [sflag:$0x3] =	stream.indirect.gather @!p0 [hbm4b:s4+s2], $0x40, s0, s2, $0xb8;
	[tilespmem:$0x14C40] =	vst v63  }
0x21c: {  	_ =	swait.ge [sflag:s28], $0x3200  }
0x21d: {  	v62 =	vld [tilespmem:$0x1FFF0]  }
0x21e: {  	v13 =	vld [tilespmem:$0x1FFE0]  }
0x21f: {  	[sflag:s28] =	ssyncset.done $0x0;
	v11 =	vld [tilespmem:$0x1FFC0]  }
0x220: {  	s9 =	simm.s32 $0xFA80;
	v12 =	vld [tilespmem:$0x1FFD0];
	[sflag:s28] =	ssyncadd.s32 $0xFFFFCE00  }
0x221: {  	v37 =	vld [tilespmem:s9+$0xFFFFFF80]  }
0x222: {  	v46 =	vld [tilespmem:s9+$0xFFFFFFE0]  }
0x223: {  	v44 =	vld [tilespmem:s9+$0x20]  }
0x224: {  	v50 =	vld [tilespmem:s9+$0xFFFFFFD0]  }
0x225: {  	v47 =	vld [tilespmem:s9+$0xFFFFFFC0]  }
0x226: {  	v15 =	vld [tilespmem:s9+$0x30]  }
0x227: {  	v4 =	vld [tilespmem:s9+$0x10]  }
0x228: {  	v32 =	vld [tilespmem:s9+$0x0]  }
0x229: {  	v38 =	vld [tilespmem:s9+$0xFFFFFF90]  }
0x22a: {  	v39 =	vld [tilespmem:s9+$0xFFFFFFA0]  }
0x22b: {  	v48 =	vld [tilespmem:s9+$0xFFFFFFF0];
	[tilespmem:$0x1FDA0] =	vst v15  }
0x22c: {  	v1 =	vmul.f32 v37, v62;
	v3 =	vld [tilespmem:s9+$0xFFFFFFB0];
	[tilespmem:$0x1FD20] =	vst v4  }
0x22d: {  	v0 =	vmul.f32 v50, v13;
	v2 =	vmul.f32 v47, v62;
	v16 =	vld [tilespmem:s9+$0x70]  }
0x22e: {  	v5 =	vmul.f32 v32, v62;
	v4 =	vmul.f32 v4, v13  }
0x22f: {  	v41 =	vmul.f32 v46, v11;
	v42 =	vmul.f32 v38, v13;
	v2 =	vadd.f32 v0, v2  }
0x230: {  	v8 =	vmul.f32 v44, v11;
	v10 =	vmul.f32 v39, v11;
	v14 =	vld [tilespmem:s9+$0x50];
	v4 =	vadd.f32 v4, v5  }
0x231: {  	v1 =	vadd.f32 v42, v1;
	v5 =	vmul.f32 v48, v12;
	v2 =	vadd.f32 v41, v2  }
0x232: {  	v43 =	vmul.f32 v15, v12;
	v0 =	vld [tilespmem:s9+$0x40];
	v4 =	vadd.f32 v8, v4;
	[tilespmem:$0x1FDB0] =	vst v16  }
0x233: {  	s11 =	simm.s32 $0xFB80;
	v1 =	vadd.f32 v10, v1;
	v8 =	vmul.f32 v3, v12;
	v2 =	vadd.f32 v5, v2;
	v52 =	vld [tilespmem:s9+$0x60]  }
0x234: {  	v4 =	vadd.f32 v43, v4;
	v17 =	vld [tilespmem:s11+$0xFFFFFF80]  }
0x235: {  	v45 =	vld [tilespmem:s11+$0x70];
	[tilespmem:$0x1FD30] =	vst v14;
	v1 =	vadd.f32 v8, v1;
	(xrf2) =	vadd.scan.msk.f32 $0xffff, v2  }
0x236: {  	v10 =	vmul.f32 v14, v13;
	v14 =	vld [tilespmem:s11+$0x60];
	(xrf2) =	vadd.scan.msk.f32 $0xffff, v4  }
0x237: {  	v20 =	vmov v0;
	v49 =	vmul.f32 v0, v62;
	v0 =	vld [tilespmem:s11+$0x50];
	(xrf2) =	vadd.scan.msk.f32 $0xffff, v1  }
0x238: {  	v5 =	vld [tilespmem:s11+$0x40]  }
0x239: {  	v27 =	vld [tilespmem:s11+$0xFFFFFFE0]  }
0x23a: {  	v4 =	vadd.f32 v10, v49;
	v10 =	vld [tilespmem:s11+$0x20]  }
0x23b: {  	v8 =	vld [tilespmem:s11+$0xFFFFFFF0]  }
0x23c: {  	v24 =	vld [tilespmem:s11+$0xFFFFFFA0];
	v2 =	vmul.f32 v52, v11  }
0x23d: {  	v9 =	vimm.s32 $0xF;
	v51 =	vld [tilespmem:s11+$0xFFFFFFD0];
	[tilespmem:$0x1FD40] =	vst v5  }
0x23e: {  	v1 =	vmul.f32 v16, v12;
	v2 =	vadd.f32 v2, v4;
	v4 =	vmul.f32 v5, v62;
	v5 =	vld [tilespmem:s11+$0x30];
	[tilespmem:$0x1FD50] =	vst v0  }
0x23f: {  	v26 =	vmov v10;
	v31 =	vmul.f32 v10, v11;
	v22 =	vmov v14;
	[tilespmem:$0x1FD60] =	vst v45;
	v10, _, _ =	vpop (xrf2)  }
0x240: {  	v15 =	vmul.f32 v14, v11;
	v14 =	vmov v8;
	v53 =	vld [tilespmem:s11+$0xFFFFFFC0];
	v1 =	vadd.f32 v1, v2;
	v8, _, _ =	vpop (xrf2)  }
0x241: {  	v16 =	vmul.f32 v27, v11;
	v28 =	vld [tilespmem:s11+$0xFFFFFF90];
	v18, _, _ =	vpop (xrf2);
	v8 =	vperm.xlane v8, v9  }
0x242: {  	(xrf2) =	vadd.scan.msk.f32 $0xffff, v1;
	v1 =	vmul.f32 v0, v13;
	v0 =	vld [tilespmem:s11+$0x10];
	[tilespmem:$0x1FD70] =	vst v51;
	v18 =	vperm.xlane v18, v9  }
0x243: {  	v30 =	vmul.f32 v51, v13;
	v54 =	vld [tilespmem:s11+$0x0];
	v56 =	vmul.f32 $1.442695020e+00, v8  }
0x244: {  	v2 =	vmul.f32 v17, v62;
	v58 =	vmul.f32 $1.442695020e+00, v18  }
0x245: {  	v1 =	vadd.f32 v1, v4;
	v4 =	vperm.xlane v10, v9;
	(erf) = vpow2.f32 v56  }
0x246: {  	s13 =	simm.s32 $0xFC80;
	v29 =	vld [tilespmem:s11+$0xFFFFFFB0];
	v55 =	vmul.f32 v53, v62;
	(erf) = vpow2.f32 v58  }
0x247: {  	v7 =	vld [tilespmem:s13+$0xFFFFFF80];
	v60 =	vmul.f32 v28, v13;
	v4 =	vmul.f32 $1.442695020e+00, v4;
	[tilespmem:$0x1FD80] =	vst v0  }
0x248: {  	v49 =	vimm.f32 $0.0e+00;
	v57 =	vmul.f32 v0, v13;
	v0 =	vld [tilespmem:s13+$0x70];
	v59 =	vmul.f32 v54, v62  }
0x249: {  	v1 =	vadd.f32 v15, v1;
	v34 =	vadd.f32 v30, v55;
	v15 =	vld [tilespmem:s13+$0x40];
	(erf) = vpow2.f32 v4  }
0x24a: {  	v40 =	vmul.f32 v24, v11;
	v23 =	vmovc v5;
	v63 =	vmul.f32 v5, v12;
	v5 =	vld [tilespmem:s13+$0x20];
	v36 =	vadd.f32 v57, v59  }
0x24b: {  	v35 =	vmul.f32 v14, v12;
	v2 =	vadd.f32 v60, v2;
	v18 =	vld [tilespmem:s13+$0x60];
	v57 =	vadd.f32 v16, v34  }
0x24c: {  	v33 =	vmul.f32 v45, v12;
	v19 =	vmovc v54;
	v10 =	vld [tilespmem:s13+$0x50];
	v58 =	vmul.f32 v29, v12;
	v4 =	vadd.f32 v31, v36  }
0x24d: {  	v54 =	vmul.f32 v7, v62;
	v2 =	vadd.f32 v40, v2;
	v30, _, _ =	vpop (xrf2);
	v59 =	vadd.f32 v35, v57  }
0x24e: {  	v34 =	vld [tilespmem:s13+$0xFFFFFFD0];
	v61 =	vperm.xlane v30, v9;
	v60 =	vmul.f32 v15, v62;
	v4 =	vadd.f32 v63, v4;
	v41 =	vpop (erf)  }
0x24f: {  	v2 =	vadd.f32 v58, v2;
	v36 =	vld [tilespmem:s13+$0xFFFFFFF0];
	v42 =	vmul.f32 v0, v12;
	v51 =	vmul.f32 v5, v11;
	(xrf2) =	vadd.scan.msk.f32 $0xffff, v59;
	v56 =	vpop (erf)  }
0x250: {  	v1 =	vadd.f32 v33, v1;
	v35 =	vld [tilespmem:s13+$0xFFFFFF90];
	v63 =	vmul.f32 v18, v11;
	(xrf2) =	vadd.scan.msk.f32 $0xffff, v4;
	v3 =	vmul.f32 v56, v3  }
0x251: {  	v30 =	vld [tilespmem:s13+$0xFFFFFFE0];
	[tilespmem:$0x1FD90] =	vst v0;
	v31 =	vmul.f32 $1.442695020e+00, v61;
	v61 =	vmul.f32 v10, v13;
	(xrf2) =	vadd.scan.msk.f32 $0xffff, v2  }
0x252: {  	v2 =	vmul.f32 v56, v37;
	v55 =	vpop (erf);
	(xrf2) =	vadd.scan.msk.f32 $0xffff, v1;
	v1 =	vadd.f32 v3, v49;
	v3 =	vmul.f32 v56, v38  }
0x253: {  	(erf) = vpow2.f32 v31;
	v31 =	vld [tilespmem:s13+$0xFFFFFFC0];
	v40 =	vadd.f32 v56, v49;
	v6 =	vmul.f32 v55, v48  }
0x254: {  	v33 =	vld [tilespmem:s13+$0x10];
	v48 =	vadd.f32 v2, v49;
	v2 =	vmul.f32 v55, v50;
	v3 =	vadd.f32 v3, v49  }
0x255: {  	v57 =	vmul.f32 v34, v13;
	v4 =	vadd.f32 v61, v60;
	v37 =	vld [tilespmem:s13+$0x0];
	v47 =	vmul.f32 v55, v47  }
0x256: {  	v46 =	vmul.f32 v55, v46;
	v61 =	vadd.f32 v55, v40;
	v55 =	vadd.f32 v2, v3;
	v3 =	vld [tilespmem:$0x1FDA0]  }
0x257: {  	v59 =	vmul.f32 v35, v13;
	v45 =	vadd.f32 v63, v4;
	v4 =	vmul.f32 v56, v39;
	v39 =	vld [tilespmem:s13+$0xFFFFFFA0]  }
0x258: {  	v21 =	vmov v7;
	v58 =	vmul.f32 v36, v12;
	v38 =	vld [tilespmem:s13+$0x30];
	v7 =	vmul.f32 v31, v62  }
0x259: {  	v25 =	vmovc v53;
	v53 =	vmul.f32 v30, v11;
	v56 =	vadd.f32 v59, v54;
	v40 =	vld [tilespmem:s13+$0xFFFFFFB0];
	v4 =	vadd.f32 v4, v49  }
0x25a: {  	v54 =	vmul.f32 v33, v13;
	v50 =	vmul.f32 v41, v44;
	v57 =	vadd.f32 v57, v7  }
0x25b: {  	v63 =	vadd.f32 v46, v4;
	v7 =	vmul.f32 v37, v62;
	v62, _, _ =	vpop (xrf2);
	v4 =	vmul.f32 v41, v3;
	v3 =	vld [tilespmem:$0x1FDB0]  }
0x25c: {  	v1 =	vadd.f32 v6, v1;
	v57 =	vadd.f32 v53, v57;
	v53 =	vmul.f32 v39, v11;
	v44 =	vpop (erf)  }
0x25d: {  	v49 =	vadd.f32 v54, v7;
	v0, _, _ =	vpop (xrf2);
	v54 =	vmul.f32 v44, v52;
	v52 =	vperm.xlane v62, v9  }
0x25e: {  	v2, _, _ =	vpop (xrf2);
	v59 =	vadd.f32 v58, v57;
	v57 =	vmul.f32 v38, v12;
	v58 =	vmul.f32 v40, v12  }
0x25f: {  	v43 =	vmovc v5;
	v60 =	vadd.f32 v41, v61;
	v2 =	vperm.xlane v2, v9;
	v61 =	vmul.f32 $1.442695020e+00, v52  }
0x260: {  	s0 =	simm.s32 $0x8;
	s2 =	simm.s32 $0xFD80;
	v1 =	vadd.f32 v4, v1;
	v62 =	vmul.f32 v44, v3;
	v3 =	vperm.xlane v0, v9;
	v0, _, _ =	vpop (xrf2)  }
.LBB2_9:
0x261: {  	v52 =	vld [tilespmem:s2+$0xFFFFFF80]  }
0x262: {  	v7 =	vld [tilespmem:$0x1FD70]  }
0x263: {  	v0 =	vperm.xlane v0, v9;
	v9 =	vld [tilespmem:$0x1FD20]  }
0x264: {  	v4 =	vadd.f32 v51, v49;
	v49 =	vld [tilespmem:s2+$0x70]  }
0x265: {  	v46 =	vld [tilespmem:s2+$0x60]  }
0x266: {  	v11 =	vmov v30;
	v8 =	vmov v34;
	v30 =	vadd.f32 v50, v63;
	v50 =	vld [tilespmem:s2+$0x50]  }
0x267: {  	[tilespmem:$0x1FD70] =	vst v8;
	v8 =	vld [tilespmem:$0x1FD40]  }
0x268: {  	v13 =	vmul.f32 v41, v9;
	v9 =	vld [tilespmem:$0x1FD30]  }
0x269: {  	v12 =	vmov v10;
	v10 =	vld [tilespmem:$0x1FD80]  }
0x26a: {  	v34 =	vld [tilespmem:s2+$0xFFFFFFD0];
	v3 =	vmul.f32 $1.442695020e+00, v3;
	[tilespmem:$0x1FD10] =	vst v11;
	v11 =	vadd.f32 v53, v56  }
0x26b: {  	v32 =	vmul.f32 v41, v32;
	v5 =	vmovc v24;
	v24 =	vmov v36;
	v36 =	vld [tilespmem:s2+$0xFFFFFFF0];
	v2 =	vmul.f32 $1.442695020e+00, v2  }
0x26c: {  	v4 =	vadd.f32 v57, v4;
	v57 =	vld [tilespmem:s2+$0x20];
	(erf) = vpow2.f32 v3;
	v3 =	vmul.f32 v44, v20  }
0x26d: {  	v63 =	vadd.f32 v42, v45;
	(erf) = vpow2.f32 v2;
	v20 =	vmovc v8;
	v8 =	vmovc v15;
	v53 =	vmul.f32 v44, v9;
	v9 =	vld [tilespmem:$0x1FD50]  }
0x26e: {  	v51 =	vadd.f32 v47, v48;
	v45 =	vadd.f32 v58, v11;
	v6 =	vmovc v7;
	v7 =	vmovc v14;
	v14 =	vld [tilespmem:$0x1FFF0];
	v11 =	vmov v10  }
0x26f: {  	v15 =	vld [tilespmem:s2+$0x40];
	[tilespmem:$0x1FD20] =	vst v11  }
0x270: {  	v11 =	vld [tilespmem:$0x1FFE0];
	[tilespmem:$0x1FD40] =	vst v8;
	v8 =	vmov v25;
	v25 =	vmov v31;
	v31 =	vadd.f32 v32, v51  }
0x271: {  	(xrf2) =	vadd.scan.msk.f32 $0xffff, v59;
	v0 =	vmul.f32 $1.442695020e+00, v0;
	v41 =	vadd.f32 v13, v55;
	v13 =	vld [tilespmem:$0x1FFD0]  }
0x272: {  	v1 =	vadd.f32 v62, v1;
	(erf) = vpow2.f32 v61;
	v3 =	vadd.f32 v3, v31;
	v31 =	vld [tilespmem:s2+$0xFFFFFFC0];
	v58 =	vmovc v9;
	v9 =	vmovc v33  }
0x273: {  	v16 =	vmovc v39;
	v56 =	vadd.f32 v44, v60;
	v60 =	vmovc v28;
	v28 =	vmov v35;
	(erf) = vpow2.f32 v0;
	[tilespmem:$0x1FD80] =	vst v9;
	v9 =	vld [tilespmem:$0x1FFC0]  }
0x274: {  	v39 =	vld [tilespmem:s2+$0xFFFFFFA0];
	v2 =	vadd.f32 v54, v30;
	v10 =	vmovc v50;
	v54 =	vmul.f32 v52, v14;
	v59 =	vmul.f32 v15, v14  }
0x275: {  	v30 =	vld [tilespmem:s2+$0xFFFFFFE0];
	(xrf2) =	vadd.scan.msk.f32 $0xffff, v4;
	v4 =	vmul.f32 v10, v11;
	v48 =	vmul.f32 v34, v11;
	v0 =	vadd.f32 v53, v41;
	v41 =	vpop (erf)  }
0x276: {  	v35 =	vld [tilespmem:s2+$0xFFFFFF90];
	v44 =	vmov v29;
	v42 =	vmul.f32 v49, v13;
	v50 =	vmul.f32 v41, v26;
	v55 =	vpop (erf)  }
0x277: {  	v29 =	vmovc v40;
	v40 =	vld [tilespmem:s2+$0xFFFFFFB0];
	v4 =	vadd.f32 v4, v59;
	v59 =	vmul.f32 v36, v13;
	v5 =	vmul.f32 v55, v5  }
0x278: {  	v62 =	vmov v23;
	v33 =	vld [tilespmem:s2+$0x10];
	[tilespmem:$0x1FD30] =	vst v58;
	v58 =	vmul.f32 v31, v14;
	v51 =	vmul.f32 v57, v9  }
0x279: {  	v23 =	vmovc v38;
	(xrf2) =	vadd.scan.msk.f32 $0xffff, v45;
	v32 =	vmov v19;
	v61 =	vmul.f32 v46, v9;
	v53 =	vmul.f32 v39, v9  }
0x27a: {  	[tilespmem:$0x1FD50] =	vst v12;
	v12 =	vadd.f32 v55, v56;
	v47 =	vmul.f32 v30, v9;
	v9 =	vmul.f32 v55, v44  }
0x27b: {  	v19 =	vmovc v37;
	v5 =	vadd.f32 v5, v2;
	v2 =	vadd.f32 v48, v58;
	v44 =	vmul.f32 v35, v11  }
0x27c: {  	v58 =	vmul.f32 v40, v13;
	v45 =	vadd.f32 v61, v4;
	v1 =	vadd.f32 v9, v1;
	v4 =	vpop (erf)  }
0x27d: {  	v56 =	vadd.f32 v44, v54;
	v9 =	vmul.f32 v33, v11;
	v61, _, _ =	vpop (xrf2);
	(xrf2) =	vadd.scan.msk.f32 $0xffff, v63;
	v63 =	vmul.f32 v55, v17  }
0x27e: {  	v37 =	vld [tilespmem:s2+$0x0];
	v26 =	vmovc v43;
	v2 =	vadd.f32 v47, v2;
	v7 =	vmul.f32 v4, v7;
	v6 =	vmul.f32 v4, v6  }
0x27f: {  	v38 =	vld [tilespmem:s2+$0x30];
	v47 =	vmul.f32 v4, v8;
	v55 =	vmul.f32 v55, v60;
	v60 =	vadd.f32 v4, v12;
	v44 =	vpop (erf)  }
0x280: {  	v43 =	vmovc v57;
	v4 =	vmul.f32 v4, v27;
	v59 =	vadd.f32 v59, v2;
	v2 =	vld [tilespmem:$0x1FD90];
	v54 =	vmul.f32 v44, v22  }
0x281: {  	s0 =	sadd.s32 $0x4, s0;
	v12 =	vimm.s32 $0xF;
	v22 =	vmovc v18;
	v48 =	vadd.f32 v63, v3;
	v18 =	vadd.f32 v55, v0;
	v0 =	vld [tilespmem:$0x1FD60];
	v63 =	vmovc v49  }
0x282: {  	p0 =	slt.u32 s0, $0xC4;
	v17 =	vmovc v21;
	v21 =	vmov v52;
	v52 =	vperm.xlane v61, v12;
	[tilespmem:$0x1FD90] =	vst v63;
	v63 =	vadd.f32 v4, v5;
	v4 =	vld [tilespmem:$0x1FD10]  }
.Ltmp3:
0x283: {  	v27 =	vmul.f32 v41, v62;
	v11, _, _ =	vpop (xrf2);
	v1 =	vadd.f32 v7, v1;
	v3 =	vmul.f32 v37, v14;
	(pc) =	sbr.rel @p0 .LBB2_9-.Ltmp3, $4  }
0x284: {  	v57 =	vmul.f32 v38, v13;
	v14 =	vmovc v24;
	v24 =	vmovc v16;
	v60 =	vadd.f32 v41, v60;
	v61 =	vmul.f32 $1.442695020e+00, v52  }
0x285: {  	v8, _, _ =	vpop (xrf2);
	v1 =	vadd.f32 v27, v1;
	v49 =	vadd.f32 v9, v3;
	v9 =	vimm.s32 $0xF  }
0x286: {  	v55 =	vadd.f32 v6, v18;
	v13 =	vmovc v2;
	v2 =	vperm.xlane v8, v12;
	v3 =	vperm.xlane v11, v9  }
0x287: {  	s2 =	sadd.s32 $0x100, s2;
	[tilespmem:$0x1FD60] =	vst v13;
	v18 =	vmov v46;
	v62 =	vmul.f32 v44, v0;
	v0, _, _ =	vpop (xrf2);
	v27 =	vmov v4  }
0x288: {  	v4 =	vadd.f32 v51, v49  }
0x289: {  	v5 =	vadd.f32 v53, v56  }
0x28a: {  	v4 =	vadd.f32 v57, v4  }
0x28b: {  	(xrf2) =	vadd.scan.msk.f32 $0xffff, v59;
	v5 =	vadd.f32 v58, v5  }
0x28c: {  	(xrf2) =	vadd.scan.msk.f32 $0xffff, v4  }
0x28d: {  	(xrf2) =	vadd.scan.msk.f32 $0xffff, v5;
	_ =	sdelay $0x1  }
0x28e: {  	v3 =	vmul.f32 $1.442695020e+00, v3;
	v4 =	vadd.f32 v42, v45;
	_ =	sdelay $0x1  }
0x28f: {  	v2 =	vmul.f32 $1.442695020e+00, v2;
	(erf) = vpow2.f32 v3;
	(xrf2) =	vadd.scan.msk.f32 $0xffff, v4;
	_ =	sdelay $0x1  }
0x290: {  	v8 =	vld [tilespmem:$0x1FD20];
	(erf) = vpow2.f32 v2;
	_ =	sdelay $0x1  }
0x291: {  	v0 =	vperm.xlane v0, v9;
	(erf) = vpow2.f32 v61;
	v56, _, _ =	vpop (xrf2)  }
0x292: {  	v6 =	vmul.f32 v44, v20;
	v7 =	vadd.f32 v50, v63;
	v11 =	vld [tilespmem:$0x1FD30];
	v3 =	vmul.f32 v41, v32;
	v4, _, _ =	vpop (xrf2)  }
0x293: {  	v12 =	vimm.s32 $0xF;
	v0 =	vmul.f32 $1.442695020e+00, v0;
	v5, _, _ =	vpop (xrf2);
	v4 =	vperm.xlane v4, v9  }
0x294: {  	v1 =	vadd.f32 v62, v1;
	v8 =	vmul.f32 v41, v8;
	v5 =	vperm.xlane v5, v9  }
0x295: {  	v58 =	vadd.f32 v54, v7;
	(erf) = vpow2.f32 v0;
	v57 =	vmul.f32 $1.442695020e+00, v4  }
0x296: {  	v8 =	vadd.f32 v8, v55;
	v2 =	vperm.xlane v56, v9;
	v9 =	vpop (erf);
	v4 =	vmul.f32 $1.442695020e+00, v5  }
0x297: {  	v11 =	vmul.f32 v44, v11;
	v13, _, _ =	vpop (xrf2);
	v5 =	vadd.f32 v44, v60;
	(erf) = vpow2.f32 v57  }
0x298: {  	v2 =	vmul.f32 $1.442695020e+00, v2;
	v7 =	vpop (erf);
	(erf) = vpow2.f32 v4;
	v4 =	vadd.f32 v47, v48  }
0x299: {  	v13 =	vperm.xlane v13, v12;
	v60 =	vmul.f32 v7, v24;
	v5 =	vadd.f32 v7, v5  }
0x29a: {  	(erf) = vpow2.f32 v2;
	v59 =	vadd.f32 v3, v4;
	v3 =	vadd.f32 v11, v8;
	v8 =	vpop (erf)  }
0x29b: {  	v12 =	vld [tilespmem:$0x1FD70];
	v0 =	vadd.f32 v60, v58;
	v11 =	vmul.f32 v7, v29;
	v61 =	vmul.f32 v8, v27  }
0x29c: {  	v2 =	vadd.f32 v6, v59;
	v6 =	vmul.f32 v7, v17;
	v7 =	vmul.f32 v7, v28  }
0x29d: {  	v62 =	vmul.f32 v9, v23;
	v13 =	vmul.f32 $1.442695020e+00, v13;
	v5 =	vadd.f32 v8, v5  }
0x29e: {  	v4 =	vmul.f32 v9, v26;
	v0 =	vadd.f32 v61, v0;
	v3 =	vadd.f32 v7, v3;
	v7 =	vld [tilespmem:$0x1FD60]  }
0x29f: {  	(erf) = vpow2.f32 v13;
	v13 =	vmul.f32 v8, v14;
	v1 =	vadd.f32 v11, v1  }
0x2a0: {  	v12 =	vmul.f32 v8, v12;
	v5 =	vadd.f32 v9, v5;
	v0 =	vadd.f32 v4, v0;
	v4 =	vld [tilespmem:$0x1FD80]  }
0x2a1: {  	v8 =	vmul.f32 v8, v25;
	v11 =	vpop (erf);
	v2 =	vadd.f32 v6, v2;
	v1 =	vadd.f32 v13, v1  }
0x2a2: {  	v5 =	vadd.f32 v11, v5;
	v6 =	vpop (erf)  }
0x2a3: {  	v1 =	vadd.f32 v62, v1;
	v2 =	vadd.f32 v8, v2;
	v8 =	vld [tilespmem:$0x1FD50];
	v13 =	vpop (erf);
	v7 =	vmul.f32 v11, v7  }
0x2a4: {  	v5 =	vadd.f32 v13, v5  }
0x2a5: {  	v4 =	vmul.f32 v9, v4;
	v1 =	vadd.f32 v7, v1;
	v7 =	vmul.f32 v9, v19;
	v9 =	vld [tilespmem:$0x1FD40]  }
0x2a6: {  	v3 =	vadd.f32 v12, v3;
	v63 =	vpop (erf)  }
0x2a7: {  	v5 =	vadd.f32 v63, v5  }
0x2a8: {  	v14 =	vmul.f32 v11, v22;
	v8 =	vmul.f32 v11, v8;
	v3 =	vadd.f32 v4, v3  }
0x2a9: {  	v5 =	vadd.f32 v6, v5;
	v2 =	vadd.f32 v7, v2;
	v7 =	vmul.f32 v13, v40  }
0x2aa: {  	v0 =	vadd.f32 v14, v0;
	v4 =	vpop (erf);
	v3 =	vadd.f32 v8, v3;
	v9 =	vmul.f32 v11, v9  }
0x2ab: {  	v5 =	vadd.f32 v4, v5;
	v1 =	vadd.f32 v7, v1  }
0x2ac: {  	v7 =	vmul.f32 v13, v35;
	v2 =	vadd.f32 v9, v2;
	v9 =	vmul.f32 v13, v39  }
0x2ad: {  	v8 =	vmul.f32 v13, v21;
	(erf) = vrcp.f32 v5  }
0x2ae: {  	v3 =	vadd.f32 v7, v3;
	v7 =	vmul.f32 v63, v30;
	v0 =	vadd.f32 v9, v0  }
0x2af: {  	v5 =	vmul.f32 v6, v43  }
0x2b0: {  	v2 =	vadd.f32 v8, v2;
	v8 =	vmul.f32 v63, v31;
	v0 =	vadd.f32 v7, v0  }
0x2b1: {  	v12 =	vmul.f32 v6, v37;
	v11 =	vmul.f32 v63, v34  }
0x2b2: {  	v9 =	vmul.f32 v63, v36;
	v2 =	vadd.f32 v8, v2;
	v0 =	vadd.f32 v5, v0;
	v5 =	vld [tilespmem:$0x1FD90]  }
0x2b3: {  	v3 =	vadd.f32 v11, v3;
	v8 =	vmul.f32 v6, v38;
	v6 =	vmul.f32 v6, v33  }
0x2b4: {  	v7 =	vmul.f32 v4, v15;
	v2 =	vadd.f32 v12, v2  }
0x2b5: {  	v1 =	vadd.f32 v9, v1;
	v9 =	vmul.f32 v4, v10;
	v3 =	vadd.f32 v6, v3  }
0x2b6: {  	v6 =	vmul.f32 v4, v18;
	v2 =	vadd.f32 v7, v2  }
0x2b7: {  	s31 =	sadd.s32 $0x1, s31;
	v1 =	vadd.f32 v8, v1;
	v3 =	vadd.f32 v9, v3;
	v4 =	vmul.f32 v4, v5;
	v5 =	vpop (erf)  }
0x2b8: {  	s0 =	sshll.u32 s1, $0x6;
	p0 =	sne.s32 s31, $0x20;
	v0 =	vadd.f32 v6, v0;
	v2 =	vmul.f32 v5, v2  }
.Ltmp4:
0x2b9: {  	s0 =	sand.u32 $0x3FFFFFC0, s0;
	v3 =	vmul.f32 v5, v3;
	v1 =	vadd.f32 v4, v1;
	(pc) =	sbr.rel @p0 .LBB2_2-.Ltmp4, $4  }
0x2ba: {  	v14 =	vld [tilespmem:$0x1FFD0];
	v0 =	vmul.f32 v5, v0;
	[tilespmem:s0+$0x12C40] =	vst v2  }
0x2bb: {  	v10 =	vld [tilespmem:$0x1FFC0];
	[tilespmem:s0+$0x12C50] =	vst v3;
	v1 =	vmul.f32 v5, v1  }
0x2bc: {  	v12 =	vld [tilespmem:$0x1FFE0];
	[tilespmem:s0+$0x12C60] =	vst v0  }
0x2bd: {  	v9 =	vimm.s32 $0xF;
	v4 =	vld [tilespmem:$0x1FFF0];
	[tilespmem:s0+$0x12C70] =	vst v1  }
0x2be: {  	s30 =	sadd.s32 $0x1, s30  }
0x2bf: {  	p0 =	sne.s32 s30, s7  }
.Ltmp5:
0x2c0: {  	_ = 	snop;
	(pc) =	sbr.rel @p0 .LBB2_1-.Ltmp5, $4  }
0x2c1: {  	[hbm4b:s6+s3] =	stream.linear.scatter [tilespmem:s29], [sflag:$0x5], $0x2000, $0x38;
	[tilespmem:$0x14C40] =	vst v63  }
0x2c2: {  	_ =	swait.ge [sflag:s8], $0x2000  }
0x2c3: {  	[sflag:s8] =	ssyncset.done $0x0  }
0x2c4: {  	[sflag:s8] =	ssyncadd.s32 $0xFFFFE000  }
0x2c5: {  	_ =	sfence.sel $0x180000  }
0x2c6: {  	[bflag:$0x0] =	sbarrier.arrive $0xFFFF  }
0x2c7: {  	_ =	strace $0x9000004A  }
0x2c8: {  	s0 =	stileid.u32;
	[bflag:$0x2] =	sbarrier.arrive $0xFFFF  }
0x2c9: {  	p0 =	sne.s32 s0, $0x0;
	s0 =	rddreg [dreg:$0x3]  }
0x2ca: {  	s0 =	sadd.s32 @!p0 $0x100000, s0  }
0x2cb: {  	[sflag:s0] =	ssyncadd.tile.s32 @!p0 $0x1;
	_ =	shalt  }
.Lfunc_end2:
_tile_overlayer_lowered:
.L_overlay_start_2:
0x2cc: {  	(tag) =	ssettag $0x2  }
0x2cd: {  	s0 =	rddreg [dreg:$0x0];
	s2 =	stileid.u32  }
0x2ce: {  	s1 =	rddreg [dreg:$0x1];
	p0 =	sne.s32 s2, $0x0  }
0x2cf: {  	s3 =	rddreg [dreg:$0x2];
	[bflag:$0x3] =	sbarrier.arrive $0xFFFF;
	s2 =	simm.s32 @!p0 $0x1C05  }
0x2d0: {  	[timem:s3], [sflag:s2] =	dma.local @!p0 [hbm:s0], s1  }
0x2d1: {  	s0 =	simm.s32 @!p0 $0x5  }
0x2d2: {  	_ =	swait.ge @!p0 [sflag:s0], s1  }
0x2d3: {  	s1 =	ssub.s32 @!p0 $0x0, s1;
	[sflag:s0] =	ssyncset.done @!p0 $0x0  }
0x2d4: {  	[sflag:s0] =	ssyncadd.s32 @!p0 s1  }
0x2d5: {  	[bflag:$0x3] =	sbarrier.arrive $0xFFFF  }
0x2d6: {  	_ =	shalt  }

</sc_bundles>
